<compile_context>
chip_gen: v7x
topology: tpu7x:2x2x1
jax: 0.10.2.dev20260603
libtpu: 0.0.44.dev20260713+nightly
codegen_flags: <defaults>
</compile_context>

<pallas_src>
import dataclasses
import functools
import math

import jax
import jax.numpy as jnp
from jax.experimental import pallas as pl
from jax.experimental.pallas import tpu as pltpu
from jax.experimental.pallas import tpu_sc as plsc

N = 10000
D = 128
E = 320000
STEPS = 4

NC = 2
NS = 16
NW = NC * NS
EPW = E // NW
CHUNK = 40
NCH = EPW // CHUNK
RPT = 624
LANES = 16
SCALE = 1.0 / math.sqrt(float(D))


def _mm5_body(x_ref, w_ref, o0, o1, o2, o3, o4):
    y = jnp.dot(x_ref[...], w_ref[...], preferred_element_type=jnp.float32)
    o0[...] = y[:, 0 * D:1 * D]
    o1[...] = y[:, 1 * D:2 * D]
    o2[...] = y[:, 2 * D:3 * D]
    o3[...] = y[:, 3 * D:4 * D]
    o4[...] = y[:, 4 * D:5 * D]


_MM_BLK = 1000


def _mm5(x, wcat):
    out = jax.ShapeDtypeStruct((N, D), jnp.float32)
    return pl.pallas_call(
        _mm5_body,
        grid=(N // _MM_BLK,),
        in_specs=[
            pl.BlockSpec((_MM_BLK, D), lambda i: (i, 0)),
            pl.BlockSpec((D, 5 * D), lambda i: (0, 0)),
        ],
        out_specs=[pl.BlockSpec((_MM_BLK, D), lambda i: (i, 0))] * 5,
        out_shape=[out] * 5,
    )(x, wcat)


def _mm5c_body(xw0_ref, p_ref, w_ref, o0, o1, o2, o3, o4):
    xb = xw0_ref[...] + p_ref[0] + p_ref[1]
    y = jnp.dot(xb, w_ref[...], preferred_element_type=jnp.float32)
    o0[...] = y[:, 0 * D:1 * D]
    o1[...] = y[:, 1 * D:2 * D]
    o2[...] = y[:, 2 * D:3 * D]
    o3[...] = y[:, 3 * D:4 * D]
    o4[...] = y[:, 4 * D:5 * D]


def _mm5c(xw0, parts, wcat):
    out = jax.ShapeDtypeStruct((N, D), jnp.float32)
    return pl.pallas_call(
        _mm5c_body,
        grid=(N // _MM_BLK,),
        in_specs=[
            pl.BlockSpec((_MM_BLK, D), lambda i: (i, 0)),
            pl.BlockSpec((NC, _MM_BLK, D), lambda i: (0, i, 0)),
            pl.BlockSpec((D, 5 * D), lambda i: (0, 0)),
        ],
        out_specs=[pl.BlockSpec((_MM_BLK, D), lambda i: (i, 0))] * 5,
        out_shape=[out] * 5,
    )(xw0, parts, wcat)


def _combine_body(xw0_ref, p_ref, o_ref):
    o_ref[...] = xw0_ref[...] + p_ref[0] + p_ref[1]


def _combine(xw0, parts):
    return pl.pallas_call(
        _combine_body,
        grid=(N // _MM_BLK,),
        in_specs=[
            pl.BlockSpec((_MM_BLK, D), lambda i: (i, 0)),
            pl.BlockSpec((NC, _MM_BLK, D), lambda i: (0, i, 0)),
        ],
        out_specs=pl.BlockSpec((_MM_BLK, D), lambda i: (i, 0)),
        out_shape=jax.ShapeDtypeStruct((N, D), jnp.float32),
    )(xw0, parts)


NSET = 4
NBUF = 2




def _sc_edge_body(y1_hbm, q_hbm, k_hbm, v_hbm, src_hbm, dst_hbm, d2_hbm,
                  s2_hbm, out_hbm, *sc):
    idx1s = sc[0:NSET]
    idx1d = sc[NSET:2 * NSET]
    idx2d = sc[2 * NSET:3 * NSET]
    idx2s = sc[3 * NSET:4 * NSET]
    rows1 = sc[16:18]
    rowsq = sc[18:20]
    rowsk = sc[20:22]
    rowsv = sc[22:24]
    acc = sc[24]
    _s0 = 25
    semA = sc[_s0:_s0 + NSET]
    g1 = sc[_s0 + NSET:_s0 + NSET + 2]
    g2 = sc[_s0 + NSET + 2:_s0 + NSET + 4]
    sc1 = sc[_s0 + NSET + 4:_s0 + NSET + 6]
    sc2 = sc[_s0 + NSET + 6:_s0 + NSET + 8]

    c = jax.lax.axis_index("c")
    s = jax.lax.axis_index("s")
    wid = s * NC + c
    ebase = wid * EPW

    zeros16 = jnp.zeros((LANES,), jnp.float32)

    @pl.loop(0, CHUNK)
    def _(e):
        for j in range(D // LANES):
            rows1[0][e, pl.ds(j * LANES, LANES)] = zeros16

    row0 = s * RPT
    zcopies = []
    for ci in range(RPT // CHUNK):
        zcopies.append(pltpu.async_copy(
            rows1[0], acc.at[pl.ds(row0 + ci * CHUNK, CHUNK)], g1[0]))
    rem = RPT % CHUNK
    if rem:
        zcopies.append(pltpu.async_copy(
            rows1[0].at[pl.ds(0, rem)],
            acc.at[pl.ds(row0 + (RPT // CHUNK) * CHUNK, rem)], g1[0]))
    for cp_ in zcopies:
        cp_.wait()

    @pl.when(s == NS - 1)
    def _():
        pltpu.sync_copy(rows1[0].at[pl.ds(0, N - NS * RPT)],
                        acc.at[pl.ds(NS * RPT, N - NS * RPT)])

    plsc.subcore_barrier()

    def issue_idx(m, j):
        off = ebase + m * CHUNK
        pltpu.async_copy(src_hbm.at[pl.ds(off, CHUNK)], idx1s[j], semA[j])
        pltpu.async_copy(dst_hbm.at[pl.ds(off, CHUNK)], idx1d[j], semA[j])
        pltpu.async_copy(d2_hbm.at[pl.ds(off, CHUNK)], idx2d[j], semA[j])
        pltpu.async_copy(s2_hbm.at[pl.ds(off, CHUNK)], idx2s[j], semA[j])

    def wait_idx(j):
        pltpu.make_async_copy(src_hbm.at[pl.ds(0, CHUNK)], idx1s[j], semA[j]).wait()
        pltpu.make_async_copy(dst_hbm.at[pl.ds(0, CHUNK)], idx1d[j], semA[j]).wait()
        pltpu.make_async_copy(d2_hbm.at[pl.ds(0, CHUNK)], idx2d[j], semA[j]).wait()
        pltpu.make_async_copy(s2_hbm.at[pl.ds(0, CHUNK)], idx2s[j], semA[j]).wait()

    def issue_gathers(j, b):
        pltpu.async_copy(q_hbm.at[idx2d[j]], rowsq[b], g2[b])
        pltpu.async_copy(k_hbm.at[idx2s[j]], rowsk[b], g2[b])
        pltpu.async_copy(v_hbm.at[idx2s[j]], rowsv[b], g2[b])
        pltpu.async_copy(y1_hbm.at[idx1s[j]], rows1[b], g1[b])

    def wait_gather_y1(j, b):
        pltpu.make_async_copy(y1_hbm.at[idx1s[j]], rows1[b], g1[b]).wait()

    def wait_gathers_qkv(j, b):
        pltpu.make_async_copy(q_hbm.at[idx2d[j]], rowsq[b], g2[b]).wait()
        pltpu.make_async_copy(k_hbm.at[idx2s[j]], rowsk[b], g2[b]).wait()
        pltpu.make_async_copy(v_hbm.at[idx2s[j]], rowsv[b], g2[b]).wait()

    def issue_scatter1(j, b):
        pltpu.async_copy(rows1[b], acc.at[idx1d[j]], sc1[b], add=True)

    def issue_scatter2(j, b):
        pltpu.async_copy(rowsv[b], acc.at[idx2d[j]], sc2[b], add=True)

    def wait_scatters(j, b):
        pltpu.make_async_copy(rows1[b], acc.at[idx1d[j]], sc1[b]).wait()
        pltpu.make_async_copy(rowsv[b], acc.at[idx2d[j]], sc2[b]).wait()

    def compute(b):
        @pl.loop(0, CHUNK, step=2)
        def _(e0):
            for u in range(2):
                e = e0 + u
                dotv = rowsq[b][e, pl.ds(0, LANES)] * rowsk[b][e, pl.ds(0, LANES)]
                for j in range(1, D // LANES):
                    dotv += (rowsq[b][e, pl.ds(j * LANES, LANES)]
                             * rowsk[b][e, pl.ds(j * LANES, LANES)])
                alpha = jnp.sum(dotv) * (-SCALE)
                for j in range(D // LANES):
                    sl = pl.ds(j * LANES, LANES)
                    rowsv[b][e, sl] = rowsv[b][e, sl] * alpha

    issue_idx(0, 0)
    issue_idx(1, 1)
    wait_idx(0)
    issue_gathers(0, 0)

    def guarded(cond, fn):
        if isinstance(cond, bool):
            if cond:
                fn()
        else:
            pl.when(cond)(fn)

    def body(i, k):
        b = k % NBUF
        bn = (k + 1) % NBUF
        j = k % NSET
        jn = (k + 1) % NSET
        jn2 = (k + 2) % NSET
        jp = (k - 1) % NSET

        guarded(i > 0, lambda: wait_scatters(jp, bn))

        def _prefetch_rows():
            wait_idx(jn)
            issue_gathers(jn, bn)

        guarded(i < NCH - 1, _prefetch_rows)
        guarded(i < NCH - 2, lambda: issue_idx(i + 2, jn2))

        wait_gather_y1(j, b)
        issue_scatter1(j, b)
        wait_gathers_qkv(j, b)
        compute(b)
        issue_scatter2(j, b)

    _M = ((NCH - 1) // NSET) * NSET

    @pl.loop(0, _M, step=NSET)
    def _(g):
        for k in range(NSET):
            body(g + k, k)

    for i in range(_M, NCH):
        body(i, i % NSET)
    wait_scatters((NCH - 1) % NSET, (NCH - 1) % NBUF)

    plsc.subcore_barrier()

    pltpu.sync_copy(acc.at[pl.ds(row0, RPT)], out_hbm.at[c].at[pl.ds(row0, RPT)])

    @pl.when(s == NS - 1)
    def _():
        pltpu.sync_copy(acc.at[pl.ds(NS * RPT, N - NS * RPT)],
                        out_hbm.at[c].at[pl.ds(NS * RPT, N - NS * RPT)])


@jax.jit
def _sc_edge(y1, q, k, v, src, dst, d2, s2):
    mesh = plsc.VectorSubcoreMesh(core_axis_name="c", subcore_axis_name="s")
    cp = pltpu.CompilerParams()
    if "needs_layout_passes" in pltpu.CompilerParams.__dataclass_fields__:
        cp = dataclasses.replace(cp, needs_layout_passes=False)
    f = pl.kernel(
        _sc_edge_body,
        out_type=jax.ShapeDtypeStruct((NC, N, D), jnp.float32),
        mesh=mesh,
        scratch_types=(
            [pltpu.VMEM((CHUNK,), jnp.int32)] * (4 * NSET)
            + [pltpu.VMEM((CHUNK, D), jnp.float32)] * (4 * NBUF)
            + [pltpu.VMEM_SHARED((N, D), jnp.float32)]
            + [pltpu.SemaphoreType.DMA] * (NSET + 4 * NBUF)
        ),
        compiler_params=cp,
    )
    return f(y1, q, k, v, src, dst, d2, s2)


def kernel(input, edge_index, edge_index_2, W0, W1, Wq, Wk, Wv):
    x = input
    src = edge_index[0].astype(jnp.int32)
    dst = edge_index[1].astype(jnp.int32)
    s2 = edge_index_2[0].astype(jnp.int32)
    d2 = edge_index_2[1].astype(jnp.int32)
    wcat = jnp.concatenate([W0, W1, Wq, Wk, Wv], axis=1)
    xw0, y1, q, k, v = _mm5(x, wcat)
    parts = _sc_edge(y1, q, k, v, src, dst, d2, s2)
    for _ in range(STEPS - 1):
        xw0, y1, q, k, v = _mm5c(xw0, parts, wcat)
        parts = _sc_edge(y1, q, k, v, src, dst, d2, s2)
    return _combine(xw0, parts)

# --- scband reference (transcript-rebuilt; emitter-appended) ---
"""Pipeline reference for scband-gd-unroll-62242666053730 (READ-ONLY COPY).

The authoritative reference and input builder live on the scoring server;
editing this copy changes nothing except your own understanding.
"""

import jax, jax.numpy as jnp
import numpy as np

N_NODES = 10000
N_EDGES = 320000
D = 128
GD_STEPS = 4

def setup_inputs(seed: int = 0) -> dict:
    key = jax.random.key(seed)
    ks = jax.random.split(key, 8)
    x = jax.random.normal(ks[0], (N_NODES, D), dtype=jnp.float32)
    edge_index = jax.random.randint(ks[1], (2, N_EDGES), 0, N_NODES, dtype=jnp.int64)
    edge_index_2 = jax.random.randint(ks[2], (2, N_EDGES), 0, N_NODES, dtype=jnp.int64)
    # TAGConv(K=1, bias=False): two linear weights (for A^0 x and A^1 x)
    W0 = jax.random.normal(ks[3], (D, D), dtype=jnp.float32) * 0.05
    W1 = jax.random.normal(ks[4], (D, D), dtype=jnp.float32) * 0.05
    # Transformer_Block: Q/K/V projections
    Wq = jax.random.normal(ks[5], (D, D), dtype=jnp.float32) * 0.05
    Wk = jax.random.normal(ks[6], (D, D), dtype=jnp.float32) * 0.05
    Wv = jax.random.normal(ks[7], (D, D), dtype=jnp.float32) * 0.05
    return {"input": x, "edge_index": edge_index, "edge_index_2": edge_index_2,
            "W0": W0, "W1": W1, "Wq": Wq, "Wk": Wk, "Wv": Wv}

def _gd_block(x, edge_index, edge_index_2, W0, W1, Wq, Wk, Wv):
    n = x.shape[0]
    # TAGConv, K=1, normalize=False, bias=False:
    # out = x @ W0 + (A x) @ W1, A x = unnormalized neighbor sum (message from src=edge_index[0] to dst=edge_index[1])
    src, dst = edge_index[0], edge_index[1]
    ax = jax.ops.segment_sum(x[src], dst, num_segments=n)
    x1 = x @ W0 + ax @ W1
    # Transformer_Block with use_softmax=False: raw scaled dot-product edge attention
    q = x @ Wq
    k = x @ Wk
    v = x @ Wv
    s2, d2 = edge_index_2[0], edge_index_2[1]
    alpha = jnp.sum(q[d2] * k[s2], axis=-1) / jnp.sqrt(jnp.float32(x.shape[1]))
    x2 = jax.ops.segment_sum(alpha[:, None] * v[s2], d2, num_segments=n)
    return x1 - x2

def reference(input, edge_index, edge_index_2, W0, W1, Wq, Wk, Wv):
    x = input
    for _ in range(GD_STEPS):
        x = _gd_block(x, edge_index, edge_index_2, W0, W1, Wq, Wk, Wv)
    return x

if __name__ == "__main__":
    import jax
    _d = setup_inputs()
    print(jax.jit(kernel)(*tuple(_d.values())))

</pallas_src>

<mosaic_0001>
#map = affine_map<(d0, d1) -> (0, 0)>
#map1 = affine_map<(d0, d1) -> (0)>
#map2 = affine_map<(d0, d1) -> (0, 0, 0)>
module attributes {stable_mosaic.version = 14 : i64} {
  func.func @_sc_edge_body(%arg0: i32, %arg1: i32, %arg2: memref<10000x128xf32, #tpu.memory_space<hbm>>, %arg3: memref<10000x128xf32, #tpu.memory_space<hbm>>, %arg4: memref<10000x128xf32, #tpu.memory_space<hbm>>, %arg5: memref<10000x128xf32, #tpu.memory_space<hbm>>, %arg6: memref<320000xi32, #tpu.memory_space<hbm>>, %arg7: memref<320000xi32, #tpu.memory_space<hbm>>, %arg8: memref<320000xi32, #tpu.memory_space<hbm>>, %arg9: memref<320000xi32, #tpu.memory_space<hbm>>, %arg10: memref<2x10000x128xf32, #tpu.memory_space<hbm>>, %arg11: memref<40xi32, #tpu.memory_space<vmem>>, %arg12: memref<40xi32, #tpu.memory_space<vmem>>, %arg13: memref<40xi32, #tpu.memory_space<vmem>>, %arg14: memref<40xi32, #tpu.memory_space<vmem>>, %arg15: memref<40xi32, #tpu.memory_space<vmem>>, %arg16: memref<40xi32, #tpu.memory_space<vmem>>, %arg17: memref<40xi32, #tpu.memory_space<vmem>>, %arg18: memref<40xi32, #tpu.memory_space<vmem>>, %arg19: memref<40xi32, #tpu.memory_space<vmem>>, %arg20: memref<40xi32, #tpu.memory_space<vmem>>, %arg21: memref<40xi32, #tpu.memory_space<vmem>>, %arg22: memref<40xi32, #tpu.memory_space<vmem>>, %arg23: memref<40xi32, #tpu.memory_space<vmem>>, %arg24: memref<40xi32, #tpu.memory_space<vmem>>, %arg25: memref<40xi32, #tpu.memory_space<vmem>>, %arg26: memref<40xi32, #tpu.memory_space<vmem>>, %arg27: memref<40x128xf32, #tpu.memory_space<vmem>>, %arg28: memref<40x128xf32, #tpu.memory_space<vmem>>, %arg29: memref<40x128xf32, #tpu.memory_space<vmem>>, %arg30: memref<40x128xf32, #tpu.memory_space<vmem>>, %arg31: memref<40x128xf32, #tpu.memory_space<vmem>>, %arg32: memref<40x128xf32, #tpu.memory_space<vmem>>, %arg33: memref<40x128xf32, #tpu.memory_space<vmem>>, %arg34: memref<40x128xf32, #tpu.memory_space<vmem>>, %arg35: memref<10000x128xf32, #tpu.memory_space<vmem_shared>>, %arg36: memref<!tpu.dma_semaphore, #tpu.memory_space<semaphore_mem>>, %arg37: memref<!tpu.dma_semaphore, #tpu.memory_space<semaphore_mem>>, %arg38: memref<!tpu.dma_semaphore, #tpu.memory_space<semaphore_mem>>, %arg39: memref<!tpu.dma_semaphore, #tpu.memory_space<semaphore_mem>>, %arg40: memref<!tpu.dma_semaphore, #tpu.memory_space<semaphore_mem>>, %arg41: memref<!tpu.dma_semaphore, #tpu.memory_space<semaphore_mem>>, %arg42: memref<!tpu.dma_semaphore, #tpu.memory_space<semaphore_mem>>, %arg43: memref<!tpu.dma_semaphore, #tpu.memory_space<semaphore_mem>>, %arg44: memref<!tpu.dma_semaphore, #tpu.memory_space<semaphore_mem>>, %arg45: memref<!tpu.dma_semaphore, #tpu.memory_space<semaphore_mem>>, %arg46: memref<!tpu.dma_semaphore, #tpu.memory_space<semaphore_mem>>, %arg47: memref<!tpu.dma_semaphore, #tpu.memory_space<semaphore_mem>>) attributes {dimension_semantics = [#tpu.dimension_semantics<core_parallel>, #tpu.dimension_semantics<subcore_parallel>], iteration_bounds = array<i64: 2, 16>, scalar_prefetch = 0 : i64, scratch_operands = 37 : i64, tpu.core_type = #tpu.core_type<sc_vector_subcore>, window_params = [{transform_indices = #map}, {transform_indices = #map}, {transform_indices = #map}, {transform_indices = #map}, {transform_indices = #map1}, {transform_indices = #map1}, {transform_indices = #map1}, {transform_indices = #map1}, {transform_indices = #map2}]} {
    %mul3A = arith.constant 2 : i32
    %mul3A_0 = arith.muli %arg1, %mul3A : i32
    %add3A = arith.addi %mul3A_0, %arg0 : i32
    %mul3A_1 = arith.constant 10000 : i32
    %mul3A_2 = arith.muli %add3A, %mul3A_1 : i32
    %broadcast_in_dim3A = arith.constant 0.000000e+00 : f32
    %broadcast_in_dim3A_3 = vector.broadcast %broadcast_in_dim3A : f32 to vector<16xf32>
    %scan3A = arith.constant 0 : i32
    %scan3A_4 = arith.constant 40 : i32
    %scan3A_5 = arith.addi %scan3A, %scan3A_4 : i32
    %scan3A_6 = arith.constant 1 : i32
    scf.for %scan3A_333 = %scan3A to %scan3A_5 step %scan3A_6  : i32 {
      %mul3A_334 = arith.constant 1 : i32
      %mul3A_335 = arith.muli %scan3A_333, %mul3A_334 : i32
      %add3A_336 = arith.constant 0 : i32
      %add3A_337 = arith.addi %add3A_336, %mul3A_335 : i32
      %swap3A = arith.index_cast %add3A_337 : i32 to index
      %swap3A_338 = arith.constant 0 : index
      %swap3A_339 = tpu.vector_load %arg27[%swap3A, %swap3A_338] {strides = array<i32>} : memref<40x128xf32, #tpu.memory_space<vmem>>, vector<16xf32>,
      tpu.vector_store %arg27[%swap3A, %swap3A_338], %broadcast_in_dim3A_3 {strides = array<i32>} : memref<40x128xf32, #tpu.memory_space<vmem>>, vector<16xf32>,
      %swap3A_340 = arith.index_cast %add3A_337 : i32 to index
      %swap3A_341 = arith.constant 16 : index
      %swap3A_342 = tpu.vector_load %arg27[%swap3A_340, %swap3A_341] {strides = array<i32>} : memref<40x128xf32, #tpu.memory_space<vmem>>, vector<16xf32>,
      tpu.vector_store %arg27[%swap3A_340, %swap3A_341], %broadcast_in_dim3A_3 {strides = array<i32>} : memref<40x128xf32, #tpu.memory_space<vmem>>, vector<16xf32>,
      %swap3A_343 = arith.index_cast %add3A_337 : i32 to index
      %swap3A_344 = arith.constant 32 : index
      %swap3A_345 = tpu.vector_load %arg27[%swap3A_343, %swap3A_344] {strides = array<i32>} : memref<40x128xf32, #tpu.memory_space<vmem>>, vector<16xf32>,
      tpu.vector_store %arg27[%swap3A_343, %swap3A_344], %broadcast_in_dim3A_3 {strides = array<i32>} : memref<40x128xf32, #tpu.memory_space<vmem>>, vector<16xf32>,
      %swap3A_346 = arith.index_cast %add3A_337 : i32 to index
      %swap3A_347 = arith.constant 48 : index
      %swap3A_348 = tpu.vector_load %arg27[%swap3A_346, %swap3A_347] {strides = array<i32>} : memref<40x128xf32, #tpu.memory_space<vmem>>, vector<16xf32>,
      tpu.vector_store %arg27[%swap3A_346, %swap3A_347], %broadcast_in_dim3A_3 {strides = array<i32>} : memref<40x128xf32, #tpu.memory_space<vmem>>, vector<16xf32>,
      %swap3A_349 = arith.index_cast %add3A_337 : i32 to index
      %swap3A_350 = arith.constant 64 : index
      %swap3A_351 = tpu.vector_load %arg27[%swap3A_349, %swap3A_350] {strides = array<i32>} : memref<40x128xf32, #tpu.memory_space<vmem>>, vector<16xf32>,
      tpu.vector_store %arg27[%swap3A_349, %swap3A_350], %broadcast_in_dim3A_3 {strides = array<i32>} : memref<40x128xf32, #tpu.memory_space<vmem>>, vector<16xf32>,
      %swap3A_352 = arith.index_cast %add3A_337 : i32 to index
      %swap3A_353 = arith.constant 80 : index
      %swap3A_354 = tpu.vector_load %arg27[%swap3A_352, %swap3A_353] {strides = array<i32>} : memref<40x128xf32, #tpu.memory_space<vmem>>, vector<16xf32>,
      tpu.vector_store %arg27[%swap3A_352, %swap3A_353], %broadcast_in_dim3A_3 {strides = array<i32>} : memref<40x128xf32, #tpu.memory_space<vmem>>, vector<16xf32>,
      %swap3A_355 = arith.index_cast %add3A_337 : i32 to index
      %swap3A_356 = arith.constant 96 : index
      %swap3A_357 = tpu.vector_load %arg27[%swap3A_355, %swap3A_356] {strides = array<i32>} : memref<40x128xf32, #tpu.memory_space<vmem>>, vector<16xf32>,
      tpu.vector_store %arg27[%swap3A_355, %swap3A_356], %broadcast_in_dim3A_3 {strides = array<i32>} : memref<40x128xf32, #tpu.memory_space<vmem>>, vector<16xf32>,
      %swap3A_358 = arith.index_cast %add3A_337 : i32 to index
      %swap3A_359 = arith.constant 112 : index
      %swap3A_360 = tpu.vector_load %arg27[%swap3A_358, %swap3A_359] {strides = array<i32>} : memref<40x128xf32, #tpu.memory_space<vmem>>, vector<16xf32>,
      tpu.vector_store %arg27[%swap3A_358, %swap3A_359], %broadcast_in_dim3A_3 {strides = array<i32>} : memref<40x128xf32, #tpu.memory_space<vmem>>, vector<16xf32>,
    }
    %scan3A_7 = arith.constant 40 : i32
    %mul3A_8 = arith.constant 624 : i32
    %mul3A_9 = arith.muli %arg1, %mul3A_8 : i32
    %add3A_10 = arith.constant 0 : i32
    %add3A_11 = arith.addi %mul3A_9, %add3A_10 : i32
    %dma_start3A = arith.constant 0 : i32
    %dma_start3A_12 = tpu.memref_slice %arg35[%add3A_11, %dma_start3A] : memref<10000x128xf32, #tpu.memory_space<vmem_shared>> -> memref<40x128xf32, #tpu.memory_space<vmem_shared>>
    %dma_start3A_13 = arith.constant 0 : i32
    %dma_start3A_14 = tpu.memref_slice %arg35[%add3A_11, %dma_start3A_13] : memref<10000x128xf32, #tpu.memory_space<vmem_shared>> -> memref<40x128xf32, #tpu.memory_space<vmem_shared>>
    tpu.enqueue_dma source(%arg27 : memref<40x128xf32, #tpu.memory_space<vmem>>) target(%dma_start3A_14 : memref<40x128xf32, #tpu.memory_space<vmem_shared>>) target_semaphore(%arg40 : memref<!tpu.dma_semaphore, #tpu.memory_space<semaphore_mem>>)
    %add3A_15 = arith.constant 40 : i32
    %add3A_16 = arith.addi %mul3A_9, %add3A_15 : i32
    %dma_start3A_17 = arith.constant 0 : i32
    %dma_start3A_18 = tpu.memref_slice %arg35[%add3A_16, %dma_start3A_17] : memref<10000x128xf32, #tpu.memory_space<vmem_shared>> -> memref<40x128xf32, #tpu.memory_space<vmem_shared>>
    %dma_start3A_19 = arith.constant 0 : i32
    %dma_start3A_20 = tpu.memref_slice %arg35[%add3A_16, %dma_start3A_19] : memref<10000x128xf32, #tpu.memory_space<vmem_shared>> -> memref<40x128xf32, #tpu.memory_space<vmem_shared>>
    tpu.enqueue_dma source(%arg27 : memref<40x128xf32, #tpu.memory_space<vmem>>) target(%dma_start3A_20 : memref<40x128xf32, #tpu.memory_space<vmem_shared>>) target_semaphore(%arg40 : memref<!tpu.dma_semaphore, #tpu.memory_space<semaphore_mem>>)
    %add3A_21 = arith.constant 80 : i32
    %add3A_22 = arith.addi %mul3A_9, %add3A_21 : i32
    %dma_start3A_23 = arith.constant 0 : i32
    %dma_start3A_24 = tpu.memref_slice %arg35[%add3A_22, %dma_start3A_23] : memref<10000x128xf32, #tpu.memory_space<vmem_shared>> -> memref<40x128xf32, #tpu.memory_space<vmem_shared>>
    %dma_start3A_25 = arith.constant 0 : i32
    %dma_start3A_26 = tpu.memref_slice %arg35[%add3A_22, %dma_start3A_25] : memref<10000x128xf32, #tpu.memory_space<vmem_shared>> -> memref<40x128xf32, #tpu.memory_space<vmem_shared>>
    tpu.enqueue_dma source(%arg27 : memref<40x128xf32, #tpu.memory_space<vmem>>) target(%dma_start3A_26 : memref<40x128xf32, #tpu.memory_space<vmem_shared>>) target_semaphore(%arg40 : memref<!tpu.dma_semaphore, #tpu.memory_space<semaphore_mem>>)
    %add3A_27 = arith.constant 120 : i32
    %add3A_28 = arith.addi %mul3A_9, %add3A_27 : i32
    %dma_start3A_29 = arith.constant 0 : i32
    %dma_start3A_30 = tpu.memref_slice %arg35[%add3A_28, %dma_start3A_29] : memref<10000x128xf32, #tpu.memory_space<vmem_shared>> -> memref<40x128xf32, #tpu.memory_space<vmem_shared>>
    %dma_start3A_31 = arith.constant 0 : i32
    %dma_start3A_32 = tpu.memref_slice %arg35[%add3A_28, %dma_start3A_31] : memref<10000x128xf32, #tpu.memory_space<vmem_shared>> -> memref<40x128xf32, #tpu.memory_space<vmem_shared>>
    tpu.enqueue_dma source(%arg27 : memref<40x128xf32, #tpu.memory_space<vmem>>) target(%dma_start3A_32 : memref<40x128xf32, #tpu.memory_space<vmem_shared>>) target_semaphore(%arg40 : memref<!tpu.dma_semaphore, #tpu.memory_space<semaphore_mem>>)
    %add3A_33 = arith.constant 160 : i32
    %add3A_34 = arith.addi %mul3A_9, %add3A_33 : i32
    %dma_start3A_35 = arith.constant 0 : i32
    %dma_start3A_36 = tpu.memref_slice %arg35[%add3A_34, %dma_start3A_35] : memref<10000x128xf32, #tpu.memory_space<vmem_shared>> -> memref<40x128xf32, #tpu.memory_space<vmem_shared>>
    %dma_start3A_37 = arith.constant 0 : i32
    %dma_start3A_38 = tpu.memref_slice %arg35[%add3A_34, %dma_start3A_37] : memref<10000x128xf32, #tpu.memory_space<vmem_shared>> -> memref<40x128xf32, #tpu.memory_space<vmem_shared>>
    tpu.enqueue_dma source(%arg27 : memref<40x128xf32, #tpu.memory_space<vmem>>) target(%dma_start3A_38 : memref<40x128xf32, #tpu.memory_space<vmem_shared>>) target_semaphore(%arg40 : memref<!tpu.dma_semaphore, #tpu.memory_space<semaphore_mem>>)
    %add3A_39 = arith.constant 200 : i32
    %add3A_40 = arith.addi %mul3A_9, %add3A_39 : i32
    %dma_start3A_41 = arith.constant 0 : i32
    %dma_start3A_42 = tpu.memref_slice %arg35[%add3A_40, %dma_start3A_41] : memref<10000x128xf32, #tpu.memory_space<vmem_shared>> -> memref<40x128xf32, #tpu.memory_space<vmem_shared>>
    %dma_start3A_43 = arith.constant 0 : i32
    %dma_start3A_44 = tpu.memref_slice %arg35[%add3A_40, %dma_start3A_43] : memref<10000x128xf32, #tpu.memory_space<vmem_shared>> -> memref<40x128xf32, #tpu.memory_space<vmem_shared>>
    tpu.enqueue_dma source(%arg27 : memref<40x128xf32, #tpu.memory_space<vmem>>) target(%dma_start3A_44 : memref<40x128xf32, #tpu.memory_space<vmem_shared>>) target_semaphore(%arg40 : memref<!tpu.dma_semaphore, #tpu.memory_space<semaphore_mem>>)
    %add3A_45 = arith.constant 240 : i32
    %add3A_46 = arith.addi %mul3A_9, %add3A_45 : i32
    %dma_start3A_47 = arith.constant 0 : i32
    %dma_start3A_48 = tpu.memref_slice %arg35[%add3A_46, %dma_start3A_47] : memref<10000x128xf32, #tpu.memory_space<vmem_shared>> -> memref<40x128xf32, #tpu.memory_space<vmem_shared>>
    %dma_start3A_49 = arith.constant 0 : i32
    %dma_start3A_50 = tpu.memref_slice %arg35[%add3A_46, %dma_start3A_49] : memref<10000x128xf32, #tpu.memory_space<vmem_shared>> -> memref<40x128xf32, #tpu.memory_space<vmem_shared>>
    tpu.enqueue_dma source(%arg27 : memref<40x128xf32, #tpu.memory_space<vmem>>) target(%dma_start3A_50 : memref<40x128xf32, #tpu.memory_space<vmem_shared>>) target_semaphore(%arg40 : memref<!tpu.dma_semaphore, #tpu.memory_space<semaphore_mem>>)
    %add3A_51 = arith.constant 280 : i32
    %add3A_52 = arith.addi %mul3A_9, %add3A_51 : i32
    %dma_start3A_53 = arith.constant 0 : i32
    %dma_start3A_54 = tpu.memref_slice %arg35[%add3A_52, %dma_start3A_53] : memref<10000x128xf32, #tpu.memory_space<vmem_shared>> -> memref<40x128xf32, #tpu.memory_space<vmem_shared>>
    %dma_start3A_55 = arith.constant 0 : i32
    %dma_start3A_56 = tpu.memref_slice %arg35[%add3A_52, %dma_start3A_55] : memref<10000x128xf32, #tpu.memory_space<vmem_shared>> -> memref<40x128xf32, #tpu.memory_space<vmem_shared>>
    tpu.enqueue_dma source(%arg27 : memref<40x128xf32, #tpu.memory_space<vmem>>) target(%dma_start3A_56 : memref<40x128xf32, #tpu.memory_space<vmem_shared>>) target_semaphore(%arg40 : memref<!tpu.dma_semaphore, #tpu.memory_space<semaphore_mem>>)
    %add3A_57 = arith.constant 320 : i32
    %add3A_58 = arith.addi %mul3A_9, %add3A_57 : i32
    %dma_start3A_59 = arith.constant 0 : i32
    %dma_start3A_60 = tpu.memref_slice %arg35[%add3A_58, %dma_start3A_59] : memref<10000x128xf32, #tpu.memory_space<vmem_shared>> -> memref<40x128xf32, #tpu.memory_space<vmem_shared>>
    %dma_start3A_61 = arith.constant 0 : i32
    %dma_start3A_62 = tpu.memref_slice %arg35[%add3A_58, %dma_start3A_61] : memref<10000x128xf32, #tpu.memory_space<vmem_shared>> -> memref<40x128xf32, #tpu.memory_space<vmem_shared>>
    tpu.enqueue_dma source(%arg27 : memref<40x128xf32, #tpu.memory_space<vmem>>) target(%dma_start3A_62 : memref<40x128xf32, #tpu.memory_space<vmem_shared>>) target_semaphore(%arg40 : memref<!tpu.dma_semaphore, #tpu.memory_space<semaphore_mem>>)
    %add3A_63 = arith.constant 360 : i32
    %add3A_64 = arith.addi %mul3A_9, %add3A_63 : i32
    %dma_start3A_65 = arith.constant 0 : i32
    %dma_start3A_66 = tpu.memref_slice %arg35[%add3A_64, %dma_start3A_65] : memref<10000x128xf32, #tpu.memory_space<vmem_shared>> -> memref<40x128xf32, #tpu.memory_space<vmem_shared>>
    %dma_start3A_67 = arith.constant 0 : i32
    %dma_start3A_68 = tpu.memref_slice %arg35[%add3A_64, %dma_start3A_67] : memref<10000x128xf32, #tpu.memory_space<vmem_shared>> -> memref<40x128xf32, #tpu.memory_space<vmem_shared>>
    tpu.enqueue_dma source(%arg27 : memref<40x128xf32, #tpu.memory_space<vmem>>) target(%dma_start3A_68 : memref<40x128xf32, #tpu.memory_space<vmem_shared>>) target_semaphore(%arg40 : memref<!tpu.dma_semaphore, #tpu.memory_space<semaphore_mem>>)
    %add3A_69 = arith.constant 400 : i32
    %add3A_70 = arith.addi %mul3A_9, %add3A_69 : i32
    %dma_start3A_71 = arith.constant 0 : i32
    %dma_start3A_72 = tpu.memref_slice %arg35[%add3A_70, %dma_start3A_71] : memref<10000x128xf32, #tpu.memory_space<vmem_shared>> -> memref<40x128xf32, #tpu.memory_space<vmem_shared>>
    %dma_start3A_73 = arith.constant 0 : i32
    %dma_start3A_74 = tpu.memref_slice %arg35[%add3A_70, %dma_start3A_73] : memref<10000x128xf32, #tpu.memory_space<vmem_shared>> -> memref<40x128xf32, #tpu.memory_space<vmem_shared>>
    tpu.enqueue_dma source(%arg27 : memref<40x128xf32, #tpu.memory_space<vmem>>) target(%dma_start3A_74 : memref<40x128xf32, #tpu.memory_space<vmem_shared>>) target_semaphore(%arg40 : memref<!tpu.dma_semaphore, #tpu.memory_space<semaphore_mem>>)
    %add3A_75 = arith.constant 440 : i32
    %add3A_76 = arith.addi %mul3A_9, %add3A_75 : i32
    %dma_start3A_77 = arith.constant 0 : i32
    %dma_start3A_78 = tpu.memref_slice %arg35[%add3A_76, %dma_start3A_77] : memref<10000x128xf32, #tpu.memory_space<vmem_shared>> -> memref<40x128xf32, #tpu.memory_space<vmem_shared>>
    %dma_start3A_79 = arith.constant 0 : i32
    %dma_start3A_80 = tpu.memref_slice %arg35[%add3A_76, %dma_start3A_79] : memref<10000x128xf32, #tpu.memory_space<vmem_shared>> -> memref<40x128xf32, #tpu.memory_space<vmem_shared>>
    tpu.enqueue_dma source(%arg27 : memref<40x128xf32, #tpu.memory_space<vmem>>) target(%dma_start3A_80 : memref<40x128xf32, #tpu.memory_space<vmem_shared>>) target_semaphore(%arg40 : memref<!tpu.dma_semaphore, #tpu.memory_space<semaphore_mem>>)
    %add3A_81 = arith.constant 480 : i32
    %add3A_82 = arith.addi %mul3A_9, %add3A_81 : i32
    %dma_start3A_83 = arith.constant 0 : i32
    %dma_start3A_84 = tpu.memref_slice %arg35[%add3A_82, %dma_start3A_83] : memref<10000x128xf32, #tpu.memory_space<vmem_shared>> -> memref<40x128xf32, #tpu.memory_space<vmem_shared>>
    %dma_start3A_85 = arith.constant 0 : i32
    %dma_start3A_86 = tpu.memref_slice %arg35[%add3A_82, %dma_start3A_85] : memref<10000x128xf32, #tpu.memory_space<vmem_shared>> -> memref<40x128xf32, #tpu.memory_space<vmem_shared>>
    tpu.enqueue_dma source(%arg27 : memref<40x128xf32, #tpu.memory_space<vmem>>) target(%dma_start3A_86 : memref<40x128xf32, #tpu.memory_space<vmem_shared>>) target_semaphore(%arg40 : memref<!tpu.dma_semaphore, #tpu.memory_space<semaphore_mem>>)
    %add3A_87 = arith.constant 520 : i32
    %add3A_88 = arith.addi %mul3A_9, %add3A_87 : i32
    %dma_start3A_89 = arith.constant 0 : i32
    %dma_start3A_90 = tpu.memref_slice %arg35[%add3A_88, %dma_start3A_89] : memref<10000x128xf32, #tpu.memory_space<vmem_shared>> -> memref<40x128xf32, #tpu.memory_space<vmem_shared>>
    %dma_start3A_91 = arith.constant 0 : i32
    %dma_start3A_92 = tpu.memref_slice %arg35[%add3A_88, %dma_start3A_91] : memref<10000x128xf32, #tpu.memory_space<vmem_shared>> -> memref<40x128xf32, #tpu.memory_space<vmem_shared>>
    tpu.enqueue_dma source(%arg27 : memref<40x128xf32, #tpu.memory_space<vmem>>) target(%dma_start3A_92 : memref<40x128xf32, #tpu.memory_space<vmem_shared>>) target_semaphore(%arg40 : memref<!tpu.dma_semaphore, #tpu.memory_space<semaphore_mem>>)
    %add3A_93 = arith.constant 560 : i32
    %add3A_94 = arith.addi %mul3A_9, %add3A_93 : i32
    %dma_start3A_95 = arith.constant 0 : i32
    %dma_start3A_96 = tpu.memref_slice %arg35[%add3A_94, %dma_start3A_95] : memref<10000x128xf32, #tpu.memory_space<vmem_shared>> -> memref<40x128xf32, #tpu.memory_space<vmem_shared>>
    %dma_start3A_97 = arith.constant 0 : i32
    %dma_start3A_98 = tpu.memref_slice %arg35[%add3A_94, %dma_start3A_97] : memref<10000x128xf32, #tpu.memory_space<vmem_shared>> -> memref<40x128xf32, #tpu.memory_space<vmem_shared>>
    tpu.enqueue_dma source(%arg27 : memref<40x128xf32, #tpu.memory_space<vmem>>) target(%dma_start3A_98 : memref<40x128xf32, #tpu.memory_space<vmem_shared>>) target_semaphore(%arg40 : memref<!tpu.dma_semaphore, #tpu.memory_space<semaphore_mem>>)
    %add3A_99 = arith.constant 600 : i32
    %add3A_100 = arith.addi %mul3A_9, %add3A_99 : i32
    %dma_start3A_101 = arith.constant 0 : i32
    %dma_start3A_102 = arith.constant 0 : i32
    %dma_start3A_103 = tpu.memref_slice %arg27[%dma_start3A_101, %dma_start3A_102] : memref<40x128xf32, #tpu.memory_space<vmem>> -> memref<24x128xf32, #tpu.memory_space<vmem>>
    %dma_start3A_104 = arith.constant 0 : i32
    %dma_start3A_105 = tpu.memref_slice %arg35[%add3A_100, %dma_start3A_104] : memref<10000x128xf32, #tpu.memory_space<vmem_shared>> -> memref<24x128xf32, #tpu.memory_space<vmem_shared>>
    %dma_start3A_106 = arith.constant 0 : i32
    %dma_start3A_107 = tpu.memref_slice %arg35[%add3A_100, %dma_start3A_106] : memref<10000x128xf32, #tpu.memory_space<vmem_shared>> -> memref<24x128xf32, #tpu.memory_space<vmem_shared>>
    %dma_start3A_108 = arith.constant 0 : i32
    %dma_start3A_109 = arith.constant 0 : i32
    %dma_start3A_110 = tpu.memref_slice %arg27[%dma_start3A_108, %dma_start3A_109] : memref<40x128xf32, #tpu.memory_space<vmem>> -> memref<24x128xf32, #tpu.memory_space<vmem>>
    tpu.enqueue_dma source(%dma_start3A_110 : memref<24x128xf32, #tpu.memory_space<vmem>>) target(%dma_start3A_107 : memref<24x128xf32, #tpu.memory_space<vmem_shared>>) target_semaphore(%arg40 : memref<!tpu.dma_semaphore, #tpu.memory_space<semaphore_mem>>)
    %dma_wait3A = arith.constant 0 : i32
    %dma_wait3A_111 = tpu.memref_slice %arg35[%add3A_11, %dma_wait3A] : memref<10000x128xf32, #tpu.memory_space<vmem_shared>> -> memref<40x128xf32, #tpu.memory_space<vmem_shared>>
    %dma_wait3A_112 = arith.constant 0 : i32
    %dma_wait3A_113 = tpu.memref_slice %arg35[%add3A_11, %dma_wait3A_112] : memref<10000x128xf32, #tpu.memory_space<vmem_shared>> -> memref<40x128xf32, #tpu.memory_space<vmem_shared>>
    tpu.wait_dma2 semaphore(%arg40 : memref<!tpu.dma_semaphore, #tpu.memory_space<semaphore_mem>>) src(%arg27 : memref<40x128xf32, #tpu.memory_space<vmem>>) dst(%dma_wait3A_113 : memref<40x128xf32, #tpu.memory_space<vmem_shared>>)
    %dma_wait3A_114 = arith.constant 0 : i32
    %dma_wait3A_115 = tpu.memref_slice %arg35[%add3A_16, %dma_wait3A_114] : memref<10000x128xf32, #tpu.memory_space<vmem_shared>> -> memref<40x128xf32, #tpu.memory_space<vmem_shared>>
    %dma_wait3A_116 = arith.constant 0 : i32
    %dma_wait3A_117 = tpu.memref_slice %arg35[%add3A_16, %dma_wait3A_116] : memref<10000x128xf32, #tpu.memory_space<vmem_shared>> -> memref<40x128xf32, #tpu.memory_space<vmem_shared>>
    tpu.wait_dma2 semaphore(%arg40 : memref<!tpu.dma_semaphore, #tpu.memory_space<semaphore_mem>>) src(%arg27 : memref<40x128xf32, #tpu.memory_space<vmem>>) dst(%dma_wait3A_117 : memref<40x128xf32, #tpu.memory_space<vmem_shared>>)
    %dma_wait3A_118 = arith.constant 0 : i32
    %dma_wait3A_119 = tpu.memref_slice %arg35[%add3A_22, %dma_wait3A_118] : memref<10000x128xf32, #tpu.memory_space<vmem_shared>> -> memref<40x128xf32, #tpu.memory_space<vmem_shared>>
    %dma_wait3A_120 = arith.constant 0 : i32
    %dma_wait3A_121 = tpu.memref_slice %arg35[%add3A_22, %dma_wait3A_120] : memref<10000x128xf32, #tpu.memory_space<vmem_shared>> -> memref<40x128xf32, #tpu.memory_space<vmem_shared>>
    tpu.wait_dma2 semaphore(%arg40 : memref<!tpu.dma_semaphore, #tpu.memory_space<semaphore_mem>>) src(%arg27 : memref<40x128xf32, #tpu.memory_space<vmem>>) dst(%dma_wait3A_121 : memref<40x128xf32, #tpu.memory_space<vmem_shared>>)
    %dma_wait3A_122 = arith.constant 0 : i32
    %dma_wait3A_123 = tpu.memref_slice %arg35[%add3A_28, %dma_wait3A_122] : memref<10000x128xf32, #tpu.memory_space<vmem_shared>> -> memref<40x128xf32, #tpu.memory_space<vmem_shared>>
    %dma_wait3A_124 = arith.constant 0 : i32
    %dma_wait3A_125 = tpu.memref_slice %arg35[%add3A_28, %dma_wait3A_124] : memref<10000x128xf32, #tpu.memory_space<vmem_shared>> -> memref<40x128xf32, #tpu.memory_space<vmem_shared>>
    tpu.wait_dma2 semaphore(%arg40 : memref<!tpu.dma_semaphore, #tpu.memory_space<semaphore_mem>>) src(%arg27 : memref<40x128xf32, #tpu.memory_space<vmem>>) dst(%dma_wait3A_125 : memref<40x128xf32, #tpu.memory_space<vmem_shared>>)
    %dma_wait3A_126 = arith.constant 0 : i32
    %dma_wait3A_127 = tpu.memref_slice %arg35[%add3A_34, %dma_wait3A_126] : memref<10000x128xf32, #tpu.memory_space<vmem_shared>> -> memref<40x128xf32, #tpu.memory_space<vmem_shared>>
    %dma_wait3A_128 = arith.constant 0 : i32
    %dma_wait3A_129 = tpu.memref_slice %arg35[%add3A_34, %dma_wait3A_128] : memref<10000x128xf32, #tpu.memory_space<vmem_shared>> -> memref<40x128xf32, #tpu.memory_space<vmem_shared>>
    tpu.wait_dma2 semaphore(%arg40 : memref<!tpu.dma_semaphore, #tpu.memory_space<semaphore_mem>>) src(%arg27 : memref<40x128xf32, #tpu.memory_space<vmem>>) dst(%dma_wait3A_129 : memref<40x128xf32, #tpu.memory_space<vmem_shared>>)
    %dma_wait3A_130 = arith.constant 0 : i32
    %dma_wait3A_131 = tpu.memref_slice %arg35[%add3A_40, %dma_wait3A_130] : memref<10000x128xf32, #tpu.memory_space<vmem_shared>> -> memref<40x128xf32, #tpu.memory_space<vmem_shared>>
    %dma_wait3A_132 = arith.constant 0 : i32
    %dma_wait3A_133 = tpu.memref_slice %arg35[%add3A_40, %dma_wait3A_132] : memref<10000x128xf32, #tpu.memory_space<vmem_shared>> -> memref<40x128xf32, #tpu.memory_space<vmem_shared>>
    tpu.wait_dma2 semaphore(%arg40 : memref<!tpu.dma_semaphore, #tpu.memory_space<semaphore_mem>>) src(%arg27 : memref<40x128xf32, #tpu.memory_space<vmem>>) dst(%dma_wait3A_133 : memref<40x128xf32, #tpu.memory_space<vmem_shared>>)
    %dma_wait3A_134 = arith.constant 0 : i32
    %dma_wait3A_135 = tpu.memref_slice %arg35[%add3A_46, %dma_wait3A_134] : memref<10000x128xf32, #tpu.memory_space<vmem_shared>> -> memref<40x128xf32, #tpu.memory_space<vmem_shared>>
    %dma_wait3A_136 = arith.constant 0 : i32
    %dma_wait3A_137 = tpu.memref_slice %arg35[%add3A_46, %dma_wait3A_136] : memref<10000x128xf32, #tpu.memory_space<vmem_shared>> -> memref<40x128xf32, #tpu.memory_space<vmem_shared>>
    tpu.wait_dma2 semaphore(%arg40 : memref<!tpu.dma_semaphore, #tpu.memory_space<semaphore_mem>>) src(%arg27 : memref<40x128xf32, #tpu.memory_space<vmem>>) dst(%dma_wait3A_137 : memref<40x128xf32, #tpu.memory_space<vmem_shared>>)
    %dma_wait3A_138 = arith.constant 0 : i32
    %dma_wait3A_139 = tpu.memref_slice %arg35[%add3A_52, %dma_wait3A_138] : memref<10000x128xf32, #tpu.memory_space<vmem_shared>> -> memref<40x128xf32, #tpu.memory_space<vmem_shared>>
    %dma_wait3A_140 = arith.constant 0 : i32
    %dma_wait3A_141 = tpu.memref_slice %arg35[%add3A_52, %dma_wait3A_140] : memref<10000x128xf32, #tpu.memory_space<vmem_shared>> -> memref<40x128xf32, #tpu.memory_space<vmem_shared>>
    tpu.wait_dma2 semaphore(%arg40 : memref<!tpu.dma_semaphore, #tpu.memory_space<semaphore_mem>>) src(%arg27 : memref<40x128xf32, #tpu.memory_space<vmem>>) dst(%dma_wait3A_141 : memref<40x128xf32, #tpu.memory_space<vmem_shared>>)
    %dma_wait3A_142 = arith.constant 0 : i32
    %dma_wait3A_143 = tpu.memref_slice %arg35[%add3A_58, %dma_wait3A_142] : memref<10000x128xf32, #tpu.memory_space<vmem_shared>> -> memref<40x128xf32, #tpu.memory_space<vmem_shared>>
    %dma_wait3A_144 = arith.constant 0 : i32
    %dma_wait3A_145 = tpu.memref_slice %arg35[%add3A_58, %dma_wait3A_144] : memref<10000x128xf32, #tpu.memory_space<vmem_shared>> -> memref<40x128xf32, #tpu.memory_space<vmem_shared>>
    tpu.wait_dma2 semaphore(%arg40 : memref<!tpu.dma_semaphore, #tpu.memory_space<semaphore_mem>>) src(%arg27 : memref<40x128xf32, #tpu.memory_space<vmem>>) dst(%dma_wait3A_145 : memref<40x128xf32, #tpu.memory_space<vmem_shared>>)
    %dma_wait3A_146 = arith.constant 0 : i32
    %dma_wait3A_147 = tpu.memref_slice %arg35[%add3A_64, %dma_wait3A_146] : memref<10000x128xf32, #tpu.memory_space<vmem_shared>> -> memref<40x128xf32, #tpu.memory_space<vmem_shared>>
    %dma_wait3A_148 = arith.constant 0 : i32
    %dma_wait3A_149 = tpu.memref_slice %arg35[%add3A_64, %dma_wait3A_148] : memref<10000x128xf32, #tpu.memory_space<vmem_shared>> -> memref<40x128xf32, #tpu.memory_space<vmem_shared>>
    tpu.wait_dma2 semaphore(%arg40 : memref<!tpu.dma_semaphore, #tpu.memory_space<semaphore_mem>>) src(%arg27 : memref<40x128xf32, #tpu.memory_space<vmem>>) dst(%dma_wait3A_149 : memref<40x128xf32, #tpu.memory_space<vmem_shared>>)
    %dma_wait3A_150 = arith.constant 0 : i32
    %dma_wait3A_151 = tpu.memref_slice %arg35[%add3A_70, %dma_wait3A_150] : memref<10000x128xf32, #tpu.memory_space<vmem_shared>> -> memref<40x128xf32, #tpu.memory_space<vmem_shared>>
    %dma_wait3A_152 = arith.constant 0 : i32
    %dma_wait3A_153 = tpu.memref_slice %arg35[%add3A_70, %dma_wait3A_152] : memref<10000x128xf32, #tpu.memory_space<vmem_shared>> -> memref<40x128xf32, #tpu.memory_space<vmem_shared>>
    tpu.wait_dma2 semaphore(%arg40 : memref<!tpu.dma_semaphore, #tpu.memory_space<semaphore_mem>>) src(%arg27 : memref<40x128xf32, #tpu.memory_space<vmem>>) dst(%dma_wait3A_153 : memref<40x128xf32, #tpu.memory_space<vmem_shared>>)
    %dma_wait3A_154 = arith.constant 0 : i32
    %dma_wait3A_155 = tpu.memref_slice %arg35[%add3A_76, %dma_wait3A_154] : memref<10000x128xf32, #tpu.memory_space<vmem_shared>> -> memref<40x128xf32, #tpu.memory_space<vmem_shared>>
    %dma_wait3A_156 = arith.constant 0 : i32
    %dma_wait3A_157 = tpu.memref_slice %arg35[%add3A_76, %dma_wait3A_156] : memref<10000x128xf32, #tpu.memory_space<vmem_shared>> -> memref<40x128xf32, #tpu.memory_space<vmem_shared>>
    tpu.wait_dma2 semaphore(%arg40 : memref<!tpu.dma_semaphore, #tpu.memory_space<semaphore_mem>>) src(%arg27 : memref<40x128xf32, #tpu.memory_space<vmem>>) dst(%dma_wait3A_157 : memref<40x128xf32, #tpu.memory_space<vmem_shared>>)
    %dma_wait3A_158 = arith.constant 0 : i32
    %dma_wait3A_159 = tpu.memref_slice %arg35[%add3A_82, %dma_wait3A_158] : memref<10000x128xf32, #tpu.memory_space<vmem_shared>> -> memref<40x128xf32, #tpu.memory_space<vmem_shared>>
    %dma_wait3A_160 = arith.constant 0 : i32
    %dma_wait3A_161 = tpu.memref_slice %arg35[%add3A_82, %dma_wait3A_160] : memref<10000x128xf32, #tpu.memory_space<vmem_shared>> -> memref<40x128xf32, #tpu.memory_space<vmem_shared>>
    tpu.wait_dma2 semaphore(%arg40 : memref<!tpu.dma_semaphore, #tpu.memory_space<semaphore_mem>>) src(%arg27 : memref<40x128xf32, #tpu.memory_space<vmem>>) dst(%dma_wait3A_161 : memref<40x128xf32, #tpu.memory_space<vmem_shared>>)
    %dma_wait3A_162 = arith.constant 0 : i32
    %dma_wait3A_163 = tpu.memref_slice %arg35[%add3A_88, %dma_wait3A_162] : memref<10000x128xf32, #tpu.memory_space<vmem_shared>> -> memref<40x128xf32, #tpu.memory_space<vmem_shared>>
    %dma_wait3A_164 = arith.constant 0 : i32
    %dma_wait3A_165 = tpu.memref_slice %arg35[%add3A_88, %dma_wait3A_164] : memref<10000x128xf32, #tpu.memory_space<vmem_shared>> -> memref<40x128xf32, #tpu.memory_space<vmem_shared>>
    tpu.wait_dma2 semaphore(%arg40 : memref<!tpu.dma_semaphore, #tpu.memory_space<semaphore_mem>>) src(%arg27 : memref<40x128xf32, #tpu.memory_space<vmem>>) dst(%dma_wait3A_165 : memref<40x128xf32, #tpu.memory_space<vmem_shared>>)
    %dma_wait3A_166 = arith.constant 0 : i32
    %dma_wait3A_167 = tpu.memref_slice %arg35[%add3A_94, %dma_wait3A_166] : memref<10000x128xf32, #tpu.memory_space<vmem_shared>> -> memref<40x128xf32, #tpu.memory_space<vmem_shared>>
    %dma_wait3A_168 = arith.constant 0 : i32
    %dma_wait3A_169 = tpu.memref_slice %arg35[%add3A_94, %dma_wait3A_168] : memref<10000x128xf32, #tpu.memory_space<vmem_shared>> -> memref<40x128xf32, #tpu.memory_space<vmem_shared>>
    tpu.wait_dma2 semaphore(%arg40 : memref<!tpu.dma_semaphore, #tpu.memory_space<semaphore_mem>>) src(%arg27 : memref<40x128xf32, #tpu.memory_space<vmem>>) dst(%dma_wait3A_169 : memref<40x128xf32, #tpu.memory_space<vmem_shared>>)
    %dma_wait3A_170 = arith.constant 0 : i32
    %dma_wait3A_171 = arith.constant 0 : i32
    %dma_wait3A_172 = tpu.memref_slice %arg27[%dma_wait3A_170, %dma_wait3A_171] : memref<40x128xf32, #tpu.memory_space<vmem>> -> memref<24x128xf32, #tpu.memory_space<vmem>>
    %dma_wait3A_173 = arith.constant 0 : i32
    %dma_wait3A_174 = tpu.memref_slice %arg35[%add3A_100, %dma_wait3A_173] : memref<10000x128xf32, #tpu.memory_space<vmem_shared>> -> memref<24x128xf32, #tpu.memory_space<vmem_shared>>
    %dma_wait3A_175 = arith.constant 0 : i32
    %dma_wait3A_176 = tpu.memref_slice %arg35[%add3A_100, %dma_wait3A_175] : memref<10000x128xf32, #tpu.memory_space<vmem_shared>> -> memref<24x128xf32, #tpu.memory_space<vmem_shared>>
    %dma_wait3A_177 = arith.constant 0 : i32
    %dma_wait3A_178 = arith.constant 0 : i32
    %dma_wait3A_179 = tpu.memref_slice %arg27[%dma_wait3A_177, %dma_wait3A_178] : memref<40x128xf32, #tpu.memory_space<vmem>> -> memref<24x128xf32, #tpu.memory_space<vmem>>
    tpu.wait_dma2 semaphore(%arg40 : memref<!tpu.dma_semaphore, #tpu.memory_space<semaphore_mem>>) src(%dma_wait3A_179 : memref<24x128xf32, #tpu.memory_space<vmem>>) dst(%dma_wait3A_176 : memref<24x128xf32, #tpu.memory_space<vmem_shared>>)
    %eq3A = arith.constant 15 : i32
    %eq3A_180 = arith.cmpi eq, %arg1, %eq3A : i32
    %convert_element_type3A = arith.extui %eq3A_180 : i1 to i32
    %cond3A = arith.constant 0 : i32
    %cond3A_181 = arith.cmpi ne, %convert_element_type3A, %cond3A : i32
    scf.if %cond3A_181 {
      "tpu.region"() ({
        %run_scoped3A = tpu.sem_alloc : memref<!tpu.dma_semaphore, #tpu.memory_space<semaphore_mem>>
        %dma_start3A_333 = arith.constant 0 : i32
        %dma_start3A_334 = arith.constant 0 : i32
        %dma_start3A_335 = tpu.memref_slice %arg27[%dma_start3A_333, %dma_start3A_334] : memref<40x128xf32, #tpu.memory_space<vmem>> -> memref<16x128xf32, #tpu.memory_space<vmem>>
        %dma_start3A_336 = arith.constant 9984 : i32
        %dma_start3A_337 = arith.constant 0 : i32
        %dma_start3A_338 = tpu.memref_slice %arg35[%dma_start3A_336, %dma_start3A_337] : memref<10000x128xf32, #tpu.memory_space<vmem_shared>> -> memref<16x128xf32, #tpu.memory_space<vmem_shared>>
        %dma_start3A_339 = arith.constant 9984 : i32
        %dma_start3A_340 = arith.constant 0 : i32
        %dma_start3A_341 = tpu.memref_slice %arg35[%dma_start3A_339, %dma_start3A_340] : memref<10000x128xf32, #tpu.memory_space<vmem_shared>> -> memref<16x128xf32, #tpu.memory_space<vmem_shared>>
        %dma_start3A_342 = arith.constant 0 : i32
        %dma_start3A_343 = arith.constant 0 : i32
        %dma_start3A_344 = tpu.memref_slice %arg27[%dma_start3A_342, %dma_start3A_343] : memref<40x128xf32, #tpu.memory_space<vmem>> -> memref<16x128xf32, #tpu.memory_space<vmem>>
        tpu.enqueue_dma source(%dma_start3A_344 : memref<16x128xf32, #tpu.memory_space<vmem>>) target(%dma_start3A_341 : memref<16x128xf32, #tpu.memory_space<vmem_shared>>) target_semaphore(%run_scoped3A : memref<!tpu.dma_semaphore, #tpu.memory_space<semaphore_mem>>)
        %dma_wait3A_345 = arith.constant 0 : i32
        %dma_wait3A_346 = arith.constant 0 : i32
        %dma_wait3A_347 = tpu.memref_slice %arg27[%dma_wait3A_345, %dma_wait3A_346] : memref<40x128xf32, #tpu.memory_space<vmem>> -> memref<16x128xf32, #tpu.memory_space<vmem>>
        %dma_wait3A_348 = arith.constant 9984 : i32
        %dma_wait3A_349 = arith.constant 0 : i32
        %dma_wait3A_350 = tpu.memref_slice %arg35[%dma_wait3A_348, %dma_wait3A_349] : memref<10000x128xf32, #tpu.memory_space<vmem_shared>> -> memref<16x128xf32, #tpu.memory_space<vmem_shared>>
        %dma_wait3A_351 = arith.constant 9984 : i32
        %dma_wait3A_352 = arith.constant 0 : i32
        %dma_wait3A_353 = tpu.memref_slice %arg35[%dma_wait3A_351, %dma_wait3A_352] : memref<10000x128xf32, #tpu.memory_space<vmem_shared>> -> memref<16x128xf32, #tpu.memory_space<vmem_shared>>
        %dma_wait3A_354 = arith.constant 0 : i32
        %dma_wait3A_355 = arith.constant 0 : i32
        %dma_wait3A_356 = tpu.memref_slice %arg27[%dma_wait3A_354, %dma_wait3A_355] : memref<40x128xf32, #tpu.memory_space<vmem>> -> memref<16x128xf32, #tpu.memory_space<vmem>>
        tpu.wait_dma2 semaphore(%run_scoped3A : memref<!tpu.dma_semaphore, #tpu.memory_space<semaphore_mem>>) src(%dma_wait3A_356 : memref<16x128xf32, #tpu.memory_space<vmem>>) dst(%dma_wait3A_353 : memref<16x128xf32, #tpu.memory_space<vmem_shared>>)
        tpu.yield
      }) : () -> ()
    } else {
    }
    %barrier3A = arith.constant 0 : index
    tpu.barrier barrier_id(%barrier3A)
    %add3A_182 = arith.constant 0 : i32
    %add3A_183 = arith.addi %mul3A_2, %add3A_182 : i32
    %dma_start3A_184 = tpu.memref_slice %arg6[%add3A_183] : memref<320000xi32, #tpu.memory_space<hbm>> -> memref<40xi32, #tpu.memory_space<hbm>>
    %dma_start3A_185 = tpu.memref_slice %arg6[%add3A_183] : memref<320000xi32, #tpu.memory_space<hbm>> -> memref<40xi32, #tpu.memory_space<hbm>>
    tpu.enqueue_dma source(%dma_start3A_185 : memref<40xi32, #tpu.memory_space<hbm>>) target(%arg11 : memref<40xi32, #tpu.memory_space<vmem>>) target_semaphore(%arg36 : memref<!tpu.dma_semaphore, #tpu.memory_space<semaphore_mem>>)
    %dma_start3A_186 = tpu.memref_slice %arg7[%add3A_183] : memref<320000xi32, #tpu.memory_space<hbm>> -> memref<40xi32, #tpu.memory_space<hbm>>
    %dma_start3A_187 = tpu.memref_slice %arg7[%add3A_183] : memref<320000xi32, #tpu.memory_space<hbm>> -> memref<40xi32, #tpu.memory_space<hbm>>
    tpu.enqueue_dma source(%dma_start3A_187 : memref<40xi32, #tpu.memory_space<hbm>>) target(%arg15 : memref<40xi32, #tpu.memory_space<vmem>>) target_semaphore(%arg36 : memref<!tpu.dma_semaphore, #tpu.memory_space<semaphore_mem>>)
    %dma_start3A_188 = tpu.memref_slice %arg8[%add3A_183] : memref<320000xi32, #tpu.memory_space<hbm>> -> memref<40xi32, #tpu.memory_space<hbm>>
    %dma_start3A_189 = tpu.memref_slice %arg8[%add3A_183] : memref<320000xi32, #tpu.memory_space<hbm>> -> memref<40xi32, #tpu.memory_space<hbm>>
    tpu.enqueue_dma source(%dma_start3A_189 : memref<40xi32, #tpu.memory_space<hbm>>) target(%arg19 : memref<40xi32, #tpu.memory_space<vmem>>) target_semaphore(%arg36 : memref<!tpu.dma_semaphore, #tpu.memory_space<semaphore_mem>>)
    %dma_start3A_190 = tpu.memref_slice %arg9[%add3A_183] : memref<320000xi32, #tpu.memory_space<hbm>> -> memref<40xi32, #tpu.memory_space<hbm>>
    %dma_start3A_191 = tpu.memref_slice %arg9[%add3A_183] : memref<320000xi32, #tpu.memory_space<hbm>> -> memref<40xi32, #tpu.memory_space<hbm>>
    tpu.enqueue_dma source(%dma_start3A_191 : memref<40xi32, #tpu.memory_space<hbm>>) target(%arg23 : memref<40xi32, #tpu.memory_space<vmem>>) target_semaphore(%arg36 : memref<!tpu.dma_semaphore, #tpu.memory_space<semaphore_mem>>)
    %add3A_192 = arith.constant 40 : i32
    %add3A_193 = arith.addi %mul3A_2, %add3A_192 : i32
    %dma_start3A_194 = tpu.memref_slice %arg6[%add3A_193] : memref<320000xi32, #tpu.memory_space<hbm>> -> memref<40xi32, #tpu.memory_space<hbm>>
    %dma_start3A_195 = tpu.memref_slice %arg6[%add3A_193] : memref<320000xi32, #tpu.memory_space<hbm>> -> memref<40xi32, #tpu.memory_space<hbm>>
    tpu.enqueue_dma source(%dma_start3A_195 : memref<40xi32, #tpu.memory_space<hbm>>) target(%arg12 : memref<40xi32, #tpu.memory_space<vmem>>) target_semaphore(%arg37 : memref<!tpu.dma_semaphore, #tpu.memory_space<semaphore_mem>>)
    %dma_start3A_196 = tpu.memref_slice %arg7[%add3A_193] : memref<320000xi32, #tpu.memory_space<hbm>> -> memref<40xi32, #tpu.memory_space<hbm>>
    %dma_start3A_197 = tpu.memref_slice %arg7[%add3A_193] : memref<320000xi32, #tpu.memory_space<hbm>> -> memref<40xi32, #tpu.memory_space<hbm>>
    tpu.enqueue_dma source(%dma_start3A_197 : memref<40xi32, #tpu.memory_space<hbm>>) target(%arg16 : memref<40xi32, #tpu.memory_space<vmem>>) target_semaphore(%arg37 : memref<!tpu.dma_semaphore, #tpu.memory_space<semaphore_mem>>)
    %dma_start3A_198 = tpu.memref_slice %arg8[%add3A_193] : memref<320000xi32, #tpu.memory_space<hbm>> -> memref<40xi32, #tpu.memory_space<hbm>>
    %dma_start3A_199 = tpu.memref_slice %arg8[%add3A_193] : memref<320000xi32, #tpu.memory_space<hbm>> -> memref<40xi32, #tpu.memory_space<hbm>>
    tpu.enqueue_dma source(%dma_start3A_199 : memref<40xi32, #tpu.memory_space<hbm>>) target(%arg20 : memref<40xi32, #tpu.memory_space<vmem>>) target_semaphore(%arg37 : memref<!tpu.dma_semaphore, #tpu.memory_space<semaphore_mem>>)
    %dma_start3A_200 = tpu.memref_slice %arg9[%add3A_193] : memref<320000xi32, #tpu.memory_space<hbm>> -> memref<40xi32, #tpu.memory_space<hbm>>
    %dma_start3A_201 = tpu.memref_slice %arg9[%add3A_193] : memref<320000xi32, #tpu.memory_space<hbm>> -> memref<40xi32, #tpu.memory_space<hbm>>
    tpu.enqueue_dma source(%dma_start3A_201 : memref<40xi32, #tpu.memory_space<hbm>>) target(%arg24 : memref<40xi32, #tpu.memory_space<vmem>>) target_semaphore(%arg37 : memref<!tpu.dma_semaphore, #tpu.memory_space<semaphore_mem>>)
    %dma_wait3A_202 = arith.constant 0 : i32
    %dma_wait3A_203 = tpu.memref_slice %arg6[%dma_wait3A_202] : memref<320000xi32, #tpu.memory_space<hbm>> -> memref<40xi32, #tpu.memory_space<hbm>>
    %dma_wait3A_204 = arith.constant 0 : i32
    %dma_wait3A_205 = tpu.memref_slice %arg6[%dma_wait3A_204] : memref<320000xi32, #tpu.memory_space<hbm>> -> memref<40xi32, #tpu.memory_space<hbm>>
    tpu.wait_dma2 semaphore(%arg36 : memref<!tpu.dma_semaphore, #tpu.memory_space<semaphore_mem>>) src(%dma_wait3A_205 : memref<40xi32, #tpu.memory_space<hbm>>) dst(%arg11 : memref<40xi32, #tpu.memory_space<vmem>>)
    %dma_wait3A_206 = arith.constant 0 : i32
    %dma_wait3A_207 = tpu.memref_slice %arg7[%dma_wait3A_206] : memref<320000xi32, #tpu.memory_space<hbm>> -> memref<40xi32, #tpu.memory_space<hbm>>
    %dma_wait3A_208 = arith.constant 0 : i32
    %dma_wait3A_209 = tpu.memref_slice %arg7[%dma_wait3A_208] : memref<320000xi32, #tpu.memory_space<hbm>> -> memref<40xi32, #tpu.memory_space<hbm>>
    tpu.wait_dma2 semaphore(%arg36 : memref<!tpu.dma_semaphore, #tpu.memory_space<semaphore_mem>>) src(%dma_wait3A_209 : memref<40xi32, #tpu.memory_space<hbm>>) dst(%arg15 : memref<40xi32, #tpu.memory_space<vmem>>)
    %dma_wait3A_210 = arith.constant 0 : i32
    %dma_wait3A_211 = tpu.memref_slice %arg8[%dma_wait3A_210] : memref<320000xi32, #tpu.memory_space<hbm>> -> memref<40xi32, #tpu.memory_space<hbm>>
    %dma_wait3A_212 = arith.constant 0 : i32
    %dma_wait3A_213 = tpu.memref_slice %arg8[%dma_wait3A_212] : memref<320000xi32, #tpu.memory_space<hbm>> -> memref<40xi32, #tpu.memory_space<hbm>>
    tpu.wait_dma2 semaphore(%arg36 : memref<!tpu.dma_semaphore, #tpu.memory_space<semaphore_mem>>) src(%dma_wait3A_213 : memref<40xi32, #tpu.memory_space<hbm>>) dst(%arg19 : memref<40xi32, #tpu.memory_space<vmem>>)
    %dma_wait3A_214 = arith.constant 0 : i32
    %dma_wait3A_215 = tpu.memref_slice %arg9[%dma_wait3A_214] : memref<320000xi32, #tpu.memory_space<hbm>> -> memref<40xi32, #tpu.memory_space<hbm>>
    %dma_wait3A_216 = arith.constant 0 : i32
    %dma_wait3A_217 = tpu.memref_slice %arg9[%dma_wait3A_216] : memref<320000xi32, #tpu.memory_space<hbm>> -> memref<40xi32, #tpu.memory_space<hbm>>
    tpu.wait_dma2 semaphore(%arg36 : memref<!tpu.dma_semaphore, #tpu.memory_space<semaphore_mem>>) src(%dma_wait3A_217 : memref<40xi32, #tpu.memory_space<hbm>>) dst(%arg23 : memref<40xi32, #tpu.memory_space<vmem>>)
    %dma_start3A_218 = arith.constant 0 : i32
    %dma_start3A_219 = arith.constant 0 : i32
    %dma_start3A_220 = tpu.memref_slice %arg3[%dma_start3A_218, %dma_start3A_219] : memref<10000x128xf32, #tpu.memory_space<hbm>> -> memref<10000x128xf32, #tpu.memory_space<hbm>>
    tpu.enqueue_indirect_dma source(%dma_start3A_220 : memref<10000x128xf32, #tpu.memory_space<hbm>>) target(%arg29 : memref<40x128xf32, #tpu.memory_space<vmem>>) offsets(%arg19 : memref<40xi32, #tpu.memory_space<vmem>>) semaphore(%arg42 : memref<!tpu.dma_semaphore, #tpu.memory_space<semaphore_mem>>)
    %dma_start3A_221 = arith.constant 0 : i32
    %dma_start3A_222 = arith.constant 0 : i32
    %dma_start3A_223 = tpu.memref_slice %arg4[%dma_start3A_221, %dma_start3A_222] : memref<10000x128xf32, #tpu.memory_space<hbm>> -> memref<10000x128xf32, #tpu.memory_space<hbm>>
    tpu.enqueue_indirect_dma source(%dma_start3A_223 : memref<10000x128xf32, #tpu.memory_space<hbm>>) target(%arg31 : memref<40x128xf32, #tpu.memory_space<vmem>>) offsets(%arg23 : memref<40xi32, #tpu.memory_space<vmem>>) semaphore(%arg42 : memref<!tpu.dma_semaphore, #tpu.memory_space<semaphore_mem>>)
    %dma_start3A_224 = arith.constant 0 : i32
    %dma_start3A_225 = arith.constant 0 : i32
    %dma_start3A_226 = tpu.memref_slice %arg5[%dma_start3A_224, %dma_start3A_225] : memref<10000x128xf32, #tpu.memory_space<hbm>> -> memref<10000x128xf32, #tpu.memory_space<hbm>>
    tpu.enqueue_indirect_dma source(%dma_start3A_226 : memref<10000x128xf32, #tpu.memory_space<hbm>>) target(%arg33 : memref<40x128xf32, #tpu.memory_space<vmem>>) offsets(%arg23 : memref<40xi32, #tpu.memory_space<vmem>>) semaphore(%arg42 : memref<!tpu.dma_semaphore, #tpu.memory_space<semaphore_mem>>)
    %dma_start3A_227 = arith.constant 0 : i32
    %dma_start3A_228 = arith.constant 0 : i32
    %dma_start3A_229 = tpu.memref_slice %arg2[%dma_start3A_227, %dma_start3A_228] : memref<10000x128xf32, #tpu.memory_space<hbm>> -> memref<10000x128xf32, #tpu.memory_space<hbm>>
    tpu.enqueue_indirect_dma source(%dma_start3A_229 : memref<10000x128xf32, #tpu.memory_space<hbm>>) target(%arg27 : memref<40x128xf32, #tpu.memory_space<vmem>>) offsets(%arg11 : memref<40xi32, #tpu.memory_space<vmem>>) semaphore(%arg40 : memref<!tpu.dma_semaphore, #tpu.memory_space<semaphore_mem>>)
    %scan3A_230 = arith.constant 0 : i32
    %scan3A_231 = arith.constant 62 : i32
    %scan3A_232 = arith.addi %scan3A_230, %scan3A_231 : i32
    %scan3A_233 = arith.constant 1 : i32
    scf.for %scan3A_333 = %scan3A_230 to %scan3A_232 step %scan3A_233  : i32 {
      %mul3A_334 = arith.constant 4 : i32
      %mul3A_335 = arith.muli %scan3A_333, %mul3A_334 : i32
      %add3A_336 = arith.constant 0 : i32
      %add3A_337 = arith.addi %add3A_336, %mul3A_335 : i32
      %add3A_338 = arith.constant 0 : i32
      %add3A_339 = arith.addi %add3A_337, %add3A_338 : i32
      %gt3A = arith.constant 0 : i32
      %gt3A_340 = arith.cmpi sgt, %add3A_339, %gt3A : i32
      %convert_element_type3A_341 = arith.extui %gt3A_340 : i1 to i32
      %cond3A_342 = arith.constant 0 : i32
      %cond3A_343 = arith.cmpi ne, %convert_element_type3A_341, %cond3A_342 : i32
      scf.if %cond3A_343 {
        %dma_wait3A_496 = arith.constant 0 : i32
        %dma_wait3A_497 = arith.constant 0 : i32
        %dma_wait3A_498 = tpu.memref_slice %arg35[%dma_wait3A_496, %dma_wait3A_497] : memref<10000x128xf32, #tpu.memory_space<vmem_shared>> -> memref<10000x128xf32, #tpu.memory_space<vmem_shared>>
        tpu.wait_indirect_dma semaphore(%arg45 : memref<!tpu.dma_semaphore, #tpu.memory_space<semaphore_mem>>) src(%arg28 : memref<40x128xf32, #tpu.memory_space<vmem>>) dst(%dma_wait3A_498 : memref<10000x128xf32, #tpu.memory_space<vmem_shared>>)
        %dma_wait3A_499 = arith.constant 0 : i32
        %dma_wait3A_500 = arith.constant 0 : i32
        %dma_wait3A_501 = tpu.memref_slice %arg35[%dma_wait3A_499, %dma_wait3A_500] : memref<10000x128xf32, #tpu.memory_space<vmem_shared>> -> memref<10000x128xf32, #tpu.memory_space<vmem_shared>>
        tpu.wait_indirect_dma semaphore(%arg47 : memref<!tpu.dma_semaphore, #tpu.memory_space<semaphore_mem>>) src(%arg34 : memref<40x128xf32, #tpu.memory_space<vmem>>) dst(%dma_wait3A_501 : memref<10000x128xf32, #tpu.memory_space<vmem_shared>>)
      } else {
      }
      %lt3A = arith.constant 249 : i32
      %lt3A_344 = arith.cmpi slt, %add3A_339, %lt3A : i32
      %convert_element_type3A_345 = arith.extui %lt3A_344 : i1 to i32
      %cond3A_346 = arith.constant 0 : i32
      %cond3A_347 = arith.cmpi ne, %convert_element_type3A_345, %cond3A_346 : i32
      scf.if %cond3A_347 {
        %dma_wait3A_496 = arith.constant 0 : i32
        %dma_wait3A_497 = tpu.memref_slice %arg6[%dma_wait3A_496] : memref<320000xi32, #tpu.memory_space<hbm>> -> memref<40xi32, #tpu.memory_space<hbm>>
        %dma_wait3A_498 = arith.constant 0 : i32
        %dma_wait3A_499 = tpu.memref_slice %arg6[%dma_wait3A_498] : memref<320000xi32, #tpu.memory_space<hbm>> -> memref<40xi32, #tpu.memory_space<hbm>>
        tpu.wait_dma2 semaphore(%arg37 : memref<!tpu.dma_semaphore, #tpu.memory_space<semaphore_mem>>) src(%dma_wait3A_499 : memref<40xi32, #tpu.memory_space<hbm>>) dst(%arg12 : memref<40xi32, #tpu.memory_space<vmem>>)
        %dma_wait3A_500 = arith.constant 0 : i32
        %dma_wait3A_501 = tpu.memref_slice %arg7[%dma_wait3A_500] : memref<320000xi32, #tpu.memory_space<hbm>> -> memref<40xi32, #tpu.memory_space<hbm>>
        %dma_wait3A_502 = arith.constant 0 : i32
        %dma_wait3A_503 = tpu.memref_slice %arg7[%dma_wait3A_502] : memref<320000xi32, #tpu.memory_space<hbm>> -> memref<40xi32, #tpu.memory_space<hbm>>
        tpu.wait_dma2 semaphore(%arg37 : memref<!tpu.dma_semaphore, #tpu.memory_space<semaphore_mem>>) src(%dma_wait3A_503 : memref<40xi32, #tpu.memory_space<hbm>>) dst(%arg16 : memref<40xi32, #tpu.memory_space<vmem>>)
        %dma_wait3A_504 = arith.constant 0 : i32
        %dma_wait3A_505 = tpu.memref_slice %arg8[%dma_wait3A_504] : memref<320000xi32, #tpu.memory_space<hbm>> -> memref<40xi32, #tpu.memory_space<hbm>>
        %dma_wait3A_506 = arith.constant 0 : i32
        %dma_wait3A_507 = tpu.memref_slice %arg8[%dma_wait3A_506] : memref<320000xi32, #tpu.memory_space<hbm>> -> memref<40xi32, #tpu.memory_space<hbm>>
        tpu.wait_dma2 semaphore(%arg37 : memref<!tpu.dma_semaphore, #tpu.memory_space<semaphore_mem>>) src(%dma_wait3A_507 : memref<40xi32, #tpu.memory_space<hbm>>) dst(%arg20 : memref<40xi32, #tpu.memory_space<vmem>>)
        %dma_wait3A_508 = arith.constant 0 : i32
        %dma_wait3A_509 = tpu.memref_slice %arg9[%dma_wait3A_508] : memref<320000xi32, #tpu.memory_space<hbm>> -> memref<40xi32, #tpu.memory_space<hbm>>
        %dma_wait3A_510 = arith.constant 0 : i32
        %dma_wait3A_511 = tpu.memref_slice %arg9[%dma_wait3A_510] : memref<320000xi32, #tpu.memory_space<hbm>> -> memref<40xi32, #tpu.memory_space<hbm>>
        tpu.wait_dma2 semaphore(%arg37 : memref<!tpu.dma_semaphore, #tpu.memory_space<semaphore_mem>>) src(%dma_wait3A_511 : memref<40xi32, #tpu.memory_space<hbm>>) dst(%arg24 : memref<40xi32, #tpu.memory_space<vmem>>)
        %dma_start3A_512 = arith.constant 0 : i32
        %dma_start3A_513 = arith.constant 0 : i32
        %dma_start3A_514 = tpu.memref_slice %arg3[%dma_start3A_512, %dma_start3A_513] : memref<10000x128xf32, #tpu.memory_space<hbm>> -> memref<10000x128xf32, #tpu.memory_space<hbm>>
        tpu.enqueue_indirect_dma source(%dma_start3A_514 : memref<10000x128xf32, #tpu.memory_space<hbm>>) target(%arg30 : memref<40x128xf32, #tpu.memory_space<vmem>>) offsets(%arg20 : memref<40xi32, #tpu.memory_space<vmem>>) semaphore(%arg43 : memref<!tpu.dma_semaphore, #tpu.memory_space<semaphore_mem>>)
        %dma_start3A_515 = arith.constant 0 : i32
        %dma_start3A_516 = arith.constant 0 : i32
        %dma_start3A_517 = tpu.memref_slice %arg4[%dma_start3A_515, %dma_start3A_516] : memref<10000x128xf32, #tpu.memory_space<hbm>> -> memref<10000x128xf32, #tpu.memory_space<hbm>>
        tpu.enqueue_indirect_dma source(%dma_start3A_517 : memref<10000x128xf32, #tpu.memory_space<hbm>>) target(%arg32 : memref<40x128xf32, #tpu.memory_space<vmem>>) offsets(%arg24 : memref<40xi32, #tpu.memory_space<vmem>>) semaphore(%arg43 : memref<!tpu.dma_semaphore, #tpu.memory_space<semaphore_mem>>)
        %dma_start3A_518 = arith.constant 0 : i32
        %dma_start3A_519 = arith.constant 0 : i32
        %dma_start3A_520 = tpu.memref_slice %arg5[%dma_start3A_518, %dma_start3A_519] : memref<10000x128xf32, #tpu.memory_space<hbm>> -> memref<10000x128xf32, #tpu.memory_space<hbm>>
        tpu.enqueue_indirect_dma source(%dma_start3A_520 : memref<10000x128xf32, #tpu.memory_space<hbm>>) target(%arg34 : memref<40x128xf32, #tpu.memory_space<vmem>>) offsets(%arg24 : memref<40xi32, #tpu.memory_space<vmem>>) semaphore(%arg43 : memref<!tpu.dma_semaphore, #tpu.memory_space<semaphore_mem>>)
        %dma_start3A_521 = arith.constant 0 : i32
        %dma_start3A_522 = arith.constant 0 : i32
        %dma_start3A_523 = tpu.memref_slice %arg2[%dma_start3A_521, %dma_start3A_522] : memref<10000x128xf32, #tpu.memory_space<hbm>> -> memref<10000x128xf32, #tpu.memory_space<hbm>>
        tpu.enqueue_indirect_dma source(%dma_start3A_523 : memref<10000x128xf32, #tpu.memory_space<hbm>>) target(%arg28 : memref<40x128xf32, #tpu.memory_space<vmem>>) offsets(%arg12 : memref<40xi32, #tpu.memory_space<vmem>>) semaphore(%arg41 : memref<!tpu.dma_semaphore, #tpu.memory_space<semaphore_mem>>)
      } else {
      }
      %lt3A_348 = arith.constant 248 : i32
      %lt3A_349 = arith.cmpi slt, %add3A_339, %lt3A_348 : i32
      %convert_element_type3A_350 = arith.extui %lt3A_349 : i1 to i32
      %cond3A_351 = arith.constant 0 : i32
      %cond3A_352 = arith.cmpi ne, %convert_element_type3A_350, %cond3A_351 : i32
      scf.if %cond3A_352 {
        %add3A_496 = arith.constant 2 : i32
        %add3A_497 = arith.addi %add3A_339, %add3A_496 : i32
        %mul3A_498 = arith.constant 40 : i32
        %mul3A_499 = arith.muli %add3A_497, %mul3A_498 : i32
        %add3A_500 = arith.addi %mul3A_2, %mul3A_499 : i32
        %dma_start3A_501 = tpu.memref_slice %arg6[%add3A_500] : memref<320000xi32, #tpu.memory_space<hbm>> -> memref<40xi32, #tpu.memory_space<hbm>>
        %dma_start3A_502 = tpu.memref_slice %arg6[%add3A_500] : memref<320000xi32, #tpu.memory_space<hbm>> -> memref<40xi32, #tpu.memory_space<hbm>>
        tpu.enqueue_dma source(%dma_start3A_502 : memref<40xi32, #tpu.memory_space<hbm>>) target(%arg13 : memref<40xi32, #tpu.memory_space<vmem>>) target_semaphore(%arg38 : memref<!tpu.dma_semaphore, #tpu.memory_space<semaphore_mem>>)
        %dma_start3A_503 = tpu.memref_slice %arg7[%add3A_500] : memref<320000xi32, #tpu.memory_space<hbm>> -> memref<40xi32, #tpu.memory_space<hbm>>
        %dma_start3A_504 = tpu.memref_slice %arg7[%add3A_500] : memref<320000xi32, #tpu.memory_space<hbm>> -> memref<40xi32, #tpu.memory_space<hbm>>
        tpu.enqueue_dma source(%dma_start3A_504 : memref<40xi32, #tpu.memory_space<hbm>>) target(%arg17 : memref<40xi32, #tpu.memory_space<vmem>>) target_semaphore(%arg38 : memref<!tpu.dma_semaphore, #tpu.memory_space<semaphore_mem>>)
        %dma_start3A_505 = tpu.memref_slice %arg8[%add3A_500] : memref<320000xi32, #tpu.memory_space<hbm>> -> memref<40xi32, #tpu.memory_space<hbm>>
        %dma_start3A_506 = tpu.memref_slice %arg8[%add3A_500] : memref<320000xi32, #tpu.memory_space<hbm>> -> memref<40xi32, #tpu.memory_space<hbm>>
        tpu.enqueue_dma source(%dma_start3A_506 : memref<40xi32, #tpu.memory_space<hbm>>) target(%arg21 : memref<40xi32, #tpu.memory_space<vmem>>) target_semaphore(%arg38 : memref<!tpu.dma_semaphore, #tpu.memory_space<semaphore_mem>>)
        %dma_start3A_507 = tpu.memref_slice %arg9[%add3A_500] : memref<320000xi32, #tpu.memory_space<hbm>> -> memref<40xi32, #tpu.memory_space<hbm>>
        %dma_start3A_508 = tpu.memref_slice %arg9[%add3A_500] : memref<320000xi32, #tpu.memory_space<hbm>> -> memref<40xi32, #tpu.memory_space<hbm>>
        tpu.enqueue_dma source(%dma_start3A_508 : memref<40xi32, #tpu.memory_space<hbm>>) target(%arg25 : memref<40xi32, #tpu.memory_space<vmem>>) target_semaphore(%arg38 : memref<!tpu.dma_semaphore, #tpu.memory_space<semaphore_mem>>)
      } else {
      }
      %dma_wait3A_353 = arith.constant 0 : i32
      %dma_wait3A_354 = arith.constant 0 : i32
      %dma_wait3A_355 = tpu.memref_slice %arg2[%dma_wait3A_353, %dma_wait3A_354] : memref<10000x128xf32, #tpu.memory_space<hbm>> -> memref<10000x128xf32, #tpu.memory_space<hbm>>
      tpu.wait_indirect_dma semaphore(%arg40 : memref<!tpu.dma_semaphore, #tpu.memory_space<semaphore_mem>>) src(%dma_wait3A_355 : memref<10000x128xf32, #tpu.memory_space<hbm>>) dst(%arg27 : memref<40x128xf32, #tpu.memory_space<vmem>>)
      %dma_start3A_356 = arith.constant 0 : i32
      %dma_start3A_357 = arith.constant 0 : i32
      %dma_start3A_358 = tpu.memref_slice %arg35[%dma_start3A_356, %dma_start3A_357] : memref<10000x128xf32, #tpu.memory_space<vmem_shared>> -> memref<10000x128xf32, #tpu.memory_space<vmem_shared>>
      tpu.enqueue_indirect_dma source(%arg27 : memref<40x128xf32, #tpu.memory_space<vmem>>) target(%dma_start3A_358 : memref<10000x128xf32, #tpu.memory_space<vmem_shared>>) offsets(%arg15 : memref<40xi32, #tpu.memory_space<vmem>>) semaphore(%arg44 : memref<!tpu.dma_semaphore, #tpu.memory_space<semaphore_mem>>) {add = true}
      %dma_wait3A_359 = arith.constant 0 : i32
      %dma_wait3A_360 = arith.constant 0 : i32
      %dma_wait3A_361 = tpu.memref_slice %arg3[%dma_wait3A_359, %dma_wait3A_360] : memref<10000x128xf32, #tpu.memory_space<hbm>> -> memref<10000x128xf32, #tpu.memory_space<hbm>>
      tpu.wait_indirect_dma semaphore(%arg42 : memref<!tpu.dma_semaphore, #tpu.memory_space<semaphore_mem>>) src(%dma_wait3A_361 : memref<10000x128xf32, #tpu.memory_space<hbm>>) dst(%arg29 : memref<40x128xf32, #tpu.memory_space<vmem>>)
      %dma_wait3A_362 = arith.constant 0 : i32
      %dma_wait3A_363 = arith.constant 0 : i32
      %dma_wait3A_364 = tpu.memref_slice %arg4[%dma_wait3A_362, %dma_wait3A_363] : memref<10000x128xf32, #tpu.memory_space<hbm>> -> memref<10000x128xf32, #tpu.memory_space<hbm>>
      tpu.wait_indirect_dma semaphore(%arg42 : memref<!tpu.dma_semaphore, #tpu.memory_space<semaphore_mem>>) src(%dma_wait3A_364 : memref<10000x128xf32, #tpu.memory_space<hbm>>) dst(%arg31 : memref<40x128xf32, #tpu.memory_space<vmem>>)
      %dma_wait3A_365 = arith.constant 0 : i32
      %dma_wait3A_366 = arith.constant 0 : i32
      %dma_wait3A_367 = tpu.memref_slice %arg5[%dma_wait3A_365, %dma_wait3A_366] : memref<10000x128xf32, #tpu.memory_space<hbm>> -> memref<10000x128xf32, #tpu.memory_space<hbm>>
      tpu.wait_indirect_dma semaphore(%arg42 : memref<!tpu.dma_semaphore, #tpu.memory_space<semaphore_mem>>) src(%dma_wait3A_367 : memref<10000x128xf32, #tpu.memory_space<hbm>>) dst(%arg33 : memref<40x128xf32, #tpu.memory_space<vmem>>)
      %scan3A_368 = arith.constant 0 : i32
      %scan3A_369 = arith.constant 20 : i32
      %scan3A_370 = arith.addi %scan3A_368, %scan3A_369 : i32
      %scan3A_371 = arith.constant 1 : i32
      scf.for %scan3A_496 = %scan3A_368 to %scan3A_370 step %scan3A_371  : i32 {
        %mul3A_497 = arith.constant 2 : i32
        %mul3A_498 = arith.muli %scan3A_496, %mul3A_497 : i32
        %add3A_499 = arith.constant 0 : i32
        %add3A_500 = arith.addi %add3A_499, %mul3A_498 : i32
        %add3A_501 = arith.constant 0 : i32
        %add3A_502 = arith.addi %add3A_500, %add3A_501 : i32
        %get3A = arith.index_cast %add3A_502 : i32 to index
        %get3A_503 = arith.constant 0 : index
        %get3A_504 = tpu.vector_load %arg29[%get3A, %get3A_503] {strides = array<i32>} : memref<40x128xf32, #tpu.memory_space<vmem>>, vector<16xf32>,
        %get3A_505 = arith.index_cast %add3A_502 : i32 to index
        %get3A_506 = arith.constant 0 : index
        %get3A_507 = tpu.vector_load %arg31[%get3A_505, %get3A_506] {strides = array<i32>} : memref<40x128xf32, #tpu.memory_space<vmem>>, vector<16xf32>,
        %mul3A_508 = arith.mulf %get3A_504, %get3A_507 : vector<16xf32>
        %get3A_509 = arith.index_cast %add3A_502 : i32 to index
        %get3A_510 = arith.constant 16 : index
        %get3A_511 = tpu.vector_load %arg29[%get3A_509, %get3A_510] {strides = array<i32>} : memref<40x128xf32, #tpu.memory_space<vmem>>, vector<16xf32>,
        %get3A_512 = arith.index_cast %add3A_502 : i32 to index
        %get3A_513 = arith.constant 16 : index
        %get3A_514 = tpu.vector_load %arg31[%get3A_512, %get3A_513] {strides = array<i32>} : memref<40x128xf32, #tpu.memory_space<vmem>>, vector<16xf32>,
        %mul3A_515 = arith.mulf %get3A_511, %get3A_514 : vector<16xf32>
        %add3A_516 = arith.addf %mul3A_508, %mul3A_515 : vector<16xf32>
        %get3A_517 = arith.index_cast %add3A_502 : i32 to index
        %get3A_518 = arith.constant 32 : index
        %get3A_519 = tpu.vector_load %arg29[%get3A_517, %get3A_518] {strides = array<i32>} : memref<40x128xf32, #tpu.memory_space<vmem>>, vector<16xf32>,
        %get3A_520 = arith.index_cast %add3A_502 : i32 to index
        %get3A_521 = arith.constant 32 : index
        %get3A_522 = tpu.vector_load %arg31[%get3A_520, %get3A_521] {strides = array<i32>} : memref<40x128xf32, #tpu.memory_space<vmem>>, vector<16xf32>,
        %mul3A_523 = arith.mulf %get3A_519, %get3A_522 : vector<16xf32>
        %add3A_524 = arith.addf %add3A_516, %mul3A_523 : vector<16xf32>
        %get3A_525 = arith.index_cast %add3A_502 : i32 to index
        %get3A_526 = arith.constant 48 : index
        %get3A_527 = tpu.vector_load %arg29[%get3A_525, %get3A_526] {strides = array<i32>} : memref<40x128xf32, #tpu.memory_space<vmem>>, vector<16xf32>,
        %get3A_528 = arith.index_cast %add3A_502 : i32 to index
        %get3A_529 = arith.constant 48 : index
        %get3A_530 = tpu.vector_load %arg31[%get3A_528, %get3A_529] {strides = array<i32>} : memref<40x128xf32, #tpu.memory_space<vmem>>, vector<16xf32>,
        %mul3A_531 = arith.mulf %get3A_527, %get3A_530 : vector<16xf32>
        %add3A_532 = arith.addf %add3A_524, %mul3A_531 : vector<16xf32>
        %get3A_533 = arith.index_cast %add3A_502 : i32 to index
        %get3A_534 = arith.constant 64 : index
        %get3A_535 = tpu.vector_load %arg29[%get3A_533, %get3A_534] {strides = array<i32>} : memref<40x128xf32, #tpu.memory_space<vmem>>, vector<16xf32>,
        %get3A_536 = arith.index_cast %add3A_502 : i32 to index
        %get3A_537 = arith.constant 64 : index
        %get3A_538 = tpu.vector_load %arg31[%get3A_536, %get3A_537] {strides = array<i32>} : memref<40x128xf32, #tpu.memory_space<vmem>>, vector<16xf32>,
        %mul3A_539 = arith.mulf %get3A_535, %get3A_538 : vector<16xf32>
        %add3A_540 = arith.addf %add3A_532, %mul3A_539 : vector<16xf32>
        %get3A_541 = arith.index_cast %add3A_502 : i32 to index
        %get3A_542 = arith.constant 80 : index
        %get3A_543 = tpu.vector_load %arg29[%get3A_541, %get3A_542] {strides = array<i32>} : memref<40x128xf32, #tpu.memory_space<vmem>>, vector<16xf32>,
        %get3A_544 = arith.index_cast %add3A_502 : i32 to index
        %get3A_545 = arith.constant 80 : index
        %get3A_546 = tpu.vector_load %arg31[%get3A_544, %get3A_545] {strides = array<i32>} : memref<40x128xf32, #tpu.memory_space<vmem>>, vector<16xf32>,
        %mul3A_547 = arith.mulf %get3A_543, %get3A_546 : vector<16xf32>
        %add3A_548 = arith.addf %add3A_540, %mul3A_547 : vector<16xf32>
        %get3A_549 = arith.index_cast %add3A_502 : i32 to index
        %get3A_550 = arith.constant 96 : index
        %get3A_551 = tpu.vector_load %arg29[%get3A_549, %get3A_550] {strides = array<i32>} : memref<40x128xf32, #tpu.memory_space<vmem>>, vector<16xf32>,
        %get3A_552 = arith.index_cast %add3A_502 : i32 to index
        %get3A_553 = arith.constant 96 : index
        %get3A_554 = tpu.vector_load %arg31[%get3A_552, %get3A_553] {strides = array<i32>} : memref<40x128xf32, #tpu.memory_space<vmem>>, vector<16xf32>,
        %mul3A_555 = arith.mulf %get3A_551, %get3A_554 : vector<16xf32>
        %add3A_556 = arith.addf %add3A_548, %mul3A_555 : vector<16xf32>
        %get3A_557 = arith.index_cast %add3A_502 : i32 to index
        %get3A_558 = arith.constant 112 : index
        %get3A_559 = tpu.vector_load %arg29[%get3A_557, %get3A_558] {strides = array<i32>} : memref<40x128xf32, #tpu.memory_space<vmem>>, vector<16xf32>,
        %get3A_560 = arith.index_cast %add3A_502 : i32 to index
        %get3A_561 = arith.constant 112 : index
        %get3A_562 = tpu.vector_load %arg31[%get3A_560, %get3A_561] {strides = array<i32>} : memref<40x128xf32, #tpu.memory_space<vmem>>, vector<16xf32>,
        %mul3A_563 = arith.mulf %get3A_559, %get3A_562 : vector<16xf32>
        %add3A_564 = arith.addf %add3A_556, %mul3A_563 : vector<16xf32>
        %reduce_sum3A = arith.constant true
        %reduce_sum3A_565 = vector.broadcast %reduce_sum3A : i1 to vector<16xi1>
        %reduce_sum3A_566 = tpu.scan <sum>, %add3A_564 masked %reduce_sum3A_565 : vector<16xf32>, vector<16xi1> -> vector<16xf32>
        %reduce_sum3A_567 = vector.extract %reduce_sum3A_566[15] : f32 from vector<16xf32>
        %mul3A_568 = arith.constant -0.0883883461 : f32
        %mul3A_569 = arith.mulf %reduce_sum3A_567, %mul3A_568 : f32
        %get3A_570 = arith.index_cast %add3A_502 : i32 to index
        %get3A_571 = arith.constant 0 : index
        %get3A_572 = tpu.vector_load %arg33[%get3A_570, %get3A_571] {strides = array<i32>} : memref<40x128xf32, #tpu.memory_space<vmem>>, vector<16xf32>,
        %mul3A_573 = vector.broadcast %mul3A_569 : f32 to vector<16xf32>
        %mul3A_574 = arith.mulf %get3A_572, %mul3A_573 : vector<16xf32>
        %swap3A = arith.index_cast %add3A_502 : i32 to index
        %swap3A_575 = arith.constant 0 : index
        %swap3A_576 = tpu.vector_load %arg33[%swap3A, %swap3A_575] {strides = array<i32>} : memref<40x128xf32, #tpu.memory_space<vmem>>, vector<16xf32>,
        tpu.vector_store %arg33[%swap3A, %swap3A_575], %mul3A_574 {strides = array<i32>} : memref<40x128xf32, #tpu.memory_space<vmem>>, vector<16xf32>,
        %get3A_577 = arith.index_cast %add3A_502 : i32 to index
        %get3A_578 = arith.constant 16 : index
        %get3A_579 = tpu.vector_load %arg33[%get3A_577, %get3A_578] {strides = array<i32>} : memref<40x128xf32, #tpu.memory_space<vmem>>, vector<16xf32>,
        %mul3A_580 = vector.broadcast %mul3A_569 : f32 to vector<16xf32>
        %mul3A_581 = arith.mulf %get3A_579, %mul3A_580 : vector<16xf32>
        %swap3A_582 = arith.index_cast %add3A_502 : i32 to index
        %swap3A_583 = arith.constant 16 : index
        %swap3A_584 = tpu.vector_load %arg33[%swap3A_582, %swap3A_583] {strides = array<i32>} : memref<40x128xf32, #tpu.memory_space<vmem>>, vector<16xf32>,
        tpu.vector_store %arg33[%swap3A_582, %swap3A_583], %mul3A_581 {strides = array<i32>} : memref<40x128xf32, #tpu.memory_space<vmem>>, vector<16xf32>,
        %get3A_585 = arith.index_cast %add3A_502 : i32 to index
        %get3A_586 = arith.constant 32 : index
        %get3A_587 = tpu.vector_load %arg33[%get3A_585, %get3A_586] {strides = array<i32>} : memref<40x128xf32, #tpu.memory_space<vmem>>, vector<16xf32>,
        %mul3A_588 = vector.broadcast %mul3A_569 : f32 to vector<16xf32>
        %mul3A_589 = arith.mulf %get3A_587, %mul3A_588 : vector<16xf32>
        %swap3A_590 = arith.index_cast %add3A_502 : i32 to index
        %swap3A_591 = arith.constant 32 : index
        %swap3A_592 = tpu.vector_load %arg33[%swap3A_590, %swap3A_591] {strides = array<i32>} : memref<40x128xf32, #tpu.memory_space<vmem>>, vector<16xf32>,
        tpu.vector_store %arg33[%swap3A_590, %swap3A_591], %mul3A_589 {strides = array<i32>} : memref<40x128xf32, #tpu.memory_space<vmem>>, vector<16xf32>,
        %get3A_593 = arith.index_cast %add3A_502 : i32 to index
        %get3A_594 = arith.constant 48 : index
        %get3A_595 = tpu.vector_load %arg33[%get3A_593, %get3A_594] {strides = array<i32>} : memref<40x128xf32, #tpu.memory_space<vmem>>, vector<16xf32>,
        %mul3A_596 = vector.broadcast %mul3A_569 : f32 to vector<16xf32>
        %mul3A_597 = arith.mulf %get3A_595, %mul3A_596 : vector<16xf32>
        %swap3A_598 = arith.index_cast %add3A_502 : i32 to index
        %swap3A_599 = arith.constant 48 : index
        %swap3A_600 = tpu.vector_load %arg33[%swap3A_598, %swap3A_599] {strides = array<i32>} : memref<40x128xf32, #tpu.memory_space<vmem>>, vector<16xf32>,
        tpu.vector_store %arg33[%swap3A_598, %swap3A_599], %mul3A_597 {strides = array<i32>} : memref<40x128xf32, #tpu.memory_space<vmem>>, vector<16xf32>,
        %get3A_601 = arith.index_cast %add3A_502 : i32 to index
        %get3A_602 = arith.constant 64 : index
        %get3A_603 = tpu.vector_load %arg33[%get3A_601, %get3A_602] {strides = array<i32>} : memref<40x128xf32, #tpu.memory_space<vmem>>, vector<16xf32>,
        %mul3A_604 = vector.broadcast %mul3A_569 : f32 to vector<16xf32>
        %mul3A_605 = arith.mulf %get3A_603, %mul3A_604 : vector<16xf32>
        %swap3A_606 = arith.index_cast %add3A_502 : i32 to index
        %swap3A_607 = arith.constant 64 : index
        %swap3A_608 = tpu.vector_load %arg33[%swap3A_606, %swap3A_607] {strides = array<i32>} : memref<40x128xf32, #tpu.memory_space<vmem>>, vector<16xf32>,
        tpu.vector_store %arg33[%swap3A_606, %swap3A_607], %mul3A_605 {strides = array<i32>} : memref<40x128xf32, #tpu.memory_space<vmem>>, vector<16xf32>,
        %get3A_609 = arith.index_cast %add3A_502 : i32 to index
        %get3A_610 = arith.constant 80 : index
        %get3A_611 = tpu.vector_load %arg33[%get3A_609, %get3A_610] {strides = array<i32>} : memref<40x128xf32, #tpu.memory_space<vmem>>, vector<16xf32>,
        %mul3A_612 = vector.broadcast %mul3A_569 : f32 to vector<16xf32>
        %mul3A_613 = arith.mulf %get3A_611, %mul3A_612 : vector<16xf32>
        %swap3A_614 = arith.index_cast %add3A_502 : i32 to index
        %swap3A_615 = arith.constant 80 : index
        %swap3A_616 = tpu.vector_load %arg33[%swap3A_614, %swap3A_615] {strides = array<i32>} : memref<40x128xf32, #tpu.memory_space<vmem>>, vector<16xf32>,
        tpu.vector_store %arg33[%swap3A_614, %swap3A_615], %mul3A_613 {strides = array<i32>} : memref<40x128xf32, #tpu.memory_space<vmem>>, vector<16xf32>,
        %get3A_617 = arith.index_cast %add3A_502 : i32 to index
        %get3A_618 = arith.constant 96 : index
        %get3A_619 = tpu.vector_load %arg33[%get3A_617, %get3A_618] {strides = array<i32>} : memref<40x128xf32, #tpu.memory_space<vmem>>, vector<16xf32>,
        %mul3A_620 = vector.broadcast %mul3A_569 : f32 to vector<16xf32>
        %mul3A_621 = arith.mulf %get3A_619, %mul3A_620 : vector<16xf32>
        %swap3A_622 = arith.index_cast %add3A_502 : i32 to index
        %swap3A_623 = arith.constant 96 : index
        %swap3A_624 = tpu.vector_load %arg33[%swap3A_622, %swap3A_623] {strides = array<i32>} : memref<40x128xf32, #tpu.memory_space<vmem>>, vector<16xf32>,
        tpu.vector_store %arg33[%swap3A_622, %swap3A_623], %mul3A_621 {strides = array<i32>} : memref<40x128xf32, #tpu.memory_space<vmem>>, vector<16xf32>,
        %get3A_625 = arith.index_cast %add3A_502 : i32 to index
        %get3A_626 = arith.constant 112 : index
        %get3A_627 = tpu.vector_load %arg33[%get3A_625, %get3A_626] {strides = array<i32>} : memref<40x128xf32, #tpu.memory_space<vmem>>, vector<16xf32>,
        %mul3A_628 = vector.broadcast %mul3A_569 : f32 to vector<16xf32>
        %mul3A_629 = arith.mulf %get3A_627, %mul3A_628 : vector<16xf32>
        %swap3A_630 = arith.index_cast %add3A_502 : i32 to index
        %swap3A_631 = arith.constant 112 : index
        %swap3A_632 = tpu.vector_load %arg33[%swap3A_630, %swap3A_631] {strides = array<i32>} : memref<40x128xf32, #tpu.memory_space<vmem>>, vector<16xf32>,
        tpu.vector_store %arg33[%swap3A_630, %swap3A_631], %mul3A_629 {strides = array<i32>} : memref<40x128xf32, #tpu.memory_space<vmem>>, vector<16xf32>,
        %add3A_633 = arith.constant 1 : i32
        %add3A_634 = arith.addi %add3A_500, %add3A_633 : i32
        %get3A_635 = arith.index_cast %add3A_634 : i32 to index
        %get3A_636 = arith.constant 0 : index
        %get3A_637 = tpu.vector_load %arg29[%get3A_635, %get3A_636] {strides = array<i32>} : memref<40x128xf32, #tpu.memory_space<vmem>>, vector<16xf32>,
        %get3A_638 = arith.index_cast %add3A_634 : i32 to index
        %get3A_639 = arith.constant 0 : index
        %get3A_640 = tpu.vector_load %arg31[%get3A_638, %get3A_639] {strides = array<i32>} : memref<40x128xf32, #tpu.memory_space<vmem>>, vector<16xf32>,
        %mul3A_641 = arith.mulf %get3A_637, %get3A_640 : vector<16xf32>
        %get3A_642 = arith.index_cast %add3A_634 : i32 to index
        %get3A_643 = arith.constant 16 : index
        %get3A_644 = tpu.vector_load %arg29[%get3A_642, %get3A_643] {strides = array<i32>} : memref<40x128xf32, #tpu.memory_space<vmem>>, vector<16xf32>,
        %get3A_645 = arith.index_cast %add3A_634 : i32 to index
        %get3A_646 = arith.constant 16 : index
        %get3A_647 = tpu.vector_load %arg31[%get3A_645, %get3A_646] {strides = array<i32>} : memref<40x128xf32, #tpu.memory_space<vmem>>, vector<16xf32>,
        %mul3A_648 = arith.mulf %get3A_644, %get3A_647 : vector<16xf32>
        %add3A_649 = arith.addf %mul3A_641, %mul3A_648 : vector<16xf32>
        %get3A_650 = arith.index_cast %add3A_634 : i32 to index
        %get3A_651 = arith.constant 32 : index
        %get3A_652 = tpu.vector_load %arg29[%get3A_650, %get3A_651] {strides = array<i32>} : memref<40x128xf32, #tpu.memory_space<vmem>>, vector<16xf32>,
        %get3A_653 = arith.index_cast %add3A_634 : i32 to index
        %get3A_654 = arith.constant 32 : index
        %get3A_655 = tpu.vector_load %arg31[%get3A_653, %get3A_654] {strides = array<i32>} : memref<40x128xf32, #tpu.memory_space<vmem>>, vector<16xf32>,
        %mul3A_656 = arith.mulf %get3A_652, %get3A_655 : vector<16xf32>
        %add3A_657 = arith.addf %add3A_649, %mul3A_656 : vector<16xf32>
        %get3A_658 = arith.index_cast %add3A_634 : i32 to index
        %get3A_659 = arith.constant 48 : index
        %get3A_660 = tpu.vector_load %arg29[%get3A_658, %get3A_659] {strides = array<i32>} : memref<40x128xf32, #tpu.memory_space<vmem>>, vector<16xf32>,
        %get3A_661 = arith.index_cast %add3A_634 : i32 to index
        %get3A_662 = arith.constant 48 : index
        %get3A_663 = tpu.vector_load %arg31[%get3A_661, %get3A_662] {strides = array<i32>} : memref<40x128xf32, #tpu.memory_space<vmem>>, vector<16xf32>,
        %mul3A_664 = arith.mulf %get3A_660, %get3A_663 : vector<16xf32>
        %add3A_665 = arith.addf %add3A_657, %mul3A_664 : vector<16xf32>
        %get3A_666 = arith.index_cast %add3A_634 : i32 to index
        %get3A_667 = arith.constant 64 : index
        %get3A_668 = tpu.vector_load %arg29[%get3A_666, %get3A_667] {strides = array<i32>} : memref<40x128xf32, #tpu.memory_space<vmem>>, vector<16xf32>,
        %get3A_669 = arith.index_cast %add3A_634 : i32 to index
        %get3A_670 = arith.constant 64 : index
        %get3A_671 = tpu.vector_load %arg31[%get3A_669, %get3A_670] {strides = array<i32>} : memref<40x128xf32, #tpu.memory_space<vmem>>, vector<16xf32>,
        %mul3A_672 = arith.mulf %get3A_668, %get3A_671 : vector<16xf32>
        %add3A_673 = arith.addf %add3A_665, %mul3A_672 : vector<16xf32>
        %get3A_674 = arith.index_cast %add3A_634 : i32 to index
        %get3A_675 = arith.constant 80 : index
        %get3A_676 = tpu.vector_load %arg29[%get3A_674, %get3A_675] {strides = array<i32>} : memref<40x128xf32, #tpu.memory_space<vmem>>, vector<16xf32>,
        %get3A_677 = arith.index_cast %add3A_634 : i32 to index
        %get3A_678 = arith.constant 80 : index
        %get3A_679 = tpu.vector_load %arg31[%get3A_677, %get3A_678] {strides = array<i32>} : memref<40x128xf32, #tpu.memory_space<vmem>>, vector<16xf32>,
        %mul3A_680 = arith.mulf %get3A_676, %get3A_679 : vector<16xf32>
        %add3A_681 = arith.addf %add3A_673, %mul3A_680 : vector<16xf32>
        %get3A_682 = arith.index_cast %add3A_634 : i32 to index
        %get3A_683 = arith.constant 96 : index
        %get3A_684 = tpu.vector_load %arg29[%get3A_682, %get3A_683] {strides = array<i32>} : memref<40x128xf32, #tpu.memory_space<vmem>>, vector<16xf32>,
        %get3A_685 = arith.index_cast %add3A_634 : i32 to index
        %get3A_686 = arith.constant 96 : index
        %get3A_687 = tpu.vector_load %arg31[%get3A_685, %get3A_686] {strides = array<i32>} : memref<40x128xf32, #tpu.memory_space<vmem>>, vector<16xf32>,
        %mul3A_688 = arith.mulf %get3A_684, %get3A_687 : vector<16xf32>
        %add3A_689 = arith.addf %add3A_681, %mul3A_688 : vector<16xf32>
        %get3A_690 = arith.index_cast %add3A_634 : i32 to index
        %get3A_691 = arith.constant 112 : index
        %get3A_692 = tpu.vector_load %arg29[%get3A_690, %get3A_691] {strides = array<i32>} : memref<40x128xf32, #tpu.memory_space<vmem>>, vector<16xf32>,
        %get3A_693 = arith.index_cast %add3A_634 : i32 to index
        %get3A_694 = arith.constant 112 : index
        %get3A_695 = tpu.vector_load %arg31[%get3A_693, %get3A_694] {strides = array<i32>} : memref<40x128xf32, #tpu.memory_space<vmem>>, vector<16xf32>,
        %mul3A_696 = arith.mulf %get3A_692, %get3A_695 : vector<16xf32>
        %add3A_697 = arith.addf %add3A_689, %mul3A_696 : vector<16xf32>
        %reduce_sum3A_698 = arith.constant true
        %reduce_sum3A_699 = vector.broadcast %reduce_sum3A_698 : i1 to vector<16xi1>
        %reduce_sum3A_700 = tpu.scan <sum>, %add3A_697 masked %reduce_sum3A_699 : vector<16xf32>, vector<16xi1> -> vector<16xf32>
        %reduce_sum3A_701 = vector.extract %reduce_sum3A_700[15] : f32 from vector<16xf32>
        %mul3A_702 = arith.constant -0.0883883461 : f32
        %mul3A_703 = arith.mulf %reduce_sum3A_701, %mul3A_702 : f32
        %get3A_704 = arith.index_cast %add3A_634 : i32 to index
        %get3A_705 = arith.constant 0 : index
        %get3A_706 = tpu.vector_load %arg33[%get3A_704, %get3A_705] {strides = array<i32>} : memref<40x128xf32, #tpu.memory_space<vmem>>, vector<16xf32>,
        %mul3A_707 = vector.broadcast %mul3A_703 : f32 to vector<16xf32>
        %mul3A_708 = arith.mulf %get3A_706, %mul3A_707 : vector<16xf32>
        %swap3A_709 = arith.index_cast %add3A_634 : i32 to index
        %swap3A_710 = arith.constant 0 : index
        %swap3A_711 = tpu.vector_load %arg33[%swap3A_709, %swap3A_710] {strides = array<i32>} : memref<40x128xf32, #tpu.memory_space<vmem>>, vector<16xf32>,
        tpu.vector_store %arg33[%swap3A_709, %swap3A_710], %mul3A_708 {strides = array<i32>} : memref<40x128xf32, #tpu.memory_space<vmem>>, vector<16xf32>,
        %get3A_712 = arith.index_cast %add3A_634 : i32 to index
        %get3A_713 = arith.constant 16 : index
        %get3A_714 = tpu.vector_load %arg33[%get3A_712, %get3A_713] {strides = array<i32>} : memref<40x128xf32, #tpu.memory_space<vmem>>, vector<16xf32>,
        %mul3A_715 = vector.broadcast %mul3A_703 : f32 to vector<16xf32>
        %mul3A_716 = arith.mulf %get3A_714, %mul3A_715 : vector<16xf32>
        %swap3A_717 = arith.index_cast %add3A_634 : i32 to index
        %swap3A_718 = arith.constant 16 : index
        %swap3A_719 = tpu.vector_load %arg33[%swap3A_717, %swap3A_718] {strides = array<i32>} : memref<40x128xf32, #tpu.memory_space<vmem>>, vector<16xf32>,
        tpu.vector_store %arg33[%swap3A_717, %swap3A_718], %mul3A_716 {strides = array<i32>} : memref<40x128xf32, #tpu.memory_space<vmem>>, vector<16xf32>,
        %get3A_720 = arith.index_cast %add3A_634 : i32 to index
        %get3A_721 = arith.constant 32 : index
        %get3A_722 = tpu.vector_load %arg33[%get3A_720, %get3A_721] {strides = array<i32>} : memref<40x128xf32, #tpu.memory_space<vmem>>, vector<16xf32>,
        %mul3A_723 = vector.broadcast %mul3A_703 : f32 to vector<16xf32>
        %mul3A_724 = arith.mulf %get3A_722, %mul3A_723 : vector<16xf32>
        %swap3A_725 = arith.index_cast %add3A_634 : i32 to index
        %swap3A_726 = arith.constant 32 : index
        %swap3A_727 = tpu.vector_load %arg33[%swap3A_725, %swap3A_726] {strides = array<i32>} : memref<40x128xf32, #tpu.memory_space<vmem>>, vector<16xf32>,
        tpu.vector_store %arg33[%swap3A_725, %swap3A_726], %mul3A_724 {strides = array<i32>} : memref<40x128xf32, #tpu.memory_space<vmem>>, vector<16xf32>,
        %get3A_728 = arith.index_cast %add3A_634 : i32 to index
        %get3A_729 = arith.constant 48 : index
        %get3A_730 = tpu.vector_load %arg33[%get3A_728, %get3A_729] {strides = array<i32>} : memref<40x128xf32, #tpu.memory_space<vmem>>, vector<16xf32>,
        %mul3A_731 = vector.broadcast %mul3A_703 : f32 to vector<16xf32>
        %mul3A_732 = arith.mulf %get3A_730, %mul3A_731 : vector<16xf32>
        %swap3A_733 = arith.index_cast %add3A_634 : i32 to index
        %swap3A_734 = arith.constant 48 : index
        %swap3A_735 = tpu.vector_load %arg33[%swap3A_733, %swap3A_734] {strides = array<i32>} : memref<40x128xf32, #tpu.memory_space<vmem>>, vector<16xf32>,
        tpu.vector_store %arg33[%swap3A_733, %swap3A_734], %mul3A_732 {strides = array<i32>} : memref<40x128xf32, #tpu.memory_space<vmem>>, vector<16xf32>,
        %get3A_736 = arith.index_cast %add3A_634 : i32 to index
        %get3A_737 = arith.constant 64 : index
        %get3A_738 = tpu.vector_load %arg33[%get3A_736, %get3A_737] {strides = array<i32>} : memref<40x128xf32, #tpu.memory_space<vmem>>, vector<16xf32>,
        %mul3A_739 = vector.broadcast %mul3A_703 : f32 to vector<16xf32>
        %mul3A_740 = arith.mulf %get3A_738, %mul3A_739 : vector<16xf32>
        %swap3A_741 = arith.index_cast %add3A_634 : i32 to index
        %swap3A_742 = arith.constant 64 : index
        %swap3A_743 = tpu.vector_load %arg33[%swap3A_741, %swap3A_742] {strides = array<i32>} : memref<40x128xf32, #tpu.memory_space<vmem>>, vector<16xf32>,
        tpu.vector_store %arg33[%swap3A_741, %swap3A_742], %mul3A_740 {strides = array<i32>} : memref<40x128xf32, #tpu.memory_space<vmem>>, vector<16xf32>,
        %get3A_744 = arith.index_cast %add3A_634 : i32 to index
        %get3A_745 = arith.constant 80 : index
        %get3A_746 = tpu.vector_load %arg33[%get3A_744, %get3A_745] {strides = array<i32>} : memref<40x128xf32, #tpu.memory_space<vmem>>, vector<16xf32>,
        %mul3A_747 = vector.broadcast %mul3A_703 : f32 to vector<16xf32>
        %mul3A_748 = arith.mulf %get3A_746, %mul3A_747 : vector<16xf32>
        %swap3A_749 = arith.index_cast %add3A_634 : i32 to index
        %swap3A_750 = arith.constant 80 : index
        %swap3A_751 = tpu.vector_load %arg33[%swap3A_749, %swap3A_750] {strides = array<i32>} : memref<40x128xf32, #tpu.memory_space<vmem>>, vector<16xf32>,
        tpu.vector_store %arg33[%swap3A_749, %swap3A_750], %mul3A_748 {strides = array<i32>} : memref<40x128xf32, #tpu.memory_space<vmem>>, vector<16xf32>,
        %get3A_752 = arith.index_cast %add3A_634 : i32 to index
        %get3A_753 = arith.constant 96 : index
        %get3A_754 = tpu.vector_load %arg33[%get3A_752, %get3A_753] {strides = array<i32>} : memref<40x128xf32, #tpu.memory_space<vmem>>, vector<16xf32>,
        %mul3A_755 = vector.broadcast %mul3A_703 : f32 to vector<16xf32>
        %mul3A_756 = arith.mulf %get3A_754, %mul3A_755 : vector<16xf32>
        %swap3A_757 = arith.index_cast %add3A_634 : i32 to index
        %swap3A_758 = arith.constant 96 : index
        %swap3A_759 = tpu.vector_load %arg33[%swap3A_757, %swap3A_758] {strides = array<i32>} : memref<40x128xf32, #tpu.memory_space<vmem>>, vector<16xf32>,
        tpu.vector_store %arg33[%swap3A_757, %swap3A_758], %mul3A_756 {strides = array<i32>} : memref<40x128xf32, #tpu.memory_space<vmem>>, vector<16xf32>,
        %get3A_760 = arith.index_cast %add3A_634 : i32 to index
        %get3A_761 = arith.constant 112 : index
        %get3A_762 = tpu.vector_load %arg33[%get3A_760, %get3A_761] {strides = array<i32>} : memref<40x128xf32, #tpu.memory_space<vmem>>, vector<16xf32>,
        %mul3A_763 = vector.broadcast %mul3A_703 : f32 to vector<16xf32>
        %mul3A_764 = arith.mulf %get3A_762, %mul3A_763 : vector<16xf32>
        %swap3A_765 = arith.index_cast %add3A_634 : i32 to index
        %swap3A_766 = arith.constant 112 : index
        %swap3A_767 = tpu.vector_load %arg33[%swap3A_765, %swap3A_766] {strides = array<i32>} : memref<40x128xf32, #tpu.memory_space<vmem>>, vector<16xf32>,
        tpu.vector_store %arg33[%swap3A_765, %swap3A_766], %mul3A_764 {strides = array<i32>} : memref<40x128xf32, #tpu.memory_space<vmem>>, vector<16xf32>,
      }
      %scan3A_372 = arith.constant 20 : i32
      %dma_start3A_373 = arith.constant 0 : i32
      %dma_start3A_374 = arith.constant 0 : i32
      %dma_start3A_375 = tpu.memref_slice %arg35[%dma_start3A_373, %dma_start3A_374] : memref<10000x128xf32, #tpu.memory_space<vmem_shared>> -> memref<10000x128xf32, #tpu.memory_space<vmem_shared>>
      tpu.enqueue_indirect_dma source(%arg33 : memref<40x128xf32, #tpu.memory_space<vmem>>) target(%dma_start3A_375 : memref<10000x128xf32, #tpu.memory_space<vmem_shared>>) offsets(%arg19 : memref<40xi32, #tpu.memory_space<vmem>>) semaphore(%arg46 : memref<!tpu.dma_semaphore, #tpu.memory_space<semaphore_mem>>) {add = true}
      %add3A_376 = arith.constant 1 : i32
      %add3A_377 = arith.addi %add3A_337, %add3A_376 : i32
      %gt3A_378 = arith.constant 0 : i32
      %gt3A_379 = arith.cmpi sgt, %add3A_377, %gt3A_378 : i32
      %convert_element_type3A_380 = arith.extui %gt3A_379 : i1 to i32
      %cond3A_381 = arith.constant 0 : i32
      %cond3A_382 = arith.cmpi ne, %convert_element_type3A_380, %cond3A_381 : i32
      scf.if %cond3A_382 {
        %dma_wait3A_496 = arith.constant 0 : i32
        %dma_wait3A_497 = arith.constant 0 : i32
        %dma_wait3A_498 = tpu.memref_slice %arg35[%dma_wait3A_496, %dma_wait3A_497] : memref<10000x128xf32, #tpu.memory_space<vmem_shared>> -> memref<10000x128xf32, #tpu.memory_space<vmem_shared>>
        tpu.wait_indirect_dma semaphore(%arg44 : memref<!tpu.dma_semaphore, #tpu.memory_space<semaphore_mem>>) src(%arg27 : memref<40x128xf32, #tpu.memory_space<vmem>>) dst(%dma_wait3A_498 : memref<10000x128xf32, #tpu.memory_space<vmem_shared>>)
        %dma_wait3A_499 = arith.constant 0 : i32
        %dma_wait3A_500 = arith.constant 0 : i32
        %dma_wait3A_501 = tpu.memref_slice %arg35[%dma_wait3A_499, %dma_wait3A_500] : memref<10000x128xf32, #tpu.memory_space<vmem_shared>> -> memref<10000x128xf32, #tpu.memory_space<vmem_shared>>
        tpu.wait_indirect_dma semaphore(%arg46 : memref<!tpu.dma_semaphore, #tpu.memory_space<semaphore_mem>>) src(%arg33 : memref<40x128xf32, #tpu.memory_space<vmem>>) dst(%dma_wait3A_501 : memref<10000x128xf32, #tpu.memory_space<vmem_shared>>)
      } else {
      }
      %lt3A_383 = arith.constant 249 : i32
      %lt3A_384 = arith.cmpi slt, %add3A_377, %lt3A_383 : i32
      %convert_element_type3A_385 = arith.extui %lt3A_384 : i1 to i32
      %cond3A_386 = arith.constant 0 : i32
      %cond3A_387 = arith.cmpi ne, %convert_element_type3A_385, %cond3A_386 : i32
      scf.if %cond3A_387 {
        %dma_wait3A_496 = arith.constant 0 : i32
        %dma_wait3A_497 = tpu.memref_slice %arg6[%dma_wait3A_496] : memref<320000xi32, #tpu.memory_space<hbm>> -> memref<40xi32, #tpu.memory_space<hbm>>
        %dma_wait3A_498 = arith.constant 0 : i32
        %dma_wait3A_499 = tpu.memref_slice %arg6[%dma_wait3A_498] : memref<320000xi32, #tpu.memory_space<hbm>> -> memref<40xi32, #tpu.memory_space<hbm>>
        tpu.wait_dma2 semaphore(%arg38 : memref<!tpu.dma_semaphore, #tpu.memory_space<semaphore_mem>>) src(%dma_wait3A_499 : memref<40xi32, #tpu.memory_space<hbm>>) dst(%arg13 : memref<40xi32, #tpu.memory_space<vmem>>)
        %dma_wait3A_500 = arith.constant 0 : i32
        %dma_wait3A_501 = tpu.memref_slice %arg7[%dma_wait3A_500] : memref<320000xi32, #tpu.memory_space<hbm>> -> memref<40xi32, #tpu.memory_space<hbm>>
        %dma_wait3A_502 = arith.constant 0 : i32
        %dma_wait3A_503 = tpu.memref_slice %arg7[%dma_wait3A_502] : memref<320000xi32, #tpu.memory_space<hbm>> -> memref<40xi32, #tpu.memory_space<hbm>>
        tpu.wait_dma2 semaphore(%arg38 : memref<!tpu.dma_semaphore, #tpu.memory_space<semaphore_mem>>) src(%dma_wait3A_503 : memref<40xi32, #tpu.memory_space<hbm>>) dst(%arg17 : memref<40xi32, #tpu.memory_space<vmem>>)
        %dma_wait3A_504 = arith.constant 0 : i32
        %dma_wait3A_505 = tpu.memref_slice %arg8[%dma_wait3A_504] : memref<320000xi32, #tpu.memory_space<hbm>> -> memref<40xi32, #tpu.memory_space<hbm>>
        %dma_wait3A_506 = arith.constant 0 : i32
        %dma_wait3A_507 = tpu.memref_slice %arg8[%dma_wait3A_506] : memref<320000xi32, #tpu.memory_space<hbm>> -> memref<40xi32, #tpu.memory_space<hbm>>
        tpu.wait_dma2 semaphore(%arg38 : memref<!tpu.dma_semaphore, #tpu.memory_space<semaphore_mem>>) src(%dma_wait3A_507 : memref<40xi32, #tpu.memory_space<hbm>>) dst(%arg21 : memref<40xi32, #tpu.memory_space<vmem>>)
        %dma_wait3A_508 = arith.constant 0 : i32
        %dma_wait3A_509 = tpu.memref_slice %arg9[%dma_wait3A_508] : memref<320000xi32, #tpu.memory_space<hbm>> -> memref<40xi32, #tpu.memory_space<hbm>>
        %dma_wait3A_510 = arith.constant 0 : i32
        %dma_wait3A_511 = tpu.memref_slice %arg9[%dma_wait3A_510] : memref<320000xi32, #tpu.memory_space<hbm>> -> memref<40xi32, #tpu.memory_space<hbm>>
        tpu.wait_dma2 semaphore(%arg38 : memref<!tpu.dma_semaphore, #tpu.memory_space<semaphore_mem>>) src(%dma_wait3A_511 : memref<40xi32, #tpu.memory_space<hbm>>) dst(%arg25 : memref<40xi32, #tpu.memory_space<vmem>>)
        %dma_start3A_512 = arith.constant 0 : i32
        %dma_start3A_513 = arith.constant 0 : i32
        %dma_start3A_514 = tpu.memref_slice %arg3[%dma_start3A_512, %dma_start3A_513] : memref<10000x128xf32, #tpu.memory_space<hbm>> -> memref<10000x128xf32, #tpu.memory_space<hbm>>
        tpu.enqueue_indirect_dma source(%dma_start3A_514 : memref<10000x128xf32, #tpu.memory_space<hbm>>) target(%arg29 : memref<40x128xf32, #tpu.memory_space<vmem>>) offsets(%arg21 : memref<40xi32, #tpu.memory_space<vmem>>) semaphore(%arg42 : memref<!tpu.dma_semaphore, #tpu.memory_space<semaphore_mem>>)
        %dma_start3A_515 = arith.constant 0 : i32
        %dma_start3A_516 = arith.constant 0 : i32
        %dma_start3A_517 = tpu.memref_slice %arg4[%dma_start3A_515, %dma_start3A_516] : memref<10000x128xf32, #tpu.memory_space<hbm>> -> memref<10000x128xf32, #tpu.memory_space<hbm>>
        tpu.enqueue_indirect_dma source(%dma_start3A_517 : memref<10000x128xf32, #tpu.memory_space<hbm>>) target(%arg31 : memref<40x128xf32, #tpu.memory_space<vmem>>) offsets(%arg25 : memref<40xi32, #tpu.memory_space<vmem>>) semaphore(%arg42 : memref<!tpu.dma_semaphore, #tpu.memory_space<semaphore_mem>>)
        %dma_start3A_518 = arith.constant 0 : i32
        %dma_start3A_519 = arith.constant 0 : i32
        %dma_start3A_520 = tpu.memref_slice %arg5[%dma_start3A_518, %dma_start3A_519] : memref<10000x128xf32, #tpu.memory_space<hbm>> -> memref<10000x128xf32, #tpu.memory_space<hbm>>
        tpu.enqueue_indirect_dma source(%dma_start3A_520 : memref<10000x128xf32, #tpu.memory_space<hbm>>) target(%arg33 : memref<40x128xf32, #tpu.memory_space<vmem>>) offsets(%arg25 : memref<40xi32, #tpu.memory_space<vmem>>) semaphore(%arg42 : memref<!tpu.dma_semaphore, #tpu.memory_space<semaphore_mem>>)
        %dma_start3A_521 = arith.constant 0 : i32
        %dma_start3A_522 = arith.constant 0 : i32
        %dma_start3A_523 = tpu.memref_slice %arg2[%dma_start3A_521, %dma_start3A_522] : memref<10000x128xf32, #tpu.memory_space<hbm>> -> memref<10000x128xf32, #tpu.memory_space<hbm>>
        tpu.enqueue_indirect_dma source(%dma_start3A_523 : memref<10000x128xf32, #tpu.memory_space<hbm>>) target(%arg27 : memref<40x128xf32, #tpu.memory_space<vmem>>) offsets(%arg13 : memref<40xi32, #tpu.memory_space<vmem>>) semaphore(%arg40 : memref<!tpu.dma_semaphore, #tpu.memory_space<semaphore_mem>>)
      } else {
      }
      %lt3A_388 = arith.constant 248 : i32
      %lt3A_389 = arith.cmpi slt, %add3A_377, %lt3A_388 : i32
      %convert_element_type3A_390 = arith.extui %lt3A_389 : i1 to i32
      %cond3A_391 = arith.constant 0 : i32
      %cond3A_392 = arith.cmpi ne, %convert_element_type3A_390, %cond3A_391 : i32
      scf.if %cond3A_392 {
        %add3A_496 = arith.constant 2 : i32
        %add3A_497 = arith.addi %add3A_377, %add3A_496 : i32
        %mul3A_498 = arith.constant 40 : i32
        %mul3A_499 = arith.muli %add3A_497, %mul3A_498 : i32
        %add3A_500 = arith.addi %mul3A_2, %mul3A_499 : i32
        %dma_start3A_501 = tpu.memref_slice %arg6[%add3A_500] : memref<320000xi32, #tpu.memory_space<hbm>> -> memref<40xi32, #tpu.memory_space<hbm>>
        %dma_start3A_502 = tpu.memref_slice %arg6[%add3A_500] : memref<320000xi32, #tpu.memory_space<hbm>> -> memref<40xi32, #tpu.memory_space<hbm>>
        tpu.enqueue_dma source(%dma_start3A_502 : memref<40xi32, #tpu.memory_space<hbm>>) target(%arg14 : memref<40xi32, #tpu.memory_space<vmem>>) target_semaphore(%arg39 : memref<!tpu.dma_semaphore, #tpu.memory_space<semaphore_mem>>)
        %dma_start3A_503 = tpu.memref_slice %arg7[%add3A_500] : memref<320000xi32, #tpu.memory_space<hbm>> -> memref<40xi32, #tpu.memory_space<hbm>>
        %dma_start3A_504 = tpu.memref_slice %arg7[%add3A_500] : memref<320000xi32, #tpu.memory_space<hbm>> -> memref<40xi32, #tpu.memory_space<hbm>>
        tpu.enqueue_dma source(%dma_start3A_504 : memref<40xi32, #tpu.memory_space<hbm>>) target(%arg18 : memref<40xi32, #tpu.memory_space<vmem>>) target_semaphore(%arg39 : memref<!tpu.dma_semaphore, #tpu.memory_space<semaphore_mem>>)
        %dma_start3A_505 = tpu.memref_slice %arg8[%add3A_500] : memref<320000xi32, #tpu.memory_space<hbm>> -> memref<40xi32, #tpu.memory_space<hbm>>
        %dma_start3A_506 = tpu.memref_slice %arg8[%add3A_500] : memref<320000xi32, #tpu.memory_space<hbm>> -> memref<40xi32, #tpu.memory_space<hbm>>
        tpu.enqueue_dma source(%dma_start3A_506 : memref<40xi32, #tpu.memory_space<hbm>>) target(%arg22 : memref<40xi32, #tpu.memory_space<vmem>>) target_semaphore(%arg39 : memref<!tpu.dma_semaphore, #tpu.memory_space<semaphore_mem>>)
        %dma_start3A_507 = tpu.memref_slice %arg9[%add3A_500] : memref<320000xi32, #tpu.memory_space<hbm>> -> memref<40xi32, #tpu.memory_space<hbm>>
        %dma_start3A_508 = tpu.memref_slice %arg9[%add3A_500] : memref<320000xi32, #tpu.memory_space<hbm>> -> memref<40xi32, #tpu.memory_space<hbm>>
        tpu.enqueue_dma source(%dma_start3A_508 : memref<40xi32, #tpu.memory_space<hbm>>) target(%arg26 : memref<40xi32, #tpu.memory_space<vmem>>) target_semaphore(%arg39 : memref<!tpu.dma_semaphore, #tpu.memory_space<semaphore_mem>>)
      } else {
      }
      %dma_wait3A_393 = arith.constant 0 : i32
      %dma_wait3A_394 = arith.constant 0 : i32
      %dma_wait3A_395 = tpu.memref_slice %arg2[%dma_wait3A_393, %dma_wait3A_394] : memref<10000x128xf32, #tpu.memory_space<hbm>> -> memref<10000x128xf32, #tpu.memory_space<hbm>>
      tpu.wait_indirect_dma semaphore(%arg41 : memref<!tpu.dma_semaphore, #tpu.memory_space<semaphore_mem>>) src(%dma_wait3A_395 : memref<10000x128xf32, #tpu.memory_space<hbm>>) dst(%arg28 : memref<40x128xf32, #tpu.memory_space<vmem>>)
      %dma_start3A_396 = arith.constant 0 : i32
      %dma_start3A_397 = arith.constant 0 : i32
      %dma_start3A_398 = tpu.memref_slice %arg35[%dma_start3A_396, %dma_start3A_397] : memref<10000x128xf32, #tpu.memory_space<vmem_shared>> -> memref<10000x128xf32, #tpu.memory_space<vmem_shared>>
      tpu.enqueue_indirect_dma source(%arg28 : memref<40x128xf32, #tpu.memory_space<vmem>>) target(%dma_start3A_398 : memref<10000x128xf32, #tpu.memory_space<vmem_shared>>) offsets(%arg16 : memref<40xi32, #tpu.memory_space<vmem>>) semaphore(%arg45 : memref<!tpu.dma_semaphore, #tpu.memory_space<semaphore_mem>>) {add = true}
      %dma_wait3A_399 = arith.constant 0 : i32
      %dma_wait3A_400 = arith.constant 0 : i32
      %dma_wait3A_401 = tpu.memref_slice %arg3[%dma_wait3A_399, %dma_wait3A_400] : memref<10000x128xf32, #tpu.memory_space<hbm>> -> memref<10000x128xf32, #tpu.memory_space<hbm>>
      tpu.wait_indirect_dma semaphore(%arg43 : memref<!tpu.dma_semaphore, #tpu.memory_space<semaphore_mem>>) src(%dma_wait3A_401 : memref<10000x128xf32, #tpu.memory_space<hbm>>) dst(%arg30 : memref<40x128xf32, #tpu.memory_space<vmem>>)
      %dma_wait3A_402 = arith.constant 0 : i32
      %dma_wait3A_403 = arith.constant 0 : i32
      %dma_wait3A_404 = tpu.memref_slice %arg4[%dma_wait3A_402, %dma_wait3A_403] : memref<10000x128xf32, #tpu.memory_space<hbm>> -> memref<10000x128xf32, #tpu.memory_space<hbm>>
      tpu.wait_indirect_dma semaphore(%arg43 : memref<!tpu.dma_semaphore, #tpu.memory_space<semaphore_mem>>) src(%dma_wait3A_404 : memref<10000x128xf32, #tpu.memory_space<hbm>>) dst(%arg32 : memref<40x128xf32, #tpu.memory_space<vmem>>)
      %dma_wait3A_405 = arith.constant 0 : i32
      %dma_wait3A_406 = arith.constant 0 : i32
      %dma_wait3A_407 = tpu.memref_slice %arg5[%dma_wait3A_405, %dma_wait3A_406] : memref<10000x128xf32, #tpu.memory_space<hbm>> -> memref<10000x128xf32, #tpu.memory_space<hbm>>
      tpu.wait_indirect_dma semaphore(%arg43 : memref<!tpu.dma_semaphore, #tpu.memory_space<semaphore_mem>>) src(%dma_wait3A_407 : memref<10000x128xf32, #tpu.memory_space<hbm>>) dst(%arg34 : memref<40x128xf32, #tpu.memory_space<vmem>>)
      %scan3A_408 = arith.constant 0 : i32
      %scan3A_409 = arith.constant 20 : i32
      %scan3A_410 = arith.addi %scan3A_408, %scan3A_409 : i32
      %scan3A_411 = arith.constant 1 : i32
      scf.for %scan3A_496 = %scan3A_408 to %scan3A_410 step %scan3A_411  : i32 {
        %mul3A_497 = arith.constant 2 : i32
        %mul3A_498 = arith.muli %scan3A_496, %mul3A_497 : i32
        %add3A_499 = arith.constant 0 : i32
        %add3A_500 = arith.addi %add3A_499, %mul3A_498 : i32
        %add3A_501 = arith.constant 0 : i32
        %add3A_502 = arith.addi %add3A_500, %add3A_501 : i32
        %get3A = arith.index_cast %add3A_502 : i32 to index
        %get3A_503 = arith.constant 0 : index
        %get3A_504 = tpu.vector_load %arg30[%get3A, %get3A_503] {strides = array<i32>} : memref<40x128xf32, #tpu.memory_space<vmem>>, vector<16xf32>,
        %get3A_505 = arith.index_cast %add3A_502 : i32 to index
        %get3A_506 = arith.constant 0 : index
        %get3A_507 = tpu.vector_load %arg32[%get3A_505, %get3A_506] {strides = array<i32>} : memref<40x128xf32, #tpu.memory_space<vmem>>, vector<16xf32>,
        %mul3A_508 = arith.mulf %get3A_504, %get3A_507 : vector<16xf32>
        %get3A_509 = arith.index_cast %add3A_502 : i32 to index
        %get3A_510 = arith.constant 16 : index
        %get3A_511 = tpu.vector_load %arg30[%get3A_509, %get3A_510] {strides = array<i32>} : memref<40x128xf32, #tpu.memory_space<vmem>>, vector<16xf32>,
        %get3A_512 = arith.index_cast %add3A_502 : i32 to index
        %get3A_513 = arith.constant 16 : index
        %get3A_514 = tpu.vector_load %arg32[%get3A_512, %get3A_513] {strides = array<i32>} : memref<40x128xf32, #tpu.memory_space<vmem>>, vector<16xf32>,
        %mul3A_515 = arith.mulf %get3A_511, %get3A_514 : vector<16xf32>
        %add3A_516 = arith.addf %mul3A_508, %mul3A_515 : vector<16xf32>
        %get3A_517 = arith.index_cast %add3A_502 : i32 to index
        %get3A_518 = arith.constant 32 : index
        %get3A_519 = tpu.vector_load %arg30[%get3A_517, %get3A_518] {strides = array<i32>} : memref<40x128xf32, #tpu.memory_space<vmem>>, vector<16xf32>,
        %get3A_520 = arith.index_cast %add3A_502 : i32 to index
        %get3A_521 = arith.constant 32 : index
        %get3A_522 = tpu.vector_load %arg32[%get3A_520, %get3A_521] {strides = array<i32>} : memref<40x128xf32, #tpu.memory_space<vmem>>, vector<16xf32>,
        %mul3A_523 = arith.mulf %get3A_519, %get3A_522 : vector<16xf32>
        %add3A_524 = arith.addf %add3A_516, %mul3A_523 : vector<16xf32>
        %get3A_525 = arith.index_cast %add3A_502 : i32 to index
        %get3A_526 = arith.constant 48 : index
        %get3A_527 = tpu.vector_load %arg30[%get3A_525, %get3A_526] {strides = array<i32>} : memref<40x128xf32, #tpu.memory_space<vmem>>, vector<16xf32>,
        %get3A_528 = arith.index_cast %add3A_502 : i32 to index
        %get3A_529 = arith.constant 48 : index
        %get3A_530 = tpu.vector_load %arg32[%get3A_528, %get3A_529] {strides = array<i32>} : memref<40x128xf32, #tpu.memory_space<vmem>>, vector<16xf32>,
        %mul3A_531 = arith.mulf %get3A_527, %get3A_530 : vector<16xf32>
        %add3A_532 = arith.addf %add3A_524, %mul3A_531 : vector<16xf32>
        %get3A_533 = arith.index_cast %add3A_502 : i32 to index
        %get3A_534 = arith.constant 64 : index
        %get3A_535 = tpu.vector_load %arg30[%get3A_533, %get3A_534] {strides = array<i32>} : memref<40x128xf32, #tpu.memory_space<vmem>>, vector<16xf32>,
        %get3A_536 = arith.index_cast %add3A_502 : i32 to index
        %get3A_537 = arith.constant 64 : index
        %get3A_538 = tpu.vector_load %arg32[%get3A_536, %get3A_537] {strides = array<i32>} : memref<40x128xf32, #tpu.memory_space<vmem>>, vector<16xf32>,
        %mul3A_539 = arith.mulf %get3A_535, %get3A_538 : vector<16xf32>
        %add3A_540 = arith.addf %add3A_532, %mul3A_539 : vector<16xf32>
        %get3A_541 = arith.index_cast %add3A_502 : i32 to index
        %get3A_542 = arith.constant 80 : index
        %get3A_543 = tpu.vector_load %arg30[%get3A_541, %get3A_542] {strides = array<i32>} : memref<40x128xf32, #tpu.memory_space<vmem>>, vector<16xf32>,
        %get3A_544 = arith.index_cast %add3A_502 : i32 to index
        %get3A_545 = arith.constant 80 : index
        %get3A_546 = tpu.vector_load %arg32[%get3A_544, %get3A_545] {strides = array<i32>} : memref<40x128xf32, #tpu.memory_space<vmem>>, vector<16xf32>,
        %mul3A_547 = arith.mulf %get3A_543, %get3A_546 : vector<16xf32>
        %add3A_548 = arith.addf %add3A_540, %mul3A_547 : vector<16xf32>
        %get3A_549 = arith.index_cast %add3A_502 : i32 to index
        %get3A_550 = arith.constant 96 : index
        %get3A_551 = tpu.vector_load %arg30[%get3A_549, %get3A_550] {strides = array<i32>} : memref<40x128xf32, #tpu.memory_space<vmem>>, vector<16xf32>,
        %get3A_552 = arith.index_cast %add3A_502 : i32 to index
        %get3A_553 = arith.constant 96 : index
        %get3A_554 = tpu.vector_load %arg32[%get3A_552, %get3A_553] {strides = array<i32>} : memref<40x128xf32, #tpu.memory_space<vmem>>, vector<16xf32>,
        %mul3A_555 = arith.mulf %get3A_551, %get3A_554 : vector<16xf32>
        %add3A_556 = arith.addf %add3A_548, %mul3A_555 : vector<16xf32>
        %get3A_557 = arith.index_cast %add3A_502 : i32 to index
        %get3A_558 = arith.constant 112 : index
        %get3A_559 = tpu.vector_load %arg30[%get3A_557, %get3A_558] {strides = array<i32>} : memref<40x128xf32, #tpu.memory_space<vmem>>, vector<16xf32>,
        %get3A_560 = arith.index_cast %add3A_502 : i32 to index
        %get3A_561 = arith.constant 112 : index
        %get3A_562 = tpu.vector_load %arg32[%get3A_560, %get3A_561] {strides = array<i32>} : memref<40x128xf32, #tpu.memory_space<vmem>>, vector<16xf32>,
        %mul3A_563 = arith.mulf %get3A_559, %get3A_562 : vector<16xf32>
        %add3A_564 = arith.addf %add3A_556, %mul3A_563 : vector<16xf32>
        %reduce_sum3A = arith.constant true
        %reduce_sum3A_565 = vector.broadcast %reduce_sum3A : i1 to vector<16xi1>
        %reduce_sum3A_566 = tpu.scan <sum>, %add3A_564 masked %reduce_sum3A_565 : vector<16xf32>, vector<16xi1> -> vector<16xf32>
        %reduce_sum3A_567 = vector.extract %reduce_sum3A_566[15] : f32 from vector<16xf32>
        %mul3A_568 = arith.constant -0.0883883461 : f32
        %mul3A_569 = arith.mulf %reduce_sum3A_567, %mul3A_568 : f32
        %get3A_570 = arith.index_cast %add3A_502 : i32 to index
        %get3A_571 = arith.constant 0 : index
        %get3A_572 = tpu.vector_load %arg34[%get3A_570, %get3A_571] {strides = array<i32>} : memref<40x128xf32, #tpu.memory_space<vmem>>, vector<16xf32>,
        %mul3A_573 = vector.broadcast %mul3A_569 : f32 to vector<16xf32>
        %mul3A_574 = arith.mulf %get3A_572, %mul3A_573 : vector<16xf32>
        %swap3A = arith.index_cast %add3A_502 : i32 to index
        %swap3A_575 = arith.constant 0 : index
        %swap3A_576 = tpu.vector_load %arg34[%swap3A, %swap3A_575] {strides = array<i32>} : memref<40x128xf32, #tpu.memory_space<vmem>>, vector<16xf32>,
        tpu.vector_store %arg34[%swap3A, %swap3A_575], %mul3A_574 {strides = array<i32>} : memref<40x128xf32, #tpu.memory_space<vmem>>, vector<16xf32>,
        %get3A_577 = arith.index_cast %add3A_502 : i32 to index
        %get3A_578 = arith.constant 16 : index
        %get3A_579 = tpu.vector_load %arg34[%get3A_577, %get3A_578] {strides = array<i32>} : memref<40x128xf32, #tpu.memory_space<vmem>>, vector<16xf32>,
        %mul3A_580 = vector.broadcast %mul3A_569 : f32 to vector<16xf32>
        %mul3A_581 = arith.mulf %get3A_579, %mul3A_580 : vector<16xf32>
        %swap3A_582 = arith.index_cast %add3A_502 : i32 to index
        %swap3A_583 = arith.constant 16 : index
        %swap3A_584 = tpu.vector_load %arg34[%swap3A_582, %swap3A_583] {strides = array<i32>} : memref<40x128xf32, #tpu.memory_space<vmem>>, vector<16xf32>,
        tpu.vector_store %arg34[%swap3A_582, %swap3A_583], %mul3A_581 {strides = array<i32>} : memref<40x128xf32, #tpu.memory_space<vmem>>, vector<16xf32>,
        %get3A_585 = arith.index_cast %add3A_502 : i32 to index
        %get3A_586 = arith.constant 32 : index
        %get3A_587 = tpu.vector_load %arg34[%get3A_585, %get3A_586] {strides = array<i32>} : memref<40x128xf32, #tpu.memory_space<vmem>>, vector<16xf32>,
        %mul3A_588 = vector.broadcast %mul3A_569 : f32 to vector<16xf32>
        %mul3A_589 = arith.mulf %get3A_587, %mul3A_588 : vector<16xf32>
        %swap3A_590 = arith.index_cast %add3A_502 : i32 to index
        %swap3A_591 = arith.constant 32 : index
        %swap3A_592 = tpu.vector_load %arg34[%swap3A_590, %swap3A_591] {strides = array<i32>} : memref<40x128xf32, #tpu.memory_space<vmem>>, vector<16xf32>,
        tpu.vector_store %arg34[%swap3A_590, %swap3A_591], %mul3A_589 {strides = array<i32>} : memref<40x128xf32, #tpu.memory_space<vmem>>, vector<16xf32>,
        %get3A_593 = arith.index_cast %add3A_502 : i32 to index
        %get3A_594 = arith.constant 48 : index
        %get3A_595 = tpu.vector_load %arg34[%get3A_593, %get3A_594] {strides = array<i32>} : memref<40x128xf32, #tpu.memory_space<vmem>>, vector<16xf32>,
        %mul3A_596 = vector.broadcast %mul3A_569 : f32 to vector<16xf32>
        %mul3A_597 = arith.mulf %get3A_595, %mul3A_596 : vector<16xf32>
        %swap3A_598 = arith.index_cast %add3A_502 : i32 to index
        %swap3A_599 = arith.constant 48 : index
        %swap3A_600 = tpu.vector_load %arg34[%swap3A_598, %swap3A_599] {strides = array<i32>} : memref<40x128xf32, #tpu.memory_space<vmem>>, vector<16xf32>,
        tpu.vector_store %arg34[%swap3A_598, %swap3A_599], %mul3A_597 {strides = array<i32>} : memref<40x128xf32, #tpu.memory_space<vmem>>, vector<16xf32>,
        %get3A_601 = arith.index_cast %add3A_502 : i32 to index
        %get3A_602 = arith.constant 64 : index
        %get3A_603 = tpu.vector_load %arg34[%get3A_601, %get3A_602] {strides = array<i32>} : memref<40x128xf32, #tpu.memory_space<vmem>>, vector<16xf32>,
        %mul3A_604 = vector.broadcast %mul3A_569 : f32 to vector<16xf32>
        %mul3A_605 = arith.mulf %get3A_603, %mul3A_604 : vector<16xf32>
        %swap3A_606 = arith.index_cast %add3A_502 : i32 to index
        %swap3A_607 = arith.constant 64 : index
        %swap3A_608 = tpu.vector_load %arg34[%swap3A_606, %swap3A_607] {strides = array<i32>} : memref<40x128xf32, #tpu.memory_space<vmem>>, vector<16xf32>,
        tpu.vector_store %arg34[%swap3A_606, %swap3A_607], %mul3A_605 {strides = array<i32>} : memref<40x128xf32, #tpu.memory_space<vmem>>, vector<16xf32>,
        %get3A_609 = arith.index_cast %add3A_502 : i32 to index
        %get3A_610 = arith.constant 80 : index
        %get3A_611 = tpu.vector_load %arg34[%get3A_609, %get3A_610] {strides = array<i32>} : memref<40x128xf32, #tpu.memory_space<vmem>>, vector<16xf32>,
        %mul3A_612 = vector.broadcast %mul3A_569 : f32 to vector<16xf32>
        %mul3A_613 = arith.mulf %get3A_611, %mul3A_612 : vector<16xf32>
        %swap3A_614 = arith.index_cast %add3A_502 : i32 to index
        %swap3A_615 = arith.constant 80 : index
        %swap3A_616 = tpu.vector_load %arg34[%swap3A_614, %swap3A_615] {strides = array<i32>} : memref<40x128xf32, #tpu.memory_space<vmem>>, vector<16xf32>,
        tpu.vector_store %arg34[%swap3A_614, %swap3A_615], %mul3A_613 {strides = array<i32>} : memref<40x128xf32, #tpu.memory_space<vmem>>, vector<16xf32>,
        %get3A_617 = arith.index_cast %add3A_502 : i32 to index
        %get3A_618 = arith.constant 96 : index
        %get3A_619 = tpu.vector_load %arg34[%get3A_617, %get3A_618] {strides = array<i32>} : memref<40x128xf32, #tpu.memory_space<vmem>>, vector<16xf32>,
        %mul3A_620 = vector.broadcast %mul3A_569 : f32 to vector<16xf32>
        %mul3A_621 = arith.mulf %get3A_619, %mul3A_620 : vector<16xf32>
        %swap3A_622 = arith.index_cast %add3A_502 : i32 to index
        %swap3A_623 = arith.constant 96 : index
        %swap3A_624 = tpu.vector_load %arg34[%swap3A_622, %swap3A_623] {strides = array<i32>} : memref<40x128xf32, #tpu.memory_space<vmem>>, vector<16xf32>,
        tpu.vector_store %arg34[%swap3A_622, %swap3A_623], %mul3A_621 {strides = array<i32>} : memref<40x128xf32, #tpu.memory_space<vmem>>, vector<16xf32>,
        %get3A_625 = arith.index_cast %add3A_502 : i32 to index
        %get3A_626 = arith.constant 112 : index
        %get3A_627 = tpu.vector_load %arg34[%get3A_625, %get3A_626] {strides = array<i32>} : memref<40x128xf32, #tpu.memory_space<vmem>>, vector<16xf32>,
        %mul3A_628 = vector.broadcast %mul3A_569 : f32 to vector<16xf32>
        %mul3A_629 = arith.mulf %get3A_627, %mul3A_628 : vector<16xf32>
        %swap3A_630 = arith.index_cast %add3A_502 : i32 to index
        %swap3A_631 = arith.constant 112 : index
        %swap3A_632 = tpu.vector_load %arg34[%swap3A_630, %swap3A_631] {strides = array<i32>} : memref<40x128xf32, #tpu.memory_space<vmem>>, vector<16xf32>,
        tpu.vector_store %arg34[%swap3A_630, %swap3A_631], %mul3A_629 {strides = array<i32>} : memref<40x128xf32, #tpu.memory_space<vmem>>, vector<16xf32>,
        %add3A_633 = arith.constant 1 : i32
        %add3A_634 = arith.addi %add3A_500, %add3A_633 : i32
        %get3A_635 = arith.index_cast %add3A_634 : i32 to index
        %get3A_636 = arith.constant 0 : index
        %get3A_637 = tpu.vector_load %arg30[%get3A_635, %get3A_636] {strides = array<i32>} : memref<40x128xf32, #tpu.memory_space<vmem>>, vector<16xf32>,
        %get3A_638 = arith.index_cast %add3A_634 : i32 to index
        %get3A_639 = arith.constant 0 : index
        %get3A_640 = tpu.vector_load %arg32[%get3A_638, %get3A_639] {strides = array<i32>} : memref<40x128xf32, #tpu.memory_space<vmem>>, vector<16xf32>,
        %mul3A_641 = arith.mulf %get3A_637, %get3A_640 : vector<16xf32>
        %get3A_642 = arith.index_cast %add3A_634 : i32 to index
        %get3A_643 = arith.constant 16 : index
        %get3A_644 = tpu.vector_load %arg30[%get3A_642, %get3A_643] {strides = array<i32>} : memref<40x128xf32, #tpu.memory_space<vmem>>, vector<16xf32>,
        %get3A_645 = arith.index_cast %add3A_634 : i32 to index
        %get3A_646 = arith.constant 16 : index
        %get3A_647 = tpu.vector_load %arg32[%get3A_645, %get3A_646] {strides = array<i32>} : memref<40x128xf32, #tpu.memory_space<vmem>>, vector<16xf32>,
        %mul3A_648 = arith.mulf %get3A_644, %get3A_647 : vector<16xf32>
        %add3A_649 = arith.addf %mul3A_641, %mul3A_648 : vector<16xf32>
        %get3A_650 = arith.index_cast %add3A_634 : i32 to index
        %get3A_651 = arith.constant 32 : index
        %get3A_652 = tpu.vector_load %arg30[%get3A_650, %get3A_651] {strides = array<i32>} : memref<40x128xf32, #tpu.memory_space<vmem>>, vector<16xf32>,
        %get3A_653 = arith.index_cast %add3A_634 : i32 to index
        %get3A_654 = arith.constant 32 : index
        %get3A_655 = tpu.vector_load %arg32[%get3A_653, %get3A_654] {strides = array<i32>} : memref<40x128xf32, #tpu.memory_space<vmem>>, vector<16xf32>,
        %mul3A_656 = arith.mulf %get3A_652, %get3A_655 : vector<16xf32>
        %add3A_657 = arith.addf %add3A_649, %mul3A_656 : vector<16xf32>
        %get3A_658 = arith.index_cast %add3A_634 : i32 to index
        %get3A_659 = arith.constant 48 : index
        %get3A_660 = tpu.vector_load %arg30[%get3A_658, %get3A_659] {strides = array<i32>} : memref<40x128xf32, #tpu.memory_space<vmem>>, vector<16xf32>,
        %get3A_661 = arith.index_cast %add3A_634 : i32 to index
        %get3A_662 = arith.constant 48 : index
        %get3A_663 = tpu.vector_load %arg32[%get3A_661, %get3A_662] {strides = array<i32>} : memref<40x128xf32, #tpu.memory_space<vmem>>, vector<16xf32>,
        %mul3A_664 = arith.mulf %get3A_660, %get3A_663 : vector<16xf32>
        %add3A_665 = arith.addf %add3A_657, %mul3A_664 : vector<16xf32>
        %get3A_666 = arith.index_cast %add3A_634 : i32 to index
        %get3A_667 = arith.constant 64 : index
        %get3A_668 = tpu.vector_load %arg30[%get3A_666, %get3A_667] {strides = array<i32>} : memref<40x128xf32, #tpu.memory_space<vmem>>, vector<16xf32>,
        %get3A_669 = arith.index_cast %add3A_634 : i32 to index
        %get3A_670 = arith.constant 64 : index
        %get3A_671 = tpu.vector_load %arg32[%get3A_669, %get3A_670] {strides = array<i32>} : memref<40x128xf32, #tpu.memory_space<vmem>>, vector<16xf32>,
        %mul3A_672 = arith.mulf %get3A_668, %get3A_671 : vector<16xf32>
        %add3A_673 = arith.addf %add3A_665, %mul3A_672 : vector<16xf32>
        %get3A_674 = arith.index_cast %add3A_634 : i32 to index
        %get3A_675 = arith.constant 80 : index
        %get3A_676 = tpu.vector_load %arg30[%get3A_674, %get3A_675] {strides = array<i32>} : memref<40x128xf32, #tpu.memory_space<vmem>>, vector<16xf32>,
        %get3A_677 = arith.index_cast %add3A_634 : i32 to index
        %get3A_678 = arith.constant 80 : index
        %get3A_679 = tpu.vector_load %arg32[%get3A_677, %get3A_678] {strides = array<i32>} : memref<40x128xf32, #tpu.memory_space<vmem>>, vector<16xf32>,
        %mul3A_680 = arith.mulf %get3A_676, %get3A_679 : vector<16xf32>
        %add3A_681 = arith.addf %add3A_673, %mul3A_680 : vector<16xf32>
        %get3A_682 = arith.index_cast %add3A_634 : i32 to index
        %get3A_683 = arith.constant 96 : index
        %get3A_684 = tpu.vector_load %arg30[%get3A_682, %get3A_683] {strides = array<i32>} : memref<40x128xf32, #tpu.memory_space<vmem>>, vector<16xf32>,
        %get3A_685 = arith.index_cast %add3A_634 : i32 to index
        %get3A_686 = arith.constant 96 : index
        %get3A_687 = tpu.vector_load %arg32[%get3A_685, %get3A_686] {strides = array<i32>} : memref<40x128xf32, #tpu.memory_space<vmem>>, vector<16xf32>,
        %mul3A_688 = arith.mulf %get3A_684, %get3A_687 : vector<16xf32>
        %add3A_689 = arith.addf %add3A_681, %mul3A_688 : vector<16xf32>
        %get3A_690 = arith.index_cast %add3A_634 : i32 to index
        %get3A_691 = arith.constant 112 : index
        %get3A_692 = tpu.vector_load %arg30[%get3A_690, %get3A_691] {strides = array<i32>} : memref<40x128xf32, #tpu.memory_space<vmem>>, vector<16xf32>,
        %get3A_693 = arith.index_cast %add3A_634 : i32 to index
        %get3A_694 = arith.constant 112 : index
        %get3A_695 = tpu.vector_load %arg32[%get3A_693, %get3A_694] {strides = array<i32>} : memref<40x128xf32, #tpu.memory_space<vmem>>, vector<16xf32>,
        %mul3A_696 = arith.mulf %get3A_692, %get3A_695 : vector<16xf32>
        %add3A_697 = arith.addf %add3A_689, %mul3A_696 : vector<16xf32>
        %reduce_sum3A_698 = arith.constant true
        %reduce_sum3A_699 = vector.broadcast %reduce_sum3A_698 : i1 to vector<16xi1>
        %reduce_sum3A_700 = tpu.scan <sum>, %add3A_697 masked %reduce_sum3A_699 : vector<16xf32>, vector<16xi1> -> vector<16xf32>
        %reduce_sum3A_701 = vector.extract %reduce_sum3A_700[15] : f32 from vector<16xf32>
        %mul3A_702 = arith.constant -0.0883883461 : f32
        %mul3A_703 = arith.mulf %reduce_sum3A_701, %mul3A_702 : f32
        %get3A_704 = arith.index_cast %add3A_634 : i32 to index
        %get3A_705 = arith.constant 0 : index
        %get3A_706 = tpu.vector_load %arg34[%get3A_704, %get3A_705] {strides = array<i32>} : memref<40x128xf32, #tpu.memory_space<vmem>>, vector<16xf32>,
        %mul3A_707 = vector.broadcast %mul3A_703 : f32 to vector<16xf32>
        %mul3A_708 = arith.mulf %get3A_706, %mul3A_707 : vector<16xf32>
        %swap3A_709 = arith.index_cast %add3A_634 : i32 to index
        %swap3A_710 = arith.constant 0 : index
        %swap3A_711 = tpu.vector_load %arg34[%swap3A_709, %swap3A_710] {strides = array<i32>} : memref<40x128xf32, #tpu.memory_space<vmem>>, vector<16xf32>,
        tpu.vector_store %arg34[%swap3A_709, %swap3A_710], %mul3A_708 {strides = array<i32>} : memref<40x128xf32, #tpu.memory_space<vmem>>, vector<16xf32>,
        %get3A_712 = arith.index_cast %add3A_634 : i32 to index
        %get3A_713 = arith.constant 16 : index
        %get3A_714 = tpu.vector_load %arg34[%get3A_712, %get3A_713] {strides = array<i32>} : memref<40x128xf32, #tpu.memory_space<vmem>>, vector<16xf32>,
        %mul3A_715 = vector.broadcast %mul3A_703 : f32 to vector<16xf32>
        %mul3A_716 = arith.mulf %get3A_714, %mul3A_715 : vector<16xf32>
        %swap3A_717 = arith.index_cast %add3A_634 : i32 to index
        %swap3A_718 = arith.constant 16 : index
        %swap3A_719 = tpu.vector_load %arg34[%swap3A_717, %swap3A_718] {strides = array<i32>} : memref<40x128xf32, #tpu.memory_space<vmem>>, vector<16xf32>,
        tpu.vector_store %arg34[%swap3A_717, %swap3A_718], %mul3A_716 {strides = array<i32>} : memref<40x128xf32, #tpu.memory_space<vmem>>, vector<16xf32>,
        %get3A_720 = arith.index_cast %add3A_634 : i32 to index
        %get3A_721 = arith.constant 32 : index
        %get3A_722 = tpu.vector_load %arg34[%get3A_720, %get3A_721] {strides = array<i32>} : memref<40x128xf32, #tpu.memory_space<vmem>>, vector<16xf32>,
        %mul3A_723 = vector.broadcast %mul3A_703 : f32 to vector<16xf32>
        %mul3A_724 = arith.mulf %get3A_722, %mul3A_723 : vector<16xf32>
        %swap3A_725 = arith.index_cast %add3A_634 : i32 to index
        %swap3A_726 = arith.constant 32 : index
        %swap3A_727 = tpu.vector_load %arg34[%swap3A_725, %swap3A_726] {strides = array<i32>} : memref<40x128xf32, #tpu.memory_space<vmem>>, vector<16xf32>,
        tpu.vector_store %arg34[%swap3A_725, %swap3A_726], %mul3A_724 {strides = array<i32>} : memref<40x128xf32, #tpu.memory_space<vmem>>, vector<16xf32>,
        %get3A_728 = arith.index_cast %add3A_634 : i32 to index
        %get3A_729 = arith.constant 48 : index
        %get3A_730 = tpu.vector_load %arg34[%get3A_728, %get3A_729] {strides = array<i32>} : memref<40x128xf32, #tpu.memory_space<vmem>>, vector<16xf32>,
        %mul3A_731 = vector.broadcast %mul3A_703 : f32 to vector<16xf32>
        %mul3A_732 = arith.mulf %get3A_730, %mul3A_731 : vector<16xf32>
        %swap3A_733 = arith.index_cast %add3A_634 : i32 to index
        %swap3A_734 = arith.constant 48 : index
        %swap3A_735 = tpu.vector_load %arg34[%swap3A_733, %swap3A_734] {strides = array<i32>} : memref<40x128xf32, #tpu.memory_space<vmem>>, vector<16xf32>,
        tpu.vector_store %arg34[%swap3A_733, %swap3A_734], %mul3A_732 {strides = array<i32>} : memref<40x128xf32, #tpu.memory_space<vmem>>, vector<16xf32>,
        %get3A_736 = arith.index_cast %add3A_634 : i32 to index
        %get3A_737 = arith.constant 64 : index
        %get3A_738 = tpu.vector_load %arg34[%get3A_736, %get3A_737] {strides = array<i32>} : memref<40x128xf32, #tpu.memory_space<vmem>>, vector<16xf32>,
        %mul3A_739 = vector.broadcast %mul3A_703 : f32 to vector<16xf32>
        %mul3A_740 = arith.mulf %get3A_738, %mul3A_739 : vector<16xf32>
        %swap3A_741 = arith.index_cast %add3A_634 : i32 to index
        %swap3A_742 = arith.constant 64 : index
        %swap3A_743 = tpu.vector_load %arg34[%swap3A_741, %swap3A_742] {strides = array<i32>} : memref<40x128xf32, #tpu.memory_space<vmem>>, vector<16xf32>,
        tpu.vector_store %arg34[%swap3A_741, %swap3A_742], %mul3A_740 {strides = array<i32>} : memref<40x128xf32, #tpu.memory_space<vmem>>, vector<16xf32>,
        %get3A_744 = arith.index_cast %add3A_634 : i32 to index
        %get3A_745 = arith.constant 80 : index
        %get3A_746 = tpu.vector_load %arg34[%get3A_744, %get3A_745] {strides = array<i32>} : memref<40x128xf32, #tpu.memory_space<vmem>>, vector<16xf32>,
        %mul3A_747 = vector.broadcast %mul3A_703 : f32 to vector<16xf32>
        %mul3A_748 = arith.mulf %get3A_746, %mul3A_747 : vector<16xf32>
        %swap3A_749 = arith.index_cast %add3A_634 : i32 to index
        %swap3A_750 = arith.constant 80 : index
        %swap3A_751 = tpu.vector_load %arg34[%swap3A_749, %swap3A_750] {strides = array<i32>} : memref<40x128xf32, #tpu.memory_space<vmem>>, vector<16xf32>,
        tpu.vector_store %arg34[%swap3A_749, %swap3A_750], %mul3A_748 {strides = array<i32>} : memref<40x128xf32, #tpu.memory_space<vmem>>, vector<16xf32>,
        %get3A_752 = arith.index_cast %add3A_634 : i32 to index
        %get3A_753 = arith.constant 96 : index
        %get3A_754 = tpu.vector_load %arg34[%get3A_752, %get3A_753] {strides = array<i32>} : memref<40x128xf32, #tpu.memory_space<vmem>>, vector<16xf32>,
        %mul3A_755 = vector.broadcast %mul3A_703 : f32 to vector<16xf32>
        %mul3A_756 = arith.mulf %get3A_754, %mul3A_755 : vector<16xf32>
        %swap3A_757 = arith.index_cast %add3A_634 : i32 to index
        %swap3A_758 = arith.constant 96 : index
        %swap3A_759 = tpu.vector_load %arg34[%swap3A_757, %swap3A_758] {strides = array<i32>} : memref<40x128xf32, #tpu.memory_space<vmem>>, vector<16xf32>,
        tpu.vector_store %arg34[%swap3A_757, %swap3A_758], %mul3A_756 {strides = array<i32>} : memref<40x128xf32, #tpu.memory_space<vmem>>, vector<16xf32>,
        %get3A_760 = arith.index_cast %add3A_634 : i32 to index
        %get3A_761 = arith.constant 112 : index
        %get3A_762 = tpu.vector_load %arg34[%get3A_760, %get3A_761] {strides = array<i32>} : memref<40x128xf32, #tpu.memory_space<vmem>>, vector<16xf32>,
        %mul3A_763 = vector.broadcast %mul3A_703 : f32 to vector<16xf32>
        %mul3A_764 = arith.mulf %get3A_762, %mul3A_763 : vector<16xf32>
        %swap3A_765 = arith.index_cast %add3A_634 : i32 to index
        %swap3A_766 = arith.constant 112 : index
        %swap3A_767 = tpu.vector_load %arg34[%swap3A_765, %swap3A_766] {strides = array<i32>} : memref<40x128xf32, #tpu.memory_space<vmem>>, vector<16xf32>,
        tpu.vector_store %arg34[%swap3A_765, %swap3A_766], %mul3A_764 {strides = array<i32>} : memref<40x128xf32, #tpu.memory_space<vmem>>, vector<16xf32>,
      }
      %scan3A_412 = arith.constant 20 : i32
      %dma_start3A_413 = arith.constant 0 : i32
      %dma_start3A_414 = arith.constant 0 : i32
      %dma_start3A_415 = tpu.memref_slice %arg35[%dma_start3A_413, %dma_start3A_414] : memref<10000x128xf32, #tpu.memory_space<vmem_shared>> -> memref<10000x128xf32, #tpu.memory_space<vmem_shared>>
      tpu.enqueue_indirect_dma source(%arg34 : memref<40x128xf32, #tpu.memory_space<vmem>>) target(%dma_start3A_415 : memref<10000x128xf32, #tpu.memory_space<vmem_shared>>) offsets(%arg20 : memref<40xi32, #tpu.memory_space<vmem>>) semaphore(%arg47 : memref<!tpu.dma_semaphore, #tpu.memory_space<semaphore_mem>>) {add = true}
      %add3A_416 = arith.constant 2 : i32
      %add3A_417 = arith.addi %add3A_337, %add3A_416 : i32
      %gt3A_418 = arith.constant 0 : i32
      %gt3A_419 = arith.cmpi sgt, %add3A_417, %gt3A_418 : i32
      %convert_element_type3A_420 = arith.extui %gt3A_419 : i1 to i32
      %cond3A_421 = arith.constant 0 : i32
      %cond3A_422 = arith.cmpi ne, %convert_element_type3A_420, %cond3A_421 : i32
      scf.if %cond3A_422 {
        %dma_wait3A_496 = arith.constant 0 : i32
        %dma_wait3A_497 = arith.constant 0 : i32
        %dma_wait3A_498 = tpu.memref_slice %arg35[%dma_wait3A_496, %dma_wait3A_497] : memref<10000x128xf32, #tpu.memory_space<vmem_shared>> -> memref<10000x128xf32, #tpu.memory_space<vmem_shared>>
        tpu.wait_indirect_dma semaphore(%arg45 : memref<!tpu.dma_semaphore, #tpu.memory_space<semaphore_mem>>) src(%arg28 : memref<40x128xf32, #tpu.memory_space<vmem>>) dst(%dma_wait3A_498 : memref<10000x128xf32, #tpu.memory_space<vmem_shared>>)
        %dma_wait3A_499 = arith.constant 0 : i32
        %dma_wait3A_500 = arith.constant 0 : i32
        %dma_wait3A_501 = tpu.memref_slice %arg35[%dma_wait3A_499, %dma_wait3A_500] : memref<10000x128xf32, #tpu.memory_space<vmem_shared>> -> memref<10000x128xf32, #tpu.memory_space<vmem_shared>>
        tpu.wait_indirect_dma semaphore(%arg47 : memref<!tpu.dma_semaphore, #tpu.memory_space<semaphore_mem>>) src(%arg34 : memref<40x128xf32, #tpu.memory_space<vmem>>) dst(%dma_wait3A_501 : memref<10000x128xf32, #tpu.memory_space<vmem_shared>>)
      } else {
      }
      %lt3A_423 = arith.constant 249 : i32
      %lt3A_424 = arith.cmpi slt, %add3A_417, %lt3A_423 : i32
      %convert_element_type3A_425 = arith.extui %lt3A_424 : i1 to i32
      %cond3A_426 = arith.constant 0 : i32
      %cond3A_427 = arith.cmpi ne, %convert_element_type3A_425, %cond3A_426 : i32
      scf.if %cond3A_427 {
        %dma_wait3A_496 = arith.constant 0 : i32
        %dma_wait3A_497 = tpu.memref_slice %arg6[%dma_wait3A_496] : memref<320000xi32, #tpu.memory_space<hbm>> -> memref<40xi32, #tpu.memory_space<hbm>>
        %dma_wait3A_498 = arith.constant 0 : i32
        %dma_wait3A_499 = tpu.memref_slice %arg6[%dma_wait3A_498] : memref<320000xi32, #tpu.memory_space<hbm>> -> memref<40xi32, #tpu.memory_space<hbm>>
        tpu.wait_dma2 semaphore(%arg39 : memref<!tpu.dma_semaphore, #tpu.memory_space<semaphore_mem>>) src(%dma_wait3A_499 : memref<40xi32, #tpu.memory_space<hbm>>) dst(%arg14 : memref<40xi32, #tpu.memory_space<vmem>>)
        %dma_wait3A_500 = arith.constant 0 : i32
        %dma_wait3A_501 = tpu.memref_slice %arg7[%dma_wait3A_500] : memref<320000xi32, #tpu.memory_space<hbm>> -> memref<40xi32, #tpu.memory_space<hbm>>
        %dma_wait3A_502 = arith.constant 0 : i32
        %dma_wait3A_503 = tpu.memref_slice %arg7[%dma_wait3A_502] : memref<320000xi32, #tpu.memory_space<hbm>> -> memref<40xi32, #tpu.memory_space<hbm>>
        tpu.wait_dma2 semaphore(%arg39 : memref<!tpu.dma_semaphore, #tpu.memory_space<semaphore_mem>>) src(%dma_wait3A_503 : memref<40xi32, #tpu.memory_space<hbm>>) dst(%arg18 : memref<40xi32, #tpu.memory_space<vmem>>)
        %dma_wait3A_504 = arith.constant 0 : i32
        %dma_wait3A_505 = tpu.memref_slice %arg8[%dma_wait3A_504] : memref<320000xi32, #tpu.memory_space<hbm>> -> memref<40xi32, #tpu.memory_space<hbm>>
        %dma_wait3A_506 = arith.constant 0 : i32
        %dma_wait3A_507 = tpu.memref_slice %arg8[%dma_wait3A_506] : memref<320000xi32, #tpu.memory_space<hbm>> -> memref<40xi32, #tpu.memory_space<hbm>>
        tpu.wait_dma2 semaphore(%arg39 : memref<!tpu.dma_semaphore, #tpu.memory_space<semaphore_mem>>) src(%dma_wait3A_507 : memref<40xi32, #tpu.memory_space<hbm>>) dst(%arg22 : memref<40xi32, #tpu.memory_space<vmem>>)
        %dma_wait3A_508 = arith.constant 0 : i32
        %dma_wait3A_509 = tpu.memref_slice %arg9[%dma_wait3A_508] : memref<320000xi32, #tpu.memory_space<hbm>> -> memref<40xi32, #tpu.memory_space<hbm>>
        %dma_wait3A_510 = arith.constant 0 : i32
        %dma_wait3A_511 = tpu.memref_slice %arg9[%dma_wait3A_510] : memref<320000xi32, #tpu.memory_space<hbm>> -> memref<40xi32, #tpu.memory_space<hbm>>
        tpu.wait_dma2 semaphore(%arg39 : memref<!tpu.dma_semaphore, #tpu.memory_space<semaphore_mem>>) src(%dma_wait3A_511 : memref<40xi32, #tpu.memory_space<hbm>>) dst(%arg26 : memref<40xi32, #tpu.memory_space<vmem>>)
        %dma_start3A_512 = arith.constant 0 : i32
        %dma_start3A_513 = arith.constant 0 : i32
        %dma_start3A_514 = tpu.memref_slice %arg3[%dma_start3A_512, %dma_start3A_513] : memref<10000x128xf32, #tpu.memory_space<hbm>> -> memref<10000x128xf32, #tpu.memory_space<hbm>>
        tpu.enqueue_indirect_dma source(%dma_start3A_514 : memref<10000x128xf32, #tpu.memory_space<hbm>>) target(%arg30 : memref<40x128xf32, #tpu.memory_space<vmem>>) offsets(%arg22 : memref<40xi32, #tpu.memory_space<vmem>>) semaphore(%arg43 : memref<!tpu.dma_semaphore, #tpu.memory_space<semaphore_mem>>)
        %dma_start3A_515 = arith.constant 0 : i32
        %dma_start3A_516 = arith.constant 0 : i32
        %dma_start3A_517 = tpu.memref_slice %arg4[%dma_start3A_515, %dma_start3A_516] : memref<10000x128xf32, #tpu.memory_space<hbm>> -> memref<10000x128xf32, #tpu.memory_space<hbm>>
        tpu.enqueue_indirect_dma source(%dma_start3A_517 : memref<10000x128xf32, #tpu.memory_space<hbm>>) target(%arg32 : memref<40x128xf32, #tpu.memory_space<vmem>>) offsets(%arg26 : memref<40xi32, #tpu.memory_space<vmem>>) semaphore(%arg43 : memref<!tpu.dma_semaphore, #tpu.memory_space<semaphore_mem>>)
        %dma_start3A_518 = arith.constant 0 : i32
        %dma_start3A_519 = arith.constant 0 : i32
        %dma_start3A_520 = tpu.memref_slice %arg5[%dma_start3A_518, %dma_start3A_519] : memref<10000x128xf32, #tpu.memory_space<hbm>> -> memref<10000x128xf32, #tpu.memory_space<hbm>>
        tpu.enqueue_indirect_dma source(%dma_start3A_520 : memref<10000x128xf32, #tpu.memory_space<hbm>>) target(%arg34 : memref<40x128xf32, #tpu.memory_space<vmem>>) offsets(%arg26 : memref<40xi32, #tpu.memory_space<vmem>>) semaphore(%arg43 : memref<!tpu.dma_semaphore, #tpu.memory_space<semaphore_mem>>)
        %dma_start3A_521 = arith.constant 0 : i32
        %dma_start3A_522 = arith.constant 0 : i32
        %dma_start3A_523 = tpu.memref_slice %arg2[%dma_start3A_521, %dma_start3A_522] : memref<10000x128xf32, #tpu.memory_space<hbm>> -> memref<10000x128xf32, #tpu.memory_space<hbm>>
        tpu.enqueue_indirect_dma source(%dma_start3A_523 : memref<10000x128xf32, #tpu.memory_space<hbm>>) target(%arg28 : memref<40x128xf32, #tpu.memory_space<vmem>>) offsets(%arg14 : memref<40xi32, #tpu.memory_space<vmem>>) semaphore(%arg41 : memref<!tpu.dma_semaphore, #tpu.memory_space<semaphore_mem>>)
      } else {
      }
      %lt3A_428 = arith.constant 248 : i32
      %lt3A_429 = arith.cmpi slt, %add3A_417, %lt3A_428 : i32
      %convert_element_type3A_430 = arith.extui %lt3A_429 : i1 to i32
      %cond3A_431 = arith.constant 0 : i32
      %cond3A_432 = arith.cmpi ne, %convert_element_type3A_430, %cond3A_431 : i32
      scf.if %cond3A_432 {
        %add3A_496 = arith.constant 2 : i32
        %add3A_497 = arith.addi %add3A_417, %add3A_496 : i32
        %mul3A_498 = arith.constant 40 : i32
        %mul3A_499 = arith.muli %add3A_497, %mul3A_498 : i32
        %add3A_500 = arith.addi %mul3A_2, %mul3A_499 : i32
        %dma_start3A_501 = tpu.memref_slice %arg6[%add3A_500] : memref<320000xi32, #tpu.memory_space<hbm>> -> memref<40xi32, #tpu.memory_space<hbm>>
        %dma_start3A_502 = tpu.memref_slice %arg6[%add3A_500] : memref<320000xi32, #tpu.memory_space<hbm>> -> memref<40xi32, #tpu.memory_space<hbm>>
        tpu.enqueue_dma source(%dma_start3A_502 : memref<40xi32, #tpu.memory_space<hbm>>) target(%arg11 : memref<40xi32, #tpu.memory_space<vmem>>) target_semaphore(%arg36 : memref<!tpu.dma_semaphore, #tpu.memory_space<semaphore_mem>>)
        %dma_start3A_503 = tpu.memref_slice %arg7[%add3A_500] : memref<320000xi32, #tpu.memory_space<hbm>> -> memref<40xi32, #tpu.memory_space<hbm>>
        %dma_start3A_504 = tpu.memref_slice %arg7[%add3A_500] : memref<320000xi32, #tpu.memory_space<hbm>> -> memref<40xi32, #tpu.memory_space<hbm>>
        tpu.enqueue_dma source(%dma_start3A_504 : memref<40xi32, #tpu.memory_space<hbm>>) target(%arg15 : memref<40xi32, #tpu.memory_space<vmem>>) target_semaphore(%arg36 : memref<!tpu.dma_semaphore, #tpu.memory_space<semaphore_mem>>)
        %dma_start3A_505 = tpu.memref_slice %arg8[%add3A_500] : memref<320000xi32, #tpu.memory_space<hbm>> -> memref<40xi32, #tpu.memory_space<hbm>>
        %dma_start3A_506 = tpu.memref_slice %arg8[%add3A_500] : memref<320000xi32, #tpu.memory_space<hbm>> -> memref<40xi32, #tpu.memory_space<hbm>>
        tpu.enqueue_dma source(%dma_start3A_506 : memref<40xi32, #tpu.memory_space<hbm>>) target(%arg19 : memref<40xi32, #tpu.memory_space<vmem>>) target_semaphore(%arg36 : memref<!tpu.dma_semaphore, #tpu.memory_space<semaphore_mem>>)
        %dma_start3A_507 = tpu.memref_slice %arg9[%add3A_500] : memref<320000xi32, #tpu.memory_space<hbm>> -> memref<40xi32, #tpu.memory_space<hbm>>
        %dma_start3A_508 = tpu.memref_slice %arg9[%add3A_500] : memref<320000xi32, #tpu.memory_space<hbm>> -> memref<40xi32, #tpu.memory_space<hbm>>
        tpu.enqueue_dma source(%dma_start3A_508 : memref<40xi32, #tpu.memory_space<hbm>>) target(%arg23 : memref<40xi32, #tpu.memory_space<vmem>>) target_semaphore(%arg36 : memref<!tpu.dma_semaphore, #tpu.memory_space<semaphore_mem>>)
      } else {
      }
      %dma_wait3A_433 = arith.constant 0 : i32
      %dma_wait3A_434 = arith.constant 0 : i32
      %dma_wait3A_435 = tpu.memref_slice %arg2[%dma_wait3A_433, %dma_wait3A_434] : memref<10000x128xf32, #tpu.memory_space<hbm>> -> memref<10000x128xf32, #tpu.memory_space<hbm>>
      tpu.wait_indirect_dma semaphore(%arg40 : memref<!tpu.dma_semaphore, #tpu.memory_space<semaphore_mem>>) src(%dma_wait3A_435 : memref<10000x128xf32, #tpu.memory_space<hbm>>) dst(%arg27 : memref<40x128xf32, #tpu.memory_space<vmem>>)
      %dma_start3A_436 = arith.constant 0 : i32
      %dma_start3A_437 = arith.constant 0 : i32
      %dma_start3A_438 = tpu.memref_slice %arg35[%dma_start3A_436, %dma_start3A_437] : memref<10000x128xf32, #tpu.memory_space<vmem_shared>> -> memref<10000x128xf32, #tpu.memory_space<vmem_shared>>
      tpu.enqueue_indirect_dma source(%arg27 : memref<40x128xf32, #tpu.memory_space<vmem>>) target(%dma_start3A_438 : memref<10000x128xf32, #tpu.memory_space<vmem_shared>>) offsets(%arg17 : memref<40xi32, #tpu.memory_space<vmem>>) semaphore(%arg44 : memref<!tpu.dma_semaphore, #tpu.memory_space<semaphore_mem>>) {add = true}
      %dma_wait3A_439 = arith.constant 0 : i32
      %dma_wait3A_440 = arith.constant 0 : i32
      %dma_wait3A_441 = tpu.memref_slice %arg3[%dma_wait3A_439, %dma_wait3A_440] : memref<10000x128xf32, #tpu.memory_space<hbm>> -> memref<10000x128xf32, #tpu.memory_space<hbm>>
      tpu.wait_indirect_dma semaphore(%arg42 : memref<!tpu.dma_semaphore, #tpu.memory_space<semaphore_mem>>) src(%dma_wait3A_441 : memref<10000x128xf32, #tpu.memory_space<hbm>>) dst(%arg29 : memref<40x128xf32, #tpu.memory_space<vmem>>)
      %dma_wait3A_442 = arith.constant 0 : i32
      %dma_wait3A_443 = arith.constant 0 : i32
      %dma_wait3A_444 = tpu.memref_slice %arg4[%dma_wait3A_442, %dma_wait3A_443] : memref<10000x128xf32, #tpu.memory_space<hbm>> -> memref<10000x128xf32, #tpu.memory_space<hbm>>
      tpu.wait_indirect_dma semaphore(%arg42 : memref<!tpu.dma_semaphore, #tpu.memory_space<semaphore_mem>>) src(%dma_wait3A_444 : memref<10000x128xf32, #tpu.memory_space<hbm>>) dst(%arg31 : memref<40x128xf32, #tpu.memory_space<vmem>>)
      %dma_wait3A_445 = arith.constant 0 : i32
      %dma_wait3A_446 = arith.constant 0 : i32
      %dma_wait3A_447 = tpu.memref_slice %arg5[%dma_wait3A_445, %dma_wait3A_446] : memref<10000x128xf32, #tpu.memory_space<hbm>> -> memref<10000x128xf32, #tpu.memory_space<hbm>>
      tpu.wait_indirect_dma semaphore(%arg42 : memref<!tpu.dma_semaphore, #tpu.memory_space<semaphore_mem>>) src(%dma_wait3A_447 : memref<10000x128xf32, #tpu.memory_space<hbm>>) dst(%arg33 : memref<40x128xf32, #tpu.memory_space<vmem>>)
      %scan3A_448 = arith.constant 0 : i32
      %scan3A_449 = arith.constant 20 : i32
      %scan3A_450 = arith.addi %scan3A_448, %scan3A_449 : i32
      %scan3A_451 = arith.constant 1 : i32
      scf.for %scan3A_496 = %scan3A_448 to %scan3A_450 step %scan3A_451  : i32 {
        %mul3A_497 = arith.constant 2 : i32
        %mul3A_498 = arith.muli %scan3A_496, %mul3A_497 : i32
        %add3A_499 = arith.constant 0 : i32
        %add3A_500 = arith.addi %add3A_499, %mul3A_498 : i32
        %add3A_501 = arith.constant 0 : i32
        %add3A_502 = arith.addi %add3A_500, %add3A_501 : i32
        %get3A = arith.index_cast %add3A_502 : i32 to index
        %get3A_503 = arith.constant 0 : index
        %get3A_504 = tpu.vector_load %arg29[%get3A, %get3A_503] {strides = array<i32>} : memref<40x128xf32, #tpu.memory_space<vmem>>, vector<16xf32>,
        %get3A_505 = arith.index_cast %add3A_502 : i32 to index
        %get3A_506 = arith.constant 0 : index
        %get3A_507 = tpu.vector_load %arg31[%get3A_505, %get3A_506] {strides = array<i32>} : memref<40x128xf32, #tpu.memory_space<vmem>>, vector<16xf32>,
        %mul3A_508 = arith.mulf %get3A_504, %get3A_507 : vector<16xf32>
        %get3A_509 = arith.index_cast %add3A_502 : i32 to index
        %get3A_510 = arith.constant 16 : index
        %get3A_511 = tpu.vector_load %arg29[%get3A_509, %get3A_510] {strides = array<i32>} : memref<40x128xf32, #tpu.memory_space<vmem>>, vector<16xf32>,
        %get3A_512 = arith.index_cast %add3A_502 : i32 to index
        %get3A_513 = arith.constant 16 : index
        %get3A_514 = tpu.vector_load %arg31[%get3A_512, %get3A_513] {strides = array<i32>} : memref<40x128xf32, #tpu.memory_space<vmem>>, vector<16xf32>,
        %mul3A_515 = arith.mulf %get3A_511, %get3A_514 : vector<16xf32>
        %add3A_516 = arith.addf %mul3A_508, %mul3A_515 : vector<16xf32>
        %get3A_517 = arith.index_cast %add3A_502 : i32 to index
        %get3A_518 = arith.constant 32 : index
        %get3A_519 = tpu.vector_load %arg29[%get3A_517, %get3A_518] {strides = array<i32>} : memref<40x128xf32, #tpu.memory_space<vmem>>, vector<16xf32>,
        %get3A_520 = arith.index_cast %add3A_502 : i32 to index
        %get3A_521 = arith.constant 32 : index
        %get3A_522 = tpu.vector_load %arg31[%get3A_520, %get3A_521] {strides = array<i32>} : memref<40x128xf32, #tpu.memory_space<vmem>>, vector<16xf32>,
        %mul3A_523 = arith.mulf %get3A_519, %get3A_522 : vector<16xf32>
        %add3A_524 = arith.addf %add3A_516, %mul3A_523 : vector<16xf32>
        %get3A_525 = arith.index_cast %add3A_502 : i32 to index
        %get3A_526 = arith.constant 48 : index
        %get3A_527 = tpu.vector_load %arg29[%get3A_525, %get3A_526] {strides = array<i32>} : memref<40x128xf32, #tpu.memory_space<vmem>>, vector<16xf32>,
        %get3A_528 = arith.index_cast %add3A_502 : i32 to index
        %get3A_529 = arith.constant 48 : index
        %get3A_530 = tpu.vector_load %arg31[%get3A_528, %get3A_529] {strides = array<i32>} : memref<40x128xf32, #tpu.memory_space<vmem>>, vector<16xf32>,
        %mul3A_531 = arith.mulf %get3A_527, %get3A_530 : vector<16xf32>
        %add3A_532 = arith.addf %add3A_524, %mul3A_531 : vector<16xf32>
        %get3A_533 = arith.index_cast %add3A_502 : i32 to index
        %get3A_534 = arith.constant 64 : index
        %get3A_535 = tpu.vector_load %arg29[%get3A_533, %get3A_534] {strides = array<i32>} : memref<40x128xf32, #tpu.memory_space<vmem>>, vector<16xf32>,
        %get3A_536 = arith.index_cast %add3A_502 : i32 to index
        %get3A_537 = arith.constant 64 : index
        %get3A_538 = tpu.vector_load %arg31[%get3A_536, %get3A_537] {strides = array<i32>} : memref<40x128xf32, #tpu.memory_space<vmem>>, vector<16xf32>,
        %mul3A_539 = arith.mulf %get3A_535, %get3A_538 : vector<16xf32>
        %add3A_540 = arith.addf %add3A_532, %mul3A_539 : vector<16xf32>
        %get3A_541 = arith.index_cast %add3A_502 : i32 to index
        %get3A_542 = arith.constant 80 : index
        %get3A_543 = tpu.vector_load %arg29[%get3A_541, %get3A_542] {strides = array<i32>} : memref<40x128xf32, #tpu.memory_space<vmem>>, vector<16xf32>,
        %get3A_544 = arith.index_cast %add3A_502 : i32 to index
        %get3A_545 = arith.constant 80 : index
        %get3A_546 = tpu.vector_load %arg31[%get3A_544, %get3A_545] {strides = array<i32>} : memref<40x128xf32, #tpu.memory_space<vmem>>, vector<16xf32>,
        %mul3A_547 = arith.mulf %get3A_543, %get3A_546 : vector<16xf32>
        %add3A_548 = arith.addf %add3A_540, %mul3A_547 : vector<16xf32>
        %get3A_549 = arith.index_cast %add3A_502 : i32 to index
        %get3A_550 = arith.constant 96 : index
        %get3A_551 = tpu.vector_load %arg29[%get3A_549, %get3A_550] {strides = array<i32>} : memref<40x128xf32, #tpu.memory_space<vmem>>, vector<16xf32>,
        %get3A_552 = arith.index_cast %add3A_502 : i32 to index
        %get3A_553 = arith.constant 96 : index
        %get3A_554 = tpu.vector_load %arg31[%get3A_552, %get3A_553] {strides = array<i32>} : memref<40x128xf32, #tpu.memory_space<vmem>>, vector<16xf32>,
        %mul3A_555 = arith.mulf %get3A_551, %get3A_554 : vector<16xf32>
        %add3A_556 = arith.addf %add3A_548, %mul3A_555 : vector<16xf32>
        %get3A_557 = arith.index_cast %add3A_502 : i32 to index
        %get3A_558 = arith.constant 112 : index
        %get3A_559 = tpu.vector_load %arg29[%get3A_557, %get3A_558] {strides = array<i32>} : memref<40x128xf32, #tpu.memory_space<vmem>>, vector<16xf32>,
        %get3A_560 = arith.index_cast %add3A_502 : i32 to index
        %get3A_561 = arith.constant 112 : index
        %get3A_562 = tpu.vector_load %arg31[%get3A_560, %get3A_561] {strides = array<i32>} : memref<40x128xf32, #tpu.memory_space<vmem>>, vector<16xf32>,
        %mul3A_563 = arith.mulf %get3A_559, %get3A_562 : vector<16xf32>
        %add3A_564 = arith.addf %add3A_556, %mul3A_563 : vector<16xf32>
        %reduce_sum3A = arith.constant true
        %reduce_sum3A_565 = vector.broadcast %reduce_sum3A : i1 to vector<16xi1>
        %reduce_sum3A_566 = tpu.scan <sum>, %add3A_564 masked %reduce_sum3A_565 : vector<16xf32>, vector<16xi1> -> vector<16xf32>
        %reduce_sum3A_567 = vector.extract %reduce_sum3A_566[15] : f32 from vector<16xf32>
        %mul3A_568 = arith.constant -0.0883883461 : f32
        %mul3A_569 = arith.mulf %reduce_sum3A_567, %mul3A_568 : f32
        %get3A_570 = arith.index_cast %add3A_502 : i32 to index
        %get3A_571 = arith.constant 0 : index
        %get3A_572 = tpu.vector_load %arg33[%get3A_570, %get3A_571] {strides = array<i32>} : memref<40x128xf32, #tpu.memory_space<vmem>>, vector<16xf32>,
        %mul3A_573 = vector.broadcast %mul3A_569 : f32 to vector<16xf32>
        %mul3A_574 = arith.mulf %get3A_572, %mul3A_573 : vector<16xf32>
        %swap3A = arith.index_cast %add3A_502 : i32 to index
        %swap3A_575 = arith.constant 0 : index
        %swap3A_576 = tpu.vector_load %arg33[%swap3A, %swap3A_575] {strides = array<i32>} : memref<40x128xf32, #tpu.memory_space<vmem>>, vector<16xf32>,
        tpu.vector_store %arg33[%swap3A, %swap3A_575], %mul3A_574 {strides = array<i32>} : memref<40x128xf32, #tpu.memory_space<vmem>>, vector<16xf32>,
        %get3A_577 = arith.index_cast %add3A_502 : i32 to index
        %get3A_578 = arith.constant 16 : index
        %get3A_579 = tpu.vector_load %arg33[%get3A_577, %get3A_578] {strides = array<i32>} : memref<40x128xf32, #tpu.memory_space<vmem>>, vector<16xf32>,
        %mul3A_580 = vector.broadcast %mul3A_569 : f32 to vector<16xf32>
        %mul3A_581 = arith.mulf %get3A_579, %mul3A_580 : vector<16xf32>
        %swap3A_582 = arith.index_cast %add3A_502 : i32 to index
        %swap3A_583 = arith.constant 16 : index
        %swap3A_584 = tpu.vector_load %arg33[%swap3A_582, %swap3A_583] {strides = array<i32>} : memref<40x128xf32, #tpu.memory_space<vmem>>, vector<16xf32>,
        tpu.vector_store %arg33[%swap3A_582, %swap3A_583], %mul3A_581 {strides = array<i32>} : memref<40x128xf32, #tpu.memory_space<vmem>>, vector<16xf32>,
        %get3A_585 = arith.index_cast %add3A_502 : i32 to index
        %get3A_586 = arith.constant 32 : index
        %get3A_587 = tpu.vector_load %arg33[%get3A_585, %get3A_586] {strides = array<i32>} : memref<40x128xf32, #tpu.memory_space<vmem>>, vector<16xf32>,
        %mul3A_588 = vector.broadcast %mul3A_569 : f32 to vector<16xf32>
        %mul3A_589 = arith.mulf %get3A_587, %mul3A_588 : vector<16xf32>
        %swap3A_590 = arith.index_cast %add3A_502 : i32 to index
        %swap3A_591 = arith.constant 32 : index
        %swap3A_592 = tpu.vector_load %arg33[%swap3A_590, %swap3A_591] {strides = array<i32>} : memref<40x128xf32, #tpu.memory_space<vmem>>, vector<16xf32>,
        tpu.vector_store %arg33[%swap3A_590, %swap3A_591], %mul3A_589 {strides = array<i32>} : memref<40x128xf32, #tpu.memory_space<vmem>>, vector<16xf32>,
        %get3A_593 = arith.index_cast %add3A_502 : i32 to index
        %get3A_594 = arith.constant 48 : index
        %get3A_595 = tpu.vector_load %arg33[%get3A_593, %get3A_594] {strides = array<i32>} : memref<40x128xf32, #tpu.memory_space<vmem>>, vector<16xf32>,
        %mul3A_596 = vector.broadcast %mul3A_569 : f32 to vector<16xf32>
        %mul3A_597 = arith.mulf %get3A_595, %mul3A_596 : vector<16xf32>
        %swap3A_598 = arith.index_cast %add3A_502 : i32 to index
        %swap3A_599 = arith.constant 48 : index
        %swap3A_600 = tpu.vector_load %arg33[%swap3A_598, %swap3A_599] {strides = array<i32>} : memref<40x128xf32, #tpu.memory_space<vmem>>, vector<16xf32>,
        tpu.vector_store %arg33[%swap3A_598, %swap3A_599], %mul3A_597 {strides = array<i32>} : memref<40x128xf32, #tpu.memory_space<vmem>>, vector<16xf32>,
        %get3A_601 = arith.index_cast %add3A_502 : i32 to index
        %get3A_602 = arith.constant 64 : index
        %get3A_603 = tpu.vector_load %arg33[%get3A_601, %get3A_602] {strides = array<i32>} : memref<40x128xf32, #tpu.memory_space<vmem>>, vector<16xf32>,
        %mul3A_604 = vector.broadcast %mul3A_569 : f32 to vector<16xf32>
        %mul3A_605 = arith.mulf %get3A_603, %mul3A_604 : vector<16xf32>
        %swap3A_606 = arith.index_cast %add3A_502 : i32 to index
        %swap3A_607 = arith.constant 64 : index
        %swap3A_608 = tpu.vector_load %arg33[%swap3A_606, %swap3A_607] {strides = array<i32>} : memref<40x128xf32, #tpu.memory_space<vmem>>, vector<16xf32>,
        tpu.vector_store %arg33[%swap3A_606, %swap3A_607], %mul3A_605 {strides = array<i32>} : memref<40x128xf32, #tpu.memory_space<vmem>>, vector<16xf32>,
        %get3A_609 = arith.index_cast %add3A_502 : i32 to index
        %get3A_610 = arith.constant 80 : index
        %get3A_611 = tpu.vector_load %arg33[%get3A_609, %get3A_610] {strides = array<i32>} : memref<40x128xf32, #tpu.memory_space<vmem>>, vector<16xf32>,
        %mul3A_612 = vector.broadcast %mul3A_569 : f32 to vector<16xf32>
        %mul3A_613 = arith.mulf %get3A_611, %mul3A_612 : vector<16xf32>
        %swap3A_614 = arith.index_cast %add3A_502 : i32 to index
        %swap3A_615 = arith.constant 80 : index
        %swap3A_616 = tpu.vector_load %arg33[%swap3A_614, %swap3A_615] {strides = array<i32>} : memref<40x128xf32, #tpu.memory_space<vmem>>, vector<16xf32>,
        tpu.vector_store %arg33[%swap3A_614, %swap3A_615], %mul3A_613 {strides = array<i32>} : memref<40x128xf32, #tpu.memory_space<vmem>>, vector<16xf32>,
        %get3A_617 = arith.index_cast %add3A_502 : i32 to index
        %get3A_618 = arith.constant 96 : index
        %get3A_619 = tpu.vector_load %arg33[%get3A_617, %get3A_618] {strides = array<i32>} : memref<40x128xf32, #tpu.memory_space<vmem>>, vector<16xf32>,
        %mul3A_620 = vector.broadcast %mul3A_569 : f32 to vector<16xf32>
        %mul3A_621 = arith.mulf %get3A_619, %mul3A_620 : vector<16xf32>
        %swap3A_622 = arith.index_cast %add3A_502 : i32 to index
        %swap3A_623 = arith.constant 96 : index
        %swap3A_624 = tpu.vector_load %arg33[%swap3A_622, %swap3A_623] {strides = array<i32>} : memref<40x128xf32, #tpu.memory_space<vmem>>, vector<16xf32>,
        tpu.vector_store %arg33[%swap3A_622, %swap3A_623], %mul3A_621 {strides = array<i32>} : memref<40x128xf32, #tpu.memory_space<vmem>>, vector<16xf32>,
        %get3A_625 = arith.index_cast %add3A_502 : i32 to index
        %get3A_626 = arith.constant 112 : index
        %get3A_627 = tpu.vector_load %arg33[%get3A_625, %get3A_626] {strides = array<i32>} : memref<40x128xf32, #tpu.memory_space<vmem>>, vector<16xf32>,
        %mul3A_628 = vector.broadcast %mul3A_569 : f32 to vector<16xf32>
        %mul3A_629 = arith.mulf %get3A_627, %mul3A_628 : vector<16xf32>
        %swap3A_630 = arith.index_cast %add3A_502 : i32 to index
        %swap3A_631 = arith.constant 112 : index
        %swap3A_632 = tpu.vector_load %arg33[%swap3A_630, %swap3A_631] {strides = array<i32>} : memref<40x128xf32, #tpu.memory_space<vmem>>, vector<16xf32>,
        tpu.vector_store %arg33[%swap3A_630, %swap3A_631], %mul3A_629 {strides = array<i32>} : memref<40x128xf32, #tpu.memory_space<vmem>>, vector<16xf32>,
        %add3A_633 = arith.constant 1 : i32
        %add3A_634 = arith.addi %add3A_500, %add3A_633 : i32
        %get3A_635 = arith.index_cast %add3A_634 : i32 to index
        %get3A_636 = arith.constant 0 : index
        %get3A_637 = tpu.vector_load %arg29[%get3A_635, %get3A_636] {strides = array<i32>} : memref<40x128xf32, #tpu.memory_space<vmem>>, vector<16xf32>,
        %get3A_638 = arith.index_cast %add3A_634 : i32 to index
        %get3A_639 = arith.constant 0 : index
        %get3A_640 = tpu.vector_load %arg31[%get3A_638, %get3A_639] {strides = array<i32>} : memref<40x128xf32, #tpu.memory_space<vmem>>, vector<16xf32>,
        %mul3A_641 = arith.mulf %get3A_637, %get3A_640 : vector<16xf32>
        %get3A_642 = arith.index_cast %add3A_634 : i32 to index
        %get3A_643 = arith.constant 16 : index
        %get3A_644 = tpu.vector_load %arg29[%get3A_642, %get3A_643] {strides = array<i32>} : memref<40x128xf32, #tpu.memory_space<vmem>>, vector<16xf32>,
        %get3A_645 = arith.index_cast %add3A_634 : i32 to index
        %get3A_646 = arith.constant 16 : index
        %get3A_647 = tpu.vector_load %arg31[%get3A_645, %get3A_646] {strides = array<i32>} : memref<40x128xf32, #tpu.memory_space<vmem>>, vector<16xf32>,
        %mul3A_648 = arith.mulf %get3A_644, %get3A_647 : vector<16xf32>
        %add3A_649 = arith.addf %mul3A_641, %mul3A_648 : vector<16xf32>
        %get3A_650 = arith.index_cast %add3A_634 : i32 to index
        %get3A_651 = arith.constant 32 : index
        %get3A_652 = tpu.vector_load %arg29[%get3A_650, %get3A_651] {strides = array<i32>} : memref<40x128xf32, #tpu.memory_space<vmem>>, vector<16xf32>,
        %get3A_653 = arith.index_cast %add3A_634 : i32 to index
        %get3A_654 = arith.constant 32 : index
        %get3A_655 = tpu.vector_load %arg31[%get3A_653, %get3A_654] {strides = array<i32>} : memref<40x128xf32, #tpu.memory_space<vmem>>, vector<16xf32>,
        %mul3A_656 = arith.mulf %get3A_652, %get3A_655 : vector<16xf32>
        %add3A_657 = arith.addf %add3A_649, %mul3A_656 : vector<16xf32>
        %get3A_658 = arith.index_cast %add3A_634 : i32 to index
        %get3A_659 = arith.constant 48 : index
        %get3A_660 = tpu.vector_load %arg29[%get3A_658, %get3A_659] {strides = array<i32>} : memref<40x128xf32, #tpu.memory_space<vmem>>, vector<16xf32>,
        %get3A_661 = arith.index_cast %add3A_634 : i32 to index
        %get3A_662 = arith.constant 48 : index
        %get3A_663 = tpu.vector_load %arg31[%get3A_661, %get3A_662] {strides = array<i32>} : memref<40x128xf32, #tpu.memory_space<vmem>>, vector<16xf32>,
        %mul3A_664 = arith.mulf %get3A_660, %get3A_663 : vector<16xf32>
        %add3A_665 = arith.addf %add3A_657, %mul3A_664 : vector<16xf32>
        %get3A_666 = arith.index_cast %add3A_634 : i32 to index
        %get3A_667 = arith.constant 64 : index
        %get3A_668 = tpu.vector_load %arg29[%get3A_666, %get3A_667] {strides = array<i32>} : memref<40x128xf32, #tpu.memory_space<vmem>>, vector<16xf32>,
        %get3A_669 = arith.index_cast %add3A_634 : i32 to index
        %get3A_670 = arith.constant 64 : index
        %get3A_671 = tpu.vector_load %arg31[%get3A_669, %get3A_670] {strides = array<i32>} : memref<40x128xf32, #tpu.memory_space<vmem>>, vector<16xf32>,
        %mul3A_672 = arith.mulf %get3A_668, %get3A_671 : vector<16xf32>
        %add3A_673 = arith.addf %add3A_665, %mul3A_672 : vector<16xf32>
        %get3A_674 = arith.index_cast %add3A_634 : i32 to index
        %get3A_675 = arith.constant 80 : index
        %get3A_676 = tpu.vector_load %arg29[%get3A_674, %get3A_675] {strides = array<i32>} : memref<40x128xf32, #tpu.memory_space<vmem>>, vector<16xf32>,
        %get3A_677 = arith.index_cast %add3A_634 : i32 to index
        %get3A_678 = arith.constant 80 : index
        %get3A_679 = tpu.vector_load %arg31[%get3A_677, %get3A_678] {strides = array<i32>} : memref<40x128xf32, #tpu.memory_space<vmem>>, vector<16xf32>,
        %mul3A_680 = arith.mulf %get3A_676, %get3A_679 : vector<16xf32>
        %add3A_681 = arith.addf %add3A_673, %mul3A_680 : vector<16xf32>
        %get3A_682 = arith.index_cast %add3A_634 : i32 to index
        %get3A_683 = arith.constant 96 : index
        %get3A_684 = tpu.vector_load %arg29[%get3A_682, %get3A_683] {strides = array<i32>} : memref<40x128xf32, #tpu.memory_space<vmem>>, vector<16xf32>,
        %get3A_685 = arith.index_cast %add3A_634 : i32 to index
        %get3A_686 = arith.constant 96 : index
        %get3A_687 = tpu.vector_load %arg31[%get3A_685, %get3A_686] {strides = array<i32>} : memref<40x128xf32, #tpu.memory_space<vmem>>, vector<16xf32>,
        %mul3A_688 = arith.mulf %get3A_684, %get3A_687 : vector<16xf32>
        %add3A_689 = arith.addf %add3A_681, %mul3A_688 : vector<16xf32>
        %get3A_690 = arith.index_cast %add3A_634 : i32 to index
        %get3A_691 = arith.constant 112 : index
        %get3A_692 = tpu.vector_load %arg29[%get3A_690, %get3A_691] {strides = array<i32>} : memref<40x128xf32, #tpu.memory_space<vmem>>, vector<16xf32>,
        %get3A_693 = arith.index_cast %add3A_634 : i32 to index
        %get3A_694 = arith.constant 112 : index
        %get3A_695 = tpu.vector_load %arg31[%get3A_693, %get3A_694] {strides = array<i32>} : memref<40x128xf32, #tpu.memory_space<vmem>>, vector<16xf32>,
        %mul3A_696 = arith.mulf %get3A_692, %get3A_695 : vector<16xf32>
        %add3A_697 = arith.addf %add3A_689, %mul3A_696 : vector<16xf32>
        %reduce_sum3A_698 = arith.constant true
        %reduce_sum3A_699 = vector.broadcast %reduce_sum3A_698 : i1 to vector<16xi1>
        %reduce_sum3A_700 = tpu.scan <sum>, %add3A_697 masked %reduce_sum3A_699 : vector<16xf32>, vector<16xi1> -> vector<16xf32>
        %reduce_sum3A_701 = vector.extract %reduce_sum3A_700[15] : f32 from vector<16xf32>
        %mul3A_702 = arith.constant -0.0883883461 : f32
        %mul3A_703 = arith.mulf %reduce_sum3A_701, %mul3A_702 : f32
        %get3A_704 = arith.index_cast %add3A_634 : i32 to index
        %get3A_705 = arith.constant 0 : index
        %get3A_706 = tpu.vector_load %arg33[%get3A_704, %get3A_705] {strides = array<i32>} : memref<40x128xf32, #tpu.memory_space<vmem>>, vector<16xf32>,
        %mul3A_707 = vector.broadcast %mul3A_703 : f32 to vector<16xf32>
        %mul3A_708 = arith.mulf %get3A_706, %mul3A_707 : vector<16xf32>
        %swap3A_709 = arith.index_cast %add3A_634 : i32 to index
        %swap3A_710 = arith.constant 0 : index
        %swap3A_711 = tpu.vector_load %arg33[%swap3A_709, %swap3A_710] {strides = array<i32>} : memref<40x128xf32, #tpu.memory_space<vmem>>, vector<16xf32>,
        tpu.vector_store %arg33[%swap3A_709, %swap3A_710], %mul3A_708 {strides = array<i32>} : memref<40x128xf32, #tpu.memory_space<vmem>>, vector<16xf32>,
        %get3A_712 = arith.index_cast %add3A_634 : i32 to index
        %get3A_713 = arith.constant 16 : index
        %get3A_714 = tpu.vector_load %arg33[%get3A_712, %get3A_713] {strides = array<i32>} : memref<40x128xf32, #tpu.memory_space<vmem>>, vector<16xf32>,
        %mul3A_715 = vector.broadcast %mul3A_703 : f32 to vector<16xf32>
        %mul3A_716 = arith.mulf %get3A_714, %mul3A_715 : vector<16xf32>
        %swap3A_717 = arith.index_cast %add3A_634 : i32 to index
        %swap3A_718 = arith.constant 16 : index
        %swap3A_719 = tpu.vector_load %arg33[%swap3A_717, %swap3A_718] {strides = array<i32>} : memref<40x128xf32, #tpu.memory_space<vmem>>, vector<16xf32>,
        tpu.vector_store %arg33[%swap3A_717, %swap3A_718], %mul3A_716 {strides = array<i32>} : memref<40x128xf32, #tpu.memory_space<vmem>>, vector<16xf32>,
        %get3A_720 = arith.index_cast %add3A_634 : i32 to index
        %get3A_721 = arith.constant 32 : index
        %get3A_722 = tpu.vector_load %arg33[%get3A_720, %get3A_721] {strides = array<i32>} : memref<40x128xf32, #tpu.memory_space<vmem>>, vector<16xf32>,
        %mul3A_723 = vector.broadcast %mul3A_703 : f32 to vector<16xf32>
        %mul3A_724 = arith.mulf %get3A_722, %mul3A_723 : vector<16xf32>
        %swap3A_725 = arith.index_cast %add3A_634 : i32 to index
        %swap3A_726 = arith.constant 32 : index
        %swap3A_727 = tpu.vector_load %arg33[%swap3A_725, %swap3A_726] {strides = array<i32>} : memref<40x128xf32, #tpu.memory_space<vmem>>, vector<16xf32>,
        tpu.vector_store %arg33[%swap3A_725, %swap3A_726], %mul3A_724 {strides = array<i32>} : memref<40x128xf32, #tpu.memory_space<vmem>>, vector<16xf32>,
        %get3A_728 = arith.index_cast %add3A_634 : i32 to index
        %get3A_729 = arith.constant 48 : index
        %get3A_730 = tpu.vector_load %arg33[%get3A_728, %get3A_729] {strides = array<i32>} : memref<40x128xf32, #tpu.memory_space<vmem>>, vector<16xf32>,
        %mul3A_731 = vector.broadcast %mul3A_703 : f32 to vector<16xf32>
        %mul3A_732 = arith.mulf %get3A_730, %mul3A_731 : vector<16xf32>
        %swap3A_733 = arith.index_cast %add3A_634 : i32 to index
        %swap3A_734 = arith.constant 48 : index
        %swap3A_735 = tpu.vector_load %arg33[%swap3A_733, %swap3A_734] {strides = array<i32>} : memref<40x128xf32, #tpu.memory_space<vmem>>, vector<16xf32>,
        tpu.vector_store %arg33[%swap3A_733, %swap3A_734], %mul3A_732 {strides = array<i32>} : memref<40x128xf32, #tpu.memory_space<vmem>>, vector<16xf32>,
        %get3A_736 = arith.index_cast %add3A_634 : i32 to index
        %get3A_737 = arith.constant 64 : index
        %get3A_738 = tpu.vector_load %arg33[%get3A_736, %get3A_737] {strides = array<i32>} : memref<40x128xf32, #tpu.memory_space<vmem>>, vector<16xf32>,
        %mul3A_739 = vector.broadcast %mul3A_703 : f32 to vector<16xf32>
        %mul3A_740 = arith.mulf %get3A_738, %mul3A_739 : vector<16xf32>
        %swap3A_741 = arith.index_cast %add3A_634 : i32 to index
        %swap3A_742 = arith.constant 64 : index
        %swap3A_743 = tpu.vector_load %arg33[%swap3A_741, %swap3A_742] {strides = array<i32>} : memref<40x128xf32, #tpu.memory_space<vmem>>, vector<16xf32>,
        tpu.vector_store %arg33[%swap3A_741, %swap3A_742], %mul3A_740 {strides = array<i32>} : memref<40x128xf32, #tpu.memory_space<vmem>>, vector<16xf32>,
        %get3A_744 = arith.index_cast %add3A_634 : i32 to index
        %get3A_745 = arith.constant 80 : index
        %get3A_746 = tpu.vector_load %arg33[%get3A_744, %get3A_745] {strides = array<i32>} : memref<40x128xf32, #tpu.memory_space<vmem>>, vector<16xf32>,
        %mul3A_747 = vector.broadcast %mul3A_703 : f32 to vector<16xf32>
        %mul3A_748 = arith.mulf %get3A_746, %mul3A_747 : vector<16xf32>
        %swap3A_749 = arith.index_cast %add3A_634 : i32 to index
        %swap3A_750 = arith.constant 80 : index
        %swap3A_751 = tpu.vector_load %arg33[%swap3A_749, %swap3A_750] {strides = array<i32>} : memref<40x128xf32, #tpu.memory_space<vmem>>, vector<16xf32>,
        tpu.vector_store %arg33[%swap3A_749, %swap3A_750], %mul3A_748 {strides = array<i32>} : memref<40x128xf32, #tpu.memory_space<vmem>>, vector<16xf32>,
        %get3A_752 = arith.index_cast %add3A_634 : i32 to index
        %get3A_753 = arith.constant 96 : index
        %get3A_754 = tpu.vector_load %arg33[%get3A_752, %get3A_753] {strides = array<i32>} : memref<40x128xf32, #tpu.memory_space<vmem>>, vector<16xf32>,
        %mul3A_755 = vector.broadcast %mul3A_703 : f32 to vector<16xf32>
        %mul3A_756 = arith.mulf %get3A_754, %mul3A_755 : vector<16xf32>
        %swap3A_757 = arith.index_cast %add3A_634 : i32 to index
        %swap3A_758 = arith.constant 96 : index
        %swap3A_759 = tpu.vector_load %arg33[%swap3A_757, %swap3A_758] {strides = array<i32>} : memref<40x128xf32, #tpu.memory_space<vmem>>, vector<16xf32>,
        tpu.vector_store %arg33[%swap3A_757, %swap3A_758], %mul3A_756 {strides = array<i32>} : memref<40x128xf32, #tpu.memory_space<vmem>>, vector<16xf32>,
        %get3A_760 = arith.index_cast %add3A_634 : i32 to index
        %get3A_761 = arith.constant 112 : index
        %get3A_762 = tpu.vector_load %arg33[%get3A_760, %get3A_761] {strides = array<i32>} : memref<40x128xf32, #tpu.memory_space<vmem>>, vector<16xf32>,
        %mul3A_763 = vector.broadcast %mul3A_703 : f32 to vector<16xf32>
        %mul3A_764 = arith.mulf %get3A_762, %mul3A_763 : vector<16xf32>
        %swap3A_765 = arith.index_cast %add3A_634 : i32 to index
        %swap3A_766 = arith.constant 112 : index
        %swap3A_767 = tpu.vector_load %arg33[%swap3A_765, %swap3A_766] {strides = array<i32>} : memref<40x128xf32, #tpu.memory_space<vmem>>, vector<16xf32>,
        tpu.vector_store %arg33[%swap3A_765, %swap3A_766], %mul3A_764 {strides = array<i32>} : memref<40x128xf32, #tpu.memory_space<vmem>>, vector<16xf32>,
      }
      %scan3A_452 = arith.constant 20 : i32
      %dma_start3A_453 = arith.constant 0 : i32
      %dma_start3A_454 = arith.constant 0 : i32
      %dma_start3A_455 = tpu.memref_slice %arg35[%dma_start3A_453, %dma_start3A_454] : memref<10000x128xf32, #tpu.memory_space<vmem_shared>> -> memref<10000x128xf32, #tpu.memory_space<vmem_shared>>
      tpu.enqueue_indirect_dma source(%arg33 : memref<40x128xf32, #tpu.memory_space<vmem>>) target(%dma_start3A_455 : memref<10000x128xf32, #tpu.memory_space<vmem_shared>>) offsets(%arg21 : memref<40xi32, #tpu.memory_space<vmem>>) semaphore(%arg46 : memref<!tpu.dma_semaphore, #tpu.memory_space<semaphore_mem>>) {add = true}
      %add3A_456 = arith.constant 3 : i32
      %add3A_457 = arith.addi %add3A_337, %add3A_456 : i32
      %gt3A_458 = arith.constant 0 : i32
      %gt3A_459 = arith.cmpi sgt, %add3A_457, %gt3A_458 : i32
      %convert_element_type3A_460 = arith.extui %gt3A_459 : i1 to i32
      %cond3A_461 = arith.constant 0 : i32
      %cond3A_462 = arith.cmpi ne, %convert_element_type3A_460, %cond3A_461 : i32
      scf.if %cond3A_462 {
        %dma_wait3A_496 = arith.constant 0 : i32
        %dma_wait3A_497 = arith.constant 0 : i32
        %dma_wait3A_498 = tpu.memref_slice %arg35[%dma_wait3A_496, %dma_wait3A_497] : memref<10000x128xf32, #tpu.memory_space<vmem_shared>> -> memref<10000x128xf32, #tpu.memory_space<vmem_shared>>
        tpu.wait_indirect_dma semaphore(%arg44 : memref<!tpu.dma_semaphore, #tpu.memory_space<semaphore_mem>>) src(%arg27 : memref<40x128xf32, #tpu.memory_space<vmem>>) dst(%dma_wait3A_498 : memref<10000x128xf32, #tpu.memory_space<vmem_shared>>)
        %dma_wait3A_499 = arith.constant 0 : i32
        %dma_wait3A_500 = arith.constant 0 : i32
        %dma_wait3A_501 = tpu.memref_slice %arg35[%dma_wait3A_499, %dma_wait3A_500] : memref<10000x128xf32, #tpu.memory_space<vmem_shared>> -> memref<10000x128xf32, #tpu.memory_space<vmem_shared>>
        tpu.wait_indirect_dma semaphore(%arg46 : memref<!tpu.dma_semaphore, #tpu.memory_space<semaphore_mem>>) src(%arg33 : memref<40x128xf32, #tpu.memory_space<vmem>>) dst(%dma_wait3A_501 : memref<10000x128xf32, #tpu.memory_space<vmem_shared>>)
      } else {
      }
      %lt3A_463 = arith.constant 249 : i32
      %lt3A_464 = arith.cmpi slt, %add3A_457, %lt3A_463 : i32
      %convert_element_type3A_465 = arith.extui %lt3A_464 : i1 to i32
      %cond3A_466 = arith.constant 0 : i32
      %cond3A_467 = arith.cmpi ne, %convert_element_type3A_465, %cond3A_466 : i32
      scf.if %cond3A_467 {
        %dma_wait3A_496 = arith.constant 0 : i32
        %dma_wait3A_497 = tpu.memref_slice %arg6[%dma_wait3A_496] : memref<320000xi32, #tpu.memory_space<hbm>> -> memref<40xi32, #tpu.memory_space<hbm>>
        %dma_wait3A_498 = arith.constant 0 : i32
        %dma_wait3A_499 = tpu.memref_slice %arg6[%dma_wait3A_498] : memref<320000xi32, #tpu.memory_space<hbm>> -> memref<40xi32, #tpu.memory_space<hbm>>
        tpu.wait_dma2 semaphore(%arg36 : memref<!tpu.dma_semaphore, #tpu.memory_space<semaphore_mem>>) src(%dma_wait3A_499 : memref<40xi32, #tpu.memory_space<hbm>>) dst(%arg11 : memref<40xi32, #tpu.memory_space<vmem>>)
        %dma_wait3A_500 = arith.constant 0 : i32
        %dma_wait3A_501 = tpu.memref_slice %arg7[%dma_wait3A_500] : memref<320000xi32, #tpu.memory_space<hbm>> -> memref<40xi32, #tpu.memory_space<hbm>>
        %dma_wait3A_502 = arith.constant 0 : i32
        %dma_wait3A_503 = tpu.memref_slice %arg7[%dma_wait3A_502] : memref<320000xi32, #tpu.memory_space<hbm>> -> memref<40xi32, #tpu.memory_space<hbm>>
        tpu.wait_dma2 semaphore(%arg36 : memref<!tpu.dma_semaphore, #tpu.memory_space<semaphore_mem>>) src(%dma_wait3A_503 : memref<40xi32, #tpu.memory_space<hbm>>) dst(%arg15 : memref<40xi32, #tpu.memory_space<vmem>>)
        %dma_wait3A_504 = arith.constant 0 : i32
        %dma_wait3A_505 = tpu.memref_slice %arg8[%dma_wait3A_504] : memref<320000xi32, #tpu.memory_space<hbm>> -> memref<40xi32, #tpu.memory_space<hbm>>
        %dma_wait3A_506 = arith.constant 0 : i32
        %dma_wait3A_507 = tpu.memref_slice %arg8[%dma_wait3A_506] : memref<320000xi32, #tpu.memory_space<hbm>> -> memref<40xi32, #tpu.memory_space<hbm>>
        tpu.wait_dma2 semaphore(%arg36 : memref<!tpu.dma_semaphore, #tpu.memory_space<semaphore_mem>>) src(%dma_wait3A_507 : memref<40xi32, #tpu.memory_space<hbm>>) dst(%arg19 : memref<40xi32, #tpu.memory_space<vmem>>)
        %dma_wait3A_508 = arith.constant 0 : i32
        %dma_wait3A_509 = tpu.memref_slice %arg9[%dma_wait3A_508] : memref<320000xi32, #tpu.memory_space<hbm>> -> memref<40xi32, #tpu.memory_space<hbm>>
        %dma_wait3A_510 = arith.constant 0 : i32
        %dma_wait3A_511 = tpu.memref_slice %arg9[%dma_wait3A_510] : memref<320000xi32, #tpu.memory_space<hbm>> -> memref<40xi32, #tpu.memory_space<hbm>>
        tpu.wait_dma2 semaphore(%arg36 : memref<!tpu.dma_semaphore, #tpu.memory_space<semaphore_mem>>) src(%dma_wait3A_511 : memref<40xi32, #tpu.memory_space<hbm>>) dst(%arg23 : memref<40xi32, #tpu.memory_space<vmem>>)
        %dma_start3A_512 = arith.constant 0 : i32
        %dma_start3A_513 = arith.constant 0 : i32
        %dma_start3A_514 = tpu.memref_slice %arg3[%dma_start3A_512, %dma_start3A_513] : memref<10000x128xf32, #tpu.memory_space<hbm>> -> memref<10000x128xf32, #tpu.memory_space<hbm>>
        tpu.enqueue_indirect_dma source(%dma_start3A_514 : memref<10000x128xf32, #tpu.memory_space<hbm>>) target(%arg29 : memref<40x128xf32, #tpu.memory_space<vmem>>) offsets(%arg19 : memref<40xi32, #tpu.memory_space<vmem>>) semaphore(%arg42 : memref<!tpu.dma_semaphore, #tpu.memory_space<semaphore_mem>>)
        %dma_start3A_515 = arith.constant 0 : i32
        %dma_start3A_516 = arith.constant 0 : i32
        %dma_start3A_517 = tpu.memref_slice %arg4[%dma_start3A_515, %dma_start3A_516] : memref<10000x128xf32, #tpu.memory_space<hbm>> -> memref<10000x128xf32, #tpu.memory_space<hbm>>
        tpu.enqueue_indirect_dma source(%dma_start3A_517 : memref<10000x128xf32, #tpu.memory_space<hbm>>) target(%arg31 : memref<40x128xf32, #tpu.memory_space<vmem>>) offsets(%arg23 : memref<40xi32, #tpu.memory_space<vmem>>) semaphore(%arg42 : memref<!tpu.dma_semaphore, #tpu.memory_space<semaphore_mem>>)
        %dma_start3A_518 = arith.constant 0 : i32
        %dma_start3A_519 = arith.constant 0 : i32
        %dma_start3A_520 = tpu.memref_slice %arg5[%dma_start3A_518, %dma_start3A_519] : memref<10000x128xf32, #tpu.memory_space<hbm>> -> memref<10000x128xf32, #tpu.memory_space<hbm>>
        tpu.enqueue_indirect_dma source(%dma_start3A_520 : memref<10000x128xf32, #tpu.memory_space<hbm>>) target(%arg33 : memref<40x128xf32, #tpu.memory_space<vmem>>) offsets(%arg23 : memref<40xi32, #tpu.memory_space<vmem>>) semaphore(%arg42 : memref<!tpu.dma_semaphore, #tpu.memory_space<semaphore_mem>>)
        %dma_start3A_521 = arith.constant 0 : i32
        %dma_start3A_522 = arith.constant 0 : i32
        %dma_start3A_523 = tpu.memref_slice %arg2[%dma_start3A_521, %dma_start3A_522] : memref<10000x128xf32, #tpu.memory_space<hbm>> -> memref<10000x128xf32, #tpu.memory_space<hbm>>
        tpu.enqueue_indirect_dma source(%dma_start3A_523 : memref<10000x128xf32, #tpu.memory_space<hbm>>) target(%arg27 : memref<40x128xf32, #tpu.memory_space<vmem>>) offsets(%arg11 : memref<40xi32, #tpu.memory_space<vmem>>) semaphore(%arg40 : memref<!tpu.dma_semaphore, #tpu.memory_space<semaphore_mem>>)
      } else {
      }
      %lt3A_468 = arith.constant 248 : i32
      %lt3A_469 = arith.cmpi slt, %add3A_457, %lt3A_468 : i32
      %convert_element_type3A_470 = arith.extui %lt3A_469 : i1 to i32
      %cond3A_471 = arith.constant 0 : i32
      %cond3A_472 = arith.cmpi ne, %convert_element_type3A_470, %cond3A_471 : i32
      scf.if %cond3A_472 {
        %add3A_496 = arith.constant 2 : i32
        %add3A_497 = arith.addi %add3A_457, %add3A_496 : i32
        %mul3A_498 = arith.constant 40 : i32
        %mul3A_499 = arith.muli %add3A_497, %mul3A_498 : i32
        %add3A_500 = arith.addi %mul3A_2, %mul3A_499 : i32
        %dma_start3A_501 = tpu.memref_slice %arg6[%add3A_500] : memref<320000xi32, #tpu.memory_space<hbm>> -> memref<40xi32, #tpu.memory_space<hbm>>
        %dma_start3A_502 = tpu.memref_slice %arg6[%add3A_500] : memref<320000xi32, #tpu.memory_space<hbm>> -> memref<40xi32, #tpu.memory_space<hbm>>
        tpu.enqueue_dma source(%dma_start3A_502 : memref<40xi32, #tpu.memory_space<hbm>>) target(%arg12 : memref<40xi32, #tpu.memory_space<vmem>>) target_semaphore(%arg37 : memref<!tpu.dma_semaphore, #tpu.memory_space<semaphore_mem>>)
        %dma_start3A_503 = tpu.memref_slice %arg7[%add3A_500] : memref<320000xi32, #tpu.memory_space<hbm>> -> memref<40xi32, #tpu.memory_space<hbm>>
        %dma_start3A_504 = tpu.memref_slice %arg7[%add3A_500] : memref<320000xi32, #tpu.memory_space<hbm>> -> memref<40xi32, #tpu.memory_space<hbm>>
        tpu.enqueue_dma source(%dma_start3A_504 : memref<40xi32, #tpu.memory_space<hbm>>) target(%arg16 : memref<40xi32, #tpu.memory_space<vmem>>) target_semaphore(%arg37 : memref<!tpu.dma_semaphore, #tpu.memory_space<semaphore_mem>>)
        %dma_start3A_505 = tpu.memref_slice %arg8[%add3A_500] : memref<320000xi32, #tpu.memory_space<hbm>> -> memref<40xi32, #tpu.memory_space<hbm>>
        %dma_start3A_506 = tpu.memref_slice %arg8[%add3A_500] : memref<320000xi32, #tpu.memory_space<hbm>> -> memref<40xi32, #tpu.memory_space<hbm>>
        tpu.enqueue_dma source(%dma_start3A_506 : memref<40xi32, #tpu.memory_space<hbm>>) target(%arg20 : memref<40xi32, #tpu.memory_space<vmem>>) target_semaphore(%arg37 : memref<!tpu.dma_semaphore, #tpu.memory_space<semaphore_mem>>)
        %dma_start3A_507 = tpu.memref_slice %arg9[%add3A_500] : memref<320000xi32, #tpu.memory_space<hbm>> -> memref<40xi32, #tpu.memory_space<hbm>>
        %dma_start3A_508 = tpu.memref_slice %arg9[%add3A_500] : memref<320000xi32, #tpu.memory_space<hbm>> -> memref<40xi32, #tpu.memory_space<hbm>>
        tpu.enqueue_dma source(%dma_start3A_508 : memref<40xi32, #tpu.memory_space<hbm>>) target(%arg24 : memref<40xi32, #tpu.memory_space<vmem>>) target_semaphore(%arg37 : memref<!tpu.dma_semaphore, #tpu.memory_space<semaphore_mem>>)
      } else {
      }
      %dma_wait3A_473 = arith.constant 0 : i32
      %dma_wait3A_474 = arith.constant 0 : i32
      %dma_wait3A_475 = tpu.memref_slice %arg2[%dma_wait3A_473, %dma_wait3A_474] : memref<10000x128xf32, #tpu.memory_space<hbm>> -> memref<10000x128xf32, #tpu.memory_space<hbm>>
      tpu.wait_indirect_dma semaphore(%arg41 : memref<!tpu.dma_semaphore, #tpu.memory_space<semaphore_mem>>) src(%dma_wait3A_475 : memref<10000x128xf32, #tpu.memory_space<hbm>>) dst(%arg28 : memref<40x128xf32, #tpu.memory_space<vmem>>)
      %dma_start3A_476 = arith.constant 0 : i32
      %dma_start3A_477 = arith.constant 0 : i32
      %dma_start3A_478 = tpu.memref_slice %arg35[%dma_start3A_476, %dma_start3A_477] : memref<10000x128xf32, #tpu.memory_space<vmem_shared>> -> memref<10000x128xf32, #tpu.memory_space<vmem_shared>>
      tpu.enqueue_indirect_dma source(%arg28 : memref<40x128xf32, #tpu.memory_space<vmem>>) target(%dma_start3A_478 : memref<10000x128xf32, #tpu.memory_space<vmem_shared>>) offsets(%arg18 : memref<40xi32, #tpu.memory_space<vmem>>) semaphore(%arg45 : memref<!tpu.dma_semaphore, #tpu.memory_space<semaphore_mem>>) {add = true}
      %dma_wait3A_479 = arith.constant 0 : i32
      %dma_wait3A_480 = arith.constant 0 : i32
      %dma_wait3A_481 = tpu.memref_slice %arg3[%dma_wait3A_479, %dma_wait3A_480] : memref<10000x128xf32, #tpu.memory_space<hbm>> -> memref<10000x128xf32, #tpu.memory_space<hbm>>
      tpu.wait_indirect_dma semaphore(%arg43 : memref<!tpu.dma_semaphore, #tpu.memory_space<semaphore_mem>>) src(%dma_wait3A_481 : memref<10000x128xf32, #tpu.memory_space<hbm>>) dst(%arg30 : memref<40x128xf32, #tpu.memory_space<vmem>>)
      %dma_wait3A_482 = arith.constant 0 : i32
      %dma_wait3A_483 = arith.constant 0 : i32
      %dma_wait3A_484 = tpu.memref_slice %arg4[%dma_wait3A_482, %dma_wait3A_483] : memref<10000x128xf32, #tpu.memory_space<hbm>> -> memref<10000x128xf32, #tpu.memory_space<hbm>>
      tpu.wait_indirect_dma semaphore(%arg43 : memref<!tpu.dma_semaphore, #tpu.memory_space<semaphore_mem>>) src(%dma_wait3A_484 : memref<10000x128xf32, #tpu.memory_space<hbm>>) dst(%arg32 : memref<40x128xf32, #tpu.memory_space<vmem>>)
      %dma_wait3A_485 = arith.constant 0 : i32
      %dma_wait3A_486 = arith.constant 0 : i32
      %dma_wait3A_487 = tpu.memref_slice %arg5[%dma_wait3A_485, %dma_wait3A_486] : memref<10000x128xf32, #tpu.memory_space<hbm>> -> memref<10000x128xf32, #tpu.memory_space<hbm>>
      tpu.wait_indirect_dma semaphore(%arg43 : memref<!tpu.dma_semaphore, #tpu.memory_space<semaphore_mem>>) src(%dma_wait3A_487 : memref<10000x128xf32, #tpu.memory_space<hbm>>) dst(%arg34 : memref<40x128xf32, #tpu.memory_space<vmem>>)
      %scan3A_488 = arith.constant 0 : i32
      %scan3A_489 = arith.constant 20 : i32
      %scan3A_490 = arith.addi %scan3A_488, %scan3A_489 : i32
      %scan3A_491 = arith.constant 1 : i32
      scf.for %scan3A_496 = %scan3A_488 to %scan3A_490 step %scan3A_491  : i32 {
        %mul3A_497 = arith.constant 2 : i32
        %mul3A_498 = arith.muli %scan3A_496, %mul3A_497 : i32
        %add3A_499 = arith.constant 0 : i32
        %add3A_500 = arith.addi %add3A_499, %mul3A_498 : i32
        %add3A_501 = arith.constant 0 : i32
        %add3A_502 = arith.addi %add3A_500, %add3A_501 : i32
        %get3A = arith.index_cast %add3A_502 : i32 to index
        %get3A_503 = arith.constant 0 : index
        %get3A_504 = tpu.vector_load %arg30[%get3A, %get3A_503] {strides = array<i32>} : memref<40x128xf32, #tpu.memory_space<vmem>>, vector<16xf32>,
        %get3A_505 = arith.index_cast %add3A_502 : i32 to index
        %get3A_506 = arith.constant 0 : index
        %get3A_507 = tpu.vector_load %arg32[%get3A_505, %get3A_506] {strides = array<i32>} : memref<40x128xf32, #tpu.memory_space<vmem>>, vector<16xf32>,
        %mul3A_508 = arith.mulf %get3A_504, %get3A_507 : vector<16xf32>
        %get3A_509 = arith.index_cast %add3A_502 : i32 to index
        %get3A_510 = arith.constant 16 : index
        %get3A_511 = tpu.vector_load %arg30[%get3A_509, %get3A_510] {strides = array<i32>} : memref<40x128xf32, #tpu.memory_space<vmem>>, vector<16xf32>,
        %get3A_512 = arith.index_cast %add3A_502 : i32 to index
        %get3A_513 = arith.constant 16 : index
        %get3A_514 = tpu.vector_load %arg32[%get3A_512, %get3A_513] {strides = array<i32>} : memref<40x128xf32, #tpu.memory_space<vmem>>, vector<16xf32>,
        %mul3A_515 = arith.mulf %get3A_511, %get3A_514 : vector<16xf32>
        %add3A_516 = arith.addf %mul3A_508, %mul3A_515 : vector<16xf32>
        %get3A_517 = arith.index_cast %add3A_502 : i32 to index
        %get3A_518 = arith.constant 32 : index
        %get3A_519 = tpu.vector_load %arg30[%get3A_517, %get3A_518] {strides = array<i32>} : memref<40x128xf32, #tpu.memory_space<vmem>>, vector<16xf32>,
        %get3A_520 = arith.index_cast %add3A_502 : i32 to index
        %get3A_521 = arith.constant 32 : index
        %get3A_522 = tpu.vector_load %arg32[%get3A_520, %get3A_521] {strides = array<i32>} : memref<40x128xf32, #tpu.memory_space<vmem>>, vector<16xf32>,
        %mul3A_523 = arith.mulf %get3A_519, %get3A_522 : vector<16xf32>
        %add3A_524 = arith.addf %add3A_516, %mul3A_523 : vector<16xf32>
        %get3A_525 = arith.index_cast %add3A_502 : i32 to index
        %get3A_526 = arith.constant 48 : index
        %get3A_527 = tpu.vector_load %arg30[%get3A_525, %get3A_526] {strides = array<i32>} : memref<40x128xf32, #tpu.memory_space<vmem>>, vector<16xf32>,
        %get3A_528 = arith.index_cast %add3A_502 : i32 to index
        %get3A_529 = arith.constant 48 : index
        %get3A_530 = tpu.vector_load %arg32[%get3A_528, %get3A_529] {strides = array<i32>} : memref<40x128xf32, #tpu.memory_space<vmem>>, vector<16xf32>,
        %mul3A_531 = arith.mulf %get3A_527, %get3A_530 : vector<16xf32>
        %add3A_532 = arith.addf %add3A_524, %mul3A_531 : vector<16xf32>
        %get3A_533 = arith.index_cast %add3A_502 : i32 to index
        %get3A_534 = arith.constant 64 : index
        %get3A_535 = tpu.vector_load %arg30[%get3A_533, %get3A_534] {strides = array<i32>} : memref<40x128xf32, #tpu.memory_space<vmem>>, vector<16xf32>,
        %get3A_536 = arith.index_cast %add3A_502 : i32 to index
        %get3A_537 = arith.constant 64 : index
        %get3A_538 = tpu.vector_load %arg32[%get3A_536, %get3A_537] {strides = array<i32>} : memref<40x128xf32, #tpu.memory_space<vmem>>, vector<16xf32>,
        %mul3A_539 = arith.mulf %get3A_535, %get3A_538 : vector<16xf32>
        %add3A_540 = arith.addf %add3A_532, %mul3A_539 : vector<16xf32>
        %get3A_541 = arith.index_cast %add3A_502 : i32 to index
        %get3A_542 = arith.constant 80 : index
        %get3A_543 = tpu.vector_load %arg30[%get3A_541, %get3A_542] {strides = array<i32>} : memref<40x128xf32, #tpu.memory_space<vmem>>, vector<16xf32>,
        %get3A_544 = arith.index_cast %add3A_502 : i32 to index
        %get3A_545 = arith.constant 80 : index
        %get3A_546 = tpu.vector_load %arg32[%get3A_544, %get3A_545] {strides = array<i32>} : memref<40x128xf32, #tpu.memory_space<vmem>>, vector<16xf32>,
        %mul3A_547 = arith.mulf %get3A_543, %get3A_546 : vector<16xf32>
        %add3A_548 = arith.addf %add3A_540, %mul3A_547 : vector<16xf32>
        %get3A_549 = arith.index_cast %add3A_502 : i32 to index
        %get3A_550 = arith.constant 96 : index
        %get3A_551 = tpu.vector_load %arg30[%get3A_549, %get3A_550] {strides = array<i32>} : memref<40x128xf32, #tpu.memory_space<vmem>>, vector<16xf32>,
        %get3A_552 = arith.index_cast %add3A_502 : i32 to index
        %get3A_553 = arith.constant 96 : index
        %get3A_554 = tpu.vector_load %arg32[%get3A_552, %get3A_553] {strides = array<i32>} : memref<40x128xf32, #tpu.memory_space<vmem>>, vector<16xf32>,
        %mul3A_555 = arith.mulf %get3A_551, %get3A_554 : vector<16xf32>
        %add3A_556 = arith.addf %add3A_548, %mul3A_555 : vector<16xf32>
        %get3A_557 = arith.index_cast %add3A_502 : i32 to index
        %get3A_558 = arith.constant 112 : index
        %get3A_559 = tpu.vector_load %arg30[%get3A_557, %get3A_558] {strides = array<i32>} : memref<40x128xf32, #tpu.memory_space<vmem>>, vector<16xf32>,
        %get3A_560 = arith.index_cast %add3A_502 : i32 to index
        %get3A_561 = arith.constant 112 : index
        %get3A_562 = tpu.vector_load %arg32[%get3A_560, %get3A_561] {strides = array<i32>} : memref<40x128xf32, #tpu.memory_space<vmem>>, vector<16xf32>,
        %mul3A_563 = arith.mulf %get3A_559, %get3A_562 : vector<16xf32>
        %add3A_564 = arith.addf %add3A_556, %mul3A_563 : vector<16xf32>
        %reduce_sum3A = arith.constant true
        %reduce_sum3A_565 = vector.broadcast %reduce_sum3A : i1 to vector<16xi1>
        %reduce_sum3A_566 = tpu.scan <sum>, %add3A_564 masked %reduce_sum3A_565 : vector<16xf32>, vector<16xi1> -> vector<16xf32>
        %reduce_sum3A_567 = vector.extract %reduce_sum3A_566[15] : f32 from vector<16xf32>
        %mul3A_568 = arith.constant -0.0883883461 : f32
        %mul3A_569 = arith.mulf %reduce_sum3A_567, %mul3A_568 : f32
        %get3A_570 = arith.index_cast %add3A_502 : i32 to index
        %get3A_571 = arith.constant 0 : index
        %get3A_572 = tpu.vector_load %arg34[%get3A_570, %get3A_571] {strides = array<i32>} : memref<40x128xf32, #tpu.memory_space<vmem>>, vector<16xf32>,
        %mul3A_573 = vector.broadcast %mul3A_569 : f32 to vector<16xf32>
        %mul3A_574 = arith.mulf %get3A_572, %mul3A_573 : vector<16xf32>
        %swap3A = arith.index_cast %add3A_502 : i32 to index
        %swap3A_575 = arith.constant 0 : index
        %swap3A_576 = tpu.vector_load %arg34[%swap3A, %swap3A_575] {strides = array<i32>} : memref<40x128xf32, #tpu.memory_space<vmem>>, vector<16xf32>,
        tpu.vector_store %arg34[%swap3A, %swap3A_575], %mul3A_574 {strides = array<i32>} : memref<40x128xf32, #tpu.memory_space<vmem>>, vector<16xf32>,
        %get3A_577 = arith.index_cast %add3A_502 : i32 to index
        %get3A_578 = arith.constant 16 : index
        %get3A_579 = tpu.vector_load %arg34[%get3A_577, %get3A_578] {strides = array<i32>} : memref<40x128xf32, #tpu.memory_space<vmem>>, vector<16xf32>,
        %mul3A_580 = vector.broadcast %mul3A_569 : f32 to vector<16xf32>
        %mul3A_581 = arith.mulf %get3A_579, %mul3A_580 : vector<16xf32>
        %swap3A_582 = arith.index_cast %add3A_502 : i32 to index
        %swap3A_583 = arith.constant 16 : index
        %swap3A_584 = tpu.vector_load %arg34[%swap3A_582, %swap3A_583] {strides = array<i32>} : memref<40x128xf32, #tpu.memory_space<vmem>>, vector<16xf32>,
        tpu.vector_store %arg34[%swap3A_582, %swap3A_583], %mul3A_581 {strides = array<i32>} : memref<40x128xf32, #tpu.memory_space<vmem>>, vector<16xf32>,
        %get3A_585 = arith.index_cast %add3A_502 : i32 to index
        %get3A_586 = arith.constant 32 : index
        %get3A_587 = tpu.vector_load %arg34[%get3A_585, %get3A_586] {strides = array<i32>} : memref<40x128xf32, #tpu.memory_space<vmem>>, vector<16xf32>,
        %mul3A_588 = vector.broadcast %mul3A_569 : f32 to vector<16xf32>
        %mul3A_589 = arith.mulf %get3A_587, %mul3A_588 : vector<16xf32>
        %swap3A_590 = arith.index_cast %add3A_502 : i32 to index
        %swap3A_591 = arith.constant 32 : index
        %swap3A_592 = tpu.vector_load %arg34[%swap3A_590, %swap3A_591] {strides = array<i32>} : memref<40x128xf32, #tpu.memory_space<vmem>>, vector<16xf32>,
        tpu.vector_store %arg34[%swap3A_590, %swap3A_591], %mul3A_589 {strides = array<i32>} : memref<40x128xf32, #tpu.memory_space<vmem>>, vector<16xf32>,
        %get3A_593 = arith.index_cast %add3A_502 : i32 to index
        %get3A_594 = arith.constant 48 : index
        %get3A_595 = tpu.vector_load %arg34[%get3A_593, %get3A_594] {strides = array<i32>} : memref<40x128xf32, #tpu.memory_space<vmem>>, vector<16xf32>,
        %mul3A_596 = vector.broadcast %mul3A_569 : f32 to vector<16xf32>
        %mul3A_597 = arith.mulf %get3A_595, %mul3A_596 : vector<16xf32>
        %swap3A_598 = arith.index_cast %add3A_502 : i32 to index
        %swap3A_599 = arith.constant 48 : index
        %swap3A_600 = tpu.vector_load %arg34[%swap3A_598, %swap3A_599] {strides = array<i32>} : memref<40x128xf32, #tpu.memory_space<vmem>>, vector<16xf32>,
        tpu.vector_store %arg34[%swap3A_598, %swap3A_599], %mul3A_597 {strides = array<i32>} : memref<40x128xf32, #tpu.memory_space<vmem>>, vector<16xf32>,
        %get3A_601 = arith.index_cast %add3A_502 : i32 to index
        %get3A_602 = arith.constant 64 : index
        %get3A_603 = tpu.vector_load %arg34[%get3A_601, %get3A_602] {strides = array<i32>} : memref<40x128xf32, #tpu.memory_space<vmem>>, vector<16xf32>,
        %mul3A_604 = vector.broadcast %mul3A_569 : f32 to vector<16xf32>
        %mul3A_605 = arith.mulf %get3A_603, %mul3A_604 : vector<16xf32>
        %swap3A_606 = arith.index_cast %add3A_502 : i32 to index
        %swap3A_607 = arith.constant 64 : index
        %swap3A_608 = tpu.vector_load %arg34[%swap3A_606, %swap3A_607] {strides = array<i32>} : memref<40x128xf32, #tpu.memory_space<vmem>>, vector<16xf32>,
        tpu.vector_store %arg34[%swap3A_606, %swap3A_607], %mul3A_605 {strides = array<i32>} : memref<40x128xf32, #tpu.memory_space<vmem>>, vector<16xf32>,
        %get3A_609 = arith.index_cast %add3A_502 : i32 to index
        %get3A_610 = arith.constant 80 : index
        %get3A_611 = tpu.vector_load %arg34[%get3A_609, %get3A_610] {strides = array<i32>} : memref<40x128xf32, #tpu.memory_space<vmem>>, vector<16xf32>,
        %mul3A_612 = vector.broadcast %mul3A_569 : f32 to vector<16xf32>
        %mul3A_613 = arith.mulf %get3A_611, %mul3A_612 : vector<16xf32>
        %swap3A_614 = arith.index_cast %add3A_502 : i32 to index
        %swap3A_615 = arith.constant 80 : index
        %swap3A_616 = tpu.vector_load %arg34[%swap3A_614, %swap3A_615] {strides = array<i32>} : memref<40x128xf32, #tpu.memory_space<vmem>>, vector<16xf32>,
        tpu.vector_store %arg34[%swap3A_614, %swap3A_615], %mul3A_613 {strides = array<i32>} : memref<40x128xf32, #tpu.memory_space<vmem>>, vector<16xf32>,
        %get3A_617 = arith.index_cast %add3A_502 : i32 to index
        %get3A_618 = arith.constant 96 : index
        %get3A_619 = tpu.vector_load %arg34[%get3A_617, %get3A_618] {strides = array<i32>} : memref<40x128xf32, #tpu.memory_space<vmem>>, vector<16xf32>,
        %mul3A_620 = vector.broadcast %mul3A_569 : f32 to vector<16xf32>
        %mul3A_621 = arith.mulf %get3A_619, %mul3A_620 : vector<16xf32>
        %swap3A_622 = arith.index_cast %add3A_502 : i32 to index
        %swap3A_623 = arith.constant 96 : index
        %swap3A_624 = tpu.vector_load %arg34[%swap3A_622, %swap3A_623] {strides = array<i32>} : memref<40x128xf32, #tpu.memory_space<vmem>>, vector<16xf32>,
        tpu.vector_store %arg34[%swap3A_622, %swap3A_623], %mul3A_621 {strides = array<i32>} : memref<40x128xf32, #tpu.memory_space<vmem>>, vector<16xf32>,
        %get3A_625 = arith.index_cast %add3A_502 : i32 to index
        %get3A_626 = arith.constant 112 : index
        %get3A_627 = tpu.vector_load %arg34[%get3A_625, %get3A_626] {strides = array<i32>} : memref<40x128xf32, #tpu.memory_space<vmem>>, vector<16xf32>,
        %mul3A_628 = vector.broadcast %mul3A_569 : f32 to vector<16xf32>
        %mul3A_629 = arith.mulf %get3A_627, %mul3A_628 : vector<16xf32>
        %swap3A_630 = arith.index_cast %add3A_502 : i32 to index
        %swap3A_631 = arith.constant 112 : index
        %swap3A_632 = tpu.vector_load %arg34[%swap3A_630, %swap3A_631] {strides = array<i32>} : memref<40x128xf32, #tpu.memory_space<vmem>>, vector<16xf32>,
        tpu.vector_store %arg34[%swap3A_630, %swap3A_631], %mul3A_629 {strides = array<i32>} : memref<40x128xf32, #tpu.memory_space<vmem>>, vector<16xf32>,
        %add3A_633 = arith.constant 1 : i32
        %add3A_634 = arith.addi %add3A_500, %add3A_633 : i32
        %get3A_635 = arith.index_cast %add3A_634 : i32 to index
        %get3A_636 = arith.constant 0 : index
        %get3A_637 = tpu.vector_load %arg30[%get3A_635, %get3A_636] {strides = array<i32>} : memref<40x128xf32, #tpu.memory_space<vmem>>, vector<16xf32>,
        %get3A_638 = arith.index_cast %add3A_634 : i32 to index
        %get3A_639 = arith.constant 0 : index
        %get3A_640 = tpu.vector_load %arg32[%get3A_638, %get3A_639] {strides = array<i32>} : memref<40x128xf32, #tpu.memory_space<vmem>>, vector<16xf32>,
        %mul3A_641 = arith.mulf %get3A_637, %get3A_640 : vector<16xf32>
        %get3A_642 = arith.index_cast %add3A_634 : i32 to index
        %get3A_643 = arith.constant 16 : index
        %get3A_644 = tpu.vector_load %arg30[%get3A_642, %get3A_643] {strides = array<i32>} : memref<40x128xf32, #tpu.memory_space<vmem>>, vector<16xf32>,
        %get3A_645 = arith.index_cast %add3A_634 : i32 to index
        %get3A_646 = arith.constant 16 : index
        %get3A_647 = tpu.vector_load %arg32[%get3A_645, %get3A_646] {strides = array<i32>} : memref<40x128xf32, #tpu.memory_space<vmem>>, vector<16xf32>,
        %mul3A_648 = arith.mulf %get3A_644, %get3A_647 : vector<16xf32>
        %add3A_649 = arith.addf %mul3A_641, %mul3A_648 : vector<16xf32>
        %get3A_650 = arith.index_cast %add3A_634 : i32 to index
        %get3A_651 = arith.constant 32 : index
        %get3A_652 = tpu.vector_load %arg30[%get3A_650, %get3A_651] {strides = array<i32>} : memref<40x128xf32, #tpu.memory_space<vmem>>, vector<16xf32>,
        %get3A_653 = arith.index_cast %add3A_634 : i32 to index
        %get3A_654 = arith.constant 32 : index
        %get3A_655 = tpu.vector_load %arg32[%get3A_653, %get3A_654] {strides = array<i32>} : memref<40x128xf32, #tpu.memory_space<vmem>>, vector<16xf32>,
        %mul3A_656 = arith.mulf %get3A_652, %get3A_655 : vector<16xf32>
        %add3A_657 = arith.addf %add3A_649, %mul3A_656 : vector<16xf32>
        %get3A_658 = arith.index_cast %add3A_634 : i32 to index
        %get3A_659 = arith.constant 48 : index
        %get3A_660 = tpu.vector_load %arg30[%get3A_658, %get3A_659] {strides = array<i32>} : memref<40x128xf32, #tpu.memory_space<vmem>>, vector<16xf32>,
        %get3A_661 = arith.index_cast %add3A_634 : i32 to index
        %get3A_662 = arith.constant 48 : index
        %get3A_663 = tpu.vector_load %arg32[%get3A_661, %get3A_662] {strides = array<i32>} : memref<40x128xf32, #tpu.memory_space<vmem>>, vector<16xf32>,
        %mul3A_664 = arith.mulf %get3A_660, %get3A_663 : vector<16xf32>
        %add3A_665 = arith.addf %add3A_657, %mul3A_664 : vector<16xf32>
        %get3A_666 = arith.index_cast %add3A_634 : i32 to index
        %get3A_667 = arith.constant 64 : index
        %get3A_668 = tpu.vector_load %arg30[%get3A_666, %get3A_667] {strides = array<i32>} : memref<40x128xf32, #tpu.memory_space<vmem>>, vector<16xf32>,
        %get3A_669 = arith.index_cast %add3A_634 : i32 to index
        %get3A_670 = arith.constant 64 : index
        %get3A_671 = tpu.vector_load %arg32[%get3A_669, %get3A_670] {strides = array<i32>} : memref<40x128xf32, #tpu.memory_space<vmem>>, vector<16xf32>,
        %mul3A_672 = arith.mulf %get3A_668, %get3A_671 : vector<16xf32>
        %add3A_673 = arith.addf %add3A_665, %mul3A_672 : vector<16xf32>
        %get3A_674 = arith.index_cast %add3A_634 : i32 to index
        %get3A_675 = arith.constant 80 : index
        %get3A_676 = tpu.vector_load %arg30[%get3A_674, %get3A_675] {strides = array<i32>} : memref<40x128xf32, #tpu.memory_space<vmem>>, vector<16xf32>,
        %get3A_677 = arith.index_cast %add3A_634 : i32 to index
        %get3A_678 = arith.constant 80 : index
        %get3A_679 = tpu.vector_load %arg32[%get3A_677, %get3A_678] {strides = array<i32>} : memref<40x128xf32, #tpu.memory_space<vmem>>, vector<16xf32>,
        %mul3A_680 = arith.mulf %get3A_676, %get3A_679 : vector<16xf32>
        %add3A_681 = arith.addf %add3A_673, %mul3A_680 : vector<16xf32>
        %get3A_682 = arith.index_cast %add3A_634 : i32 to index
        %get3A_683 = arith.constant 96 : index
        %get3A_684 = tpu.vector_load %arg30[%get3A_682, %get3A_683] {strides = array<i32>} : memref<40x128xf32, #tpu.memory_space<vmem>>, vector<16xf32>,
        %get3A_685 = arith.index_cast %add3A_634 : i32 to index
        %get3A_686 = arith.constant 96 : index
        %get3A_687 = tpu.vector_load %arg32[%get3A_685, %get3A_686] {strides = array<i32>} : memref<40x128xf32, #tpu.memory_space<vmem>>, vector<16xf32>,
        %mul3A_688 = arith.mulf %get3A_684, %get3A_687 : vector<16xf32>
        %add3A_689 = arith.addf %add3A_681, %mul3A_688 : vector<16xf32>
        %get3A_690 = arith.index_cast %add3A_634 : i32 to index
        %get3A_691 = arith.constant 112 : index
        %get3A_692 = tpu.vector_load %arg30[%get3A_690, %get3A_691] {strides = array<i32>} : memref<40x128xf32, #tpu.memory_space<vmem>>, vector<16xf32>,
        %get3A_693 = arith.index_cast %add3A_634 : i32 to index
        %get3A_694 = arith.constant 112 : index
        %get3A_695 = tpu.vector_load %arg32[%get3A_693, %get3A_694] {strides = array<i32>} : memref<40x128xf32, #tpu.memory_space<vmem>>, vector<16xf32>,
        %mul3A_696 = arith.mulf %get3A_692, %get3A_695 : vector<16xf32>
        %add3A_697 = arith.addf %add3A_689, %mul3A_696 : vector<16xf32>
        %reduce_sum3A_698 = arith.constant true
        %reduce_sum3A_699 = vector.broadcast %reduce_sum3A_698 : i1 to vector<16xi1>
        %reduce_sum3A_700 = tpu.scan <sum>, %add3A_697 masked %reduce_sum3A_699 : vector<16xf32>, vector<16xi1> -> vector<16xf32>
        %reduce_sum3A_701 = vector.extract %reduce_sum3A_700[15] : f32 from vector<16xf32>
        %mul3A_702 = arith.constant -0.0883883461 : f32
        %mul3A_703 = arith.mulf %reduce_sum3A_701, %mul3A_702 : f32
        %get3A_704 = arith.index_cast %add3A_634 : i32 to index
        %get3A_705 = arith.constant 0 : index
        %get3A_706 = tpu.vector_load %arg34[%get3A_704, %get3A_705] {strides = array<i32>} : memref<40x128xf32, #tpu.memory_space<vmem>>, vector<16xf32>,
        %mul3A_707 = vector.broadcast %mul3A_703 : f32 to vector<16xf32>
        %mul3A_708 = arith.mulf %get3A_706, %mul3A_707 : vector<16xf32>
        %swap3A_709 = arith.index_cast %add3A_634 : i32 to index
        %swap3A_710 = arith.constant 0 : index
        %swap3A_711 = tpu.vector_load %arg34[%swap3A_709, %swap3A_710] {strides = array<i32>} : memref<40x128xf32, #tpu.memory_space<vmem>>, vector<16xf32>,
        tpu.vector_store %arg34[%swap3A_709, %swap3A_710], %mul3A_708 {strides = array<i32>} : memref<40x128xf32, #tpu.memory_space<vmem>>, vector<16xf32>,
        %get3A_712 = arith.index_cast %add3A_634 : i32 to index
        %get3A_713 = arith.constant 16 : index
        %get3A_714 = tpu.vector_load %arg34[%get3A_712, %get3A_713] {strides = array<i32>} : memref<40x128xf32, #tpu.memory_space<vmem>>, vector<16xf32>,
        %mul3A_715 = vector.broadcast %mul3A_703 : f32 to vector<16xf32>
        %mul3A_716 = arith.mulf %get3A_714, %mul3A_715 : vector<16xf32>
        %swap3A_717 = arith.index_cast %add3A_634 : i32 to index
        %swap3A_718 = arith.constant 16 : index
        %swap3A_719 = tpu.vector_load %arg34[%swap3A_717, %swap3A_718] {strides = array<i32>} : memref<40x128xf32, #tpu.memory_space<vmem>>, vector<16xf32>,
        tpu.vector_store %arg34[%swap3A_717, %swap3A_718], %mul3A_716 {strides = array<i32>} : memref<40x128xf32, #tpu.memory_space<vmem>>, vector<16xf32>,
        %get3A_720 = arith.index_cast %add3A_634 : i32 to index
        %get3A_721 = arith.constant 32 : index
        %get3A_722 = tpu.vector_load %arg34[%get3A_720, %get3A_721] {strides = array<i32>} : memref<40x128xf32, #tpu.memory_space<vmem>>, vector<16xf32>,
        %mul3A_723 = vector.broadcast %mul3A_703 : f32 to vector<16xf32>
        %mul3A_724 = arith.mulf %get3A_722, %mul3A_723 : vector<16xf32>
        %swap3A_725 = arith.index_cast %add3A_634 : i32 to index
        %swap3A_726 = arith.constant 32 : index
        %swap3A_727 = tpu.vector_load %arg34[%swap3A_725, %swap3A_726] {strides = array<i32>} : memref<40x128xf32, #tpu.memory_space<vmem>>, vector<16xf32>,
        tpu.vector_store %arg34[%swap3A_725, %swap3A_726], %mul3A_724 {strides = array<i32>} : memref<40x128xf32, #tpu.memory_space<vmem>>, vector<16xf32>,
        %get3A_728 = arith.index_cast %add3A_634 : i32 to index
        %get3A_729 = arith.constant 48 : index
        %get3A_730 = tpu.vector_load %arg34[%get3A_728, %get3A_729] {strides = array<i32>} : memref<40x128xf32, #tpu.memory_space<vmem>>, vector<16xf32>,
        %mul3A_731 = vector.broadcast %mul3A_703 : f32 to vector<16xf32>
        %mul3A_732 = arith.mulf %get3A_730, %mul3A_731 : vector<16xf32>
        %swap3A_733 = arith.index_cast %add3A_634 : i32 to index
        %swap3A_734 = arith.constant 48 : index
        %swap3A_735 = tpu.vector_load %arg34[%swap3A_733, %swap3A_734] {strides = array<i32>} : memref<40x128xf32, #tpu.memory_space<vmem>>, vector<16xf32>,
        tpu.vector_store %arg34[%swap3A_733, %swap3A_734], %mul3A_732 {strides = array<i32>} : memref<40x128xf32, #tpu.memory_space<vmem>>, vector<16xf32>,
        %get3A_736 = arith.index_cast %add3A_634 : i32 to index
        %get3A_737 = arith.constant 64 : index
        %get3A_738 = tpu.vector_load %arg34[%get3A_736, %get3A_737] {strides = array<i32>} : memref<40x128xf32, #tpu.memory_space<vmem>>, vector<16xf32>,
        %mul3A_739 = vector.broadcast %mul3A_703 : f32 to vector<16xf32>
        %mul3A_740 = arith.mulf %get3A_738, %mul3A_739 : vector<16xf32>
        %swap3A_741 = arith.index_cast %add3A_634 : i32 to index
        %swap3A_742 = arith.constant 64 : index
        %swap3A_743 = tpu.vector_load %arg34[%swap3A_741, %swap3A_742] {strides = array<i32>} : memref<40x128xf32, #tpu.memory_space<vmem>>, vector<16xf32>,
        tpu.vector_store %arg34[%swap3A_741, %swap3A_742], %mul3A_740 {strides = array<i32>} : memref<40x128xf32, #tpu.memory_space<vmem>>, vector<16xf32>,
        %get3A_744 = arith.index_cast %add3A_634 : i32 to index
        %get3A_745 = arith.constant 80 : index
        %get3A_746 = tpu.vector_load %arg34[%get3A_744, %get3A_745] {strides = array<i32>} : memref<40x128xf32, #tpu.memory_space<vmem>>, vector<16xf32>,
        %mul3A_747 = vector.broadcast %mul3A_703 : f32 to vector<16xf32>
        %mul3A_748 = arith.mulf %get3A_746, %mul3A_747 : vector<16xf32>
        %swap3A_749 = arith.index_cast %add3A_634 : i32 to index
        %swap3A_750 = arith.constant 80 : index
        %swap3A_751 = tpu.vector_load %arg34[%swap3A_749, %swap3A_750] {strides = array<i32>} : memref<40x128xf32, #tpu.memory_space<vmem>>, vector<16xf32>,
        tpu.vector_store %arg34[%swap3A_749, %swap3A_750], %mul3A_748 {strides = array<i32>} : memref<40x128xf32, #tpu.memory_space<vmem>>, vector<16xf32>,
        %get3A_752 = arith.index_cast %add3A_634 : i32 to index
        %get3A_753 = arith.constant 96 : index
        %get3A_754 = tpu.vector_load %arg34[%get3A_752, %get3A_753] {strides = array<i32>} : memref<40x128xf32, #tpu.memory_space<vmem>>, vector<16xf32>,
        %mul3A_755 = vector.broadcast %mul3A_703 : f32 to vector<16xf32>
        %mul3A_756 = arith.mulf %get3A_754, %mul3A_755 : vector<16xf32>
        %swap3A_757 = arith.index_cast %add3A_634 : i32 to index
        %swap3A_758 = arith.constant 96 : index
        %swap3A_759 = tpu.vector_load %arg34[%swap3A_757, %swap3A_758] {strides = array<i32>} : memref<40x128xf32, #tpu.memory_space<vmem>>, vector<16xf32>,
        tpu.vector_store %arg34[%swap3A_757, %swap3A_758], %mul3A_756 {strides = array<i32>} : memref<40x128xf32, #tpu.memory_space<vmem>>, vector<16xf32>,
        %get3A_760 = arith.index_cast %add3A_634 : i32 to index
        %get3A_761 = arith.constant 112 : index
        %get3A_762 = tpu.vector_load %arg34[%get3A_760, %get3A_761] {strides = array<i32>} : memref<40x128xf32, #tpu.memory_space<vmem>>, vector<16xf32>,
        %mul3A_763 = vector.broadcast %mul3A_703 : f32 to vector<16xf32>
        %mul3A_764 = arith.mulf %get3A_762, %mul3A_763 : vector<16xf32>
        %swap3A_765 = arith.index_cast %add3A_634 : i32 to index
        %swap3A_766 = arith.constant 112 : index
        %swap3A_767 = tpu.vector_load %arg34[%swap3A_765, %swap3A_766] {strides = array<i32>} : memref<40x128xf32, #tpu.memory_space<vmem>>, vector<16xf32>,
        tpu.vector_store %arg34[%swap3A_765, %swap3A_766], %mul3A_764 {strides = array<i32>} : memref<40x128xf32, #tpu.memory_space<vmem>>, vector<16xf32>,
      }
      %scan3A_492 = arith.constant 20 : i32
      %dma_start3A_493 = arith.constant 0 : i32
      %dma_start3A_494 = arith.constant 0 : i32
      %dma_start3A_495 = tpu.memref_slice %arg35[%dma_start3A_493, %dma_start3A_494] : memref<10000x128xf32, #tpu.memory_space<vmem_shared>> -> memref<10000x128xf32, #tpu.memory_space<vmem_shared>>
      tpu.enqueue_indirect_dma source(%arg34 : memref<40x128xf32, #tpu.memory_space<vmem>>) target(%dma_start3A_495 : memref<10000x128xf32, #tpu.memory_space<vmem_shared>>) offsets(%arg22 : memref<40xi32, #tpu.memory_space<vmem>>) semaphore(%arg47 : memref<!tpu.dma_semaphore, #tpu.memory_space<semaphore_mem>>) {add = true}
    }
    %scan3A_234 = arith.constant 62 : i32
    %dma_wait3A_235 = arith.constant 0 : i32
    %dma_wait3A_236 = arith.constant 0 : i32
    %dma_wait3A_237 = tpu.memref_slice %arg35[%dma_wait3A_235, %dma_wait3A_236] : memref<10000x128xf32, #tpu.memory_space<vmem_shared>> -> memref<10000x128xf32, #tpu.memory_space<vmem_shared>>
    tpu.wait_indirect_dma semaphore(%arg45 : memref<!tpu.dma_semaphore, #tpu.memory_space<semaphore_mem>>) src(%arg28 : memref<40x128xf32, #tpu.memory_space<vmem>>) dst(%dma_wait3A_237 : memref<10000x128xf32, #tpu.memory_space<vmem_shared>>)
    %dma_wait3A_238 = arith.constant 0 : i32
    %dma_wait3A_239 = arith.constant 0 : i32
    %dma_wait3A_240 = tpu.memref_slice %arg35[%dma_wait3A_238, %dma_wait3A_239] : memref<10000x128xf32, #tpu.memory_space<vmem_shared>> -> memref<10000x128xf32, #tpu.memory_space<vmem_shared>>
    tpu.wait_indirect_dma semaphore(%arg47 : memref<!tpu.dma_semaphore, #tpu.memory_space<semaphore_mem>>) src(%arg34 : memref<40x128xf32, #tpu.memory_space<vmem>>) dst(%dma_wait3A_240 : memref<10000x128xf32, #tpu.memory_space<vmem_shared>>)
    %dma_wait3A_241 = arith.constant 0 : i32
    %dma_wait3A_242 = tpu.memref_slice %arg6[%dma_wait3A_241] : memref<320000xi32, #tpu.memory_space<hbm>> -> memref<40xi32, #tpu.memory_space<hbm>>
    %dma_wait3A_243 = arith.constant 0 : i32
    %dma_wait3A_244 = tpu.memref_slice %arg6[%dma_wait3A_243] : memref<320000xi32, #tpu.memory_space<hbm>> -> memref<40xi32, #tpu.memory_space<hbm>>
    tpu.wait_dma2 semaphore(%arg37 : memref<!tpu.dma_semaphore, #tpu.memory_space<semaphore_mem>>) src(%dma_wait3A_244 : memref<40xi32, #tpu.memory_space<hbm>>) dst(%arg12 : memref<40xi32, #tpu.memory_space<vmem>>)
    %dma_wait3A_245 = arith.constant 0 : i32
    %dma_wait3A_246 = tpu.memref_slice %arg7[%dma_wait3A_245] : memref<320000xi32, #tpu.memory_space<hbm>> -> memref<40xi32, #tpu.memory_space<hbm>>
    %dma_wait3A_247 = arith.constant 0 : i32
    %dma_wait3A_248 = tpu.memref_slice %arg7[%dma_wait3A_247] : memref<320000xi32, #tpu.memory_space<hbm>> -> memref<40xi32, #tpu.memory_space<hbm>>
    tpu.wait_dma2 semaphore(%arg37 : memref<!tpu.dma_semaphore, #tpu.memory_space<semaphore_mem>>) src(%dma_wait3A_248 : memref<40xi32, #tpu.memory_space<hbm>>) dst(%arg16 : memref<40xi32, #tpu.memory_space<vmem>>)
    %dma_wait3A_249 = arith.constant 0 : i32
    %dma_wait3A_250 = tpu.memref_slice %arg8[%dma_wait3A_249] : memref<320000xi32, #tpu.memory_space<hbm>> -> memref<40xi32, #tpu.memory_space<hbm>>
    %dma_wait3A_251 = arith.constant 0 : i32
    %dma_wait3A_252 = tpu.memref_slice %arg8[%dma_wait3A_251] : memref<320000xi32, #tpu.memory_space<hbm>> -> memref<40xi32, #tpu.memory_space<hbm>>
    tpu.wait_dma2 semaphore(%arg37 : memref<!tpu.dma_semaphore, #tpu.memory_space<semaphore_mem>>) src(%dma_wait3A_252 : memref<40xi32, #tpu.memory_space<hbm>>) dst(%arg20 : memref<40xi32, #tpu.memory_space<vmem>>)
    %dma_wait3A_253 = arith.constant 0 : i32
    %dma_wait3A_254 = tpu.memref_slice %arg9[%dma_wait3A_253] : memref<320000xi32, #tpu.memory_space<hbm>> -> memref<40xi32, #tpu.memory_space<hbm>>
    %dma_wait3A_255 = arith.constant 0 : i32
    %dma_wait3A_256 = tpu.memref_slice %arg9[%dma_wait3A_255] : memref<320000xi32, #tpu.memory_space<hbm>> -> memref<40xi32, #tpu.memory_space<hbm>>
    tpu.wait_dma2 semaphore(%arg37 : memref<!tpu.dma_semaphore, #tpu.memory_space<semaphore_mem>>) src(%dma_wait3A_256 : memref<40xi32, #tpu.memory_space<hbm>>) dst(%arg24 : memref<40xi32, #tpu.memory_space<vmem>>)
    %dma_start3A_257 = arith.constant 0 : i32
    %dma_start3A_258 = arith.constant 0 : i32
    %dma_start3A_259 = tpu.memref_slice %arg3[%dma_start3A_257, %dma_start3A_258] : memref<10000x128xf32, #tpu.memory_space<hbm>> -> memref<10000x128xf32, #tpu.memory_space<hbm>>
    tpu.enqueue_indirect_dma source(%dma_start3A_259 : memref<10000x128xf32, #tpu.memory_space<hbm>>) target(%arg30 : memref<40x128xf32, #tpu.memory_space<vmem>>) offsets(%arg20 : memref<40xi32, #tpu.memory_space<vmem>>) semaphore(%arg43 : memref<!tpu.dma_semaphore, #tpu.memory_space<semaphore_mem>>)
    %dma_start3A_260 = arith.constant 0 : i32
    %dma_start3A_261 = arith.constant 0 : i32
    %dma_start3A_262 = tpu.memref_slice %arg4[%dma_start3A_260, %dma_start3A_261] : memref<10000x128xf32, #tpu.memory_space<hbm>> -> memref<10000x128xf32, #tpu.memory_space<hbm>>
    tpu.enqueue_indirect_dma source(%dma_start3A_262 : memref<10000x128xf32, #tpu.memory_space<hbm>>) target(%arg32 : memref<40x128xf32, #tpu.memory_space<vmem>>) offsets(%arg24 : memref<40xi32, #tpu.memory_space<vmem>>) semaphore(%arg43 : memref<!tpu.dma_semaphore, #tpu.memory_space<semaphore_mem>>)
    %dma_start3A_263 = arith.constant 0 : i32
    %dma_start3A_264 = arith.constant 0 : i32
    %dma_start3A_265 = tpu.memref_slice %arg5[%dma_start3A_263, %dma_start3A_264] : memref<10000x128xf32, #tpu.memory_space<hbm>> -> memref<10000x128xf32, #tpu.memory_space<hbm>>
    tpu.enqueue_indirect_dma source(%dma_start3A_265 : memref<10000x128xf32, #tpu.memory_space<hbm>>) target(%arg34 : memref<40x128xf32, #tpu.memory_space<vmem>>) offsets(%arg24 : memref<40xi32, #tpu.memory_space<vmem>>) semaphore(%arg43 : memref<!tpu.dma_semaphore, #tpu.memory_space<semaphore_mem>>)
    %dma_start3A_266 = arith.constant 0 : i32
    %dma_start3A_267 = arith.constant 0 : i32
    %dma_start3A_268 = tpu.memref_slice %arg2[%dma_start3A_266, %dma_start3A_267] : memref<10000x128xf32, #tpu.memory_space<hbm>> -> memref<10000x128xf32, #tpu.memory_space<hbm>>
    tpu.enqueue_indirect_dma source(%dma_start3A_268 : memref<10000x128xf32, #tpu.memory_space<hbm>>) target(%arg28 : memref<40x128xf32, #tpu.memory_space<vmem>>) offsets(%arg12 : memref<40xi32, #tpu.memory_space<vmem>>) semaphore(%arg41 : memref<!tpu.dma_semaphore, #tpu.memory_space<semaphore_mem>>)
    %dma_wait3A_269 = arith.constant 0 : i32
    %dma_wait3A_270 = arith.constant 0 : i32
    %dma_wait3A_271 = tpu.memref_slice %arg2[%dma_wait3A_269, %dma_wait3A_270] : memref<10000x128xf32, #tpu.memory_space<hbm>> -> memref<10000x128xf32, #tpu.memory_space<hbm>>
    tpu.wait_indirect_dma semaphore(%arg40 : memref<!tpu.dma_semaphore, #tpu.memory_space<semaphore_mem>>) src(%dma_wait3A_271 : memref<10000x128xf32, #tpu.memory_space<hbm>>) dst(%arg27 : memref<40x128xf32, #tpu.memory_space<vmem>>)
    %dma_start3A_272 = arith.constant 0 : i32
    %dma_start3A_273 = arith.constant 0 : i32
    %dma_start3A_274 = tpu.memref_slice %arg35[%dma_start3A_272, %dma_start3A_273] : memref<10000x128xf32, #tpu.memory_space<vmem_shared>> -> memref<10000x128xf32, #tpu.memory_space<vmem_shared>>
    tpu.enqueue_indirect_dma source(%arg27 : memref<40x128xf32, #tpu.memory_space<vmem>>) target(%dma_start3A_274 : memref<10000x128xf32, #tpu.memory_space<vmem_shared>>) offsets(%arg15 : memref<40xi32, #tpu.memory_space<vmem>>) semaphore(%arg44 : memref<!tpu.dma_semaphore, #tpu.memory_space<semaphore_mem>>) {add = true}
    %dma_wait3A_275 = arith.constant 0 : i32
    %dma_wait3A_276 = arith.constant 0 : i32
    %dma_wait3A_277 = tpu.memref_slice %arg3[%dma_wait3A_275, %dma_wait3A_276] : memref<10000x128xf32, #tpu.memory_space<hbm>> -> memref<10000x128xf32, #tpu.memory_space<hbm>>
    tpu.wait_indirect_dma semaphore(%arg42 : memref<!tpu.dma_semaphore, #tpu.memory_space<semaphore_mem>>) src(%dma_wait3A_277 : memref<10000x128xf32, #tpu.memory_space<hbm>>) dst(%arg29 : memref<40x128xf32, #tpu.memory_space<vmem>>)
    %dma_wait3A_278 = arith.constant 0 : i32
    %dma_wait3A_279 = arith.constant 0 : i32
    %dma_wait3A_280 = tpu.memref_slice %arg4[%dma_wait3A_278, %dma_wait3A_279] : memref<10000x128xf32, #tpu.memory_space<hbm>> -> memref<10000x128xf32, #tpu.memory_space<hbm>>
    tpu.wait_indirect_dma semaphore(%arg42 : memref<!tpu.dma_semaphore, #tpu.memory_space<semaphore_mem>>) src(%dma_wait3A_280 : memref<10000x128xf32, #tpu.memory_space<hbm>>) dst(%arg31 : memref<40x128xf32, #tpu.memory_space<vmem>>)
    %dma_wait3A_281 = arith.constant 0 : i32
    %dma_wait3A_282 = arith.constant 0 : i32
    %dma_wait3A_283 = tpu.memref_slice %arg5[%dma_wait3A_281, %dma_wait3A_282] : memref<10000x128xf32, #tpu.memory_space<hbm>> -> memref<10000x128xf32, #tpu.memory_space<hbm>>
    tpu.wait_indirect_dma semaphore(%arg42 : memref<!tpu.dma_semaphore, #tpu.memory_space<semaphore_mem>>) src(%dma_wait3A_283 : memref<10000x128xf32, #tpu.memory_space<hbm>>) dst(%arg33 : memref<40x128xf32, #tpu.memory_space<vmem>>)
    %scan3A_284 = arith.constant 0 : i32
    %scan3A_285 = arith.constant 20 : i32
    %scan3A_286 = arith.addi %scan3A_284, %scan3A_285 : i32
    %scan3A_287 = arith.constant 1 : i32
    scf.for %scan3A_333 = %scan3A_284 to %scan3A_286 step %scan3A_287  : i32 {
      %mul3A_334 = arith.constant 2 : i32
      %mul3A_335 = arith.muli %scan3A_333, %mul3A_334 : i32
      %add3A_336 = arith.constant 0 : i32
      %add3A_337 = arith.addi %add3A_336, %mul3A_335 : i32
      %add3A_338 = arith.constant 0 : i32
      %add3A_339 = arith.addi %add3A_337, %add3A_338 : i32
      %get3A = arith.index_cast %add3A_339 : i32 to index
      %get3A_340 = arith.constant 0 : index
      %get3A_341 = tpu.vector_load %arg29[%get3A, %get3A_340] {strides = array<i32>} : memref<40x128xf32, #tpu.memory_space<vmem>>, vector<16xf32>,
      %get3A_342 = arith.index_cast %add3A_339 : i32 to index
      %get3A_343 = arith.constant 0 : index
      %get3A_344 = tpu.vector_load %arg31[%get3A_342, %get3A_343] {strides = array<i32>} : memref<40x128xf32, #tpu.memory_space<vmem>>, vector<16xf32>,
      %mul3A_345 = arith.mulf %get3A_341, %get3A_344 : vector<16xf32>
      %get3A_346 = arith.index_cast %add3A_339 : i32 to index
      %get3A_347 = arith.constant 16 : index
      %get3A_348 = tpu.vector_load %arg29[%get3A_346, %get3A_347] {strides = array<i32>} : memref<40x128xf32, #tpu.memory_space<vmem>>, vector<16xf32>,
      %get3A_349 = arith.index_cast %add3A_339 : i32 to index
      %get3A_350 = arith.constant 16 : index
      %get3A_351 = tpu.vector_load %arg31[%get3A_349, %get3A_350] {strides = array<i32>} : memref<40x128xf32, #tpu.memory_space<vmem>>, vector<16xf32>,
      %mul3A_352 = arith.mulf %get3A_348, %get3A_351 : vector<16xf32>
      %add3A_353 = arith.addf %mul3A_345, %mul3A_352 : vector<16xf32>
      %get3A_354 = arith.index_cast %add3A_339 : i32 to index
      %get3A_355 = arith.constant 32 : index
      %get3A_356 = tpu.vector_load %arg29[%get3A_354, %get3A_355] {strides = array<i32>} : memref<40x128xf32, #tpu.memory_space<vmem>>, vector<16xf32>,
      %get3A_357 = arith.index_cast %add3A_339 : i32 to index
      %get3A_358 = arith.constant 32 : index
      %get3A_359 = tpu.vector_load %arg31[%get3A_357, %get3A_358] {strides = array<i32>} : memref<40x128xf32, #tpu.memory_space<vmem>>, vector<16xf32>,
      %mul3A_360 = arith.mulf %get3A_356, %get3A_359 : vector<16xf32>
      %add3A_361 = arith.addf %add3A_353, %mul3A_360 : vector<16xf32>
      %get3A_362 = arith.index_cast %add3A_339 : i32 to index
      %get3A_363 = arith.constant 48 : index
      %get3A_364 = tpu.vector_load %arg29[%get3A_362, %get3A_363] {strides = array<i32>} : memref<40x128xf32, #tpu.memory_space<vmem>>, vector<16xf32>,
      %get3A_365 = arith.index_cast %add3A_339 : i32 to index
      %get3A_366 = arith.constant 48 : index
      %get3A_367 = tpu.vector_load %arg31[%get3A_365, %get3A_366] {strides = array<i32>} : memref<40x128xf32, #tpu.memory_space<vmem>>, vector<16xf32>,
      %mul3A_368 = arith.mulf %get3A_364, %get3A_367 : vector<16xf32>
      %add3A_369 = arith.addf %add3A_361, %mul3A_368 : vector<16xf32>
      %get3A_370 = arith.index_cast %add3A_339 : i32 to index
      %get3A_371 = arith.constant 64 : index
      %get3A_372 = tpu.vector_load %arg29[%get3A_370, %get3A_371] {strides = array<i32>} : memref<40x128xf32, #tpu.memory_space<vmem>>, vector<16xf32>,
      %get3A_373 = arith.index_cast %add3A_339 : i32 to index
      %get3A_374 = arith.constant 64 : index
      %get3A_375 = tpu.vector_load %arg31[%get3A_373, %get3A_374] {strides = array<i32>} : memref<40x128xf32, #tpu.memory_space<vmem>>, vector<16xf32>,
      %mul3A_376 = arith.mulf %get3A_372, %get3A_375 : vector<16xf32>
      %add3A_377 = arith.addf %add3A_369, %mul3A_376 : vector<16xf32>
      %get3A_378 = arith.index_cast %add3A_339 : i32 to index
      %get3A_379 = arith.constant 80 : index
      %get3A_380 = tpu.vector_load %arg29[%get3A_378, %get3A_379] {strides = array<i32>} : memref<40x128xf32, #tpu.memory_space<vmem>>, vector<16xf32>,
      %get3A_381 = arith.index_cast %add3A_339 : i32 to index
      %get3A_382 = arith.constant 80 : index
      %get3A_383 = tpu.vector_load %arg31[%get3A_381, %get3A_382] {strides = array<i32>} : memref<40x128xf32, #tpu.memory_space<vmem>>, vector<16xf32>,
      %mul3A_384 = arith.mulf %get3A_380, %get3A_383 : vector<16xf32>
      %add3A_385 = arith.addf %add3A_377, %mul3A_384 : vector<16xf32>
      %get3A_386 = arith.index_cast %add3A_339 : i32 to index
      %get3A_387 = arith.constant 96 : index
      %get3A_388 = tpu.vector_load %arg29[%get3A_386, %get3A_387] {strides = array<i32>} : memref<40x128xf32, #tpu.memory_space<vmem>>, vector<16xf32>,
      %get3A_389 = arith.index_cast %add3A_339 : i32 to index
      %get3A_390 = arith.constant 96 : index
      %get3A_391 = tpu.vector_load %arg31[%get3A_389, %get3A_390] {strides = array<i32>} : memref<40x128xf32, #tpu.memory_space<vmem>>, vector<16xf32>,
      %mul3A_392 = arith.mulf %get3A_388, %get3A_391 : vector<16xf32>
      %add3A_393 = arith.addf %add3A_385, %mul3A_392 : vector<16xf32>
      %get3A_394 = arith.index_cast %add3A_339 : i32 to index
      %get3A_395 = arith.constant 112 : index
      %get3A_396 = tpu.vector_load %arg29[%get3A_394, %get3A_395] {strides = array<i32>} : memref<40x128xf32, #tpu.memory_space<vmem>>, vector<16xf32>,
      %get3A_397 = arith.index_cast %add3A_339 : i32 to index
      %get3A_398 = arith.constant 112 : index
      %get3A_399 = tpu.vector_load %arg31[%get3A_397, %get3A_398] {strides = array<i32>} : memref<40x128xf32, #tpu.memory_space<vmem>>, vector<16xf32>,
      %mul3A_400 = arith.mulf %get3A_396, %get3A_399 : vector<16xf32>
      %add3A_401 = arith.addf %add3A_393, %mul3A_400 : vector<16xf32>
      %reduce_sum3A = arith.constant true
      %reduce_sum3A_402 = vector.broadcast %reduce_sum3A : i1 to vector<16xi1>
      %reduce_sum3A_403 = tpu.scan <sum>, %add3A_401 masked %reduce_sum3A_402 : vector<16xf32>, vector<16xi1> -> vector<16xf32>
      %reduce_sum3A_404 = vector.extract %reduce_sum3A_403[15] : f32 from vector<16xf32>
      %mul3A_405 = arith.constant -0.0883883461 : f32
      %mul3A_406 = arith.mulf %reduce_sum3A_404, %mul3A_405 : f32
      %get3A_407 = arith.index_cast %add3A_339 : i32 to index
      %get3A_408 = arith.constant 0 : index
      %get3A_409 = tpu.vector_load %arg33[%get3A_407, %get3A_408] {strides = array<i32>} : memref<40x128xf32, #tpu.memory_space<vmem>>, vector<16xf32>,
      %mul3A_410 = vector.broadcast %mul3A_406 : f32 to vector<16xf32>
      %mul3A_411 = arith.mulf %get3A_409, %mul3A_410 : vector<16xf32>
      %swap3A = arith.index_cast %add3A_339 : i32 to index
      %swap3A_412 = arith.constant 0 : index
      %swap3A_413 = tpu.vector_load %arg33[%swap3A, %swap3A_412] {strides = array<i32>} : memref<40x128xf32, #tpu.memory_space<vmem>>, vector<16xf32>,
      tpu.vector_store %arg33[%swap3A, %swap3A_412], %mul3A_411 {strides = array<i32>} : memref<40x128xf32, #tpu.memory_space<vmem>>, vector<16xf32>,
      %get3A_414 = arith.index_cast %add3A_339 : i32 to index
      %get3A_415 = arith.constant 16 : index
      %get3A_416 = tpu.vector_load %arg33[%get3A_414, %get3A_415] {strides = array<i32>} : memref<40x128xf32, #tpu.memory_space<vmem>>, vector<16xf32>,
      %mul3A_417 = vector.broadcast %mul3A_406 : f32 to vector<16xf32>
      %mul3A_418 = arith.mulf %get3A_416, %mul3A_417 : vector<16xf32>
      %swap3A_419 = arith.index_cast %add3A_339 : i32 to index
      %swap3A_420 = arith.constant 16 : index
      %swap3A_421 = tpu.vector_load %arg33[%swap3A_419, %swap3A_420] {strides = array<i32>} : memref<40x128xf32, #tpu.memory_space<vmem>>, vector<16xf32>,
      tpu.vector_store %arg33[%swap3A_419, %swap3A_420], %mul3A_418 {strides = array<i32>} : memref<40x128xf32, #tpu.memory_space<vmem>>, vector<16xf32>,
      %get3A_422 = arith.index_cast %add3A_339 : i32 to index
      %get3A_423 = arith.constant 32 : index
      %get3A_424 = tpu.vector_load %arg33[%get3A_422, %get3A_423] {strides = array<i32>} : memref<40x128xf32, #tpu.memory_space<vmem>>, vector<16xf32>,
      %mul3A_425 = vector.broadcast %mul3A_406 : f32 to vector<16xf32>
      %mul3A_426 = arith.mulf %get3A_424, %mul3A_425 : vector<16xf32>
      %swap3A_427 = arith.index_cast %add3A_339 : i32 to index
      %swap3A_428 = arith.constant 32 : index
      %swap3A_429 = tpu.vector_load %arg33[%swap3A_427, %swap3A_428] {strides = array<i32>} : memref<40x128xf32, #tpu.memory_space<vmem>>, vector<16xf32>,
      tpu.vector_store %arg33[%swap3A_427, %swap3A_428], %mul3A_426 {strides = array<i32>} : memref<40x128xf32, #tpu.memory_space<vmem>>, vector<16xf32>,
      %get3A_430 = arith.index_cast %add3A_339 : i32 to index
      %get3A_431 = arith.constant 48 : index
      %get3A_432 = tpu.vector_load %arg33[%get3A_430, %get3A_431] {strides = array<i32>} : memref<40x128xf32, #tpu.memory_space<vmem>>, vector<16xf32>,
      %mul3A_433 = vector.broadcast %mul3A_406 : f32 to vector<16xf32>
      %mul3A_434 = arith.mulf %get3A_432, %mul3A_433 : vector<16xf32>
      %swap3A_435 = arith.index_cast %add3A_339 : i32 to index
      %swap3A_436 = arith.constant 48 : index
      %swap3A_437 = tpu.vector_load %arg33[%swap3A_435, %swap3A_436] {strides = array<i32>} : memref<40x128xf32, #tpu.memory_space<vmem>>, vector<16xf32>,
      tpu.vector_store %arg33[%swap3A_435, %swap3A_436], %mul3A_434 {strides = array<i32>} : memref<40x128xf32, #tpu.memory_space<vmem>>, vector<16xf32>,
      %get3A_438 = arith.index_cast %add3A_339 : i32 to index
      %get3A_439 = arith.constant 64 : index
      %get3A_440 = tpu.vector_load %arg33[%get3A_438, %get3A_439] {strides = array<i32>} : memref<40x128xf32, #tpu.memory_space<vmem>>, vector<16xf32>,
      %mul3A_441 = vector.broadcast %mul3A_406 : f32 to vector<16xf32>
      %mul3A_442 = arith.mulf %get3A_440, %mul3A_441 : vector<16xf32>
      %swap3A_443 = arith.index_cast %add3A_339 : i32 to index
      %swap3A_444 = arith.constant 64 : index
      %swap3A_445 = tpu.vector_load %arg33[%swap3A_443, %swap3A_444] {strides = array<i32>} : memref<40x128xf32, #tpu.memory_space<vmem>>, vector<16xf32>,
      tpu.vector_store %arg33[%swap3A_443, %swap3A_444], %mul3A_442 {strides = array<i32>} : memref<40x128xf32, #tpu.memory_space<vmem>>, vector<16xf32>,
      %get3A_446 = arith.index_cast %add3A_339 : i32 to index
      %get3A_447 = arith.constant 80 : index
      %get3A_448 = tpu.vector_load %arg33[%get3A_446, %get3A_447] {strides = array<i32>} : memref<40x128xf32, #tpu.memory_space<vmem>>, vector<16xf32>,
      %mul3A_449 = vector.broadcast %mul3A_406 : f32 to vector<16xf32>
      %mul3A_450 = arith.mulf %get3A_448, %mul3A_449 : vector<16xf32>
      %swap3A_451 = arith.index_cast %add3A_339 : i32 to index
      %swap3A_452 = arith.constant 80 : index
      %swap3A_453 = tpu.vector_load %arg33[%swap3A_451, %swap3A_452] {strides = array<i32>} : memref<40x128xf32, #tpu.memory_space<vmem>>, vector<16xf32>,
      tpu.vector_store %arg33[%swap3A_451, %swap3A_452], %mul3A_450 {strides = array<i32>} : memref<40x128xf32, #tpu.memory_space<vmem>>, vector<16xf32>,
      %get3A_454 = arith.index_cast %add3A_339 : i32 to index
      %get3A_455 = arith.constant 96 : index
      %get3A_456 = tpu.vector_load %arg33[%get3A_454, %get3A_455] {strides = array<i32>} : memref<40x128xf32, #tpu.memory_space<vmem>>, vector<16xf32>,
      %mul3A_457 = vector.broadcast %mul3A_406 : f32 to vector<16xf32>
      %mul3A_458 = arith.mulf %get3A_456, %mul3A_457 : vector<16xf32>
      %swap3A_459 = arith.index_cast %add3A_339 : i32 to index
      %swap3A_460 = arith.constant 96 : index
      %swap3A_461 = tpu.vector_load %arg33[%swap3A_459, %swap3A_460] {strides = array<i32>} : memref<40x128xf32, #tpu.memory_space<vmem>>, vector<16xf32>,
      tpu.vector_store %arg33[%swap3A_459, %swap3A_460], %mul3A_458 {strides = array<i32>} : memref<40x128xf32, #tpu.memory_space<vmem>>, vector<16xf32>,
      %get3A_462 = arith.index_cast %add3A_339 : i32 to index
      %get3A_463 = arith.constant 112 : index
      %get3A_464 = tpu.vector_load %arg33[%get3A_462, %get3A_463] {strides = array<i32>} : memref<40x128xf32, #tpu.memory_space<vmem>>, vector<16xf32>,
      %mul3A_465 = vector.broadcast %mul3A_406 : f32 to vector<16xf32>
      %mul3A_466 = arith.mulf %get3A_464, %mul3A_465 : vector<16xf32>
      %swap3A_467 = arith.index_cast %add3A_339 : i32 to index
      %swap3A_468 = arith.constant 112 : index
      %swap3A_469 = tpu.vector_load %arg33[%swap3A_467, %swap3A_468] {strides = array<i32>} : memref<40x128xf32, #tpu.memory_space<vmem>>, vector<16xf32>,
      tpu.vector_store %arg33[%swap3A_467, %swap3A_468], %mul3A_466 {strides = array<i32>} : memref<40x128xf32, #tpu.memory_space<vmem>>, vector<16xf32>,
      %add3A_470 = arith.constant 1 : i32
      %add3A_471 = arith.addi %add3A_337, %add3A_470 : i32
      %get3A_472 = arith.index_cast %add3A_471 : i32 to index
      %get3A_473 = arith.constant 0 : index
      %get3A_474 = tpu.vector_load %arg29[%get3A_472, %get3A_473] {strides = array<i32>} : memref<40x128xf32, #tpu.memory_space<vmem>>, vector<16xf32>,
      %get3A_475 = arith.index_cast %add3A_471 : i32 to index
      %get3A_476 = arith.constant 0 : index
      %get3A_477 = tpu.vector_load %arg31[%get3A_475, %get3A_476] {strides = array<i32>} : memref<40x128xf32, #tpu.memory_space<vmem>>, vector<16xf32>,
      %mul3A_478 = arith.mulf %get3A_474, %get3A_477 : vector<16xf32>
      %get3A_479 = arith.index_cast %add3A_471 : i32 to index
      %get3A_480 = arith.constant 16 : index
      %get3A_481 = tpu.vector_load %arg29[%get3A_479, %get3A_480] {strides = array<i32>} : memref<40x128xf32, #tpu.memory_space<vmem>>, vector<16xf32>,
      %get3A_482 = arith.index_cast %add3A_471 : i32 to index
      %get3A_483 = arith.constant 16 : index
      %get3A_484 = tpu.vector_load %arg31[%get3A_482, %get3A_483] {strides = array<i32>} : memref<40x128xf32, #tpu.memory_space<vmem>>, vector<16xf32>,
      %mul3A_485 = arith.mulf %get3A_481, %get3A_484 : vector<16xf32>
      %add3A_486 = arith.addf %mul3A_478, %mul3A_485 : vector<16xf32>
      %get3A_487 = arith.index_cast %add3A_471 : i32 to index
      %get3A_488 = arith.constant 32 : index
      %get3A_489 = tpu.vector_load %arg29[%get3A_487, %get3A_488] {strides = array<i32>} : memref<40x128xf32, #tpu.memory_space<vmem>>, vector<16xf32>,
      %get3A_490 = arith.index_cast %add3A_471 : i32 to index
      %get3A_491 = arith.constant 32 : index
      %get3A_492 = tpu.vector_load %arg31[%get3A_490, %get3A_491] {strides = array<i32>} : memref<40x128xf32, #tpu.memory_space<vmem>>, vector<16xf32>,
      %mul3A_493 = arith.mulf %get3A_489, %get3A_492 : vector<16xf32>
      %add3A_494 = arith.addf %add3A_486, %mul3A_493 : vector<16xf32>
      %get3A_495 = arith.index_cast %add3A_471 : i32 to index
      %get3A_496 = arith.constant 48 : index
      %get3A_497 = tpu.vector_load %arg29[%get3A_495, %get3A_496] {strides = array<i32>} : memref<40x128xf32, #tpu.memory_space<vmem>>, vector<16xf32>,
      %get3A_498 = arith.index_cast %add3A_471 : i32 to index
      %get3A_499 = arith.constant 48 : index
      %get3A_500 = tpu.vector_load %arg31[%get3A_498, %get3A_499] {strides = array<i32>} : memref<40x128xf32, #tpu.memory_space<vmem>>, vector<16xf32>,
      %mul3A_501 = arith.mulf %get3A_497, %get3A_500 : vector<16xf32>
      %add3A_502 = arith.addf %add3A_494, %mul3A_501 : vector<16xf32>
      %get3A_503 = arith.index_cast %add3A_471 : i32 to index
      %get3A_504 = arith.constant 64 : index
      %get3A_505 = tpu.vector_load %arg29[%get3A_503, %get3A_504] {strides = array<i32>} : memref<40x128xf32, #tpu.memory_space<vmem>>, vector<16xf32>,
      %get3A_506 = arith.index_cast %add3A_471 : i32 to index
      %get3A_507 = arith.constant 64 : index
      %get3A_508 = tpu.vector_load %arg31[%get3A_506, %get3A_507] {strides = array<i32>} : memref<40x128xf32, #tpu.memory_space<vmem>>, vector<16xf32>,
      %mul3A_509 = arith.mulf %get3A_505, %get3A_508 : vector<16xf32>
      %add3A_510 = arith.addf %add3A_502, %mul3A_509 : vector<16xf32>
      %get3A_511 = arith.index_cast %add3A_471 : i32 to index
      %get3A_512 = arith.constant 80 : index
      %get3A_513 = tpu.vector_load %arg29[%get3A_511, %get3A_512] {strides = array<i32>} : memref<40x128xf32, #tpu.memory_space<vmem>>, vector<16xf32>,
      %get3A_514 = arith.index_cast %add3A_471 : i32 to index
      %get3A_515 = arith.constant 80 : index
      %get3A_516 = tpu.vector_load %arg31[%get3A_514, %get3A_515] {strides = array<i32>} : memref<40x128xf32, #tpu.memory_space<vmem>>, vector<16xf32>,
      %mul3A_517 = arith.mulf %get3A_513, %get3A_516 : vector<16xf32>
      %add3A_518 = arith.addf %add3A_510, %mul3A_517 : vector<16xf32>
      %get3A_519 = arith.index_cast %add3A_471 : i32 to index
      %get3A_520 = arith.constant 96 : index
      %get3A_521 = tpu.vector_load %arg29[%get3A_519, %get3A_520] {strides = array<i32>} : memref<40x128xf32, #tpu.memory_space<vmem>>, vector<16xf32>,
      %get3A_522 = arith.index_cast %add3A_471 : i32 to index
      %get3A_523 = arith.constant 96 : index
      %get3A_524 = tpu.vector_load %arg31[%get3A_522, %get3A_523] {strides = array<i32>} : memref<40x128xf32, #tpu.memory_space<vmem>>, vector<16xf32>,
      %mul3A_525 = arith.mulf %get3A_521, %get3A_524 : vector<16xf32>
      %add3A_526 = arith.addf %add3A_518, %mul3A_525 : vector<16xf32>
      %get3A_527 = arith.index_cast %add3A_471 : i32 to index
      %get3A_528 = arith.constant 112 : index
      %get3A_529 = tpu.vector_load %arg29[%get3A_527, %get3A_528] {strides = array<i32>} : memref<40x128xf32, #tpu.memory_space<vmem>>, vector<16xf32>,
      %get3A_530 = arith.index_cast %add3A_471 : i32 to index
      %get3A_531 = arith.constant 112 : index
      %get3A_532 = tpu.vector_load %arg31[%get3A_530, %get3A_531] {strides = array<i32>} : memref<40x128xf32, #tpu.memory_space<vmem>>, vector<16xf32>,
      %mul3A_533 = arith.mulf %get3A_529, %get3A_532 : vector<16xf32>
      %add3A_534 = arith.addf %add3A_526, %mul3A_533 : vector<16xf32>
      %reduce_sum3A_535 = arith.constant true
      %reduce_sum3A_536 = vector.broadcast %reduce_sum3A_535 : i1 to vector<16xi1>
      %reduce_sum3A_537 = tpu.scan <sum>, %add3A_534 masked %reduce_sum3A_536 : vector<16xf32>, vector<16xi1> -> vector<16xf32>
      %reduce_sum3A_538 = vector.extract %reduce_sum3A_537[15] : f32 from vector<16xf32>
      %mul3A_539 = arith.constant -0.0883883461 : f32
      %mul3A_540 = arith.mulf %reduce_sum3A_538, %mul3A_539 : f32
      %get3A_541 = arith.index_cast %add3A_471 : i32 to index
      %get3A_542 = arith.constant 0 : index
      %get3A_543 = tpu.vector_load %arg33[%get3A_541, %get3A_542] {strides = array<i32>} : memref<40x128xf32, #tpu.memory_space<vmem>>, vector<16xf32>,
      %mul3A_544 = vector.broadcast %mul3A_540 : f32 to vector<16xf32>
      %mul3A_545 = arith.mulf %get3A_543, %mul3A_544 : vector<16xf32>
      %swap3A_546 = arith.index_cast %add3A_471 : i32 to index
      %swap3A_547 = arith.constant 0 : index
      %swap3A_548 = tpu.vector_load %arg33[%swap3A_546, %swap3A_547] {strides = array<i32>} : memref<40x128xf32, #tpu.memory_space<vmem>>, vector<16xf32>,
      tpu.vector_store %arg33[%swap3A_546, %swap3A_547], %mul3A_545 {strides = array<i32>} : memref<40x128xf32, #tpu.memory_space<vmem>>, vector<16xf32>,
      %get3A_549 = arith.index_cast %add3A_471 : i32 to index
      %get3A_550 = arith.constant 16 : index
      %get3A_551 = tpu.vector_load %arg33[%get3A_549, %get3A_550] {strides = array<i32>} : memref<40x128xf32, #tpu.memory_space<vmem>>, vector<16xf32>,
      %mul3A_552 = vector.broadcast %mul3A_540 : f32 to vector<16xf32>
      %mul3A_553 = arith.mulf %get3A_551, %mul3A_552 : vector<16xf32>
      %swap3A_554 = arith.index_cast %add3A_471 : i32 to index
      %swap3A_555 = arith.constant 16 : index
      %swap3A_556 = tpu.vector_load %arg33[%swap3A_554, %swap3A_555] {strides = array<i32>} : memref<40x128xf32, #tpu.memory_space<vmem>>, vector<16xf32>,
      tpu.vector_store %arg33[%swap3A_554, %swap3A_555], %mul3A_553 {strides = array<i32>} : memref<40x128xf32, #tpu.memory_space<vmem>>, vector<16xf32>,
      %get3A_557 = arith.index_cast %add3A_471 : i32 to index
      %get3A_558 = arith.constant 32 : index
      %get3A_559 = tpu.vector_load %arg33[%get3A_557, %get3A_558] {strides = array<i32>} : memref<40x128xf32, #tpu.memory_space<vmem>>, vector<16xf32>,
      %mul3A_560 = vector.broadcast %mul3A_540 : f32 to vector<16xf32>
      %mul3A_561 = arith.mulf %get3A_559, %mul3A_560 : vector<16xf32>
      %swap3A_562 = arith.index_cast %add3A_471 : i32 to index
      %swap3A_563 = arith.constant 32 : index
      %swap3A_564 = tpu.vector_load %arg33[%swap3A_562, %swap3A_563] {strides = array<i32>} : memref<40x128xf32, #tpu.memory_space<vmem>>, vector<16xf32>,
      tpu.vector_store %arg33[%swap3A_562, %swap3A_563], %mul3A_561 {strides = array<i32>} : memref<40x128xf32, #tpu.memory_space<vmem>>, vector<16xf32>,
      %get3A_565 = arith.index_cast %add3A_471 : i32 to index
      %get3A_566 = arith.constant 48 : index
      %get3A_567 = tpu.vector_load %arg33[%get3A_565, %get3A_566] {strides = array<i32>} : memref<40x128xf32, #tpu.memory_space<vmem>>, vector<16xf32>,
      %mul3A_568 = vector.broadcast %mul3A_540 : f32 to vector<16xf32>
      %mul3A_569 = arith.mulf %get3A_567, %mul3A_568 : vector<16xf32>
      %swap3A_570 = arith.index_cast %add3A_471 : i32 to index
      %swap3A_571 = arith.constant 48 : index
      %swap3A_572 = tpu.vector_load %arg33[%swap3A_570, %swap3A_571] {strides = array<i32>} : memref<40x128xf32, #tpu.memory_space<vmem>>, vector<16xf32>,
      tpu.vector_store %arg33[%swap3A_570, %swap3A_571], %mul3A_569 {strides = array<i32>} : memref<40x128xf32, #tpu.memory_space<vmem>>, vector<16xf32>,
      %get3A_573 = arith.index_cast %add3A_471 : i32 to index
      %get3A_574 = arith.constant 64 : index
      %get3A_575 = tpu.vector_load %arg33[%get3A_573, %get3A_574] {strides = array<i32>} : memref<40x128xf32, #tpu.memory_space<vmem>>, vector<16xf32>,
      %mul3A_576 = vector.broadcast %mul3A_540 : f32 to vector<16xf32>
      %mul3A_577 = arith.mulf %get3A_575, %mul3A_576 : vector<16xf32>
      %swap3A_578 = arith.index_cast %add3A_471 : i32 to index
      %swap3A_579 = arith.constant 64 : index
      %swap3A_580 = tpu.vector_load %arg33[%swap3A_578, %swap3A_579] {strides = array<i32>} : memref<40x128xf32, #tpu.memory_space<vmem>>, vector<16xf32>,
      tpu.vector_store %arg33[%swap3A_578, %swap3A_579], %mul3A_577 {strides = array<i32>} : memref<40x128xf32, #tpu.memory_space<vmem>>, vector<16xf32>,
      %get3A_581 = arith.index_cast %add3A_471 : i32 to index
      %get3A_582 = arith.constant 80 : index
      %get3A_583 = tpu.vector_load %arg33[%get3A_581, %get3A_582] {strides = array<i32>} : memref<40x128xf32, #tpu.memory_space<vmem>>, vector<16xf32>,
      %mul3A_584 = vector.broadcast %mul3A_540 : f32 to vector<16xf32>
      %mul3A_585 = arith.mulf %get3A_583, %mul3A_584 : vector<16xf32>
      %swap3A_586 = arith.index_cast %add3A_471 : i32 to index
      %swap3A_587 = arith.constant 80 : index
      %swap3A_588 = tpu.vector_load %arg33[%swap3A_586, %swap3A_587] {strides = array<i32>} : memref<40x128xf32, #tpu.memory_space<vmem>>, vector<16xf32>,
      tpu.vector_store %arg33[%swap3A_586, %swap3A_587], %mul3A_585 {strides = array<i32>} : memref<40x128xf32, #tpu.memory_space<vmem>>, vector<16xf32>,
      %get3A_589 = arith.index_cast %add3A_471 : i32 to index
      %get3A_590 = arith.constant 96 : index
      %get3A_591 = tpu.vector_load %arg33[%get3A_589, %get3A_590] {strides = array<i32>} : memref<40x128xf32, #tpu.memory_space<vmem>>, vector<16xf32>,
      %mul3A_592 = vector.broadcast %mul3A_540 : f32 to vector<16xf32>
      %mul3A_593 = arith.mulf %get3A_591, %mul3A_592 : vector<16xf32>
      %swap3A_594 = arith.index_cast %add3A_471 : i32 to index
      %swap3A_595 = arith.constant 96 : index
      %swap3A_596 = tpu.vector_load %arg33[%swap3A_594, %swap3A_595] {strides = array<i32>} : memref<40x128xf32, #tpu.memory_space<vmem>>, vector<16xf32>,
      tpu.vector_store %arg33[%swap3A_594, %swap3A_595], %mul3A_593 {strides = array<i32>} : memref<40x128xf32, #tpu.memory_space<vmem>>, vector<16xf32>,
      %get3A_597 = arith.index_cast %add3A_471 : i32 to index
      %get3A_598 = arith.constant 112 : index
      %get3A_599 = tpu.vector_load %arg33[%get3A_597, %get3A_598] {strides = array<i32>} : memref<40x128xf32, #tpu.memory_space<vmem>>, vector<16xf32>,
      %mul3A_600 = vector.broadcast %mul3A_540 : f32 to vector<16xf32>
      %mul3A_601 = arith.mulf %get3A_599, %mul3A_600 : vector<16xf32>
      %swap3A_602 = arith.index_cast %add3A_471 : i32 to index
      %swap3A_603 = arith.constant 112 : index
      %swap3A_604 = tpu.vector_load %arg33[%swap3A_602, %swap3A_603] {strides = array<i32>} : memref<40x128xf32, #tpu.memory_space<vmem>>, vector<16xf32>,
      tpu.vector_store %arg33[%swap3A_602, %swap3A_603], %mul3A_601 {strides = array<i32>} : memref<40x128xf32, #tpu.memory_space<vmem>>, vector<16xf32>,
    }
    %scan3A_288 = arith.constant 20 : i32
    %dma_start3A_289 = arith.constant 0 : i32
    %dma_start3A_290 = arith.constant 0 : i32
    %dma_start3A_291 = tpu.memref_slice %arg35[%dma_start3A_289, %dma_start3A_290] : memref<10000x128xf32, #tpu.memory_space<vmem_shared>> -> memref<10000x128xf32, #tpu.memory_space<vmem_shared>>
    tpu.enqueue_indirect_dma source(%arg33 : memref<40x128xf32, #tpu.memory_space<vmem>>) target(%dma_start3A_291 : memref<10000x128xf32, #tpu.memory_space<vmem_shared>>) offsets(%arg19 : memref<40xi32, #tpu.memory_space<vmem>>) semaphore(%arg46 : memref<!tpu.dma_semaphore, #tpu.memory_space<semaphore_mem>>) {add = true}
    %dma_wait3A_292 = arith.constant 0 : i32
    %dma_wait3A_293 = arith.constant 0 : i32
    %dma_wait3A_294 = tpu.memref_slice %arg35[%dma_wait3A_292, %dma_wait3A_293] : memref<10000x128xf32, #tpu.memory_space<vmem_shared>> -> memref<10000x128xf32, #tpu.memory_space<vmem_shared>>
    tpu.wait_indirect_dma semaphore(%arg44 : memref<!tpu.dma_semaphore, #tpu.memory_space<semaphore_mem>>) src(%arg27 : memref<40x128xf32, #tpu.memory_space<vmem>>) dst(%dma_wait3A_294 : memref<10000x128xf32, #tpu.memory_space<vmem_shared>>)
    %dma_wait3A_295 = arith.constant 0 : i32
    %dma_wait3A_296 = arith.constant 0 : i32
    %dma_wait3A_297 = tpu.memref_slice %arg35[%dma_wait3A_295, %dma_wait3A_296] : memref<10000x128xf32, #tpu.memory_space<vmem_shared>> -> memref<10000x128xf32, #tpu.memory_space<vmem_shared>>
    tpu.wait_indirect_dma semaphore(%arg46 : memref<!tpu.dma_semaphore, #tpu.memory_space<semaphore_mem>>) src(%arg33 : memref<40x128xf32, #tpu.memory_space<vmem>>) dst(%dma_wait3A_297 : memref<10000x128xf32, #tpu.memory_space<vmem_shared>>)
    %dma_wait3A_298 = arith.constant 0 : i32
    %dma_wait3A_299 = arith.constant 0 : i32
    %dma_wait3A_300 = tpu.memref_slice %arg2[%dma_wait3A_298, %dma_wait3A_299] : memref<10000x128xf32, #tpu.memory_space<hbm>> -> memref<10000x128xf32, #tpu.memory_space<hbm>>
    tpu.wait_indirect_dma semaphore(%arg41 : memref<!tpu.dma_semaphore, #tpu.memory_space<semaphore_mem>>) src(%dma_wait3A_300 : memref<10000x128xf32, #tpu.memory_space<hbm>>) dst(%arg28 : memref<40x128xf32, #tpu.memory_space<vmem>>)
    %dma_start3A_301 = arith.constant 0 : i32
    %dma_start3A_302 = arith.constant 0 : i32
    %dma_start3A_303 = tpu.memref_slice %arg35[%dma_start3A_301, %dma_start3A_302] : memref<10000x128xf32, #tpu.memory_space<vmem_shared>> -> memref<10000x128xf32, #tpu.memory_space<vmem_shared>>
    tpu.enqueue_indirect_dma source(%arg28 : memref<40x128xf32, #tpu.memory_space<vmem>>) target(%dma_start3A_303 : memref<10000x128xf32, #tpu.memory_space<vmem_shared>>) offsets(%arg16 : memref<40xi32, #tpu.memory_space<vmem>>) semaphore(%arg45 : memref<!tpu.dma_semaphore, #tpu.memory_space<semaphore_mem>>) {add = true}
    %dma_wait3A_304 = arith.constant 0 : i32
    %dma_wait3A_305 = arith.constant 0 : i32
    %dma_wait3A_306 = tpu.memref_slice %arg3[%dma_wait3A_304, %dma_wait3A_305] : memref<10000x128xf32, #tpu.memory_space<hbm>> -> memref<10000x128xf32, #tpu.memory_space<hbm>>
    tpu.wait_indirect_dma semaphore(%arg43 : memref<!tpu.dma_semaphore, #tpu.memory_space<semaphore_mem>>) src(%dma_wait3A_306 : memref<10000x128xf32, #tpu.memory_space<hbm>>) dst(%arg30 : memref<40x128xf32, #tpu.memory_space<vmem>>)
    %dma_wait3A_307 = arith.constant 0 : i32
    %dma_wait3A_308 = arith.constant 0 : i32
    %dma_wait3A_309 = tpu.memref_slice %arg4[%dma_wait3A_307, %dma_wait3A_308] : memref<10000x128xf32, #tpu.memory_space<hbm>> -> memref<10000x128xf32, #tpu.memory_space<hbm>>
    tpu.wait_indirect_dma semaphore(%arg43 : memref<!tpu.dma_semaphore, #tpu.memory_space<semaphore_mem>>) src(%dma_wait3A_309 : memref<10000x128xf32, #tpu.memory_space<hbm>>) dst(%arg32 : memref<40x128xf32, #tpu.memory_space<vmem>>)
    %dma_wait3A_310 = arith.constant 0 : i32
    %dma_wait3A_311 = arith.constant 0 : i32
    %dma_wait3A_312 = tpu.memref_slice %arg5[%dma_wait3A_310, %dma_wait3A_311] : memref<10000x128xf32, #tpu.memory_space<hbm>> -> memref<10000x128xf32, #tpu.memory_space<hbm>>
    tpu.wait_indirect_dma semaphore(%arg43 : memref<!tpu.dma_semaphore, #tpu.memory_space<semaphore_mem>>) src(%dma_wait3A_312 : memref<10000x128xf32, #tpu.memory_space<hbm>>) dst(%arg34 : memref<40x128xf32, #tpu.memory_space<vmem>>)
    %scan3A_313 = arith.constant 0 : i32
    %scan3A_314 = arith.constant 20 : i32
    %scan3A_315 = arith.addi %scan3A_313, %scan3A_314 : i32
    %scan3A_316 = arith.constant 1 : i32
    scf.for %scan3A_333 = %scan3A_313 to %scan3A_315 step %scan3A_316  : i32 {
      %mul3A_334 = arith.constant 2 : i32
      %mul3A_335 = arith.muli %scan3A_333, %mul3A_334 : i32
      %add3A_336 = arith.constant 0 : i32
      %add3A_337 = arith.addi %add3A_336, %mul3A_335 : i32
      %add3A_338 = arith.constant 0 : i32
      %add3A_339 = arith.addi %add3A_337, %add3A_338 : i32
      %get3A = arith.index_cast %add3A_339 : i32 to index
      %get3A_340 = arith.constant 0 : index
      %get3A_341 = tpu.vector_load %arg30[%get3A, %get3A_340] {strides = array<i32>} : memref<40x128xf32, #tpu.memory_space<vmem>>, vector<16xf32>,
      %get3A_342 = arith.index_cast %add3A_339 : i32 to index
      %get3A_343 = arith.constant 0 : index
      %get3A_344 = tpu.vector_load %arg32[%get3A_342, %get3A_343] {strides = array<i32>} : memref<40x128xf32, #tpu.memory_space<vmem>>, vector<16xf32>,
      %mul3A_345 = arith.mulf %get3A_341, %get3A_344 : vector<16xf32>
      %get3A_346 = arith.index_cast %add3A_339 : i32 to index
      %get3A_347 = arith.constant 16 : index
      %get3A_348 = tpu.vector_load %arg30[%get3A_346, %get3A_347] {strides = array<i32>} : memref<40x128xf32, #tpu.memory_space<vmem>>, vector<16xf32>,
      %get3A_349 = arith.index_cast %add3A_339 : i32 to index
      %get3A_350 = arith.constant 16 : index
      %get3A_351 = tpu.vector_load %arg32[%get3A_349, %get3A_350] {strides = array<i32>} : memref<40x128xf32, #tpu.memory_space<vmem>>, vector<16xf32>,
      %mul3A_352 = arith.mulf %get3A_348, %get3A_351 : vector<16xf32>
      %add3A_353 = arith.addf %mul3A_345, %mul3A_352 : vector<16xf32>
      %get3A_354 = arith.index_cast %add3A_339 : i32 to index
      %get3A_355 = arith.constant 32 : index
      %get3A_356 = tpu.vector_load %arg30[%get3A_354, %get3A_355] {strides = array<i32>} : memref<40x128xf32, #tpu.memory_space<vmem>>, vector<16xf32>,
      %get3A_357 = arith.index_cast %add3A_339 : i32 to index
      %get3A_358 = arith.constant 32 : index
      %get3A_359 = tpu.vector_load %arg32[%get3A_357, %get3A_358] {strides = array<i32>} : memref<40x128xf32, #tpu.memory_space<vmem>>, vector<16xf32>,
      %mul3A_360 = arith.mulf %get3A_356, %get3A_359 : vector<16xf32>
      %add3A_361 = arith.addf %add3A_353, %mul3A_360 : vector<16xf32>
      %get3A_362 = arith.index_cast %add3A_339 : i32 to index
      %get3A_363 = arith.constant 48 : index
      %get3A_364 = tpu.vector_load %arg30[%get3A_362, %get3A_363] {strides = array<i32>} : memref<40x128xf32, #tpu.memory_space<vmem>>, vector<16xf32>,
      %get3A_365 = arith.index_cast %add3A_339 : i32 to index
      %get3A_366 = arith.constant 48 : index
      %get3A_367 = tpu.vector_load %arg32[%get3A_365, %get3A_366] {strides = array<i32>} : memref<40x128xf32, #tpu.memory_space<vmem>>, vector<16xf32>,
      %mul3A_368 = arith.mulf %get3A_364, %get3A_367 : vector<16xf32>
      %add3A_369 = arith.addf %add3A_361, %mul3A_368 : vector<16xf32>
      %get3A_370 = arith.index_cast %add3A_339 : i32 to index
      %get3A_371 = arith.constant 64 : index
      %get3A_372 = tpu.vector_load %arg30[%get3A_370, %get3A_371] {strides = array<i32>} : memref<40x128xf32, #tpu.memory_space<vmem>>, vector<16xf32>,
      %get3A_373 = arith.index_cast %add3A_339 : i32 to index
      %get3A_374 = arith.constant 64 : index
      %get3A_375 = tpu.vector_load %arg32[%get3A_373, %get3A_374] {strides = array<i32>} : memref<40x128xf32, #tpu.memory_space<vmem>>, vector<16xf32>,
      %mul3A_376 = arith.mulf %get3A_372, %get3A_375 : vector<16xf32>
      %add3A_377 = arith.addf %add3A_369, %mul3A_376 : vector<16xf32>
      %get3A_378 = arith.index_cast %add3A_339 : i32 to index
      %get3A_379 = arith.constant 80 : index
      %get3A_380 = tpu.vector_load %arg30[%get3A_378, %get3A_379] {strides = array<i32>} : memref<40x128xf32, #tpu.memory_space<vmem>>, vector<16xf32>,
      %get3A_381 = arith.index_cast %add3A_339 : i32 to index
      %get3A_382 = arith.constant 80 : index
      %get3A_383 = tpu.vector_load %arg32[%get3A_381, %get3A_382] {strides = array<i32>} : memref<40x128xf32, #tpu.memory_space<vmem>>, vector<16xf32>,
      %mul3A_384 = arith.mulf %get3A_380, %get3A_383 : vector<16xf32>
      %add3A_385 = arith.addf %add3A_377, %mul3A_384 : vector<16xf32>
      %get3A_386 = arith.index_cast %add3A_339 : i32 to index
      %get3A_387 = arith.constant 96 : index
      %get3A_388 = tpu.vector_load %arg30[%get3A_386, %get3A_387] {strides = array<i32>} : memref<40x128xf32, #tpu.memory_space<vmem>>, vector<16xf32>,
      %get3A_389 = arith.index_cast %add3A_339 : i32 to index
      %get3A_390 = arith.constant 96 : index
      %get3A_391 = tpu.vector_load %arg32[%get3A_389, %get3A_390] {strides = array<i32>} : memref<40x128xf32, #tpu.memory_space<vmem>>, vector<16xf32>,
      %mul3A_392 = arith.mulf %get3A_388, %get3A_391 : vector<16xf32>
      %add3A_393 = arith.addf %add3A_385, %mul3A_392 : vector<16xf32>
      %get3A_394 = arith.index_cast %add3A_339 : i32 to index
      %get3A_395 = arith.constant 112 : index
      %get3A_396 = tpu.vector_load %arg30[%get3A_394, %get3A_395] {strides = array<i32>} : memref<40x128xf32, #tpu.memory_space<vmem>>, vector<16xf32>,
      %get3A_397 = arith.index_cast %add3A_339 : i32 to index
      %get3A_398 = arith.constant 112 : index
      %get3A_399 = tpu.vector_load %arg32[%get3A_397, %get3A_398] {strides = array<i32>} : memref<40x128xf32, #tpu.memory_space<vmem>>, vector<16xf32>,
      %mul3A_400 = arith.mulf %get3A_396, %get3A_399 : vector<16xf32>
      %add3A_401 = arith.addf %add3A_393, %mul3A_400 : vector<16xf32>
      %reduce_sum3A = arith.constant true
      %reduce_sum3A_402 = vector.broadcast %reduce_sum3A : i1 to vector<16xi1>
      %reduce_sum3A_403 = tpu.scan <sum>, %add3A_401 masked %reduce_sum3A_402 : vector<16xf32>, vector<16xi1> -> vector<16xf32>
      %reduce_sum3A_404 = vector.extract %reduce_sum3A_403[15] : f32 from vector<16xf32>
      %mul3A_405 = arith.constant -0.0883883461 : f32
      %mul3A_406 = arith.mulf %reduce_sum3A_404, %mul3A_405 : f32
      %get3A_407 = arith.index_cast %add3A_339 : i32 to index
      %get3A_408 = arith.constant 0 : index
      %get3A_409 = tpu.vector_load %arg34[%get3A_407, %get3A_408] {strides = array<i32>} : memref<40x128xf32, #tpu.memory_space<vmem>>, vector<16xf32>,
      %mul3A_410 = vector.broadcast %mul3A_406 : f32 to vector<16xf32>
      %mul3A_411 = arith.mulf %get3A_409, %mul3A_410 : vector<16xf32>
      %swap3A = arith.index_cast %add3A_339 : i32 to index
      %swap3A_412 = arith.constant 0 : index
      %swap3A_413 = tpu.vector_load %arg34[%swap3A, %swap3A_412] {strides = array<i32>} : memref<40x128xf32, #tpu.memory_space<vmem>>, vector<16xf32>,
      tpu.vector_store %arg34[%swap3A, %swap3A_412], %mul3A_411 {strides = array<i32>} : memref<40x128xf32, #tpu.memory_space<vmem>>, vector<16xf32>,
      %get3A_414 = arith.index_cast %add3A_339 : i32 to index
      %get3A_415 = arith.constant 16 : index
      %get3A_416 = tpu.vector_load %arg34[%get3A_414, %get3A_415] {strides = array<i32>} : memref<40x128xf32, #tpu.memory_space<vmem>>, vector<16xf32>,
      %mul3A_417 = vector.broadcast %mul3A_406 : f32 to vector<16xf32>
      %mul3A_418 = arith.mulf %get3A_416, %mul3A_417 : vector<16xf32>
      %swap3A_419 = arith.index_cast %add3A_339 : i32 to index
      %swap3A_420 = arith.constant 16 : index
      %swap3A_421 = tpu.vector_load %arg34[%swap3A_419, %swap3A_420] {strides = array<i32>} : memref<40x128xf32, #tpu.memory_space<vmem>>, vector<16xf32>,
      tpu.vector_store %arg34[%swap3A_419, %swap3A_420], %mul3A_418 {strides = array<i32>} : memref<40x128xf32, #tpu.memory_space<vmem>>, vector<16xf32>,
      %get3A_422 = arith.index_cast %add3A_339 : i32 to index
      %get3A_423 = arith.constant 32 : index
      %get3A_424 = tpu.vector_load %arg34[%get3A_422, %get3A_423] {strides = array<i32>} : memref<40x128xf32, #tpu.memory_space<vmem>>, vector<16xf32>,
      %mul3A_425 = vector.broadcast %mul3A_406 : f32 to vector<16xf32>
      %mul3A_426 = arith.mulf %get3A_424, %mul3A_425 : vector<16xf32>
      %swap3A_427 = arith.index_cast %add3A_339 : i32 to index
      %swap3A_428 = arith.constant 32 : index
      %swap3A_429 = tpu.vector_load %arg34[%swap3A_427, %swap3A_428] {strides = array<i32>} : memref<40x128xf32, #tpu.memory_space<vmem>>, vector<16xf32>,
      tpu.vector_store %arg34[%swap3A_427, %swap3A_428], %mul3A_426 {strides = array<i32>} : memref<40x128xf32, #tpu.memory_space<vmem>>, vector<16xf32>,
      %get3A_430 = arith.index_cast %add3A_339 : i32 to index
      %get3A_431 = arith.constant 48 : index
      %get3A_432 = tpu.vector_load %arg34[%get3A_430, %get3A_431] {strides = array<i32>} : memref<40x128xf32, #tpu.memory_space<vmem>>, vector<16xf32>,
      %mul3A_433 = vector.broadcast %mul3A_406 : f32 to vector<16xf32>
      %mul3A_434 = arith.mulf %get3A_432, %mul3A_433 : vector<16xf32>
      %swap3A_435 = arith.index_cast %add3A_339 : i32 to index
      %swap3A_436 = arith.constant 48 : index
      %swap3A_437 = tpu.vector_load %arg34[%swap3A_435, %swap3A_436] {strides = array<i32>} : memref<40x128xf32, #tpu.memory_space<vmem>>, vector<16xf32>,
      tpu.vector_store %arg34[%swap3A_435, %swap3A_436], %mul3A_434 {strides = array<i32>} : memref<40x128xf32, #tpu.memory_space<vmem>>, vector<16xf32>,
      %get3A_438 = arith.index_cast %add3A_339 : i32 to index
      %get3A_439 = arith.constant 64 : index
      %get3A_440 = tpu.vector_load %arg34[%get3A_438, %get3A_439] {strides = array<i32>} : memref<40x128xf32, #tpu.memory_space<vmem>>, vector<16xf32>,
      %mul3A_441 = vector.broadcast %mul3A_406 : f32 to vector<16xf32>
      %mul3A_442 = arith.mulf %get3A_440, %mul3A_441 : vector<16xf32>
      %swap3A_443 = arith.index_cast %add3A_339 : i32 to index
      %swap3A_444 = arith.constant 64 : index
      %swap3A_445 = tpu.vector_load %arg34[%swap3A_443, %swap3A_444] {strides = array<i32>} : memref<40x128xf32, #tpu.memory_space<vmem>>, vector<16xf32>,
      tpu.vector_store %arg34[%swap3A_443, %swap3A_444], %mul3A_442 {strides = array<i32>} : memref<40x128xf32, #tpu.memory_space<vmem>>, vector<16xf32>,
      %get3A_446 = arith.index_cast %add3A_339 : i32 to index
      %get3A_447 = arith.constant 80 : index
      %get3A_448 = tpu.vector_load %arg34[%get3A_446, %get3A_447] {strides = array<i32>} : memref<40x128xf32, #tpu.memory_space<vmem>>, vector<16xf32>,
      %mul3A_449 = vector.broadcast %mul3A_406 : f32 to vector<16xf32>
      %mul3A_450 = arith.mulf %get3A_448, %mul3A_449 : vector<16xf32>
      %swap3A_451 = arith.index_cast %add3A_339 : i32 to index
      %swap3A_452 = arith.constant 80 : index
      %swap3A_453 = tpu.vector_load %arg34[%swap3A_451, %swap3A_452] {strides = array<i32>} : memref<40x128xf32, #tpu.memory_space<vmem>>, vector<16xf32>,
      tpu.vector_store %arg34[%swap3A_451, %swap3A_452], %mul3A_450 {strides = array<i32>} : memref<40x128xf32, #tpu.memory_space<vmem>>, vector<16xf32>,
      %get3A_454 = arith.index_cast %add3A_339 : i32 to index
      %get3A_455 = arith.constant 96 : index
      %get3A_456 = tpu.vector_load %arg34[%get3A_454, %get3A_455] {strides = array<i32>} : memref<40x128xf32, #tpu.memory_space<vmem>>, vector<16xf32>,
      %mul3A_457 = vector.broadcast %mul3A_406 : f32 to vector<16xf32>
      %mul3A_458 = arith.mulf %get3A_456, %mul3A_457 : vector<16xf32>
      %swap3A_459 = arith.index_cast %add3A_339 : i32 to index
      %swap3A_460 = arith.constant 96 : index
      %swap3A_461 = tpu.vector_load %arg34[%swap3A_459, %swap3A_460] {strides = array<i32>} : memref<40x128xf32, #tpu.memory_space<vmem>>, vector<16xf32>,
      tpu.vector_store %arg34[%swap3A_459, %swap3A_460], %mul3A_458 {strides = array<i32>} : memref<40x128xf32, #tpu.memory_space<vmem>>, vector<16xf32>,
      %get3A_462 = arith.index_cast %add3A_339 : i32 to index
      %get3A_463 = arith.constant 112 : index
      %get3A_464 = tpu.vector_load %arg34[%get3A_462, %get3A_463] {strides = array<i32>} : memref<40x128xf32, #tpu.memory_space<vmem>>, vector<16xf32>,
      %mul3A_465 = vector.broadcast %mul3A_406 : f32 to vector<16xf32>
      %mul3A_466 = arith.mulf %get3A_464, %mul3A_465 : vector<16xf32>
      %swap3A_467 = arith.index_cast %add3A_339 : i32 to index
      %swap3A_468 = arith.constant 112 : index
      %swap3A_469 = tpu.vector_load %arg34[%swap3A_467, %swap3A_468] {strides = array<i32>} : memref<40x128xf32, #tpu.memory_space<vmem>>, vector<16xf32>,
      tpu.vector_store %arg34[%swap3A_467, %swap3A_468], %mul3A_466 {strides = array<i32>} : memref<40x128xf32, #tpu.memory_space<vmem>>, vector<16xf32>,
      %add3A_470 = arith.constant 1 : i32
      %add3A_471 = arith.addi %add3A_337, %add3A_470 : i32
      %get3A_472 = arith.index_cast %add3A_471 : i32 to index
      %get3A_473 = arith.constant 0 : index
      %get3A_474 = tpu.vector_load %arg30[%get3A_472, %get3A_473] {strides = array<i32>} : memref<40x128xf32, #tpu.memory_space<vmem>>, vector<16xf32>,
      %get3A_475 = arith.index_cast %add3A_471 : i32 to index
      %get3A_476 = arith.constant 0 : index
      %get3A_477 = tpu.vector_load %arg32[%get3A_475, %get3A_476] {strides = array<i32>} : memref<40x128xf32, #tpu.memory_space<vmem>>, vector<16xf32>,
      %mul3A_478 = arith.mulf %get3A_474, %get3A_477 : vector<16xf32>
      %get3A_479 = arith.index_cast %add3A_471 : i32 to index
      %get3A_480 = arith.constant 16 : index
      %get3A_481 = tpu.vector_load %arg30[%get3A_479, %get3A_480] {strides = array<i32>} : memref<40x128xf32, #tpu.memory_space<vmem>>, vector<16xf32>,
      %get3A_482 = arith.index_cast %add3A_471 : i32 to index
      %get3A_483 = arith.constant 16 : index
      %get3A_484 = tpu.vector_load %arg32[%get3A_482, %get3A_483] {strides = array<i32>} : memref<40x128xf32, #tpu.memory_space<vmem>>, vector<16xf32>,
      %mul3A_485 = arith.mulf %get3A_481, %get3A_484 : vector<16xf32>
      %add3A_486 = arith.addf %mul3A_478, %mul3A_485 : vector<16xf32>
      %get3A_487 = arith.index_cast %add3A_471 : i32 to index
      %get3A_488 = arith.constant 32 : index
      %get3A_489 = tpu.vector_load %arg30[%get3A_487, %get3A_488] {strides = array<i32>} : memref<40x128xf32, #tpu.memory_space<vmem>>, vector<16xf32>,
      %get3A_490 = arith.index_cast %add3A_471 : i32 to index
      %get3A_491 = arith.constant 32 : index
      %get3A_492 = tpu.vector_load %arg32[%get3A_490, %get3A_491] {strides = array<i32>} : memref<40x128xf32, #tpu.memory_space<vmem>>, vector<16xf32>,
      %mul3A_493 = arith.mulf %get3A_489, %get3A_492 : vector<16xf32>
      %add3A_494 = arith.addf %add3A_486, %mul3A_493 : vector<16xf32>
      %get3A_495 = arith.index_cast %add3A_471 : i32 to index
      %get3A_496 = arith.constant 48 : index
      %get3A_497 = tpu.vector_load %arg30[%get3A_495, %get3A_496] {strides = array<i32>} : memref<40x128xf32, #tpu.memory_space<vmem>>, vector<16xf32>,
      %get3A_498 = arith.index_cast %add3A_471 : i32 to index
      %get3A_499 = arith.constant 48 : index
      %get3A_500 = tpu.vector_load %arg32[%get3A_498, %get3A_499] {strides = array<i32>} : memref<40x128xf32, #tpu.memory_space<vmem>>, vector<16xf32>,
      %mul3A_501 = arith.mulf %get3A_497, %get3A_500 : vector<16xf32>
      %add3A_502 = arith.addf %add3A_494, %mul3A_501 : vector<16xf32>
      %get3A_503 = arith.index_cast %add3A_471 : i32 to index
      %get3A_504 = arith.constant 64 : index
      %get3A_505 = tpu.vector_load %arg30[%get3A_503, %get3A_504] {strides = array<i32>} : memref<40x128xf32, #tpu.memory_space<vmem>>, vector<16xf32>,
      %get3A_506 = arith.index_cast %add3A_471 : i32 to index
      %get3A_507 = arith.constant 64 : index
      %get3A_508 = tpu.vector_load %arg32[%get3A_506, %get3A_507] {strides = array<i32>} : memref<40x128xf32, #tpu.memory_space<vmem>>, vector<16xf32>,
      %mul3A_509 = arith.mulf %get3A_505, %get3A_508 : vector<16xf32>
      %add3A_510 = arith.addf %add3A_502, %mul3A_509 : vector<16xf32>
      %get3A_511 = arith.index_cast %add3A_471 : i32 to index
      %get3A_512 = arith.constant 80 : index
      %get3A_513 = tpu.vector_load %arg30[%get3A_511, %get3A_512] {strides = array<i32>} : memref<40x128xf32, #tpu.memory_space<vmem>>, vector<16xf32>,
      %get3A_514 = arith.index_cast %add3A_471 : i32 to index
      %get3A_515 = arith.constant 80 : index
      %get3A_516 = tpu.vector_load %arg32[%get3A_514, %get3A_515] {strides = array<i32>} : memref<40x128xf32, #tpu.memory_space<vmem>>, vector<16xf32>,
      %mul3A_517 = arith.mulf %get3A_513, %get3A_516 : vector<16xf32>
      %add3A_518 = arith.addf %add3A_510, %mul3A_517 : vector<16xf32>
      %get3A_519 = arith.index_cast %add3A_471 : i32 to index
      %get3A_520 = arith.constant 96 : index
      %get3A_521 = tpu.vector_load %arg30[%get3A_519, %get3A_520] {strides = array<i32>} : memref<40x128xf32, #tpu.memory_space<vmem>>, vector<16xf32>,
      %get3A_522 = arith.index_cast %add3A_471 : i32 to index
      %get3A_523 = arith.constant 96 : index
      %get3A_524 = tpu.vector_load %arg32[%get3A_522, %get3A_523] {strides = array<i32>} : memref<40x128xf32, #tpu.memory_space<vmem>>, vector<16xf32>,
      %mul3A_525 = arith.mulf %get3A_521, %get3A_524 : vector<16xf32>
      %add3A_526 = arith.addf %add3A_518, %mul3A_525 : vector<16xf32>
      %get3A_527 = arith.index_cast %add3A_471 : i32 to index
      %get3A_528 = arith.constant 112 : index
      %get3A_529 = tpu.vector_load %arg30[%get3A_527, %get3A_528] {strides = array<i32>} : memref<40x128xf32, #tpu.memory_space<vmem>>, vector<16xf32>,
      %get3A_530 = arith.index_cast %add3A_471 : i32 to index
      %get3A_531 = arith.constant 112 : index
      %get3A_532 = tpu.vector_load %arg32[%get3A_530, %get3A_531] {strides = array<i32>} : memref<40x128xf32, #tpu.memory_space<vmem>>, vector<16xf32>,
      %mul3A_533 = arith.mulf %get3A_529, %get3A_532 : vector<16xf32>
      %add3A_534 = arith.addf %add3A_526, %mul3A_533 : vector<16xf32>
      %reduce_sum3A_535 = arith.constant true
      %reduce_sum3A_536 = vector.broadcast %reduce_sum3A_535 : i1 to vector<16xi1>
      %reduce_sum3A_537 = tpu.scan <sum>, %add3A_534 masked %reduce_sum3A_536 : vector<16xf32>, vector<16xi1> -> vector<16xf32>
      %reduce_sum3A_538 = vector.extract %reduce_sum3A_537[15] : f32 from vector<16xf32>
      %mul3A_539 = arith.constant -0.0883883461 : f32
      %mul3A_540 = arith.mulf %reduce_sum3A_538, %mul3A_539 : f32
      %get3A_541 = arith.index_cast %add3A_471 : i32 to index
      %get3A_542 = arith.constant 0 : index
      %get3A_543 = tpu.vector_load %arg34[%get3A_541, %get3A_542] {strides = array<i32>} : memref<40x128xf32, #tpu.memory_space<vmem>>, vector<16xf32>,
      %mul3A_544 = vector.broadcast %mul3A_540 : f32 to vector<16xf32>
      %mul3A_545 = arith.mulf %get3A_543, %mul3A_544 : vector<16xf32>
      %swap3A_546 = arith.index_cast %add3A_471 : i32 to index
      %swap3A_547 = arith.constant 0 : index
      %swap3A_548 = tpu.vector_load %arg34[%swap3A_546, %swap3A_547] {strides = array<i32>} : memref<40x128xf32, #tpu.memory_space<vmem>>, vector<16xf32>,
      tpu.vector_store %arg34[%swap3A_546, %swap3A_547], %mul3A_545 {strides = array<i32>} : memref<40x128xf32, #tpu.memory_space<vmem>>, vector<16xf32>,
      %get3A_549 = arith.index_cast %add3A_471 : i32 to index
      %get3A_550 = arith.constant 16 : index
      %get3A_551 = tpu.vector_load %arg34[%get3A_549, %get3A_550] {strides = array<i32>} : memref<40x128xf32, #tpu.memory_space<vmem>>, vector<16xf32>,
      %mul3A_552 = vector.broadcast %mul3A_540 : f32 to vector<16xf32>
      %mul3A_553 = arith.mulf %get3A_551, %mul3A_552 : vector<16xf32>
      %swap3A_554 = arith.index_cast %add3A_471 : i32 to index
      %swap3A_555 = arith.constant 16 : index
      %swap3A_556 = tpu.vector_load %arg34[%swap3A_554, %swap3A_555] {strides = array<i32>} : memref<40x128xf32, #tpu.memory_space<vmem>>, vector<16xf32>,
      tpu.vector_store %arg34[%swap3A_554, %swap3A_555], %mul3A_553 {strides = array<i32>} : memref<40x128xf32, #tpu.memory_space<vmem>>, vector<16xf32>,
      %get3A_557 = arith.index_cast %add3A_471 : i32 to index
      %get3A_558 = arith.constant 32 : index
      %get3A_559 = tpu.vector_load %arg34[%get3A_557, %get3A_558] {strides = array<i32>} : memref<40x128xf32, #tpu.memory_space<vmem>>, vector<16xf32>,
      %mul3A_560 = vector.broadcast %mul3A_540 : f32 to vector<16xf32>
      %mul3A_561 = arith.mulf %get3A_559, %mul3A_560 : vector<16xf32>
      %swap3A_562 = arith.index_cast %add3A_471 : i32 to index
      %swap3A_563 = arith.constant 32 : index
      %swap3A_564 = tpu.vector_load %arg34[%swap3A_562, %swap3A_563] {strides = array<i32>} : memref<40x128xf32, #tpu.memory_space<vmem>>, vector<16xf32>,
      tpu.vector_store %arg34[%swap3A_562, %swap3A_563], %mul3A_561 {strides = array<i32>} : memref<40x128xf32, #tpu.memory_space<vmem>>, vector<16xf32>,
      %get3A_565 = arith.index_cast %add3A_471 : i32 to index
      %get3A_566 = arith.constant 48 : index
      %get3A_567 = tpu.vector_load %arg34[%get3A_565, %get3A_566] {strides = array<i32>} : memref<40x128xf32, #tpu.memory_space<vmem>>, vector<16xf32>,
      %mul3A_568 = vector.broadcast %mul3A_540 : f32 to vector<16xf32>
      %mul3A_569 = arith.mulf %get3A_567, %mul3A_568 : vector<16xf32>
      %swap3A_570 = arith.index_cast %add3A_471 : i32 to index
      %swap3A_571 = arith.constant 48 : index
      %swap3A_572 = tpu.vector_load %arg34[%swap3A_570, %swap3A_571] {strides = array<i32>} : memref<40x128xf32, #tpu.memory_space<vmem>>, vector<16xf32>,
      tpu.vector_store %arg34[%swap3A_570, %swap3A_571], %mul3A_569 {strides = array<i32>} : memref<40x128xf32, #tpu.memory_space<vmem>>, vector<16xf32>,
      %get3A_573 = arith.index_cast %add3A_471 : i32 to index
      %get3A_574 = arith.constant 64 : index
      %get3A_575 = tpu.vector_load %arg34[%get3A_573, %get3A_574] {strides = array<i32>} : memref<40x128xf32, #tpu.memory_space<vmem>>, vector<16xf32>,
      %mul3A_576 = vector.broadcast %mul3A_540 : f32 to vector<16xf32>
      %mul3A_577 = arith.mulf %get3A_575, %mul3A_576 : vector<16xf32>
      %swap3A_578 = arith.index_cast %add3A_471 : i32 to index
      %swap3A_579 = arith.constant 64 : index
      %swap3A_580 = tpu.vector_load %arg34[%swap3A_578, %swap3A_579] {strides = array<i32>} : memref<40x128xf32, #tpu.memory_space<vmem>>, vector<16xf32>,
      tpu.vector_store %arg34[%swap3A_578, %swap3A_579], %mul3A_577 {strides = array<i32>} : memref<40x128xf32, #tpu.memory_space<vmem>>, vector<16xf32>,
      %get3A_581 = arith.index_cast %add3A_471 : i32 to index
      %get3A_582 = arith.constant 80 : index
      %get3A_583 = tpu.vector_load %arg34[%get3A_581, %get3A_582] {strides = array<i32>} : memref<40x128xf32, #tpu.memory_space<vmem>>, vector<16xf32>,
      %mul3A_584 = vector.broadcast %mul3A_540 : f32 to vector<16xf32>
      %mul3A_585 = arith.mulf %get3A_583, %mul3A_584 : vector<16xf32>
      %swap3A_586 = arith.index_cast %add3A_471 : i32 to index
      %swap3A_587 = arith.constant 80 : index
      %swap3A_588 = tpu.vector_load %arg34[%swap3A_586, %swap3A_587] {strides = array<i32>} : memref<40x128xf32, #tpu.memory_space<vmem>>, vector<16xf32>,
      tpu.vector_store %arg34[%swap3A_586, %swap3A_587], %mul3A_585 {strides = array<i32>} : memref<40x128xf32, #tpu.memory_space<vmem>>, vector<16xf32>,
      %get3A_589 = arith.index_cast %add3A_471 : i32 to index
      %get3A_590 = arith.constant 96 : index
      %get3A_591 = tpu.vector_load %arg34[%get3A_589, %get3A_590] {strides = array<i32>} : memref<40x128xf32, #tpu.memory_space<vmem>>, vector<16xf32>,
      %mul3A_592 = vector.broadcast %mul3A_540 : f32 to vector<16xf32>
      %mul3A_593 = arith.mulf %get3A_591, %mul3A_592 : vector<16xf32>
      %swap3A_594 = arith.index_cast %add3A_471 : i32 to index
      %swap3A_595 = arith.constant 96 : index
      %swap3A_596 = tpu.vector_load %arg34[%swap3A_594, %swap3A_595] {strides = array<i32>} : memref<40x128xf32, #tpu.memory_space<vmem>>, vector<16xf32>,
      tpu.vector_store %arg34[%swap3A_594, %swap3A_595], %mul3A_593 {strides = array<i32>} : memref<40x128xf32, #tpu.memory_space<vmem>>, vector<16xf32>,
      %get3A_597 = arith.index_cast %add3A_471 : i32 to index
      %get3A_598 = arith.constant 112 : index
      %get3A_599 = tpu.vector_load %arg34[%get3A_597, %get3A_598] {strides = array<i32>} : memref<40x128xf32, #tpu.memory_space<vmem>>, vector<16xf32>,
      %mul3A_600 = vector.broadcast %mul3A_540 : f32 to vector<16xf32>
      %mul3A_601 = arith.mulf %get3A_599, %mul3A_600 : vector<16xf32>
      %swap3A_602 = arith.index_cast %add3A_471 : i32 to index
      %swap3A_603 = arith.constant 112 : index
      %swap3A_604 = tpu.vector_load %arg34[%swap3A_602, %swap3A_603] {strides = array<i32>} : memref<40x128xf32, #tpu.memory_space<vmem>>, vector<16xf32>,
      tpu.vector_store %arg34[%swap3A_602, %swap3A_603], %mul3A_601 {strides = array<i32>} : memref<40x128xf32, #tpu.memory_space<vmem>>, vector<16xf32>,
    }
    %scan3A_317 = arith.constant 20 : i32
    %dma_start3A_318 = arith.constant 0 : i32
    %dma_start3A_319 = arith.constant 0 : i32
    %dma_start3A_320 = tpu.memref_slice %arg35[%dma_start3A_318, %dma_start3A_319] : memref<10000x128xf32, #tpu.memory_space<vmem_shared>> -> memref<10000x128xf32, #tpu.memory_space<vmem_shared>>
    tpu.enqueue_indirect_dma source(%arg34 : memref<40x128xf32, #tpu.memory_space<vmem>>) target(%dma_start3A_320 : memref<10000x128xf32, #tpu.memory_space<vmem_shared>>) offsets(%arg20 : memref<40xi32, #tpu.memory_space<vmem>>) semaphore(%arg47 : memref<!tpu.dma_semaphore, #tpu.memory_space<semaphore_mem>>) {add = true}
    %dma_wait3A_321 = arith.constant 0 : i32
    %dma_wait3A_322 = arith.constant 0 : i32
    %dma_wait3A_323 = tpu.memref_slice %arg35[%dma_wait3A_321, %dma_wait3A_322] : memref<10000x128xf32, #tpu.memory_space<vmem_shared>> -> memref<10000x128xf32, #tpu.memory_space<vmem_shared>>
    tpu.wait_indirect_dma semaphore(%arg45 : memref<!tpu.dma_semaphore, #tpu.memory_space<semaphore_mem>>) src(%arg28 : memref<40x128xf32, #tpu.memory_space<vmem>>) dst(%dma_wait3A_323 : memref<10000x128xf32, #tpu.memory_space<vmem_shared>>)
    %dma_wait3A_324 = arith.constant 0 : i32
    %dma_wait3A_325 = arith.constant 0 : i32
    %dma_wait3A_326 = tpu.memref_slice %arg35[%dma_wait3A_324, %dma_wait3A_325] : memref<10000x128xf32, #tpu.memory_space<vmem_shared>> -> memref<10000x128xf32, #tpu.memory_space<vmem_shared>>
    tpu.wait_indirect_dma semaphore(%arg47 : memref<!tpu.dma_semaphore, #tpu.memory_space<semaphore_mem>>) src(%arg34 : memref<40x128xf32, #tpu.memory_space<vmem>>) dst(%dma_wait3A_326 : memref<10000x128xf32, #tpu.memory_space<vmem_shared>>)
    %barrier3A_327 = arith.constant 0 : index
    tpu.barrier barrier_id(%barrier3A_327)
    "tpu.region"() ({
      %run_scoped3A = tpu.sem_alloc : memref<!tpu.dma_semaphore, #tpu.memory_space<semaphore_mem>>
      %dma_start3A_333 = arith.constant 0 : i32
      %dma_start3A_334 = arith.constant 0 : i32
      %dma_start3A_335 = tpu.memref_slice %arg10[%arg0, %dma_start3A_333, %dma_start3A_334] : memref<2x10000x128xf32, #tpu.memory_space<hbm>> -> memref<1x10000x128xf32, #tpu.memory_space<hbm>>
      %dma_start3A_336 = tpu.memref_squeeze %dma_start3A_335 : memref<1x10000x128xf32, #tpu.memory_space<hbm>> -> memref<10000x128xf32, #tpu.memory_space<hbm>>
      %dma_start3A_337 = arith.constant 0 : i32
      %dma_start3A_338 = tpu.memref_slice %dma_start3A_336[%mul3A_9, %dma_start3A_337] : memref<10000x128xf32, #tpu.memory_space<hbm>> -> memref<624x128xf32, #tpu.memory_space<hbm>>
      %dma_start3A_339 = arith.constant 0 : i32
      %dma_start3A_340 = tpu.memref_slice %arg35[%mul3A_9, %dma_start3A_339] : memref<10000x128xf32, #tpu.memory_space<vmem_shared>> -> memref<624x128xf32, #tpu.memory_space<vmem_shared>>
      tpu.enqueue_dma source(%dma_start3A_340 : memref<624x128xf32, #tpu.memory_space<vmem_shared>>) target(%dma_start3A_338 : memref<624x128xf32, #tpu.memory_space<hbm>>) target_semaphore(%run_scoped3A : memref<!tpu.dma_semaphore, #tpu.memory_space<semaphore_mem>>)
      %dma_wait3A_341 = arith.constant 0 : i32
      %dma_wait3A_342 = arith.constant 0 : i32
      %dma_wait3A_343 = tpu.memref_slice %arg10[%arg0, %dma_wait3A_341, %dma_wait3A_342] : memref<2x10000x128xf32, #tpu.memory_space<hbm>> -> memref<1x10000x128xf32, #tpu.memory_space<hbm>>
      %dma_wait3A_344 = tpu.memref_squeeze %dma_wait3A_343 : memref<1x10000x128xf32, #tpu.memory_space<hbm>> -> memref<10000x128xf32, #tpu.memory_space<hbm>>
      %dma_wait3A_345 = arith.constant 0 : i32
      %dma_wait3A_346 = tpu.memref_slice %dma_wait3A_344[%mul3A_9, %dma_wait3A_345] : memref<10000x128xf32, #tpu.memory_space<hbm>> -> memref<624x128xf32, #tpu.memory_space<hbm>>
      %dma_wait3A_347 = arith.constant 0 : i32
      %dma_wait3A_348 = tpu.memref_slice %arg35[%mul3A_9, %dma_wait3A_347] : memref<10000x128xf32, #tpu.memory_space<vmem_shared>> -> memref<624x128xf32, #tpu.memory_space<vmem_shared>>
      tpu.wait_dma2 semaphore(%run_scoped3A : memref<!tpu.dma_semaphore, #tpu.memory_space<semaphore_mem>>) src(%dma_wait3A_348 : memref<624x128xf32, #tpu.memory_space<vmem_shared>>) dst(%dma_wait3A_346 : memref<624x128xf32, #tpu.memory_space<hbm>>)
      tpu.yield
    }) : () -> ()
    %eq3A_328 = arith.constant 15 : i32
    %eq3A_329 = arith.cmpi eq, %arg1, %eq3A_328 : i32
    %convert_element_type3A_330 = arith.extui %eq3A_329 : i1 to i32
    %cond3A_331 = arith.constant 0 : i32
    %cond3A_332 = arith.cmpi ne, %convert_element_type3A_330, %cond3A_331 : i32
    scf.if %cond3A_332 {
      "tpu.region"() ({
        %run_scoped3A = tpu.sem_alloc : memref<!tpu.dma_semaphore, #tpu.memory_space<semaphore_mem>>
        %dma_start3A_333 = arith.constant 0 : i32
        %dma_start3A_334 = arith.constant 0 : i32
        %dma_start3A_335 = tpu.memref_slice %arg10[%arg0, %dma_start3A_333, %dma_start3A_334] : memref<2x10000x128xf32, #tpu.memory_space<hbm>> -> memref<1x10000x128xf32, #tpu.memory_space<hbm>>
        %dma_start3A_336 = tpu.memref_squeeze %dma_start3A_335 : memref<1x10000x128xf32, #tpu.memory_space<hbm>> -> memref<10000x128xf32, #tpu.memory_space<hbm>>
        %dma_start3A_337 = arith.constant 9984 : i32
        %dma_start3A_338 = arith.constant 0 : i32
        %dma_start3A_339 = tpu.memref_slice %dma_start3A_336[%dma_start3A_337, %dma_start3A_338] : memref<10000x128xf32, #tpu.memory_space<hbm>> -> memref<16x128xf32, #tpu.memory_space<hbm>>
        %dma_start3A_340 = arith.constant 9984 : i32
        %dma_start3A_341 = arith.constant 0 : i32
        %dma_start3A_342 = tpu.memref_slice %arg35[%dma_start3A_340, %dma_start3A_341] : memref<10000x128xf32, #tpu.memory_space<vmem_shared>> -> memref<16x128xf32, #tpu.memory_space<vmem_shared>>
        tpu.enqueue_dma source(%dma_start3A_342 : memref<16x128xf32, #tpu.memory_space<vmem_shared>>) target(%dma_start3A_339 : memref<16x128xf32, #tpu.memory_space<hbm>>) target_semaphore(%run_scoped3A : memref<!tpu.dma_semaphore, #tpu.memory_space<semaphore_mem>>)
        %dma_wait3A_343 = arith.constant 0 : i32
        %dma_wait3A_344 = arith.constant 0 : i32
        %dma_wait3A_345 = tpu.memref_slice %arg10[%arg0, %dma_wait3A_343, %dma_wait3A_344] : memref<2x10000x128xf32, #tpu.memory_space<hbm>> -> memref<1x10000x128xf32, #tpu.memory_space<hbm>>
        %dma_wait3A_346 = tpu.memref_squeeze %dma_wait3A_345 : memref<1x10000x128xf32, #tpu.memory_space<hbm>> -> memref<10000x128xf32, #tpu.memory_space<hbm>>
        %dma_wait3A_347 = arith.constant 9984 : i32
        %dma_wait3A_348 = arith.constant 0 : i32
        %dma_wait3A_349 = tpu.memref_slice %dma_wait3A_346[%dma_wait3A_347, %dma_wait3A_348] : memref<10000x128xf32, #tpu.memory_space<hbm>> -> memref<16x128xf32, #tpu.memory_space<hbm>>
        %dma_wait3A_350 = arith.constant 9984 : i32
        %dma_wait3A_351 = arith.constant 0 : i32
        %dma_wait3A_352 = tpu.memref_slice %arg35[%dma_wait3A_350, %dma_wait3A_351] : memref<10000x128xf32, #tpu.memory_space<vmem_shared>> -> memref<16x128xf32, #tpu.memory_space<vmem_shared>>
        tpu.wait_dma2 semaphore(%run_scoped3A : memref<!tpu.dma_semaphore, #tpu.memory_space<semaphore_mem>>) src(%dma_wait3A_352 : memref<16x128xf32, #tpu.memory_space<vmem_shared>>) dst(%dma_wait3A_349 : memref<16x128xf32, #tpu.memory_space<hbm>>)
        tpu.yield
      }) : () -> ()
    } else {
    }
    return
  }
}

</mosaic_0001>

<sc_bundles>
// kernel: _sc_edge.3.cloned.1.call-start
scs
__scs_entry_jumppad:
0x0: {  	(pc) =	sbr.rel $0x88, $3  }
0x1: {  	(tag) =	ssettag $0x0;
	lr =	simm.s32 $0x1  }
0x2: {  	[smem:$0x3F99] =	sst lr;
	_ =	strace $0xD0000000  }
0x3: {  	_ = 	snop  }
0x4: {  	_ = 	snop  }
0x5: {  	_ = 	snop  }
0x6: {  	_ = 	snop  }
0x7: {  	_ = 	snop  }
__scs_overlays_trampoline_lowered:
0x8: {  	[smem:$0x3FA8] =	sst s0  }
0x9: {  	[smem:$0x3FA9] =	sst s1  }
0xa: {  	[smem:$0x3FAA] =	sst s2  }
0xb: {  	[smem:$0x3FAB] =	sst s3  }
0xc: {  	[smem:$0x3FAC] =	sst s4  }
0xd: {  	[smem:$0x3FAD] =	sst s5  }
0xe: {  	[smem:$0x3FAE] =	sst s6  }
0xf: {  	[smem:$0x3FAF] =	sst s7  }
0x10: {  	[smem:$0x3FB0] =	sst s8  }
0x11: {  	[smem:$0x3FB1] =	sst s9;
	s0 =	simm.s32 @!p0 $0x0  }
0x12: {  	s1 =	sld [smem:$0x3F97];
	s0 =	simm.s32 @p0 $0x1  }
0x13: {  	[smem:$0x3FB2] =	sst s0;
	s0 =	simm.s32 @!p1 $0x0  }
0x14: {  	s2 =	sld [smem:$0x3F96];
	s0 =	simm.s32 @p1 $0x1  }
0x15: {  	[smem:$0x3FB3] =	sst s0;
	s0 =	simm.s32 @!p2 $0x0  }
0x16: {  	s3 =	sld [smem:$0x3FDB];
	s0 =	simm.s32 @p2 $0x1  }
0x17: {  	s4 =	simm.s32 $0x1BF5;
	[smem:$0x3FB5] =	sst s0  }
0x18: {  	s0 =	sld [smem:$0x3F98];
	_ =	swait.ge [sflag:s4], $0x0  }
0x19: {  	s7 =	sld [smem:$0x3F99]  }
0x1a: {  	s8 =	sadd.s32 $0xFFFFE003, lr  }
0x1b: {  	s9 =	sadd.s32 $0xFFFFFEF7, lr;
	s5 =	simm.s32 $0xFFFFFFFF;
	p2 =	slt.u32 s8, $0xFFFFF086  }
0x1c: {  	p1 =	slt.u32 s9, $0xF7A;
	s5 =	simm.s32 @!p2 $0x0  }
0x1d: {  	s5 =	simm.s32 @p1 $0x1;
	p0 =	seq.s32 s7, s2  }
0x1e: {  	s7 =	smul.u32 @!p0 $0xF7A, s2;
	p2 =	seq.s32 @!p0 s5, $0x0  }
0x1f: {  	s9 =	smul.u32 $0xF7A, s1;
	s8 =	simm.s32 @!p0 $0x1BF5;
	p2 =	por !p2, p0  }
0x20: {  	[sflag:s8] =	ssyncset.s32 @!p0 $0xFFFFF086;
	s6 =	sadd.s32 @!p0 s3, s7;
	s7 =	simm.s32 @!p0 $0x108  }
0x21: {  	s3 =	sadd.s32 s3, s9;
	s6 =	sadd.s32 @!p0 $0x88, s6;
	s7 =	simm.s32 @p2 $0x1082  }
0x22: {  	[simem:s7], [sflag:s8] =	dma.local @!p0 [hbm:s6], $0xF7A  }
0x23: {  	s9 =	sor.u32 $0xD0000000, s2;
	s6 =	simm.s32 $0x108;
	_ =	swait.ge @!p0 [sflag:s8], $0x0  }
0x24: {  	s3 =	sadd.s32 $0x88, s3;
	s6 =	simm.s32 @!p1 $0x1082;
	[sflag:s4] =	ssyncset.s32 $0xFFFFF086  }
0x25: {  	[simem:s6], [sflag:s4] =	dma.local [hbm:s3], $0xF7A  }
0x26: {  	[smem:$0x3F99] =	sst s1;
	(tag) =	ssettag s2;
	_ =	strace s9  }
0x27: {  	s1 =	sld [smem:$0x3FA9]  }
0x28: {  	s2 =	sld [smem:$0x3FAA]  }
0x29: {  	s4 =	sld [smem:$0x3FAC]  }
0x2a: {  	p0 =	seq.s32 s5, $0x0;
	s5 =	sld [smem:$0x3FAD]  }
0x2b: {  	s6 =	sld [smem:$0x3FAE]  }
0x2c: {  	s7 =	sld [smem:$0x3FAF]  }
0x2d: {  	s3 =	simm.s32 $0x108;
	s8 =	sld [smem:$0x3FB0]  }
0x2e: {  	s3 =	simm.s32 @!p0 $0x1082;
	s9 =	sld [smem:$0x3FB1]  }
0x2f: {  	lr =	sadd.s32 s0, s3;
	s0 =	sld [smem:$0x3FA8]  }
0x30: {  	s3 =	sld [smem:$0x3FAB]  }
0x31: {  	[smem:$0x3FB4] =	sst s10  }
0x32: {  	s10 =	sld [smem:$0x3FB2];
	_ =	sdelay $0x3  }
0x33: {  	p0 =	seq.s32 s10, $0x1;
	s10 =	sld [smem:$0x3FB4];
	_ =	sdelay $0x3  }
0x34: {  	[smem:$0x3FB4] =	sst s10  }
0x35: {  	s10 =	sld [smem:$0x3FB3];
	_ =	sdelay $0x3  }
0x36: {  	p1 =	seq.s32 s10, $0x1;
	s10 =	sld [smem:$0x3FB4];
	_ =	sdelay $0x3  }
0x37: {  	[smem:$0x3FB4] =	sst s10  }
0x38: {  	s10 =	sld [smem:$0x3FB5]  }
0x39: {  	_ = 	snop;
	(pc) =	sbr.ind lr, $3  }
0x3a: {  	_ = 	snop  }
0x3b: {  	_ = 	snop  }
0x3c: {  	p2 =	seq.s32 s10, $0x1;
	s10 =	sld [smem:$0x3FB4]  }
0x3d: {  	_ =	shalt  }
0x3e: {  	_ =	shalt  }
0x3f: {  	_ =	shalt  }
0x40: {  	_ =	shalt  }
0x41: {  	_ =	shalt  }
0x42: {  	_ =	shalt  }
0x43: {  	_ =	shalt  }
0x44: {  	_ =	shalt  }
0x45: {  	_ =	shalt  }
0x46: {  	_ =	shalt  }
0x47: {  	_ =	shalt  }
0x48: {  	_ =	shalt  }
0x49: {  	_ =	shalt  }
0x4a: {  	_ =	shalt  }
0x4b: {  	_ =	shalt  }
0x4c: {  	_ =	shalt  }
0x4d: {  	_ =	shalt  }
0x4e: {  	_ =	shalt  }
0x4f: {  	_ =	shalt  }
0x50: {  	_ =	shalt  }
0x51: {  	_ =	shalt  }
0x52: {  	_ =	shalt  }
0x53: {  	_ =	shalt  }
0x54: {  	_ =	shalt  }
0x55: {  	_ =	shalt  }
0x56: {  	_ =	shalt  }
0x57: {  	_ =	shalt  }
0x58: {  	_ =	shalt  }
0x59: {  	_ =	shalt  }
0x5a: {  	_ =	shalt  }
0x5b: {  	_ =	shalt  }
0x5c: {  	_ =	shalt  }
0x5d: {  	_ =	shalt  }
0x5e: {  	_ =	shalt  }
0x5f: {  	_ =	shalt  }
0x60: {  	_ =	shalt  }
0x61: {  	_ =	shalt  }
0x62: {  	_ =	shalt  }
0x63: {  	_ =	shalt  }
0x64: {  	_ =	shalt  }
0x65: {  	_ =	shalt  }
0x66: {  	_ =	shalt  }
0x67: {  	_ =	shalt  }
0x68: {  	_ =	shalt  }
0x69: {  	_ =	shalt  }
0x6a: {  	_ =	shalt  }
0x6b: {  	_ =	shalt  }
0x6c: {  	_ =	shalt  }
0x6d: {  	_ =	shalt  }
0x6e: {  	_ =	shalt  }
0x6f: {  	_ =	shalt  }
0x70: {  	_ =	shalt  }
0x71: {  	_ =	shalt  }
0x72: {  	_ =	shalt  }
0x73: {  	_ =	shalt  }
0x74: {  	_ =	shalt  }
0x75: {  	_ =	shalt  }
0x76: {  	_ =	shalt  }
0x77: {  	_ =	shalt  }
0x78: {  	_ =	shalt  }
0x79: {  	_ =	shalt  }
0x7a: {  	_ =	shalt  }
0x7b: {  	_ =	shalt  }
0x7c: {  	_ =	shalt  }
0x7d: {  	_ =	shalt  }
0x7e: {  	_ =	shalt  }
0x7f: {  	_ =	shalt  }
0x80: {  	_ =	shalt  }
0x81: {  	_ =	shalt  }
0x82: {  	_ =	shalt  }
0x83: {  	_ =	shalt  }
0x84: {  	_ =	shalt  }
0x85: {  	_ =	shalt  }
0x86: {  	_ =	shalt  }
0x87: {  	_ =	shalt  }
.Lfunc_end0:
.L_simem_size_0:
called_computation_lowered:
.L_overlay_start_0:
0x88: {  	s2 =	sld [smem:$0x3FD9]  }
0x89: {  	s3 =	sld [smem:$0x3FFE];
	_ =	sdelay $0x1  }
0x8a: {  	s1 =	srdreg.scid  }
0x8b: {  	s0 =	sand.u32 $0x1, s1  }
0x8c: {  	s18 =	sshll.u32 s0, $0xA;
	s2 =	sadd.s32 s3, s2  }
0x8d: {  	s2 =	sadd.s32 s2, s18  }
0x8e: {  	[smem:$0x3FC0] =	sst s2  }
0x8f: {  	_ = 	snop  }
0x90: {  	s2 =	sld [smem:$0x3FC9]  }
0x91: {  	s19 =	sld [smem:$0x3FC8]  }
0x92: {  	s4 =	sld [smem:$0x3FC7]  }
0x93: {  	s5 =	sld [smem:$0x3FC6]  }
0x94: {  	s6 =	sld [smem:$0x3FC5]  }
0x95: {  	s7 =	sld [smem:$0x3FC4]  }
0x96: {  	s8 =	sld [smem:$0x3FC3]  }
0x97: {  	s9 =	sld [smem:$0x3FC2]  }
0x98: {  	s10 =	sld [smem:$0x3FD0];
	(tm) =	ssettm $0x1  }
0x99: {  	s11 =	sld [smem:$0x3FFB];
	_ =	sdelay $0x3  }
0x9a: {  	_ =	strace s11  }
0x9b: {  	s11 =	sld [smem:$0x3FFC];
	_ =	sdelay $0x3  }
0x9c: {  	_ =	strace s11  }
0x9d: {  	s11 =	sld [smem:$0x3FFD];
	_ =	sdelay $0x3  }
0x9e: {  	_ =	strace s11  }
0x9f: {  	_ =	strace $0x8FFFFFFF  }
0xa0: {  	s20 =	sld [smem:$0x3FDB];
	_ =	sdelay $0x1  }
0xa1: {  	s12 =	simm.s32 $_scs_section_size  }
0xa2: {  	s13 =	simm.s32 $_size__tile_overlayer_lowered;
	s14 =	simm.s32 $_tile_overlayer_lowered  }
0xa3: {  	s23 =	simm.s32 $0x1BFF;
	s22 =	sshll.u32 s14, $0x1;
	s11 =	sadd.s32 s12, s20  }
0xa4: {  	s15 =	simm.s32 $0x0;
	s21 =	sshll.u32 s13, $0x1;
	s13 =	sadd.s32 s22, s11  }
0xa5: {  	[timem:s15], [sflag:s23] =	dma.local [hbm:s13], s21  }
0xa6: {  	_ =	swait.ge [sflag:s23], s21  }
0xa7: {  	s12 =	ssub.s32 $0x0, s21;
	[sflag:s23] =	ssyncset.done $0x0  }
0xa8: {  	[sflag:s23] =	ssyncadd.s32 s12;
	_ =	sdelay $0x1  }
0xa9: {  	s24 =	simm.s32 $0x1B8B  }
0xaa: {  	_ =	swait.ge [sflag:s24], $0x1  }
0xab: {  	[sflag:s24] =	ssyncset.done $0x0  }
0xac: {  	s25 =	simm.s32 $0x1B8E;
	[sflag:s24] =	ssyncadd.s32 $0xFFFFFFFF  }
0xad: {  	s26 =	simm.s32 $execute0_lowered;
	[smem:$0x3FD2] =	sst s25  }
0xae: {  	s12 =	sshll.u32 s26, $0x1;
	_ =	strace $0x80000046;
	[dreg:$0x1] =	wrdreg $0xFFFFFFFF  }
0xaf: {  	s28 =	simm.s32 $_size_execute0_lowered;
	s11 =	sadd.s32 s11, s12;
	[dreg:$0x0] =	wrdreg $0x0  }
0xb0: {  	s12 =	sshll.u32 s28, $0x1;
	[dreg:$0x2] =	wrdreg s11  }
0xb1: {  	[dreg:$0x3] =	wrdreg s12  }
0xb2: {  	[dreg:$0x4] =	wrdreg $0xC0  }
0xb3: {  	_ =	task [dreg:s15], $0x5FFFF  }
0xb4: {  	[dreg:$0x1] =	wrdreg $0xFFFFFFFF  }
0xb5: {  	[dreg:$0x0] =	wrdreg $0x60  }
0xb6: {  	[dreg:$0x2] =	wrdreg s2  }
0xb7: {  	[dreg:$0x3] =	wrdreg s19  }
0xb8: {  	[dreg:$0x4] =	wrdreg s4  }
0xb9: {  	[dreg:$0x5] =	wrdreg s5  }
0xba: {  	[dreg:$0x6] =	wrdreg s6  }
0xbb: {  	[dreg:$0x7] =	wrdreg s7  }
0xbc: {  	[dreg:$0x8] =	wrdreg s8  }
0xbd: {  	[dreg:$0x9] =	wrdreg s9  }
0xbe: {  	[dreg:$0xa] =	wrdreg s10  }
0xbf: {  	[dreg:$0xb] =	wrdreg $0xA8000  }
0xc0: {  	[dreg:$0xc] =	wrdreg $0x9  }
0xc1: {  	_ =	task.clear_ibuf [dreg:s15], $0xDFFFF;
	_ =	strace $0x90000046  }
0xc2: {  	s29 =	simm.s32 $0x9;
	_ =	strace $0x80000048  }
0xc3: {  	_ =	swait.ge [sflag:s29], $0x1  }
0xc4: {  	[sflag:s29] =	ssyncadd.s32 $0xFFFFFFFF  }
0xc5: {  	_ =	strace $0x90000048  }
0xc6: {  	_ =	sfence  }
0xc7: {  	s30 =	sld [smem:$0x0];
	_ =	sdelay $0x2  }
0xc8: {  	s31 =	sshll.u32 s1, $0xD;
	s1 =	sshrl.u32 s1, $0x2  }
0xc9: {  	s3 =	sand.u32 $0x4000, s31;
	s1 =	sadd.s32 s1, s30  }
0xca: {  	s0 =	sor.u32 s3, s0;
	s1 =	sshll.u32 s1, $0x11  }
0xcb: {  	s0 =	sor.u32 s1, s0  }
0xcc: {  	s0 =	sadd.s32 $0x8F2B, s0  }
0xcd: {  	[sflag:s0] =	ssyncadd.remote.s32 $0x1  }
0xce: {  	_ =	sfence.sel $0xFFFF  }
0xcf: {  	[dreg:$0x0] =	wrdreg $0xFFFFFFFF;
	(pc) =	sbr.abs _section_cstart, $3  }
0xd0: {  	[dreg:$0x1] =	wrdreg $0xFFFFFFFF  }
0xd1: {  	_ =	task.clear_ibuf [dreg:s15], $0x2FFFF;
	_ =	strace $0x9FFFFFFF  }
0xd2: {  	(tm) =	ssettm $0x7FFFFFFF  }
0xd3: {  	_ =	shalt  }
tec
execute0_lowered:
.L_overlay_start_1:
0x0: {  	(tag) =	ssettag $0x1  }
0x1: {  	s1 =	rddreg [dreg:$0x4]  }
0x2: {  	s17 =	rddreg [dreg:$0x5]  }
0x3: {  	s18 =	rddreg [dreg:$0x6]  }
0x4: {  	s19 =	rddreg [dreg:$0x7];
	s5 =	srdreg.scid  }
0x5: {  	s16 =	stileid.u32;
	s9 =	rddreg [dreg:$0x8]  }
0x6: {  	s5 =	sand.u32 $0x1, s5;
	s11 =	sshll.u32 s16, $0x1;
	s14 =	smul.u32 $0x4E000, s16  }
0x7: {  	s12 =	sor.u32 s5, s11;
	s13 =	ssub.s32 $0x2, s5;
	s5 =	smul.u32 $0x27100, s5  }
0x8: {  	s10 =	rddreg [dreg:$0x9];
	s11 =	simm.s32 $0x0;
	s12 =	smul.u32 $0x2710, s12  }
0x9: {  	[smem:$0x7FF] =	sst s11;
	s14 =	sshrl.u32 s14, $0x2;
	s24 =	sadd.s32 s9, s5  }
0xa: {  	_ =	strace $0x80000047;
	s25 =	sadd.s32 s14, s10;
	[dreg:$0x15] =	wrdreg s24  }
0xb: {  	s23 =	sadd.s32 $0x50, s12;
	[dreg:$0xb] =	wrdreg s25  }
0xc: {  	s2 =	sadd.s32 $0xA0, s12;
	[dreg:$0x14] =	wrdreg s23  }
0xd: {  	s26 =	smul.u32 $0x2700, s16;
	s3 =	sadd.s32 $0xC8, s12;
	[dreg:$0x17] =	wrdreg s2  }
0xe: {  	p0 =	sne.s32 s16, $0xF;
	s9 =	sadd.s32 $0x1400, s25;
	[dreg:$0x18] =	wrdreg s3  }
0xf: {  	s4 =	sshrl.u32 s12, $0x3;
	s16 =	sadd.s32 $0x7800, s25;
	[dreg:$0x1b] =	wrdreg s9  }
0x10: {  	s0 =	sadd.s32 s1, s4;
	[smem:$0x7F3] =	sst s16  }
0x11: {  	s15 =	sshrl.u32 s13, $0x1;
	s7 =	sadd.s32 s17, s4;
	[dreg:$0xc] =	wrdreg s0  }
0x12: {  	s13 =	ssub.s32 s13, s15;
	s8 =	sadd.s32 s18, s4;
	[dreg:$0xd] =	wrdreg s7  }
0x13: {  	s6 =	sadd.s32 $0x28, s12;
	s15 =	sadd.s32 s19, s4;
	[dreg:$0xe] =	wrdreg s8  }
0x14: {  	s14 =	sshrl.u32 s6, $0x3;
	s6 =	smax.u32 s13, $0x1;
	[dreg:$0xf] =	wrdreg s15  }
0x15: {  	s13 =	sadd.s32 $0x3C00, s25;
	[dreg:$0x19] =	wrdreg s6  }
0x16: {  	s23 =	sadd.s32 $0x10400, s25;
	[dreg:$0x1d] =	wrdreg s13  }
0x17: {  	s20 =	sadd.s32 s1, s14;
	[smem:$0x7FA] =	sst s23  }
0x18: {  	s30 =	simm.s32 $0x800;
	s21 =	sadd.s32 s17, s14;
	[dreg:$0x10] =	wrdreg s20  }
0x19: {  	s31 =	simm.s32 $0x5;
	s22 =	sadd.s32 s18, s14;
	[dreg:$0x11] =	wrdreg s21  }
0x1a: {  	s28 =	simm.s32 $0x8000;
	s4 =	sadd.s32 s19, s14;
	[dreg:$0x12] =	wrdreg s22  }
0x1b: {  	s29 =	simm.s32 $0xB;
	s1 =	sadd.s32 $0x78, s12;
	[dreg:$0x13] =	wrdreg s4  }
0x1c: {  	s2 =	simm.s32 $0x680;
	s12 =	sadd.s32 $0x2800, s25;
	[dreg:$0x16] =	wrdreg s1  }
0x1d: {  	s3 =	simm.s32 $0x700;
	s14 =	sadd.s32 $0x5000, s25;
	[dreg:$0x1c] =	wrdreg s12  }
0x1e: {  	s7 =	smov.u32 s17;
	s15 =	sadd.s32 $0x6400, s25;
	[dreg:$0x1e] =	wrdreg s14  }
0x1f: {  	s8 =	smov.u32 s18;
	s17 =	sadd.s32 $0x8C00, s25;
	[dreg:$0x1f] =	wrdreg s15  }
0x20: {  	s0 =	smov.u32 s19;
	s18 =	sadd.s32 $0xA000, s25;
	[smem:$0x7F4] =	sst s17  }
0x21: {  	s19 =	sadd.s32 $0xB400, s25;
	s13 =	sadd.s32 $0x138000, s10;
	[smem:$0x7F5] =	sst s18  }
0x22: {  	s23 =	simm.s32 $0x1C00;
	s6 =	simm.s32 $0x780;
	[smem:$0x7F6] =	sst s19  }
0x23: {  	s4 =	sadd.s32 s26, s24;
	s20 =	sadd.s32 $0xC800, s25;
	[smem:$0x7FD] =	sst s13  }
0x24: {  	s21 =	sadd.s32 $0xDC00, s25;
	s22 =	sadd.s32 $0xF000, s25;
	[dreg:$0x1a] =	wrdreg s4  }
0x25: {  	s24 =	sadd.s32 $0x11800, s25;
	s26 =	sadd.s32 $0x12C00, s25;
	[smem:$0x7F7] =	sst s20  }
0x26: {  	s18 =	simm.s32 $0x1;
	s19 =	simm.s32 $0x28;
	[smem:$0x7F8] =	sst s21  }
0x27: {  	s12 =	simm.s32 $0x3;
	s15 =	simm.s32 $0x6;
	[smem:$0x7F9] =	sst s22  }
0x28: {  	s14 =	simm.s32 $0x4;
	s1 =	simm.s32 $0x0;
	[smem:$0x7FB] =	sst s24  }
0x29: {  	[smem:$0x7FC] =	sst s26;
	s22 =	simm.s32 $0x2;
	s21 =	simm.s32 $0x9400  }
0x2a: {  	v0 =	vimm.f32 $0.0e+00;
	s20 =	simm.s32 $0x7;
	s26 =	simm.s32 $0x9;
	s24 =	simm.s32 $0x8  }
.LBB2_1:
0x2b: {  	[smem:$0x7F2] =	sst s1;
	s5 =	simm.s32 $0x0;
	s9 =	simm.s32 $0x200  }
.LBB2_2:
0x2c: {  	p1 =	sne.s32 s9, $0x4E00;
	[tilespmem:s5+$0x870] =	vst v0  }
0x2d: {  	[tilespmem:s5+$0x800] =	vst v0  }
0x2e: {  	[tilespmem:s5+$0x810] =	vst v0  }
.Ltmp0:
0x2f: {  	[tilespmem:s5+$0x820] =	vst v0;
	(pc) =	sbr.rel @p1 .LBB2_2-.Ltmp0, $4  }
0x30: {  	[tilespmem:s5+$0x830] =	vst v0  }
0x31: {  	[tilespmem:s5+$0x840] =	vst v0  }
0x32: {  	[tilespmem:s5+$0x850] =	vst v0  }
0x33: {  	[tilespmem:s5+$0x860] =	vst v0;
	s5 =	sshra.s32 s9, $0x2;
	s9 =	sadd.s32 $0x200, s9  }
0x34: {  	[tilespmem:s5+$0x870] =	vst v0  }
0x35: {  	[tilespmem:s5+$0x800] =	vst v0  }
0x36: {  	[tilespmem:s5+$0x810] =	vst v0  }
0x37: {  	[tilespmem:s5+$0x820] =	vst v0  }
0x38: {  	[tilespmem:s5+$0x830] =	vst v0  }
0x39: {  	[tilespmem:s5+$0x840] =	vst v0  }
0x3a: {  	[tilespmem:s5+$0x850] =	vst v0  }
0x3b: {  	[tilespmem:s5+$0x860] =	vst v0;
	s4 =	rddreg [dreg:$0x1b]  }
0x3c: {  	[spmem:s25] =	stream.linear.scatter [tilespmem:s30], [sflag:$0x5], $0x1400, $0x38;
	[tilespmem:$0x1E080] =	vst v63  }
0x3d: {  	s1 =	rddreg [dreg:$0x1c]  }
0x3e: {  	[spmem:s4] =	stream.linear.scatter [tilespmem:s30], [sflag:$0x5], $0x1400, $0x38;
	[tilespmem:$0x1E080] =	vst v63  }
0x3f: {  	s5 =	rddreg [dreg:$0x1d]  }
0x40: {  	[spmem:s1] =	stream.linear.scatter [tilespmem:s30], [sflag:$0x5], $0x1400, $0x38;
	[tilespmem:$0x1E080] =	vst v63  }
0x41: {  	s9 =	rddreg [dreg:$0x1e]  }
0x42: {  	[spmem:s5] =	stream.linear.scatter [tilespmem:s30], [sflag:$0x5], $0x1400, $0x38;
	[tilespmem:$0x1E080] =	vst v63  }
0x43: {  	s16 =	rddreg [dreg:$0x1f]  }
0x44: {  	[spmem:s9] =	stream.linear.scatter [tilespmem:s30], [sflag:$0x5], $0x1400, $0x38;
	[tilespmem:$0x1E080] =	vst v63  }
0x45: {  	s17 =	sld [smem:$0x7F3]  }
0x46: {  	[spmem:s16] =	stream.linear.scatter [tilespmem:s30], [sflag:$0x5], $0x1400, $0x38;
	[tilespmem:$0x1E080] =	vst v63  }
0x47: {  	s25 =	sld [smem:$0x7F4]  }
0x48: {  	[spmem:s17] =	stream.linear.scatter [tilespmem:s30], [sflag:$0x5], $0x1400, $0x38;
	[tilespmem:$0x1E080] =	vst v63  }
0x49: {  	s1 =	sld [smem:$0x7F5]  }
0x4a: {  	[spmem:s25] =	stream.linear.scatter [tilespmem:s30], [sflag:$0x5], $0x1400, $0x38;
	[tilespmem:$0x1E080] =	vst v63  }
0x4b: {  	s5 =	sld [smem:$0x7F6]  }
0x4c: {  	[spmem:s1] =	stream.linear.scatter [tilespmem:s30], [sflag:$0x5], $0x1400, $0x38;
	[tilespmem:$0x1E080] =	vst v63  }
0x4d: {  	s9 =	sld [smem:$0x7F7]  }
0x4e: {  	[spmem:s5] =	stream.linear.scatter [tilespmem:s30], [sflag:$0x5], $0x1400, $0x38;
	[tilespmem:$0x1E080] =	vst v63  }
0x4f: {  	s16 =	sld [smem:$0x7F8]  }
0x50: {  	[spmem:s9] =	stream.linear.scatter [tilespmem:s30], [sflag:$0x5], $0x1400, $0x38;
	[tilespmem:$0x1E080] =	vst v63  }
0x51: {  	s17 =	sld [smem:$0x7F9]  }
0x52: {  	[spmem:s16] =	stream.linear.scatter [tilespmem:s30], [sflag:$0x5], $0x1400, $0x38;
	[tilespmem:$0x1E080] =	vst v63  }
0x53: {  	s25 =	sld [smem:$0x7FA]  }
0x54: {  	[spmem:s17] =	stream.linear.scatter [tilespmem:s30], [sflag:$0x5], $0x1400, $0x38;
	[tilespmem:$0x1E080] =	vst v63  }
0x55: {  	s1 =	sld [smem:$0x7FB]  }
0x56: {  	[spmem:s25] =	stream.linear.scatter [tilespmem:s30], [sflag:$0x5], $0x1400, $0x38;
	[tilespmem:$0x1E080] =	vst v63  }
0x57: {  	s5 =	sld [smem:$0x7FC]  }
0x58: {  	[spmem:s1] =	stream.linear.scatter [tilespmem:s30], [sflag:$0x5], $0x1400, $0x38;
	[tilespmem:$0x1E080] =	vst v63  }
0x59: {  	_ = 	snop  }
0x5a: {  	[spmem:s5] =	stream.linear.scatter [tilespmem:s30], [sflag:$0x5], $0xC00, $0x38;
	[tilespmem:$0x1E080] =	vst v63  }
0x5b: {  	_ =	swait.ge [sflag:s31], $0x1400  }
0x5c: {  	[sflag:s31] =	ssyncset.done $0x0  }
0x5d: {  	[sflag:s31] =	ssyncadd.s32 $0xFFFFEC00  }
0x5e: {  	_ =	swait.ge [sflag:s31], $0x1400  }
0x5f: {  	[sflag:s31] =	ssyncset.done $0x0  }
0x60: {  	[sflag:s31] =	ssyncadd.s32 $0xFFFFEC00  }
0x61: {  	_ =	swait.ge [sflag:s31], $0x1400  }
0x62: {  	[sflag:s31] =	ssyncset.done $0x0  }
0x63: {  	[sflag:s31] =	ssyncadd.s32 $0xFFFFEC00  }
0x64: {  	_ =	swait.ge [sflag:s31], $0x1400  }
0x65: {  	[sflag:s31] =	ssyncset.done $0x0  }
0x66: {  	[sflag:s31] =	ssyncadd.s32 $0xFFFFEC00  }
0x67: {  	_ =	swait.ge [sflag:s31], $0x1400  }
0x68: {  	[sflag:s31] =	ssyncset.done $0x0  }
0x69: {  	[sflag:s31] =	ssyncadd.s32 $0xFFFFEC00  }
0x6a: {  	_ =	swait.ge [sflag:s31], $0x1400  }
0x6b: {  	[sflag:s31] =	ssyncset.done $0x0  }
0x6c: {  	[sflag:s31] =	ssyncadd.s32 $0xFFFFEC00  }
0x6d: {  	_ =	swait.ge [sflag:s31], $0x1400  }
0x6e: {  	[sflag:s31] =	ssyncset.done $0x0  }
0x6f: {  	[sflag:s31] =	ssyncadd.s32 $0xFFFFEC00  }
0x70: {  	_ =	swait.ge [sflag:s31], $0x1400  }
0x71: {  	[sflag:s31] =	ssyncset.done $0x0  }
0x72: {  	[sflag:s31] =	ssyncadd.s32 $0xFFFFEC00  }
0x73: {  	_ =	swait.ge [sflag:s31], $0x1400  }
0x74: {  	[sflag:s31] =	ssyncset.done $0x0  }
0x75: {  	[sflag:s31] =	ssyncadd.s32 $0xFFFFEC00  }
0x76: {  	_ =	swait.ge [sflag:s31], $0x1400  }
0x77: {  	[sflag:s31] =	ssyncset.done $0x0  }
0x78: {  	[sflag:s31] =	ssyncadd.s32 $0xFFFFEC00  }
0x79: {  	_ =	swait.ge [sflag:s31], $0x1400  }
0x7a: {  	[sflag:s31] =	ssyncset.done $0x0  }
0x7b: {  	[sflag:s31] =	ssyncadd.s32 $0xFFFFEC00  }
0x7c: {  	_ =	swait.ge [sflag:s31], $0x1400  }
0x7d: {  	[sflag:s31] =	ssyncset.done $0x0  }
0x7e: {  	[sflag:s31] =	ssyncadd.s32 $0xFFFFEC00  }
0x7f: {  	_ =	swait.ge [sflag:s31], $0x1400  }
0x80: {  	[sflag:s31] =	ssyncset.done $0x0  }
0x81: {  	[sflag:s31] =	ssyncadd.s32 $0xFFFFEC00  }
0x82: {  	_ =	swait.ge [sflag:s31], $0x1400  }
0x83: {  	[sflag:s31] =	ssyncset.done $0x0  }
0x84: {  	[sflag:s31] =	ssyncadd.s32 $0xFFFFEC00  }
0x85: {  	_ =	swait.ge [sflag:s31], $0x1400  }
0x86: {  	[sflag:s31] =	ssyncset.done $0x0  }
0x87: {  	[sflag:s31] =	ssyncadd.s32 $0xFFFFEC00  }
0x88: {  	_ =	swait.ge [sflag:s31], $0xC00  }
0x89: {  	[sflag:s31] =	ssyncset.done $0x0  }
0x8a: {  	s5 =	simm.s32 @!p0 $0x800;
	[sflag:s31] =	ssyncadd.s32 $0xFFFFF400  }
0x8b: {  	[spmem:s13] =	stream.linear.scatter @!p0 [tilespmem:s5], [sflag:$0xD], $0x800, $0x38;
	[tilespmem:$0x1E080] =	vst v63  }
0x8c: {  	s5 =	simm.s32 @!p0 $0xD  }
0x8d: {  	_ =	swait.ge @!p0 [sflag:s5], $0x800  }
0x8e: {  	[sflag:s5] =	ssyncset.done @!p0 $0x0  }
0x8f: {  	[sflag:s5] =	ssyncadd.s32 @!p0 $0xFFFFF800  }
0x90: {  	[bflag:$0x0] =	sbarrier.arrive $0xFFFF  }
0x91: {  	s5 =	simm.s32 $0x0;
	s9 =	rddreg [dreg:$0xc]  }
0x92: {  	[tilespmem:s5], [sflag:$0x1] =	stream.linear.gather [hbm4b:s9+s5], $0x28, $0x38;
	[tilespmem:$0x1E080] =	vst v63  }
0x93: {  	s13 =	rddreg [dreg:$0xd];
	s9 =	simm.s32 $0x200  }
0x94: {  	[tilespmem:s9], [sflag:$0x1] =	stream.linear.gather [hbm4b:s13+s5], $0x28, $0x38;
	[tilespmem:$0x1E080] =	vst v63  }
0x95: {  	s16 =	rddreg [dreg:$0xe];
	s9 =	simm.s32 $0x400  }
0x96: {  	[tilespmem:s9], [sflag:$0x1] =	stream.linear.gather [hbm4b:s16+s5], $0x28, $0x38;
	[tilespmem:$0x1E080] =	vst v63  }
0x97: {  	s17 =	rddreg [dreg:$0xf];
	s13 =	simm.s32 $0x600  }
0x98: {  	[tilespmem:s13], [sflag:$0x1] =	stream.linear.gather [hbm4b:s17+s5], $0x28, $0x38;
	[tilespmem:$0x1E080] =	vst v63  }
0x99: {  	s1 =	simm.s32 $0x80;
	s25 =	rddreg [dreg:$0x10]  }
0x9a: {  	[tilespmem:s1], [sflag:$0x2] =	stream.linear.gather [hbm4b:s25+s5], $0x28, $0x38;
	[tilespmem:$0x1E080] =	vst v63  }
0x9b: {  	s16 =	simm.s32 $0x280;
	s1 =	rddreg [dreg:$0x11]  }
0x9c: {  	[tilespmem:s16], [sflag:$0x2] =	stream.linear.gather [hbm4b:s1+s5], $0x28, $0x38;
	[tilespmem:$0x1E080] =	vst v63  }
0x9d: {  	s17 =	rddreg [dreg:$0x12];
	s25 =	simm.s32 $0x480  }
0x9e: {  	[tilespmem:s25], [sflag:$0x2] =	stream.linear.gather [hbm4b:s17+s5], $0x28, $0x38;
	[tilespmem:$0x1E080] =	vst v63  }
0x9f: {  	s1 =	rddreg [dreg:$0x13]  }
0xa0: {  	[tilespmem:s2], [sflag:$0x2] =	stream.linear.gather [hbm4b:s1+s5], $0x28, $0x38;
	[tilespmem:$0x1E080] =	vst v63  }
0xa1: {  	_ =	swait.ge [sflag:s18], $0x28  }
0xa2: {  	[sflag:s18] =	ssyncset.done $0x0  }
0xa3: {  	[sflag:s18] =	ssyncadd.s32 $0xFFFFFFD8  }
0xa4: {  	_ =	swait.ge [sflag:s18], $0x28  }
0xa5: {  	[sflag:s18] =	ssyncset.done $0x0  }
0xa6: {  	[sflag:s18] =	ssyncadd.s32 $0xFFFFFFD8  }
0xa7: {  	_ =	swait.ge [sflag:s18], $0x28  }
0xa8: {  	[sflag:s18] =	ssyncset.done $0x0  }
0xa9: {  	[sflag:s18] =	ssyncadd.s32 $0xFFFFFFD8  }
0xaa: {  	_ =	swait.ge [sflag:s18], $0x28  }
0xab: {  	[sflag:s18] =	ssyncset.done $0x0  }
0xac: {  	[sflag:s18] =	ssyncadd.s32 $0xFFFFFFD8  }
0xad: {  	s4 =	simm.s32 $0x3000;
	s2 =	rddreg [dreg:$0x1]  }
0xae: {  	[tilespmem:s4], [sflag:$0x7] =	stream.indirect.gather [hbm4b:s2+s19], $0x80, s9, s19, $0xb8;
	[tilespmem:$0x1E080] =	vst v63  }
0xaf: {  	s16 =	simm.s32 $0x5800;
	s9 =	rddreg [dreg:$0x2]  }
0xb0: {  	[tilespmem:s16], [sflag:$0x7] =	stream.indirect.gather [hbm4b:s9+s19], $0x80, s13, s19, $0xb8;
	[tilespmem:$0x1E080] =	vst v63  }
0xb1: {  	s17 =	rddreg [dreg:$0x3]  }
0xb2: {  	[tilespmem:s28], [sflag:$0x7] =	stream.indirect.gather [hbm4b:s17+s19], $0x80, s13, s19, $0xb8;
	[tilespmem:$0x1E080] =	vst v63  }
0xb3: {  	s1 =	simm.s32 $0x600;
	s25 =	rddreg [dreg:$0x0]  }
0xb4: {  	[tilespmem:s30], [sflag:$0x5] =	stream.indirect.gather [hbm4b:s25+s19], $0x80, s5, s19, $0xb8;
	[tilespmem:$0x1E080] =	vst v63  }
.LBB2_4:
0xb5: {  	p1 =	seq.s32 s5, $0x0  }
0xb6: {  	s9 =	simm.s32 @!p1 $0xA  }
0xb7: {  	_ =	swait.ge @!p1 [sflag:s9], $0x1400  }
0xb8: {  	[sflag:s9] =	ssyncset.done @!p1 $0x0  }
0xb9: {  	[sflag:s9] =	ssyncadd.s32 @!p1 $0xFFFFEC00;
	s9 =	simm.s32 @!p1 $0xC  }
0xba: {  	_ =	swait.ge @!p1 [sflag:s9], $0x1400  }
0xbb: {  	[sflag:s9] =	ssyncset.done @!p1 $0x0  }
0xbc: {  	[sflag:s9] =	ssyncadd.s32 @!p1 $0xFFFFEC00  }
0xbd: {  	_ =	swait.ge [sflag:s22], $0x28  }
0xbe: {  	[sflag:s22] =	ssyncset.done $0x0  }
0xbf: {  	[sflag:s22] =	ssyncadd.s32 $0xFFFFFFD8  }
0xc0: {  	_ =	swait.ge [sflag:s22], $0x28  }
0xc1: {  	[sflag:s22] =	ssyncset.done $0x0  }
0xc2: {  	[sflag:s22] =	ssyncadd.s32 $0xFFFFFFD8  }
0xc3: {  	_ =	swait.ge [sflag:s22], $0x28  }
0xc4: {  	[sflag:s22] =	ssyncset.done $0x0  }
0xc5: {  	[sflag:s22] =	ssyncadd.s32 $0xFFFFFFD8  }
0xc6: {  	_ =	swait.ge [sflag:s22], $0x28  }
0xc7: {  	[sflag:s22] =	ssyncset.done $0x0  }
0xc8: {  	[sflag:s22] =	ssyncadd.s32 $0xFFFFFFD8  }
0xc9: {  	s4 =	rddreg [dreg:$0x1]  }
0xca: {  	s17 =	simm.s32 $0x480;
	s2 =	simm.s32 $0x4400;
	s9 =	rddreg [dreg:$0x2]  }
0xcb: {  	[tilespmem:s2], [sflag:$0x8] =	stream.indirect.gather [hbm4b:s4+s19], $0x80, s17, s19, $0xb8;
	[tilespmem:$0x1E080] =	vst v63  }
0xcc: {  	s25 =	simm.s32 $0x680;
	s13 =	simm.s32 $0x6C00;
	s16 =	rddreg [dreg:$0x3]  }
0xcd: {  	[tilespmem:s13], [sflag:$0x8] =	stream.indirect.gather [hbm4b:s9+s19], $0x80, s25, s19, $0xb8;
	[tilespmem:$0x1E080] =	vst v63  }
0xce: {  	s13 =	smul.u32 $0xA0, s5;
	s9 =	rddreg [dreg:$0x14]  }
0xcf: {  	[tilespmem:s21], [sflag:$0x8] =	stream.indirect.gather [hbm4b:s16+s19], $0x80, s25, s19, $0xb8;
	[tilespmem:$0x1E080] =	vst v63  }
0xd0: {  	s17 =	rddreg [dreg:$0x0];
	s25 =	simm.s32 $0x80;
	s16 =	sadd.s32 s13, s9  }
0xd1: {  	[tilespmem:s23], [sflag:$0x6] =	stream.indirect.gather [hbm4b:s17+s19], $0x80, s25, s19, $0xb8;
	[tilespmem:$0x1E080] =	vst v63  }
0xd2: {  	s9 =	sshrl.u32 s16, $0x3;
	s17 =	rddreg [dreg:$0x4]  }
0xd3: {  	s25 =	simm.s32 $0x100;
	s16 =	sadd.s32 s17, s9  }
0xd4: {  	[tilespmem:s25], [sflag:$0x3] =	stream.linear.gather [hbm4b:s16+s11], $0x28, $0x38;
	[tilespmem:$0x1E080] =	vst v63  }
0xd5: {  	s17 =	sadd.s32 s7, s9;
	s25 =	simm.s32 $0x300  }
0xd6: {  	[tilespmem:s25], [sflag:$0x3] =	stream.linear.gather [hbm4b:s17+s11], $0x28, $0x38;
	[tilespmem:$0x1E080] =	vst v63  }
0xd7: {  	s4 =	sadd.s32 s8, s9;
	s17 =	simm.s32 $0x500  }
0xd8: {  	[tilespmem:s17], [sflag:$0x3] =	stream.linear.gather [hbm4b:s4+s11], $0x28, $0x38;
	[tilespmem:$0x1E080] =	vst v63  }
0xd9: {  	s9 =	sadd.s32 s0, s9  }
0xda: {  	[tilespmem:s3], [sflag:$0x3] =	stream.linear.gather [hbm4b:s9+s11], $0x28, $0x38;
	[tilespmem:$0x1E080] =	vst v63  }
0xdb: {  	_ =	swait.ge [sflag:s31], $0x1400  }
0xdc: {  	[sflag:s31] =	ssyncset.done $0x0  }
0xdd: {  	s25 =	simm.s32 $0x200;
	[sflag:s31] =	ssyncadd.s32 $0xFFFFEC00  }
0xde: {  	[spmem:s10] =	stream.indirect.scatter.add.f32 [tilespmem:s30], [sflag:$0x9], $0x80, s25, s19, $0xb8;
	[tilespmem:$0x1E080] =	vst v63  }
0xdf: {  	_ =	swait.ge [sflag:s20], $0x1400  }
0xe0: {  	[sflag:s20] =	ssyncset.done $0x0  }
0xe1: {  	[sflag:s20] =	ssyncadd.s32 $0xFFFFEC00  }
0xe2: {  	_ =	swait.ge [sflag:s20], $0x1400  }
0xe3: {  	[sflag:s20] =	ssyncset.done $0x0  }
0xe4: {  	[sflag:s20] =	ssyncadd.s32 $0xFFFFEC00  }
0xe5: {  	_ =	swait.ge [sflag:s20], $0x1400  }
0xe6: {  	[sflag:s20] =	ssyncset.done $0x0  }
0xe7: {  	s17 =	simm.s32 $0xF0;
	[sflag:s20] =	ssyncadd.s32 $0xFFFFEC00  }
0xe8: {  	v1 =	vld [tilespmem:s17+$0x2F80]  }
0xe9: {  	v9 =	vld [tilespmem:s17+$0x2F10]  }
0xea: {  	v10 =	vld [tilespmem:s17+$0x5710]  }
0xeb: {  	v11 =	vld [tilespmem:s17+$0x2F20]  }
0xec: {  	v12 =	vld [tilespmem:s17+$0x5720]  }
0xed: {  	v13 =	vld [tilespmem:s17+$0x2F30]  }
0xee: {  	v14 =	vld [tilespmem:s17+$0x5730]  }
0xef: {  	v15 =	vld [tilespmem:s17+$0x2F40]  }
0xf0: {  	v16 =	vld [tilespmem:s17+$0x5740]  }
0xf1: {  	v7 =	vld [tilespmem:s17+$0x2F50];
	v9 =	vmul.f32 v10, v9;
	v10 =	vmul.f32 v12, v11  }
0xf2: {  	v8 =	vld [tilespmem:s17+$0x5750]  }
0xf3: {  	v5 =	vld [tilespmem:s17+$0x2F60];
	v9 =	vadd.f32 v10, v9;
	v10 =	vmul.f32 v14, v13  }
0xf4: {  	v6 =	vld [tilespmem:s17+$0x5760]  }
0xf5: {  	v3 =	vld [tilespmem:s17+$0x2F70];
	v9 =	vadd.f32 v10, v9;
	v10 =	vmul.f32 v16, v15  }
0xf6: {  	v4 =	vld [tilespmem:s17+$0x5770]  }
0xf7: {  	v2 =	vld [tilespmem:s17+$0x5780];
	v7 =	vmul.f32 v8, v7;
	v9 =	vadd.f32 v10, v9  }
0xf8: {  	v8 =	vld [tilespmem:s17+$0x57A0]  }
0xf9: {  	v5 =	vmul.f32 v6, v5;
	v14 =	vld [tilespmem:s17+$0x2F90];
	v6 =	vadd.f32 v7, v9  }
0xfa: {  	v15 =	vld [tilespmem:s17+$0x5790]  }
0xfb: {  	v3 =	vmul.f32 v4, v3;
	v16 =	vld [tilespmem:s17+$0x2FA0];
	v4 =	vadd.f32 v5, v6  }
0xfc: {  	v12 =	vld [tilespmem:s17+$0x2FB0]  }
0xfd: {  	v1 =	vmul.f32 v2, v1;
	v13 =	vld [tilespmem:s17+$0x57B0];
	v2 =	vadd.f32 v3, v4  }
0xfe: {  	v17 =	vld [tilespmem:s17+$0x2FC0]  }
0xff: {  	v11 =	vld [tilespmem:s17+$0x57C0];
	v1 =	vadd.f32 v1, v2  }
0x100: {  	v7 =	vld [tilespmem:s17+$0x2FD0];
	v8 =	vmul.f32 v8, v16;
	v2 =	vmul.f32 v15, v14  }
0x101: {  	v9 =	vld [tilespmem:s17+$0x57D0];
	(xrf2) =	vadd.scan.msk.f32 $0xffff, v1  }
0x102: {  	v5 =	vld [tilespmem:s17+$0x2FE0];
	v1 =	vmul.f32 v13, v12;
	v2 =	vadd.f32 v8, v2  }
0x103: {  	v6 =	vld [tilespmem:s17+$0x57E0]  }
0x104: {  	v11 =	vmul.f32 v11, v17;
	v3 =	vld [tilespmem:s17+$0x2FF0];
	v1 =	vadd.f32 v1, v2  }
0x105: {  	v4 =	vld [tilespmem:s17+$0x57F0]  }
0x106: {  	v18 =	vld [tilespmem:s17+$0x5800];
	v2 =	vmul.f32 v9, v7;
	v1 =	vadd.f32 v11, v1  }
0x107: {  	s16 =	simm.s32 $0x1F0;
	v10 =	vld [tilespmem:s17+$0x3000]  }
0x108: {  	v19 =	vld [tilespmem:s16+$0x57B0];
	v1 =	vadd.f32 v2, v1;
	v2 =	vmul.f32 v6, v5  }
0x109: {  	v20 =	vld [tilespmem:s16+$0x5720]  }
0x10a: {  	v21 =	vld [tilespmem:s16+$0x2F90];
	v3 =	vmul.f32 v4, v3;
	v6 =	vadd.f32 v2, v1  }
0x10b: {  	v22 =	vld [tilespmem:s16+$0x5790];
	v4, _, _ =	vpop (xrf2)  }
0x10c: {  	v23 =	vld [tilespmem:s16+$0x2FA0];
	v3 =	vadd.f32 v3, v6;
	(v2sf) =	vpush v4, $0xF;
	v4 =	vmul.f32 v18, v10  }
0x10d: {  	v24 =	vld [tilespmem:s16+$0x57A0]  }
0x10e: {  	v25 =	vld [tilespmem:s17+$0x7F10];
	v3 =	vadd.f32 v4, v3  }
0x10f: {  	v26 =	vld [tilespmem:s17+$0x7F20]  }
0x110: {  	v28 =	vld [tilespmem:s17+$0x7F30];
	(xrf2) =	vadd.scan.msk.f32 $0xffff, v3  }
0x111: {  	v55 =	vld [tilespmem:s17+$0x7F40]  }
0x112: {  	v29 =	vld [tilespmem:s17+$0x7F50]  }
0x113: {  	v30 =	vld [tilespmem:s17+$0x7F60]  }
0x114: {  	v31 =	vld [tilespmem:s17+$0x7F70]  }
0x115: {  	v56 =	vld [tilespmem:s17+$0x7F80]  }
0x116: {  	v17 =	vld [tilespmem:s16+$0x5740]  }
0x117: {  	v16 =	vld [tilespmem:s16+$0x5760]  }
0x118: {  	v14 =	vld [tilespmem:s16+$0x2F80]  }
0x119: {  	v15 =	vld [tilespmem:s16+$0x5780]  }
0x11a: {  	v8 =	vld [tilespmem:s16+$0x2F70];
	v27, _, _ =	vpop (xrf2)  }
0x11b: {  	v12 =	vld [tilespmem:s16+$0x5770];
	s3 =	spop (v2sf);
	(v2sf) =	vpush v27, $0xF  }
0x11c: {  	v13 =	vld [tilespmem:s16+$0x2F60]  }
0x11d: {  	v9 =	vld [tilespmem:s16+$0x2F50]  }
0x11e: {  	v7 =	vld [tilespmem:s16+$0x2F30]  }
0x11f: {  	v11 =	vld [tilespmem:s16+$0x5750]  }
0x120: {  	v5 =	vld [tilespmem:s16+$0x2F40]  }
0x121: {  	v4 =	vld [tilespmem:s16+$0x5710]  }
0x122: {  	v3 =	vld [tilespmem:s16+$0x2F10]  }
0x123: {  	v6 =	vld [tilespmem:s16+$0x2F20];
	s25 =	smul.f32 $-8.838834610e-02, s3  }
0x124: {  	v10 =	vld [tilespmem:s16+$0x5730]  }
0x125: {  	v1 =	vld [tilespmem:s16+$0x2FC0];
	v25 =	vmul.f32 s25, v25  }
0x126: {  	v2 =	vld [tilespmem:s16+$0x57C0];
	v26 =	vmul.f32 s25, v26  }
0x127: {  	v18 =	vld [tilespmem:s16+$0x2FB0];
	v3 =	vmul.f32 v4, v3;
	v28 =	vmul.f32 s25, v28;
	[tilespmem:s17+$0x7F10] =	vst v25  }
0x128: {  	v57 =	vld [tilespmem:s17+$0x7F90];
	v4 =	vmul.f32 v20, v6;
	v27 =	vmul.f32 s25, v55;
	[tilespmem:s17+$0x7F20] =	vst v26  }
0x129: {  	v58 =	vld [tilespmem:s17+$0x7FA0];
	v10 =	vmul.f32 v10, v7;
	v29 =	vmul.f32 s25, v29;
	[tilespmem:s17+$0x7F30] =	vst v28  }
0x12a: {  	v59 =	vld [tilespmem:s17+$0x7FB0];
	v63 =	vadd.f32 v4, v3;
	v3 =	vmul.f32 v15, v14;
	v30 =	vmul.f32 s25, v30;
	[tilespmem:s17+$0x7F40] =	vst v27;
	s4 =	spop (v2sf)  }
0x12b: {  	v60 =	vld [tilespmem:s17+$0x7FC0];
	v4 =	vmul.f32 v12, v8;
	v31 =	vmul.f32 s25, v31;
	[tilespmem:s17+$0x7F50] =	vst v29;
	s9 =	smul.f32 $-8.838834610e-02, s4  }
0x12c: {  	v61 =	vld [tilespmem:s17+$0x7FD0];
	v14 =	vmul.f32 v17, v5;
	v12 =	vadd.f32 v10, v63;
	[tilespmem:s17+$0x7F60] =	vst v30;
	v25 =	vmul.f32 s25, v56  }
0x12d: {  	v6 =	vld [tilespmem:s17+$0x7FE0];
	v10 =	vmul.f32 v16, v13;
	[tilespmem:s17+$0x7F70] =	vst v31;
	v62 =	vmul.f32 s9, v57  }
0x12e: {  	v7 =	vld [tilespmem:s17+$0x7FF0];
	v16 =	vmul.f32 v11, v9;
	v12 =	vadd.f32 v14, v12;
	[tilespmem:s17+$0x7F80] =	vst v25;
	v15 =	vmul.f32 s9, v58  }
0x12f: {  	v8 =	vld [tilespmem:s17+$0x8000];
	v11 =	vmul.f32 v22, v21;
	v17 =	vmul.f32 s9, v59;
	[tilespmem:s17+$0x7F90] =	vst v62  }
0x130: {  	v13 =	vmul.f32 v24, v23;
	v16 =	vadd.f32 v16, v12;
	v14 =	vmul.f32 s9, v60;
	v5 =	vld [tilespmem:s16+$0x2FD0];
	[tilespmem:s17+$0x7FA0] =	vst v15  }
0x131: {  	s2 =	simm.s32 $0x680;
	v12 =	vmul.f32 v19, v18;
	s25 =	simm.s32 $0xBC0;
	v15 =	vmul.f32 s9, v61;
	v9 =	vld [tilespmem:s16+$0x57D0];
	[tilespmem:s17+$0x7FB0] =	vst v17  }
.LBB2_5:
0x132: {  	p1 =	sne.s32 s25, $0x4FC0;
	v10 =	vadd.f32 v10, v16;
	v11 =	vadd.f32 v13, v11;
	v13 =	vld [tilespmem:s16+$0x2FE0];
	[tilespmem:s17+$0x7FC0] =	vst v14;
	v6 =	vmul.f32 s9, v6  }
0x133: {  	v1 =	vmul.f32 v2, v1;
	v2 =	vld [tilespmem:s16+$0x57E0];
	[tilespmem:s17+$0x7FD0] =	vst v15;
	v7 =	vmul.f32 s9, v7  }
0x134: {  	v4 =	vadd.f32 v4, v10;
	v10 =	vadd.f32 v12, v11;
	v11 =	vld [tilespmem:s16+$0x2FF0];
	[tilespmem:s17+$0x7FE0] =	vst v6;
	v6 =	vmul.f32 s9, v8  }
0x135: {  	v8 =	vld [tilespmem:s16+$0x57F0];
	[tilespmem:s17+$0x7FF0] =	vst v7  }
0x136: {  	v3 =	vadd.f32 v3, v4;
	v1 =	vadd.f32 v1, v10;
	v4 =	vmul.f32 v9, v5;
	v5 =	vld [tilespmem:s16+$0x3000];
	[tilespmem:s17+$0x8000] =	vst v6;
	s17 =	smov.u32 s16  }
0x137: {  	s16 =	sshra.s32 s25, $0x2;
	v6 =	vld [tilespmem:s17+$0x5800]  }
0x138: {  	v7 =	vld [tilespmem:s16+$0x2F80];
	v1 =	vadd.f32 v4, v1;
	v2 =	vmul.f32 v2, v13;
	(xrf2) =	vadd.scan.msk.f32 $0xffff, v3  }
0x139: {  	v3 =	vld [tilespmem:s16+$0x5780]  }
0x13a: {  	v4 =	vld [tilespmem:s16+$0x2F70];
	v1 =	vadd.f32 v2, v1;
	v2 =	vmul.f32 v8, v11  }
0x13b: {  	v8 =	vld [tilespmem:s16+$0x5770]  }
0x13c: {  	v9 =	vld [tilespmem:s16+$0x2F60];
	v1 =	vadd.f32 v2, v1;
	v2 =	vmul.f32 v6, v5  }
0x13d: {  	v5 =	vld [tilespmem:s16+$0x5760]  }
0x13e: {  	v11 =	vld [tilespmem:s16+$0x2F50];
	v1 =	vadd.f32 v2, v1  }
0x13f: {  	v12 =	vld [tilespmem:s16+$0x5750]  }
0x140: {  	v6 =	vld [tilespmem:s16+$0x2F40];
	(xrf2) =	vadd.scan.msk.f32 $0xffff, v1  }
0x141: {  	v10 =	vld [tilespmem:s16+$0x5740]  }
0x142: {  	v1 =	vld [tilespmem:s16+$0x2FC0];
	v13, _, _ =	vpop (xrf2)  }
0x143: {  	v2 =	vld [tilespmem:s16+$0x57C0];
	(v2sf) =	vpush v13, $0xF  }
0x144: {  	v13 =	vld [tilespmem:s16+$0x2F30]  }
0x145: {  	v14 =	vld [tilespmem:s16+$0x5730]  }
0x146: {  	v15 =	vld [tilespmem:s16+$0x2FB0]  }
0x147: {  	v17 =	vld [tilespmem:s16+$0x57B0]  }
0x148: {  	v16 =	vld [tilespmem:s16+$0x2F10]  }
0x149: {  	v18 =	vld [tilespmem:s16+$0x5710]  }
0x14a: {  	v19 =	vld [tilespmem:s16+$0x2F20];
	v20, _, _ =	vpop (xrf2)  }
0x14b: {  	v21 =	vld [tilespmem:s16+$0x5720];
	(v2sf) =	vpush v20, $0xF  }
0x14c: {  	v20 =	vld [tilespmem:s16+$0x2F90]  }
0x14d: {  	v22 =	vld [tilespmem:s16+$0x5790]  }
0x14e: {  	v23 =	vld [tilespmem:s16+$0x2FA0]  }
0x14f: {  	v24 =	vld [tilespmem:s16+$0x57A0]  }
0x150: {  	v25 =	vld [tilespmem:s17+$0x7F10]  }
0x151: {  	v26 =	vld [tilespmem:s17+$0x7F20]  }
0x152: {  	v27 =	vld [tilespmem:s17+$0x7F30];
	s9 =	spop (v2sf)  }
0x153: {  	s4 =	smul.f32 $-8.838834610e-02, s9;
	v28 =	vld [tilespmem:s17+$0x7F40]  }
0x154: {  	v29 =	vld [tilespmem:s17+$0x7F50]  }
0x155: {  	v25 =	vmul.f32 s4, v25;
	v30 =	vld [tilespmem:s17+$0x7F60]  }
0x156: {  	v26 =	vmul.f32 s4, v26;
	v31 =	vld [tilespmem:s17+$0x7F70]  }
0x157: {  	v16 =	vmul.f32 v18, v16;
	[tilespmem:s17+$0x7F10] =	vst v25;
	v18 =	vmul.f32 s4, v27;
	v25 =	vld [tilespmem:s17+$0x7F80]  }
0x158: {  	v19 =	vmul.f32 v21, v19;
	[tilespmem:s17+$0x7F20] =	vst v26;
	v21 =	vmul.f32 s4, v28;
	v26 =	vld [tilespmem:s17+$0x7F90]  }
0x159: {  	v3 =	vmul.f32 v3, v7;
	[tilespmem:s17+$0x7F30] =	vst v18;
	v7 =	vmul.f32 s4, v29;
	v18 =	vld [tilespmem:s17+$0x7FA0]  }
0x15a: {  	v13 =	vmul.f32 v14, v13;
	v16 =	vadd.f32 v19, v16;
	[tilespmem:s17+$0x7F40] =	vst v21;
	v14 =	vmul.f32 s4, v30;
	v19 =	vld [tilespmem:s17+$0x7FB0];
	s9 =	spop (v2sf)  }
0x15b: {  	v4 =	vmul.f32 v8, v4;
	[tilespmem:s17+$0x7F50] =	vst v7;
	v7 =	vmul.f32 s4, v31;
	s9 =	smul.f32 $-8.838834610e-02, s9;
	v21 =	vld [tilespmem:s17+$0x7FC0]  }
0x15c: {  	v8 =	vadd.f32 v13, v16;
	v13 =	vmul.f32 v10, v6;
	[tilespmem:s17+$0x7F60] =	vst v14;
	v14 =	vmul.f32 s4, v25;
	v25 =	vld [tilespmem:s17+$0x7FD0]  }
.Ltmp1:
0x15d: {  	v10 =	vmul.f32 v5, v9;
	[tilespmem:s17+$0x7F70] =	vst v7;
	v5 =	vmul.f32 s9, v26;
	v6 =	vld [tilespmem:s17+$0x7FE0];
	(pc) =	sbr.rel @p1 .LBB2_5-.Ltmp1, $4  }
0x15e: {  	v12 =	vmul.f32 v12, v11;
	v9 =	vadd.f32 v13, v8;
	[tilespmem:s17+$0x7F80] =	vst v14;
	v14 =	vmul.f32 s9, v18;
	v7 =	vld [tilespmem:s17+$0x7FF0]  }
0x15f: {  	v11 =	vmul.f32 v22, v20;
	[tilespmem:s17+$0x7F90] =	vst v5;
	v18 =	vmul.f32 s9, v19;
	v8 =	vld [tilespmem:s17+$0x8000]  }
0x160: {  	v13 =	vmul.f32 v24, v23;
	v16 =	vadd.f32 v12, v9;
	v5 =	vld [tilespmem:s16+$0x2FD0];
	[tilespmem:s17+$0x7FA0] =	vst v14;
	v14 =	vmul.f32 s9, v21  }
0x161: {  	s25 =	sadd.s32 $0x400, s25;
	v12 =	vmul.f32 v17, v15;
	v9 =	vld [tilespmem:s16+$0x57D0];
	[tilespmem:s17+$0x7FB0] =	vst v18;
	v15 =	vmul.f32 s9, v25  }
0x162: {  	v10 =	vadd.f32 v10, v16;
	_ =	sdelay $0x1  }
0x163: {  	v4 =	vadd.f32 v4, v10;
	_ =	sdelay $0x1  }
0x164: {  	v3 =	vadd.f32 v3, v4;
	_ =	sdelay $0x1  }
0x165: {  	(xrf2) =	vadd.scan.msk.f32 $0xffff, v3  }
0x166: {  	v6 =	vmul.f32 s9, v6;
	v11 =	vadd.f32 v13, v11;
	v10 =	vld [tilespmem:s16+$0x2FE0];
	[tilespmem:s17+$0x7FC0] =	vst v14  }
0x167: {  	v7 =	vmul.f32 s9, v7;
	v4 =	vld [tilespmem:s16+$0x57E0];
	[tilespmem:s17+$0x7FD0] =	vst v15  }
0x168: {  	v1 =	vmul.f32 v2, v1;
	v2 =	vadd.f32 v12, v11;
	v8 =	vmul.f32 s9, v8;
	v3 =	vld [tilespmem:s16+$0x2FF0];
	[tilespmem:s17+$0x7FE0] =	vst v6  }
0x169: {  	v6 =	vld [tilespmem:s16+$0x57F0];
	[tilespmem:s17+$0x7FF0] =	vst v7  }
0x16a: {  	v1 =	vadd.f32 v1, v2;
	v2 =	vmul.f32 v9, v5;
	v7 =	vld [tilespmem:s16+$0x3000];
	[tilespmem:s17+$0x8000] =	vst v8  }
0x16b: {  	v5 =	vld [tilespmem:s16+$0x5800]  }
0x16c: {  	v1 =	vadd.f32 v2, v1;
	v2 =	vmul.f32 v4, v10;
	_ =	sdelay $0x1  }
0x16d: {  	v1 =	vadd.f32 v2, v1;
	v2 =	vmul.f32 v6, v3  }
0x16e: {  	v3, _, _ =	vpop (xrf2)  }
0x16f: {  	v1 =	vadd.f32 v2, v1;
	v2 =	vmul.f32 v5, v7;
	(v2sf) =	vpush v3, $0xF;
	_ =	sdelay $0x1  }
0x170: {  	v1 =	vadd.f32 v2, v1;
	_ =	sdelay $0x1  }
0x171: {  	(xrf2) =	vadd.scan.msk.f32 $0xffff, v1;
	_ =	sdelay $0x9  }
0x172: {  	v3, _, _ =	vpop (xrf2)  }
0x173: {  	s4 =	spop (v2sf);
	(v2sf) =	vpush v3, $0xF  }
0x174: {  	v1 =	vld [tilespmem:s16+$0x7F10];
	_ =	sdelay $0x2  }
0x175: {  	s4 =	smul.f32 $-8.838834610e-02, s4  }
0x176: {  	v2 =	vld [tilespmem:s16+$0x7F20]  }
0x177: {  	v4 =	vld [tilespmem:s16+$0x7F30];
	v1 =	vmul.f32 s4, v1  }
0x178: {  	v3 =	vld [tilespmem:s16+$0x7F40]  }
0x179: {  	[tilespmem:s16+$0x7F10] =	vst v1;
	v1 =	vld [tilespmem:s16+$0x7F80]  }
0x17a: {  	v6 =	vld [tilespmem:s16+$0x7F60]  }
0x17b: {  	v5 =	vld [tilespmem:s16+$0x7F50];
	v2 =	vmul.f32 s4, v2  }
0x17c: {  	v7 =	vld [tilespmem:s16+$0x7F70];
	v4 =	vmul.f32 s4, v4  }
0x17d: {  	[tilespmem:s16+$0x7F20] =	vst v2;
	v2 =	vld [tilespmem:s16+$0x7F90];
	v3 =	vmul.f32 s4, v3  }
0x17e: {  	[tilespmem:s16+$0x7F30] =	vst v4;
	v4 =	vld [tilespmem:s16+$0x7FA0];
	v1 =	vmul.f32 s4, v1  }
0x17f: {  	[tilespmem:s16+$0x7F40] =	vst v3;
	v3 =	vld [tilespmem:s16+$0x7FB0]  }
0x180: {  	v5 =	vmul.f32 s4, v5;
	[tilespmem:s16+$0x7F80] =	vst v1;
	v1 =	vld [tilespmem:s16+$0x7FF0];
	s3 =	spop (v2sf)  }
0x181: {  	v6 =	vmul.f32 s4, v6;
	s9 =	smul.f32 $-8.838834610e-02, s3  }
0x182: {  	v7 =	vmul.f32 s4, v7;
	[tilespmem:s16+$0x7F50] =	vst v5;
	v5 =	vld [tilespmem:s16+$0x7FC0]  }
0x183: {  	[tilespmem:s16+$0x7F60] =	vst v6;
	v6 =	vld [tilespmem:s16+$0x7FD0];
	v2 =	vmul.f32 s9, v2  }
0x184: {  	[tilespmem:s16+$0x7F70] =	vst v7;
	v7 =	vld [tilespmem:s16+$0x7FE0];
	v4 =	vmul.f32 s9, v4  }
0x185: {  	v1 =	vmul.f32 s9, v1;
	[tilespmem:s16+$0x7F90] =	vst v2;
	v2 =	vmul.f32 s9, v3;
	v3 =	vld [tilespmem:s16+$0x8000]  }
0x186: {  	[tilespmem:s16+$0x7FA0] =	vst v4  }
0x187: {  	v4 =	vmul.f32 s9, v5;
	[tilespmem:s16+$0x7FF0] =	vst v1  }
0x188: {  	[tilespmem:s16+$0x7FB0] =	vst v2;
	v2 =	vmul.f32 s9, v6  }
0x189: {  	[tilespmem:s16+$0x7FC0] =	vst v4;
	v4 =	vmul.f32 s9, v7  }
0x18a: {  	[tilespmem:s16+$0x7FD0] =	vst v2;
	v2 =	vmul.f32 s9, v3  }
0x18b: {  	[tilespmem:s16+$0x7FE0] =	vst v4  }
0x18c: {  	[tilespmem:s16+$0x8000] =	vst v2;
	s16 =	simm.s32 $0x400  }
0x18d: {  	[spmem:s10] =	stream.indirect.scatter.add.f32 [tilespmem:s28], [sflag:$0xB], $0x80, s16, s19, $0xb8;
	[tilespmem:$0x1E080] =	vst v63  }
0x18e: {  	_ =	swait.ge [sflag:s26], $0x1400  }
0x18f: {  	[sflag:s26] =	ssyncset.done $0x0  }
0x190: {  	[sflag:s26] =	ssyncadd.s32 $0xFFFFEC00  }
0x191: {  	_ =	swait.ge [sflag:s29], $0x1400  }
0x192: {  	[sflag:s29] =	ssyncset.done $0x0  }
0x193: {  	[sflag:s29] =	ssyncadd.s32 $0xFFFFEC00  }
0x194: {  	_ =	swait.ge [sflag:s12], $0x28  }
0x195: {  	[sflag:s12] =	ssyncset.done $0x0  }
0x196: {  	[sflag:s12] =	ssyncadd.s32 $0xFFFFFFD8  }
0x197: {  	_ =	swait.ge [sflag:s12], $0x28  }
0x198: {  	[sflag:s12] =	ssyncset.done $0x0  }
0x199: {  	[sflag:s12] =	ssyncadd.s32 $0xFFFFFFD8  }
0x19a: {  	_ =	swait.ge [sflag:s12], $0x28  }
0x19b: {  	[sflag:s12] =	ssyncset.done $0x0  }
0x19c: {  	[sflag:s12] =	ssyncadd.s32 $0xFFFFFFD8  }
0x19d: {  	_ =	swait.ge [sflag:s12], $0x28  }
0x19e: {  	[sflag:s12] =	ssyncset.done $0x0  }
0x19f: {  	[sflag:s12] =	ssyncadd.s32 $0xFFFFFFD8  }
0x1a0: {  	s17 =	rddreg [dreg:$0x1]  }
0x1a1: {  	s25 =	simm.s32 $0x3000;
	s3 =	simm.s32 $0x500;
	s16 =	rddreg [dreg:$0x2]  }
0x1a2: {  	[tilespmem:s25], [sflag:$0x7] =	stream.indirect.gather [hbm4b:s17+s19], $0x80, s3, s19, $0xb8;
	[tilespmem:$0x1E080] =	vst v63  }
0x1a3: {  	s9 =	rddreg [dreg:$0x3];
	s17 =	simm.s32 $0x5800;
	s25 =	simm.s32 $0x700  }
0x1a4: {  	[tilespmem:s17], [sflag:$0x7] =	stream.indirect.gather [hbm4b:s16+s19], $0x80, s25, s19, $0xb8;
	[tilespmem:$0x1E080] =	vst v63  }
0x1a5: {  	s16 =	rddreg [dreg:$0x16]  }
0x1a6: {  	[tilespmem:s28], [sflag:$0x7] =	stream.indirect.gather [hbm4b:s9+s19], $0x80, s25, s19, $0xb8;
	[tilespmem:$0x1E080] =	vst v63  }
0x1a7: {  	s17 =	rddreg [dreg:$0x0];
	s4 =	sadd.s32 s13, s16;
	s25 =	simm.s32 $0x100  }
0x1a8: {  	[tilespmem:s30], [sflag:$0x5] =	stream.indirect.gather [hbm4b:s17+s19], $0x80, s25, s19, $0xb8;
	[tilespmem:$0x1E080] =	vst v63  }
0x1a9: {  	s4 =	sshrl.u32 s4, $0x3;
	s17 =	rddreg [dreg:$0x4]  }
0x1aa: {  	s25 =	simm.s32 $0x180;
	s9 =	sadd.s32 s17, s4  }
0x1ab: {  	[tilespmem:s25], [sflag:$0x4] =	stream.linear.gather [hbm4b:s9+s11], $0x28, $0x38;
	[tilespmem:$0x1E080] =	vst v63  }
0x1ac: {  	s17 =	sadd.s32 s7, s4;
	s25 =	simm.s32 $0x380  }
0x1ad: {  	[tilespmem:s25], [sflag:$0x4] =	stream.linear.gather [hbm4b:s17+s11], $0x28, $0x38;
	[tilespmem:$0x1E080] =	vst v63  }
0x1ae: {  	s17 =	sadd.s32 s8, s4;
	s25 =	simm.s32 $0x580  }
0x1af: {  	[tilespmem:s25], [sflag:$0x4] =	stream.linear.gather [hbm4b:s17+s11], $0x28, $0x38;
	[tilespmem:$0x1E080] =	vst v63  }
0x1b0: {  	s4 =	sadd.s32 s0, s4  }
0x1b1: {  	[tilespmem:s6], [sflag:$0x4] =	stream.linear.gather [hbm4b:s4+s11], $0x28, $0x38;
	[tilespmem:$0x1E080] =	vst v63  }
0x1b2: {  	_ =	swait.ge [sflag:s15], $0x1400  }
0x1b3: {  	[sflag:s15] =	ssyncset.done $0x0  }
0x1b4: {  	s6 =	simm.s32 $0x280;
	[sflag:s15] =	ssyncadd.s32 $0xFFFFEC00  }
0x1b5: {  	[spmem:s10] =	stream.indirect.scatter.add.f32 [tilespmem:s23], [sflag:$0xA], $0x80, s6, s19, $0xb8;
	[tilespmem:$0x1E080] =	vst v63  }
0x1b6: {  	_ =	swait.ge [sflag:s24], $0x1400  }
0x1b7: {  	[sflag:s24] =	ssyncset.done $0x0  }
0x1b8: {  	[sflag:s24] =	ssyncadd.s32 $0xFFFFEC00  }
0x1b9: {  	_ =	swait.ge [sflag:s24], $0x1400  }
0x1ba: {  	[sflag:s24] =	ssyncset.done $0x0  }
0x1bb: {  	[sflag:s24] =	ssyncadd.s32 $0xFFFFEC00  }
0x1bc: {  	_ =	swait.ge [sflag:s24], $0x1400  }
0x1bd: {  	[sflag:s24] =	ssyncset.done $0x0  }
0x1be: {  	s17 =	simm.s32 $0xF0;
	[sflag:s24] =	ssyncadd.s32 $0xFFFFEC00  }
0x1bf: {  	v1 =	vld [tilespmem:s17+$0x4380]  }
0x1c0: {  	v9 =	vld [tilespmem:s17+$0x4310]  }
0x1c1: {  	v10 =	vld [tilespmem:s17+$0x6B10]  }
0x1c2: {  	v11 =	vld [tilespmem:s17+$0x4320]  }
0x1c3: {  	v12 =	vld [tilespmem:s17+$0x6B20]  }
0x1c4: {  	v13 =	vld [tilespmem:s17+$0x4330]  }
0x1c5: {  	v14 =	vld [tilespmem:s17+$0x6B30]  }
0x1c6: {  	v15 =	vld [tilespmem:s17+$0x4340]  }
0x1c7: {  	v16 =	vld [tilespmem:s17+$0x6B40]  }
0x1c8: {  	v7 =	vld [tilespmem:s17+$0x4350];
	v9 =	vmul.f32 v10, v9;
	v10 =	vmul.f32 v12, v11  }
0x1c9: {  	v8 =	vld [tilespmem:s17+$0x6B50]  }
0x1ca: {  	v5 =	vld [tilespmem:s17+$0x4360];
	v9 =	vadd.f32 v10, v9;
	v10 =	vmul.f32 v14, v13  }
0x1cb: {  	v6 =	vld [tilespmem:s17+$0x6B60]  }
0x1cc: {  	v3 =	vld [tilespmem:s17+$0x4370];
	v9 =	vadd.f32 v10, v9;
	v10 =	vmul.f32 v16, v15  }
0x1cd: {  	v4 =	vld [tilespmem:s17+$0x6B70]  }
0x1ce: {  	v2 =	vld [tilespmem:s17+$0x6B80];
	v7 =	vmul.f32 v8, v7;
	v9 =	vadd.f32 v10, v9  }
0x1cf: {  	v8 =	vld [tilespmem:s17+$0x6BA0]  }
0x1d0: {  	v5 =	vmul.f32 v6, v5;
	v14 =	vld [tilespmem:s17+$0x4390];
	v6 =	vadd.f32 v7, v9  }
0x1d1: {  	v15 =	vld [tilespmem:s17+$0x6B90]  }
0x1d2: {  	v3 =	vmul.f32 v4, v3;
	v16 =	vld [tilespmem:s17+$0x43A0];
	v4 =	vadd.f32 v5, v6  }
0x1d3: {  	v12 =	vld [tilespmem:s17+$0x43B0]  }
0x1d4: {  	v1 =	vmul.f32 v2, v1;
	v13 =	vld [tilespmem:s17+$0x6BB0];
	v2 =	vadd.f32 v3, v4  }
0x1d5: {  	v17 =	vld [tilespmem:s17+$0x43C0]  }
0x1d6: {  	v11 =	vld [tilespmem:s17+$0x6BC0];
	v1 =	vadd.f32 v1, v2  }
0x1d7: {  	v7 =	vld [tilespmem:s17+$0x43D0];
	v8 =	vmul.f32 v8, v16;
	v2 =	vmul.f32 v15, v14  }
0x1d8: {  	v9 =	vld [tilespmem:s17+$0x6BD0];
	(xrf2) =	vadd.scan.msk.f32 $0xffff, v1  }
0x1d9: {  	v5 =	vld [tilespmem:s17+$0x43E0];
	v1 =	vmul.f32 v13, v12;
	v2 =	vadd.f32 v8, v2  }
0x1da: {  	v6 =	vld [tilespmem:s17+$0x6BE0]  }
0x1db: {  	v11 =	vmul.f32 v11, v17;
	v3 =	vld [tilespmem:s17+$0x43F0];
	v1 =	vadd.f32 v1, v2  }
0x1dc: {  	v4 =	vld [tilespmem:s17+$0x6BF0]  }
0x1dd: {  	v18 =	vld [tilespmem:s17+$0x6C00];
	v2 =	vmul.f32 v9, v7;
	v1 =	vadd.f32 v11, v1  }
0x1de: {  	s16 =	simm.s32 $0x1F0;
	v10 =	vld [tilespmem:s17+$0x4400]  }
0x1df: {  	v19 =	vld [tilespmem:s16+$0x6BB0];
	v1 =	vadd.f32 v2, v1;
	v2 =	vmul.f32 v6, v5  }
0x1e0: {  	v20 =	vld [tilespmem:s16+$0x6B20]  }
0x1e1: {  	v21 =	vld [tilespmem:s16+$0x4390];
	v3 =	vmul.f32 v4, v3;
	v6 =	vadd.f32 v2, v1  }
0x1e2: {  	v22 =	vld [tilespmem:s16+$0x6B90];
	v4, _, _ =	vpop (xrf2)  }
0x1e3: {  	v23 =	vld [tilespmem:s16+$0x43A0];
	v3 =	vadd.f32 v3, v6;
	(v2sf) =	vpush v4, $0xF;
	v4 =	vmul.f32 v18, v10  }
0x1e4: {  	v24 =	vld [tilespmem:s16+$0x6BA0]  }
0x1e5: {  	v25 =	vld [tilespmem:s17+$0x9310];
	v3 =	vadd.f32 v4, v3  }
0x1e6: {  	v26 =	vld [tilespmem:s17+$0x9320]  }
0x1e7: {  	v28 =	vld [tilespmem:s17+$0x9330];
	(xrf2) =	vadd.scan.msk.f32 $0xffff, v3  }
0x1e8: {  	v55 =	vld [tilespmem:s17+$0x9340]  }
0x1e9: {  	v29 =	vld [tilespmem:s17+$0x9350]  }
0x1ea: {  	v30 =	vld [tilespmem:s17+$0x9360]  }
0x1eb: {  	v31 =	vld [tilespmem:s17+$0x9370]  }
0x1ec: {  	v56 =	vld [tilespmem:s17+$0x9380]  }
0x1ed: {  	v17 =	vld [tilespmem:s16+$0x6B40]  }
0x1ee: {  	v16 =	vld [tilespmem:s16+$0x6B60]  }
0x1ef: {  	v14 =	vld [tilespmem:s16+$0x4380]  }
0x1f0: {  	v15 =	vld [tilespmem:s16+$0x6B80]  }
0x1f1: {  	v8 =	vld [tilespmem:s16+$0x4370];
	v27, _, _ =	vpop (xrf2)  }
0x1f2: {  	v12 =	vld [tilespmem:s16+$0x6B70];
	s9 =	spop (v2sf);
	(v2sf) =	vpush v27, $0xF  }
0x1f3: {  	v13 =	vld [tilespmem:s16+$0x4360]  }
0x1f4: {  	v9 =	vld [tilespmem:s16+$0x4350]  }
0x1f5: {  	v7 =	vld [tilespmem:s16+$0x4330]  }
0x1f6: {  	v11 =	vld [tilespmem:s16+$0x6B50]  }
0x1f7: {  	v5 =	vld [tilespmem:s16+$0x4340]  }
0x1f8: {  	v4 =	vld [tilespmem:s16+$0x6B10]  }
0x1f9: {  	v3 =	vld [tilespmem:s16+$0x4310]  }
0x1fa: {  	v6 =	vld [tilespmem:s16+$0x4320];
	s4 =	smul.f32 $-8.838834610e-02, s9  }
0x1fb: {  	v10 =	vld [tilespmem:s16+$0x6B30]  }
0x1fc: {  	v1 =	vld [tilespmem:s16+$0x43C0];
	v25 =	vmul.f32 s4, v25  }
0x1fd: {  	v2 =	vld [tilespmem:s16+$0x6BC0];
	v26 =	vmul.f32 s4, v26  }
0x1fe: {  	v18 =	vld [tilespmem:s16+$0x43B0];
	v3 =	vmul.f32 v4, v3;
	v28 =	vmul.f32 s4, v28;
	[tilespmem:s17+$0x9310] =	vst v25  }
0x1ff: {  	v57 =	vld [tilespmem:s17+$0x9390];
	v4 =	vmul.f32 v20, v6;
	v27 =	vmul.f32 s4, v55;
	[tilespmem:s17+$0x9320] =	vst v26  }
0x200: {  	v58 =	vld [tilespmem:s17+$0x93A0];
	v10 =	vmul.f32 v10, v7;
	v29 =	vmul.f32 s4, v29;
	[tilespmem:s17+$0x9330] =	vst v28  }
0x201: {  	v59 =	vld [tilespmem:s17+$0x93B0];
	v63 =	vadd.f32 v4, v3;
	v3 =	vmul.f32 v15, v14;
	v30 =	vmul.f32 s4, v30;
	[tilespmem:s17+$0x9340] =	vst v27;
	s25 =	spop (v2sf)  }
0x202: {  	v60 =	vld [tilespmem:s17+$0x93C0];
	v4 =	vmul.f32 v12, v8;
	v31 =	vmul.f32 s4, v31;
	[tilespmem:s17+$0x9350] =	vst v29;
	s9 =	smul.f32 $-8.838834610e-02, s25  }
0x203: {  	v61 =	vld [tilespmem:s17+$0x93D0];
	v14 =	vmul.f32 v17, v5;
	v12 =	vadd.f32 v10, v63;
	[tilespmem:s17+$0x9360] =	vst v30;
	v25 =	vmul.f32 s4, v56  }
0x204: {  	v6 =	vld [tilespmem:s17+$0x93E0];
	v10 =	vmul.f32 v16, v13;
	[tilespmem:s17+$0x9370] =	vst v31;
	v62 =	vmul.f32 s9, v57  }
0x205: {  	v7 =	vld [tilespmem:s17+$0x93F0];
	v16 =	vmul.f32 v11, v9;
	v12 =	vadd.f32 v14, v12;
	[tilespmem:s17+$0x9380] =	vst v25;
	v15 =	vmul.f32 s9, v58  }
0x206: {  	v8 =	vld [tilespmem:s17+$0x9400];
	v11 =	vmul.f32 v22, v21;
	v17 =	vmul.f32 s9, v59;
	[tilespmem:s17+$0x9390] =	vst v62  }
0x207: {  	v13 =	vmul.f32 v24, v23;
	v16 =	vadd.f32 v16, v12;
	v14 =	vmul.f32 s9, v60;
	v5 =	vld [tilespmem:s16+$0x43D0];
	[tilespmem:s17+$0x93A0] =	vst v15  }
0x208: {  	s3 =	simm.s32 $0x700;
	v12 =	vmul.f32 v19, v18;
	s25 =	simm.s32 $0xBC0;
	v15 =	vmul.f32 s9, v61;
	v9 =	vld [tilespmem:s16+$0x6BD0];
	[tilespmem:s17+$0x93B0] =	vst v17  }
.LBB2_7:
0x209: {  	p1 =	sne.s32 s25, $0x4FC0;
	v10 =	vadd.f32 v10, v16;
	v11 =	vadd.f32 v13, v11;
	v13 =	vld [tilespmem:s16+$0x43E0];
	[tilespmem:s17+$0x93C0] =	vst v14;
	v6 =	vmul.f32 s9, v6  }
0x20a: {  	v1 =	vmul.f32 v2, v1;
	v2 =	vld [tilespmem:s16+$0x6BE0];
	[tilespmem:s17+$0x93D0] =	vst v15;
	v7 =	vmul.f32 s9, v7  }
0x20b: {  	v4 =	vadd.f32 v4, v10;
	v10 =	vadd.f32 v12, v11;
	v11 =	vld [tilespmem:s16+$0x43F0];
	[tilespmem:s17+$0x93E0] =	vst v6;
	v6 =	vmul.f32 s9, v8  }
0x20c: {  	v8 =	vld [tilespmem:s16+$0x6BF0];
	[tilespmem:s17+$0x93F0] =	vst v7  }
0x20d: {  	v3 =	vadd.f32 v3, v4;
	v1 =	vadd.f32 v1, v10;
	v4 =	vmul.f32 v9, v5;
	v5 =	vld [tilespmem:s16+$0x4400];
	[tilespmem:s17+$0x9400] =	vst v6;
	s17 =	smov.u32 s16  }
0x20e: {  	s16 =	sshra.s32 s25, $0x2;
	v6 =	vld [tilespmem:s17+$0x6C00]  }
0x20f: {  	v7 =	vld [tilespmem:s16+$0x4380];
	v1 =	vadd.f32 v4, v1;
	v2 =	vmul.f32 v2, v13;
	(xrf2) =	vadd.scan.msk.f32 $0xffff, v3  }
0x210: {  	v3 =	vld [tilespmem:s16+$0x6B80]  }
0x211: {  	v4 =	vld [tilespmem:s16+$0x4370];
	v1 =	vadd.f32 v2, v1;
	v2 =	vmul.f32 v8, v11  }
0x212: {  	v8 =	vld [tilespmem:s16+$0x6B70]  }
0x213: {  	v9 =	vld [tilespmem:s16+$0x4360];
	v1 =	vadd.f32 v2, v1;
	v2 =	vmul.f32 v6, v5  }
0x214: {  	v5 =	vld [tilespmem:s16+$0x6B60]  }
0x215: {  	v11 =	vld [tilespmem:s16+$0x4350];
	v1 =	vadd.f32 v2, v1  }
0x216: {  	v12 =	vld [tilespmem:s16+$0x6B50]  }
0x217: {  	v6 =	vld [tilespmem:s16+$0x4340];
	(xrf2) =	vadd.scan.msk.f32 $0xffff, v1  }
0x218: {  	v10 =	vld [tilespmem:s16+$0x6B40]  }
0x219: {  	v1 =	vld [tilespmem:s16+$0x43C0];
	v13, _, _ =	vpop (xrf2)  }
0x21a: {  	v2 =	vld [tilespmem:s16+$0x6BC0];
	(v2sf) =	vpush v13, $0xF  }
0x21b: {  	v13 =	vld [tilespmem:s16+$0x4330]  }
0x21c: {  	v14 =	vld [tilespmem:s16+$0x6B30]  }
0x21d: {  	v15 =	vld [tilespmem:s16+$0x43B0]  }
0x21e: {  	v17 =	vld [tilespmem:s16+$0x6BB0]  }
0x21f: {  	v16 =	vld [tilespmem:s16+$0x4310]  }
0x220: {  	v18 =	vld [tilespmem:s16+$0x6B10]  }
0x221: {  	v19 =	vld [tilespmem:s16+$0x4320];
	v20, _, _ =	vpop (xrf2)  }
0x222: {  	v21 =	vld [tilespmem:s16+$0x6B20];
	(v2sf) =	vpush v20, $0xF  }
0x223: {  	v20 =	vld [tilespmem:s16+$0x4390]  }
0x224: {  	v22 =	vld [tilespmem:s16+$0x6B90]  }
0x225: {  	v23 =	vld [tilespmem:s16+$0x43A0]  }
0x226: {  	v24 =	vld [tilespmem:s16+$0x6BA0]  }
0x227: {  	v25 =	vld [tilespmem:s17+$0x9310]  }
0x228: {  	v26 =	vld [tilespmem:s17+$0x9320]  }
0x229: {  	v27 =	vld [tilespmem:s17+$0x9330];
	s4 =	spop (v2sf)  }
0x22a: {  	s4 =	smul.f32 $-8.838834610e-02, s4;
	v28 =	vld [tilespmem:s17+$0x9340]  }
0x22b: {  	v29 =	vld [tilespmem:s17+$0x9350]  }
0x22c: {  	v25 =	vmul.f32 s4, v25;
	v30 =	vld [tilespmem:s17+$0x9360]  }
0x22d: {  	v26 =	vmul.f32 s4, v26;
	v31 =	vld [tilespmem:s17+$0x9370]  }
0x22e: {  	v16 =	vmul.f32 v18, v16;
	[tilespmem:s17+$0x9310] =	vst v25;
	v18 =	vmul.f32 s4, v27;
	v25 =	vld [tilespmem:s17+$0x9380]  }
0x22f: {  	v19 =	vmul.f32 v21, v19;
	[tilespmem:s17+$0x9320] =	vst v26;
	v21 =	vmul.f32 s4, v28;
	v26 =	vld [tilespmem:s17+$0x9390]  }
0x230: {  	v3 =	vmul.f32 v3, v7;
	[tilespmem:s17+$0x9330] =	vst v18;
	v7 =	vmul.f32 s4, v29;
	v18 =	vld [tilespmem:s17+$0x93A0]  }
0x231: {  	v13 =	vmul.f32 v14, v13;
	v16 =	vadd.f32 v19, v16;
	[tilespmem:s17+$0x9340] =	vst v21;
	v14 =	vmul.f32 s4, v30;
	v19 =	vld [tilespmem:s17+$0x93B0];
	s9 =	spop (v2sf)  }
0x232: {  	v4 =	vmul.f32 v8, v4;
	[tilespmem:s17+$0x9350] =	vst v7;
	v7 =	vmul.f32 s4, v31;
	s9 =	smul.f32 $-8.838834610e-02, s9;
	v21 =	vld [tilespmem:s17+$0x93C0]  }
0x233: {  	v8 =	vadd.f32 v13, v16;
	v13 =	vmul.f32 v10, v6;
	[tilespmem:s17+$0x9360] =	vst v14;
	v14 =	vmul.f32 s4, v25;
	v25 =	vld [tilespmem:s17+$0x93D0]  }
.Ltmp2:
0x234: {  	v10 =	vmul.f32 v5, v9;
	[tilespmem:s17+$0x9370] =	vst v7;
	v5 =	vmul.f32 s9, v26;
	v6 =	vld [tilespmem:s17+$0x93E0];
	(pc) =	sbr.rel @p1 .LBB2_7-.Ltmp2, $4  }
0x235: {  	v12 =	vmul.f32 v12, v11;
	v9 =	vadd.f32 v13, v8;
	[tilespmem:s17+$0x9380] =	vst v14;
	v14 =	vmul.f32 s9, v18;
	v7 =	vld [tilespmem:s17+$0x93F0]  }
0x236: {  	v11 =	vmul.f32 v22, v20;
	[tilespmem:s17+$0x9390] =	vst v5;
	v18 =	vmul.f32 s9, v19;
	v8 =	vld [tilespmem:s17+$0x9400]  }
0x237: {  	v13 =	vmul.f32 v24, v23;
	v16 =	vadd.f32 v12, v9;
	v5 =	vld [tilespmem:s16+$0x43D0];
	[tilespmem:s17+$0x93A0] =	vst v14;
	v14 =	vmul.f32 s9, v21  }
0x238: {  	s25 =	sadd.s32 $0x400, s25;
	v12 =	vmul.f32 v17, v15;
	v9 =	vld [tilespmem:s16+$0x6BD0];
	[tilespmem:s17+$0x93B0] =	vst v18;
	v15 =	vmul.f32 s9, v25  }
0x239: {  	v10 =	vadd.f32 v10, v16;
	_ =	sdelay $0x1  }
0x23a: {  	v4 =	vadd.f32 v4, v10;
	_ =	sdelay $0x1  }
0x23b: {  	v3 =	vadd.f32 v3, v4;
	_ =	sdelay $0x1  }
0x23c: {  	(xrf2) =	vadd.scan.msk.f32 $0xffff, v3  }
0x23d: {  	v6 =	vmul.f32 s9, v6;
	v11 =	vadd.f32 v13, v11;
	v10 =	vld [tilespmem:s16+$0x43E0];
	[tilespmem:s17+$0x93C0] =	vst v14  }
0x23e: {  	v7 =	vmul.f32 s9, v7;
	v4 =	vld [tilespmem:s16+$0x6BE0];
	[tilespmem:s17+$0x93D0] =	vst v15  }
0x23f: {  	v1 =	vmul.f32 v2, v1;
	v2 =	vadd.f32 v12, v11;
	v8 =	vmul.f32 s9, v8;
	v3 =	vld [tilespmem:s16+$0x43F0];
	[tilespmem:s17+$0x93E0] =	vst v6  }
0x240: {  	v6 =	vld [tilespmem:s16+$0x6BF0];
	[tilespmem:s17+$0x93F0] =	vst v7  }
0x241: {  	v1 =	vadd.f32 v1, v2;
	v2 =	vmul.f32 v9, v5;
	v7 =	vld [tilespmem:s16+$0x4400];
	[tilespmem:s17+$0x9400] =	vst v8  }
0x242: {  	v5 =	vld [tilespmem:s16+$0x6C00]  }
0x243: {  	v1 =	vadd.f32 v2, v1;
	v2 =	vmul.f32 v4, v10;
	_ =	sdelay $0x1  }
0x244: {  	v1 =	vadd.f32 v2, v1;
	v2 =	vmul.f32 v6, v3  }
0x245: {  	v3, _, _ =	vpop (xrf2)  }
0x246: {  	v1 =	vadd.f32 v2, v1;
	v2 =	vmul.f32 v5, v7;
	(v2sf) =	vpush v3, $0xF;
	_ =	sdelay $0x1  }
0x247: {  	v1 =	vadd.f32 v2, v1;
	_ =	sdelay $0x1  }
0x248: {  	(xrf2) =	vadd.scan.msk.f32 $0xffff, v1;
	_ =	sdelay $0x9  }
0x249: {  	v3, _, _ =	vpop (xrf2)  }
0x24a: {  	s4 =	spop (v2sf);
	(v2sf) =	vpush v3, $0xF  }
0x24b: {  	v1 =	vld [tilespmem:s16+$0x9310];
	_ =	sdelay $0x2  }
0x24c: {  	s4 =	smul.f32 $-8.838834610e-02, s4  }
0x24d: {  	v2 =	vld [tilespmem:s16+$0x9320]  }
0x24e: {  	v4 =	vld [tilespmem:s16+$0x9330];
	v1 =	vmul.f32 s4, v1  }
0x24f: {  	v3 =	vld [tilespmem:s16+$0x9340]  }
0x250: {  	[tilespmem:s16+$0x9310] =	vst v1;
	v1 =	vld [tilespmem:s16+$0x9380]  }
0x251: {  	v6 =	vld [tilespmem:s16+$0x9360]  }
0x252: {  	v5 =	vld [tilespmem:s16+$0x9350];
	v2 =	vmul.f32 s4, v2  }
0x253: {  	v7 =	vld [tilespmem:s16+$0x9370];
	v4 =	vmul.f32 s4, v4  }
0x254: {  	[tilespmem:s16+$0x9320] =	vst v2;
	v2 =	vld [tilespmem:s16+$0x9390];
	v3 =	vmul.f32 s4, v3  }
0x255: {  	[tilespmem:s16+$0x9330] =	vst v4;
	v4 =	vld [tilespmem:s16+$0x93A0];
	v1 =	vmul.f32 s4, v1  }
0x256: {  	[tilespmem:s16+$0x9340] =	vst v3;
	v3 =	vld [tilespmem:s16+$0x93B0]  }
0x257: {  	v5 =	vmul.f32 s4, v5;
	[tilespmem:s16+$0x9380] =	vst v1;
	v1 =	vld [tilespmem:s16+$0x93F0];
	s25 =	spop (v2sf)  }
0x258: {  	v6 =	vmul.f32 s4, v6;
	s9 =	smul.f32 $-8.838834610e-02, s25  }
0x259: {  	v7 =	vmul.f32 s4, v7;
	[tilespmem:s16+$0x9350] =	vst v5;
	v5 =	vld [tilespmem:s16+$0x93C0]  }
0x25a: {  	[tilespmem:s16+$0x9360] =	vst v6;
	v6 =	vld [tilespmem:s16+$0x93D0];
	v2 =	vmul.f32 s9, v2  }
0x25b: {  	[tilespmem:s16+$0x9370] =	vst v7;
	v7 =	vld [tilespmem:s16+$0x93E0];
	v4 =	vmul.f32 s9, v4  }
0x25c: {  	v1 =	vmul.f32 s9, v1;
	[tilespmem:s16+$0x9390] =	vst v2;
	v2 =	vmul.f32 s9, v3;
	v3 =	vld [tilespmem:s16+$0x9400]  }
0x25d: {  	[tilespmem:s16+$0x93A0] =	vst v4  }
0x25e: {  	v4 =	vmul.f32 s9, v5;
	[tilespmem:s16+$0x93F0] =	vst v1  }
0x25f: {  	[tilespmem:s16+$0x93B0] =	vst v2;
	v2 =	vmul.f32 s9, v6  }
0x260: {  	[tilespmem:s16+$0x93C0] =	vst v4;
	v4 =	vmul.f32 s9, v7  }
0x261: {  	[tilespmem:s16+$0x93D0] =	vst v2;
	v2 =	vmul.f32 s9, v3  }
0x262: {  	[tilespmem:s16+$0x93E0] =	vst v4  }
0x263: {  	s6 =	simm.s32 $0x480;
	s9 =	simm.s32 $0xA;
	[tilespmem:s16+$0x9400] =	vst v2  }
0x264: {  	[spmem:s10] =	stream.indirect.scatter.add.f32 [tilespmem:s21], [sflag:$0xC], $0x80, s6, s19, $0xb8;
	[tilespmem:$0x1E080] =	vst v63  }
0x265: {  	_ =	swait.ge [sflag:s9], $0x1400  }
0x266: {  	[sflag:s9] =	ssyncset.done $0x0  }
0x267: {  	s16 =	simm.s32 $0xC;
	[sflag:s9] =	ssyncadd.s32 $0xFFFFEC00  }
0x268: {  	_ =	swait.ge [sflag:s16], $0x1400  }
0x269: {  	[sflag:s16] =	ssyncset.done $0x0  }
0x26a: {  	[sflag:s16] =	ssyncadd.s32 $0xFFFFEC00  }
0x26b: {  	_ =	swait.ge [sflag:s14], $0x28  }
0x26c: {  	[sflag:s14] =	ssyncset.done $0x0  }
0x26d: {  	[sflag:s14] =	ssyncadd.s32 $0xFFFFFFD8  }
0x26e: {  	_ =	swait.ge [sflag:s14], $0x28  }
0x26f: {  	[sflag:s14] =	ssyncset.done $0x0  }
0x270: {  	[sflag:s14] =	ssyncadd.s32 $0xFFFFFFD8  }
0x271: {  	_ =	swait.ge [sflag:s14], $0x28  }
0x272: {  	[sflag:s14] =	ssyncset.done $0x0  }
0x273: {  	[sflag:s14] =	ssyncadd.s32 $0xFFFFFFD8  }
0x274: {  	_ =	swait.ge [sflag:s14], $0x28  }
0x275: {  	[sflag:s14] =	ssyncset.done $0x0  }
0x276: {  	[sflag:s14] =	ssyncadd.s32 $0xFFFFFFD8  }
0x277: {  	s25 =	simm.s32 $0x4400;
	s6 =	simm.s32 $0x580;
	s17 =	rddreg [dreg:$0x1]  }
0x278: {  	[tilespmem:s25], [sflag:$0x8] =	stream.indirect.gather [hbm4b:s17+s19], $0x80, s6, s19, $0xb8;
	[tilespmem:$0x1E080] =	vst v63  }
0x279: {  	s16 =	rddreg [dreg:$0x2];
	s17 =	simm.s32 $0x6C00;
	s25 =	simm.s32 $0x780  }
0x27a: {  	[tilespmem:s17], [sflag:$0x8] =	stream.indirect.gather [hbm4b:s16+s19], $0x80, s25, s19, $0xb8;
	[tilespmem:$0x1E080] =	vst v63  }
0x27b: {  	s9 =	rddreg [dreg:$0x3]  }
0x27c: {  	[tilespmem:s21], [sflag:$0x8] =	stream.indirect.gather [hbm4b:s9+s19], $0x80, s25, s19, $0xb8;
	[tilespmem:$0x1E080] =	vst v63  }
0x27d: {  	s9 =	rddreg [dreg:$0x17]  }
0x27e: {  	s17 =	rddreg [dreg:$0x0];
	s25 =	simm.s32 $0x180;
	s4 =	sadd.s32 s13, s9  }
0x27f: {  	[tilespmem:s23], [sflag:$0x6] =	stream.indirect.gather [hbm4b:s17+s19], $0x80, s25, s19, $0xb8;
	[tilespmem:$0x1E080] =	vst v63  }
0x280: {  	s16 =	rddreg [dreg:$0x4];
	s4 =	sshrl.u32 s4, $0x3  }
0x281: {  	s9 =	sadd.s32 s16, s4  }
0x282: {  	[tilespmem:s11], [sflag:$0x1] =	stream.linear.gather [hbm4b:s9+s11], $0x28, $0x38;
	[tilespmem:$0x1E080] =	vst v63  }
0x283: {  	s25 =	simm.s32 $0x200;
	s17 =	sadd.s32 s7, s4  }
0x284: {  	[tilespmem:s25], [sflag:$0x1] =	stream.linear.gather [hbm4b:s17+s11], $0x28, $0x38;
	[tilespmem:$0x1E080] =	vst v63  }
0x285: {  	s17 =	sadd.s32 s8, s4;
	s25 =	simm.s32 $0x400  }
0x286: {  	[tilespmem:s25], [sflag:$0x1] =	stream.linear.gather [hbm4b:s17+s11], $0x28, $0x38;
	[tilespmem:$0x1E080] =	vst v63  }
0x287: {  	s4 =	sadd.s32 s0, s4  }
0x288: {  	[tilespmem:s1], [sflag:$0x1] =	stream.linear.gather [hbm4b:s4+s11], $0x28, $0x38;
	[tilespmem:$0x1E080] =	vst v63  }
0x289: {  	_ =	swait.ge [sflag:s31], $0x1400  }
0x28a: {  	[sflag:s31] =	ssyncset.done $0x0  }
0x28b: {  	s4 =	simm.s32 $0x300;
	[sflag:s31] =	ssyncadd.s32 $0xFFFFEC00  }
0x28c: {  	[spmem:s10] =	stream.indirect.scatter.add.f32 [tilespmem:s30], [sflag:$0x9], $0x80, s4, s19, $0xb8;
	[tilespmem:$0x1E080] =	vst v63  }
0x28d: {  	_ =	swait.ge [sflag:s20], $0x1400  }
0x28e: {  	[sflag:s20] =	ssyncset.done $0x0  }
0x28f: {  	[sflag:s20] =	ssyncadd.s32 $0xFFFFEC00  }
0x290: {  	_ =	swait.ge [sflag:s20], $0x1400  }
0x291: {  	[sflag:s20] =	ssyncset.done $0x0  }
0x292: {  	[sflag:s20] =	ssyncadd.s32 $0xFFFFEC00  }
0x293: {  	_ =	swait.ge [sflag:s20], $0x1400  }
0x294: {  	[sflag:s20] =	ssyncset.done $0x0  }
0x295: {  	s17 =	simm.s32 $0xF0;
	[sflag:s20] =	ssyncadd.s32 $0xFFFFEC00  }
0x296: {  	v1 =	vld [tilespmem:s17+$0x2F80]  }
0x297: {  	v9 =	vld [tilespmem:s17+$0x2F10]  }
0x298: {  	v10 =	vld [tilespmem:s17+$0x5710]  }
0x299: {  	v11 =	vld [tilespmem:s17+$0x2F20]  }
0x29a: {  	v12 =	vld [tilespmem:s17+$0x5720]  }
0x29b: {  	v13 =	vld [tilespmem:s17+$0x2F30]  }
0x29c: {  	v14 =	vld [tilespmem:s17+$0x5730]  }
0x29d: {  	v15 =	vld [tilespmem:s17+$0x2F40]  }
0x29e: {  	v16 =	vld [tilespmem:s17+$0x5740]  }
0x29f: {  	v7 =	vld [tilespmem:s17+$0x2F50];
	v9 =	vmul.f32 v10, v9;
	v10 =	vmul.f32 v12, v11  }
0x2a0: {  	v8 =	vld [tilespmem:s17+$0x5750]  }
0x2a1: {  	v5 =	vld [tilespmem:s17+$0x2F60];
	v9 =	vadd.f32 v10, v9;
	v10 =	vmul.f32 v14, v13  }
0x2a2: {  	v6 =	vld [tilespmem:s17+$0x5760]  }
0x2a3: {  	v3 =	vld [tilespmem:s17+$0x2F70];
	v9 =	vadd.f32 v10, v9;
	v10 =	vmul.f32 v16, v15  }
0x2a4: {  	v4 =	vld [tilespmem:s17+$0x5770]  }
0x2a5: {  	v2 =	vld [tilespmem:s17+$0x5780];
	v7 =	vmul.f32 v8, v7;
	v9 =	vadd.f32 v10, v9  }
0x2a6: {  	v8 =	vld [tilespmem:s17+$0x57A0]  }
0x2a7: {  	v5 =	vmul.f32 v6, v5;
	v14 =	vld [tilespmem:s17+$0x2F90];
	v6 =	vadd.f32 v7, v9  }
0x2a8: {  	v15 =	vld [tilespmem:s17+$0x5790]  }
0x2a9: {  	v3 =	vmul.f32 v4, v3;
	v16 =	vld [tilespmem:s17+$0x2FA0];
	v4 =	vadd.f32 v5, v6  }
0x2aa: {  	v12 =	vld [tilespmem:s17+$0x2FB0]  }
0x2ab: {  	v1 =	vmul.f32 v2, v1;
	v13 =	vld [tilespmem:s17+$0x57B0];
	v2 =	vadd.f32 v3, v4  }
0x2ac: {  	v17 =	vld [tilespmem:s17+$0x2FC0]  }
0x2ad: {  	v11 =	vld [tilespmem:s17+$0x57C0];
	v1 =	vadd.f32 v1, v2  }
0x2ae: {  	v7 =	vld [tilespmem:s17+$0x2FD0];
	v8 =	vmul.f32 v8, v16;
	v2 =	vmul.f32 v15, v14  }
0x2af: {  	v9 =	vld [tilespmem:s17+$0x57D0];
	(xrf2) =	vadd.scan.msk.f32 $0xffff, v1  }
0x2b0: {  	v5 =	vld [tilespmem:s17+$0x2FE0];
	v1 =	vmul.f32 v13, v12;
	v2 =	vadd.f32 v8, v2  }
0x2b1: {  	v6 =	vld [tilespmem:s17+$0x57E0]  }
0x2b2: {  	v11 =	vmul.f32 v11, v17;
	v3 =	vld [tilespmem:s17+$0x2FF0];
	v1 =	vadd.f32 v1, v2  }
0x2b3: {  	v4 =	vld [tilespmem:s17+$0x57F0]  }
0x2b4: {  	v18 =	vld [tilespmem:s17+$0x5800];
	v2 =	vmul.f32 v9, v7;
	v1 =	vadd.f32 v11, v1  }
0x2b5: {  	s16 =	simm.s32 $0x1F0;
	v10 =	vld [tilespmem:s17+$0x3000]  }
0x2b6: {  	v19 =	vld [tilespmem:s16+$0x57B0];
	v1 =	vadd.f32 v2, v1;
	v2 =	vmul.f32 v6, v5  }
0x2b7: {  	v20 =	vld [tilespmem:s16+$0x5720]  }
0x2b8: {  	v21 =	vld [tilespmem:s16+$0x2F90];
	v3 =	vmul.f32 v4, v3;
	v6 =	vadd.f32 v2, v1  }
0x2b9: {  	v22 =	vld [tilespmem:s16+$0x5790];
	v4, _, _ =	vpop (xrf2)  }
0x2ba: {  	v23 =	vld [tilespmem:s16+$0x2FA0];
	v3 =	vadd.f32 v3, v6;
	(v2sf) =	vpush v4, $0xF;
	v4 =	vmul.f32 v18, v10  }
0x2bb: {  	v24 =	vld [tilespmem:s16+$0x57A0]  }
0x2bc: {  	v25 =	vld [tilespmem:s17+$0x7F10];
	v3 =	vadd.f32 v4, v3  }
0x2bd: {  	v26 =	vld [tilespmem:s17+$0x7F20]  }
0x2be: {  	v28 =	vld [tilespmem:s17+$0x7F30];
	(xrf2) =	vadd.scan.msk.f32 $0xffff, v3  }
0x2bf: {  	v55 =	vld [tilespmem:s17+$0x7F40]  }
0x2c0: {  	v29 =	vld [tilespmem:s17+$0x7F50]  }
0x2c1: {  	v30 =	vld [tilespmem:s17+$0x7F60]  }
0x2c2: {  	v31 =	vld [tilespmem:s17+$0x7F70]  }
0x2c3: {  	v56 =	vld [tilespmem:s17+$0x7F80]  }
0x2c4: {  	v17 =	vld [tilespmem:s16+$0x5740]  }
0x2c5: {  	v16 =	vld [tilespmem:s16+$0x5760]  }
0x2c6: {  	v14 =	vld [tilespmem:s16+$0x2F80]  }
0x2c7: {  	v15 =	vld [tilespmem:s16+$0x5780]  }
0x2c8: {  	v8 =	vld [tilespmem:s16+$0x2F70];
	v27, _, _ =	vpop (xrf2)  }
0x2c9: {  	v12 =	vld [tilespmem:s16+$0x5770];
	s9 =	spop (v2sf);
	(v2sf) =	vpush v27, $0xF  }
0x2ca: {  	v13 =	vld [tilespmem:s16+$0x2F60]  }
0x2cb: {  	v9 =	vld [tilespmem:s16+$0x2F50]  }
0x2cc: {  	v7 =	vld [tilespmem:s16+$0x2F30]  }
0x2cd: {  	v11 =	vld [tilespmem:s16+$0x5750]  }
0x2ce: {  	v5 =	vld [tilespmem:s16+$0x2F40]  }
0x2cf: {  	v4 =	vld [tilespmem:s16+$0x5710]  }
0x2d0: {  	v3 =	vld [tilespmem:s16+$0x2F10]  }
0x2d1: {  	v6 =	vld [tilespmem:s16+$0x2F20];
	s4 =	smul.f32 $-8.838834610e-02, s9  }
0x2d2: {  	v10 =	vld [tilespmem:s16+$0x5730]  }
0x2d3: {  	v1 =	vld [tilespmem:s16+$0x2FC0];
	v25 =	vmul.f32 s4, v25  }
0x2d4: {  	v2 =	vld [tilespmem:s16+$0x57C0];
	v26 =	vmul.f32 s4, v26  }
0x2d5: {  	v18 =	vld [tilespmem:s16+$0x2FB0];
	v3 =	vmul.f32 v4, v3;
	v28 =	vmul.f32 s4, v28;
	[tilespmem:s17+$0x7F10] =	vst v25  }
0x2d6: {  	v57 =	vld [tilespmem:s17+$0x7F90];
	v4 =	vmul.f32 v20, v6;
	v27 =	vmul.f32 s4, v55;
	[tilespmem:s17+$0x7F20] =	vst v26  }
0x2d7: {  	v58 =	vld [tilespmem:s17+$0x7FA0];
	v10 =	vmul.f32 v10, v7;
	v29 =	vmul.f32 s4, v29;
	[tilespmem:s17+$0x7F30] =	vst v28  }
0x2d8: {  	v59 =	vld [tilespmem:s17+$0x7FB0];
	v63 =	vadd.f32 v4, v3;
	v3 =	vmul.f32 v15, v14;
	v30 =	vmul.f32 s4, v30;
	[tilespmem:s17+$0x7F40] =	vst v27;
	s25 =	spop (v2sf)  }
0x2d9: {  	v60 =	vld [tilespmem:s17+$0x7FC0];
	v4 =	vmul.f32 v12, v8;
	v31 =	vmul.f32 s4, v31;
	[tilespmem:s17+$0x7F50] =	vst v29;
	s9 =	smul.f32 $-8.838834610e-02, s25  }
0x2da: {  	v61 =	vld [tilespmem:s17+$0x7FD0];
	v14 =	vmul.f32 v17, v5;
	v12 =	vadd.f32 v10, v63;
	[tilespmem:s17+$0x7F60] =	vst v30;
	v25 =	vmul.f32 s4, v56  }
0x2db: {  	v6 =	vld [tilespmem:s17+$0x7FE0];
	v10 =	vmul.f32 v16, v13;
	[tilespmem:s17+$0x7F70] =	vst v31;
	v62 =	vmul.f32 s9, v57  }
0x2dc: {  	v7 =	vld [tilespmem:s17+$0x7FF0];
	v16 =	vmul.f32 v11, v9;
	v12 =	vadd.f32 v14, v12;
	[tilespmem:s17+$0x7F80] =	vst v25;
	v15 =	vmul.f32 s9, v58  }
0x2dd: {  	v8 =	vld [tilespmem:s17+$0x8000];
	v11 =	vmul.f32 v22, v21;
	v17 =	vmul.f32 s9, v59;
	[tilespmem:s17+$0x7F90] =	vst v62  }
0x2de: {  	v13 =	vmul.f32 v24, v23;
	v16 =	vadd.f32 v16, v12;
	v14 =	vmul.f32 s9, v60;
	v5 =	vld [tilespmem:s16+$0x2FD0];
	[tilespmem:s17+$0x7FA0] =	vst v15  }
0x2df: {  	s6 =	simm.s32 $0x780;
	v12 =	vmul.f32 v19, v18;
	s25 =	simm.s32 $0xBC0;
	v15 =	vmul.f32 s9, v61;
	v9 =	vld [tilespmem:s16+$0x57D0];
	[tilespmem:s17+$0x7FB0] =	vst v17  }
.LBB2_9:
0x2e0: {  	p1 =	sne.s32 s25, $0x4FC0;
	v10 =	vadd.f32 v10, v16;
	v11 =	vadd.f32 v13, v11;
	v13 =	vld [tilespmem:s16+$0x2FE0];
	[tilespmem:s17+$0x7FC0] =	vst v14;
	v6 =	vmul.f32 s9, v6  }
0x2e1: {  	v1 =	vmul.f32 v2, v1;
	v2 =	vld [tilespmem:s16+$0x57E0];
	[tilespmem:s17+$0x7FD0] =	vst v15;
	v7 =	vmul.f32 s9, v7  }
0x2e2: {  	v4 =	vadd.f32 v4, v10;
	v10 =	vadd.f32 v12, v11;
	v11 =	vld [tilespmem:s16+$0x2FF0];
	[tilespmem:s17+$0x7FE0] =	vst v6;
	v6 =	vmul.f32 s9, v8  }
0x2e3: {  	v8 =	vld [tilespmem:s16+$0x57F0];
	[tilespmem:s17+$0x7FF0] =	vst v7  }
0x2e4: {  	v3 =	vadd.f32 v3, v4;
	v1 =	vadd.f32 v1, v10;
	v4 =	vmul.f32 v9, v5;
	v5 =	vld [tilespmem:s16+$0x3000];
	[tilespmem:s17+$0x8000] =	vst v6;
	s17 =	smov.u32 s16  }
0x2e5: {  	s16 =	sshra.s32 s25, $0x2;
	v6 =	vld [tilespmem:s17+$0x5800]  }
0x2e6: {  	v7 =	vld [tilespmem:s16+$0x2F80];
	v1 =	vadd.f32 v4, v1;
	v2 =	vmul.f32 v2, v13;
	(xrf2) =	vadd.scan.msk.f32 $0xffff, v3  }
0x2e7: {  	v3 =	vld [tilespmem:s16+$0x5780]  }
0x2e8: {  	v4 =	vld [tilespmem:s16+$0x2F70];
	v1 =	vadd.f32 v2, v1;
	v2 =	vmul.f32 v8, v11  }
0x2e9: {  	v8 =	vld [tilespmem:s16+$0x5770]  }
0x2ea: {  	v9 =	vld [tilespmem:s16+$0x2F60];
	v1 =	vadd.f32 v2, v1;
	v2 =	vmul.f32 v6, v5  }
0x2eb: {  	v5 =	vld [tilespmem:s16+$0x5760]  }
0x2ec: {  	v11 =	vld [tilespmem:s16+$0x2F50];
	v1 =	vadd.f32 v2, v1  }
0x2ed: {  	v12 =	vld [tilespmem:s16+$0x5750]  }
0x2ee: {  	v6 =	vld [tilespmem:s16+$0x2F40];
	(xrf2) =	vadd.scan.msk.f32 $0xffff, v1  }
0x2ef: {  	v10 =	vld [tilespmem:s16+$0x5740]  }
0x2f0: {  	v1 =	vld [tilespmem:s16+$0x2FC0];
	v13, _, _ =	vpop (xrf2)  }
0x2f1: {  	v2 =	vld [tilespmem:s16+$0x57C0];
	(v2sf) =	vpush v13, $0xF  }
0x2f2: {  	v13 =	vld [tilespmem:s16+$0x2F30]  }
0x2f3: {  	v14 =	vld [tilespmem:s16+$0x5730]  }
0x2f4: {  	v15 =	vld [tilespmem:s16+$0x2FB0]  }
0x2f5: {  	v17 =	vld [tilespmem:s16+$0x57B0]  }
0x2f6: {  	v16 =	vld [tilespmem:s16+$0x2F10]  }
0x2f7: {  	v18 =	vld [tilespmem:s16+$0x5710]  }
0x2f8: {  	v19 =	vld [tilespmem:s16+$0x2F20];
	v20, _, _ =	vpop (xrf2)  }
0x2f9: {  	v21 =	vld [tilespmem:s16+$0x5720];
	(v2sf) =	vpush v20, $0xF  }
0x2fa: {  	v20 =	vld [tilespmem:s16+$0x2F90]  }
0x2fb: {  	v22 =	vld [tilespmem:s16+$0x5790]  }
0x2fc: {  	v23 =	vld [tilespmem:s16+$0x2FA0]  }
0x2fd: {  	v24 =	vld [tilespmem:s16+$0x57A0]  }
0x2fe: {  	v25 =	vld [tilespmem:s17+$0x7F10]  }
0x2ff: {  	v26 =	vld [tilespmem:s17+$0x7F20]  }
0x300: {  	v27 =	vld [tilespmem:s17+$0x7F30];
	s4 =	spop (v2sf)  }
0x301: {  	s4 =	smul.f32 $-8.838834610e-02, s4;
	v28 =	vld [tilespmem:s17+$0x7F40]  }
0x302: {  	v29 =	vld [tilespmem:s17+$0x7F50]  }
0x303: {  	v25 =	vmul.f32 s4, v25;
	v30 =	vld [tilespmem:s17+$0x7F60]  }
0x304: {  	v26 =	vmul.f32 s4, v26;
	v31 =	vld [tilespmem:s17+$0x7F70]  }
0x305: {  	v16 =	vmul.f32 v18, v16;
	[tilespmem:s17+$0x7F10] =	vst v25;
	v18 =	vmul.f32 s4, v27;
	v25 =	vld [tilespmem:s17+$0x7F80]  }
0x306: {  	v19 =	vmul.f32 v21, v19;
	[tilespmem:s17+$0x7F20] =	vst v26;
	v21 =	vmul.f32 s4, v28;
	v26 =	vld [tilespmem:s17+$0x7F90]  }
0x307: {  	v3 =	vmul.f32 v3, v7;
	[tilespmem:s17+$0x7F30] =	vst v18;
	v7 =	vmul.f32 s4, v29;
	v18 =	vld [tilespmem:s17+$0x7FA0]  }
0x308: {  	v13 =	vmul.f32 v14, v13;
	v16 =	vadd.f32 v19, v16;
	[tilespmem:s17+$0x7F40] =	vst v21;
	v14 =	vmul.f32 s4, v30;
	v19 =	vld [tilespmem:s17+$0x7FB0];
	s9 =	spop (v2sf)  }
0x309: {  	v4 =	vmul.f32 v8, v4;
	[tilespmem:s17+$0x7F50] =	vst v7;
	v7 =	vmul.f32 s4, v31;
	s9 =	smul.f32 $-8.838834610e-02, s9;
	v21 =	vld [tilespmem:s17+$0x7FC0]  }
0x30a: {  	v8 =	vadd.f32 v13, v16;
	v13 =	vmul.f32 v10, v6;
	[tilespmem:s17+$0x7F60] =	vst v14;
	v14 =	vmul.f32 s4, v25;
	v25 =	vld [tilespmem:s17+$0x7FD0]  }
.Ltmp3:
0x30b: {  	v10 =	vmul.f32 v5, v9;
	[tilespmem:s17+$0x7F70] =	vst v7;
	v5 =	vmul.f32 s9, v26;
	v6 =	vld [tilespmem:s17+$0x7FE0];
	(pc) =	sbr.rel @p1 .LBB2_9-.Ltmp3, $4  }
0x30c: {  	v12 =	vmul.f32 v12, v11;
	v9 =	vadd.f32 v13, v8;
	[tilespmem:s17+$0x7F80] =	vst v14;
	v14 =	vmul.f32 s9, v18;
	v7 =	vld [tilespmem:s17+$0x7FF0]  }
0x30d: {  	v11 =	vmul.f32 v22, v20;
	[tilespmem:s17+$0x7F90] =	vst v5;
	v18 =	vmul.f32 s9, v19;
	v8 =	vld [tilespmem:s17+$0x8000]  }
0x30e: {  	v13 =	vmul.f32 v24, v23;
	v16 =	vadd.f32 v12, v9;
	v5 =	vld [tilespmem:s16+$0x2FD0];
	[tilespmem:s17+$0x7FA0] =	vst v14;
	v14 =	vmul.f32 s9, v21  }
0x30f: {  	s25 =	sadd.s32 $0x400, s25;
	v12 =	vmul.f32 v17, v15;
	v9 =	vld [tilespmem:s16+$0x57D0];
	[tilespmem:s17+$0x7FB0] =	vst v18;
	v15 =	vmul.f32 s9, v25  }
0x310: {  	v10 =	vadd.f32 v10, v16;
	_ =	sdelay $0x1  }
0x311: {  	v4 =	vadd.f32 v4, v10;
	_ =	sdelay $0x1  }
0x312: {  	v3 =	vadd.f32 v3, v4;
	_ =	sdelay $0x1  }
0x313: {  	(xrf2) =	vadd.scan.msk.f32 $0xffff, v3  }
0x314: {  	v6 =	vmul.f32 s9, v6;
	v11 =	vadd.f32 v13, v11;
	v10 =	vld [tilespmem:s16+$0x2FE0];
	[tilespmem:s17+$0x7FC0] =	vst v14  }
0x315: {  	v7 =	vmul.f32 s9, v7;
	v4 =	vld [tilespmem:s16+$0x57E0];
	[tilespmem:s17+$0x7FD0] =	vst v15  }
0x316: {  	v1 =	vmul.f32 v2, v1;
	v2 =	vadd.f32 v12, v11;
	v8 =	vmul.f32 s9, v8;
	v3 =	vld [tilespmem:s16+$0x2FF0];
	[tilespmem:s17+$0x7FE0] =	vst v6  }
0x317: {  	v6 =	vld [tilespmem:s16+$0x57F0];
	[tilespmem:s17+$0x7FF0] =	vst v7  }
0x318: {  	v1 =	vadd.f32 v1, v2;
	v2 =	vmul.f32 v9, v5;
	v7 =	vld [tilespmem:s16+$0x3000];
	[tilespmem:s17+$0x8000] =	vst v8  }
0x319: {  	v5 =	vld [tilespmem:s16+$0x5800]  }
0x31a: {  	v1 =	vadd.f32 v2, v1;
	v2 =	vmul.f32 v4, v10;
	_ =	sdelay $0x1  }
0x31b: {  	v1 =	vadd.f32 v2, v1;
	v2 =	vmul.f32 v6, v3  }
0x31c: {  	v3, _, _ =	vpop (xrf2)  }
0x31d: {  	v1 =	vadd.f32 v2, v1;
	v2 =	vmul.f32 v5, v7;
	(v2sf) =	vpush v3, $0xF;
	_ =	sdelay $0x1  }
0x31e: {  	v1 =	vadd.f32 v2, v1;
	_ =	sdelay $0x1  }
0x31f: {  	(xrf2) =	vadd.scan.msk.f32 $0xffff, v1;
	_ =	sdelay $0x9  }
0x320: {  	v3, _, _ =	vpop (xrf2)  }
0x321: {  	s4 =	spop (v2sf);
	(v2sf) =	vpush v3, $0xF  }
0x322: {  	v1 =	vld [tilespmem:s16+$0x7F10];
	_ =	sdelay $0x2  }
0x323: {  	s4 =	smul.f32 $-8.838834610e-02, s4  }
0x324: {  	v2 =	vld [tilespmem:s16+$0x7F20]  }
0x325: {  	v4 =	vld [tilespmem:s16+$0x7F30];
	v1 =	vmul.f32 s4, v1  }
0x326: {  	v3 =	vld [tilespmem:s16+$0x7F40]  }
0x327: {  	[tilespmem:s16+$0x7F10] =	vst v1;
	v1 =	vld [tilespmem:s16+$0x7F80]  }
0x328: {  	v6 =	vld [tilespmem:s16+$0x7F60]  }
0x329: {  	v5 =	vld [tilespmem:s16+$0x7F50];
	v2 =	vmul.f32 s4, v2  }
0x32a: {  	v7 =	vld [tilespmem:s16+$0x7F70];
	v4 =	vmul.f32 s4, v4  }
0x32b: {  	[tilespmem:s16+$0x7F20] =	vst v2;
	v2 =	vld [tilespmem:s16+$0x7F90];
	v3 =	vmul.f32 s4, v3  }
0x32c: {  	[tilespmem:s16+$0x7F30] =	vst v4;
	v4 =	vld [tilespmem:s16+$0x7FA0];
	v1 =	vmul.f32 s4, v1  }
0x32d: {  	[tilespmem:s16+$0x7F40] =	vst v3;
	v3 =	vld [tilespmem:s16+$0x7FB0]  }
0x32e: {  	v5 =	vmul.f32 s4, v5;
	[tilespmem:s16+$0x7F80] =	vst v1;
	v1 =	vld [tilespmem:s16+$0x7FF0];
	s1 =	spop (v2sf)  }
0x32f: {  	v6 =	vmul.f32 s4, v6;
	s9 =	smul.f32 $-8.838834610e-02, s1  }
0x330: {  	v7 =	vmul.f32 s4, v7;
	[tilespmem:s16+$0x7F50] =	vst v5;
	v5 =	vld [tilespmem:s16+$0x7FC0]  }
0x331: {  	[tilespmem:s16+$0x7F60] =	vst v6;
	v6 =	vld [tilespmem:s16+$0x7FD0];
	v2 =	vmul.f32 s9, v2  }
0x332: {  	[tilespmem:s16+$0x7F70] =	vst v7;
	v7 =	vld [tilespmem:s16+$0x7FE0];
	v4 =	vmul.f32 s9, v4  }
0x333: {  	v1 =	vmul.f32 s9, v1;
	[tilespmem:s16+$0x7F90] =	vst v2;
	v2 =	vmul.f32 s9, v3;
	v3 =	vld [tilespmem:s16+$0x8000]  }
0x334: {  	[tilespmem:s16+$0x7FA0] =	vst v4  }
0x335: {  	v4 =	vmul.f32 s9, v5;
	[tilespmem:s16+$0x7FF0] =	vst v1  }
0x336: {  	[tilespmem:s16+$0x7FB0] =	vst v2;
	v2 =	vmul.f32 s9, v6  }
0x337: {  	[tilespmem:s16+$0x7FC0] =	vst v4;
	v4 =	vmul.f32 s9, v7  }
0x338: {  	[tilespmem:s16+$0x7FD0] =	vst v2;
	v2 =	vmul.f32 s9, v3  }
0x339: {  	[tilespmem:s16+$0x7FE0] =	vst v4  }
0x33a: {  	s1 =	simm.s32 $0x500;
	[tilespmem:s16+$0x8000] =	vst v2  }
0x33b: {  	[spmem:s10] =	stream.indirect.scatter.add.f32 [tilespmem:s28], [sflag:$0xB], $0x80, s1, s19, $0xb8;
	[tilespmem:$0x1E080] =	vst v63  }
0x33c: {  	_ =	swait.ge [sflag:s26], $0x1400  }
0x33d: {  	[sflag:s26] =	ssyncset.done $0x0  }
0x33e: {  	[sflag:s26] =	ssyncadd.s32 $0xFFFFEC00  }
0x33f: {  	_ =	swait.ge [sflag:s29], $0x1400  }
0x340: {  	[sflag:s29] =	ssyncset.done $0x0  }
0x341: {  	[sflag:s29] =	ssyncadd.s32 $0xFFFFEC00  }
0x342: {  	_ =	swait.ge [sflag:s18], $0x28  }
0x343: {  	[sflag:s18] =	ssyncset.done $0x0  }
0x344: {  	[sflag:s18] =	ssyncadd.s32 $0xFFFFFFD8  }
0x345: {  	_ =	swait.ge [sflag:s18], $0x28  }
0x346: {  	[sflag:s18] =	ssyncset.done $0x0  }
0x347: {  	[sflag:s18] =	ssyncadd.s32 $0xFFFFFFD8  }
0x348: {  	_ =	swait.ge [sflag:s18], $0x28  }
0x349: {  	[sflag:s18] =	ssyncset.done $0x0  }
0x34a: {  	[sflag:s18] =	ssyncadd.s32 $0xFFFFFFD8  }
0x34b: {  	_ =	swait.ge [sflag:s18], $0x28  }
0x34c: {  	[sflag:s18] =	ssyncset.done $0x0  }
0x34d: {  	[sflag:s18] =	ssyncadd.s32 $0xFFFFFFD8  }
0x34e: {  	s25 =	simm.s32 $0x3000;
	s16 =	simm.s32 $0x400;
	s17 =	rddreg [dreg:$0x1]  }
0x34f: {  	[tilespmem:s25], [sflag:$0x7] =	stream.indirect.gather [hbm4b:s17+s19], $0x80, s16, s19, $0xb8;
	[tilespmem:$0x1E080] =	vst v63  }
0x350: {  	s16 =	rddreg [dreg:$0x2]  }
0x351: {  	s4 =	simm.s32 $0x600;
	s17 =	simm.s32 $0x5800;
	s25 =	rddreg [dreg:$0x3]  }
0x352: {  	[tilespmem:s17], [sflag:$0x7] =	stream.indirect.gather [hbm4b:s16+s19], $0x80, s4, s19, $0xb8;
	[tilespmem:$0x1E080] =	vst v63  }
0x353: {  	s16 =	rddreg [dreg:$0x18]  }
0x354: {  	[tilespmem:s28], [sflag:$0x7] =	stream.indirect.gather [hbm4b:s25+s19], $0x80, s4, s19, $0xb8;
	[tilespmem:$0x1E080] =	vst v63  }
0x355: {  	s9 =	rddreg [dreg:$0x0];
	s4 =	sadd.s32 s13, s16  }
0x356: {  	s17 =	rddreg [dreg:$0x4];
	s4 =	sshrl.u32 s4, $0x3  }
0x357: {  	[tilespmem:s30], [sflag:$0x5] =	stream.indirect.gather [hbm4b:s9+s19], $0x80, s11, s19, $0xb8;
	[tilespmem:$0x1E080] =	vst v63  }
0x358: {  	s25 =	simm.s32 $0x80;
	s9 =	sadd.s32 s17, s4  }
0x359: {  	[tilespmem:s25], [sflag:$0x2] =	stream.linear.gather [hbm4b:s9+s11], $0x28, $0x38;
	[tilespmem:$0x1E080] =	vst v63  }
0x35a: {  	s16 =	simm.s32 $0x280;
	s13 =	sadd.s32 s7, s4  }
0x35b: {  	[tilespmem:s16], [sflag:$0x2] =	stream.linear.gather [hbm4b:s13+s11], $0x28, $0x38;
	[tilespmem:$0x1E080] =	vst v63  }
0x35c: {  	s17 =	sadd.s32 s8, s4;
	s25 =	simm.s32 $0x480  }
0x35d: {  	[tilespmem:s25], [sflag:$0x2] =	stream.linear.gather [hbm4b:s17+s11], $0x28, $0x38;
	[tilespmem:$0x1E080] =	vst v63  }
0x35e: {  	s4 =	sadd.s32 s0, s4  }
0x35f: {  	[tilespmem:s2], [sflag:$0x2] =	stream.linear.gather [hbm4b:s4+s11], $0x28, $0x38;
	[tilespmem:$0x1E080] =	vst v63  }
0x360: {  	_ =	swait.ge [sflag:s15], $0x1400  }
0x361: {  	[sflag:s15] =	ssyncset.done $0x0  }
0x362: {  	s16 =	simm.s32 $0x380;
	[sflag:s15] =	ssyncadd.s32 $0xFFFFEC00  }
0x363: {  	[spmem:s10] =	stream.indirect.scatter.add.f32 [tilespmem:s23], [sflag:$0xA], $0x80, s16, s19, $0xb8;
	[tilespmem:$0x1E080] =	vst v63  }
0x364: {  	_ =	swait.ge [sflag:s24], $0x1400  }
0x365: {  	[sflag:s24] =	ssyncset.done $0x0  }
0x366: {  	[sflag:s24] =	ssyncadd.s32 $0xFFFFEC00  }
0x367: {  	_ =	swait.ge [sflag:s24], $0x1400  }
0x368: {  	[sflag:s24] =	ssyncset.done $0x0  }
0x369: {  	[sflag:s24] =	ssyncadd.s32 $0xFFFFEC00  }
0x36a: {  	_ =	swait.ge [sflag:s24], $0x1400  }
0x36b: {  	[sflag:s24] =	ssyncset.done $0x0  }
0x36c: {  	s16 =	simm.s32 $0xF0;
	[sflag:s24] =	ssyncadd.s32 $0xFFFFEC00  }
0x36d: {  	v1 =	vld [tilespmem:s16+$0x4380]  }
0x36e: {  	v9 =	vld [tilespmem:s16+$0x4310]  }
0x36f: {  	v10 =	vld [tilespmem:s16+$0x6B10]  }
0x370: {  	v11 =	vld [tilespmem:s16+$0x4320]  }
0x371: {  	v12 =	vld [tilespmem:s16+$0x6B20]  }
0x372: {  	v13 =	vld [tilespmem:s16+$0x4330]  }
0x373: {  	v14 =	vld [tilespmem:s16+$0x6B30]  }
0x374: {  	v15 =	vld [tilespmem:s16+$0x4340]  }
0x375: {  	v16 =	vld [tilespmem:s16+$0x6B40]  }
0x376: {  	v7 =	vld [tilespmem:s16+$0x4350];
	v9 =	vmul.f32 v10, v9;
	v10 =	vmul.f32 v12, v11  }
0x377: {  	v8 =	vld [tilespmem:s16+$0x6B50]  }
0x378: {  	v5 =	vld [tilespmem:s16+$0x4360];
	v9 =	vadd.f32 v10, v9;
	v10 =	vmul.f32 v14, v13  }
0x379: {  	v6 =	vld [tilespmem:s16+$0x6B60]  }
0x37a: {  	v3 =	vld [tilespmem:s16+$0x4370];
	v9 =	vadd.f32 v10, v9;
	v10 =	vmul.f32 v16, v15  }
0x37b: {  	v4 =	vld [tilespmem:s16+$0x6B70]  }
0x37c: {  	v2 =	vld [tilespmem:s16+$0x6B80];
	v7 =	vmul.f32 v8, v7;
	v9 =	vadd.f32 v10, v9  }
0x37d: {  	v8 =	vld [tilespmem:s16+$0x6BA0]  }
0x37e: {  	v5 =	vmul.f32 v6, v5;
	v14 =	vld [tilespmem:s16+$0x4390];
	v6 =	vadd.f32 v7, v9  }
0x37f: {  	v15 =	vld [tilespmem:s16+$0x6B90]  }
0x380: {  	v3 =	vmul.f32 v4, v3;
	v16 =	vld [tilespmem:s16+$0x43A0];
	v4 =	vadd.f32 v5, v6  }
0x381: {  	v12 =	vld [tilespmem:s16+$0x43B0]  }
0x382: {  	v1 =	vmul.f32 v2, v1;
	v13 =	vld [tilespmem:s16+$0x6BB0];
	v2 =	vadd.f32 v3, v4  }
0x383: {  	v17 =	vld [tilespmem:s16+$0x43C0]  }
0x384: {  	v11 =	vld [tilespmem:s16+$0x6BC0];
	v1 =	vadd.f32 v1, v2  }
0x385: {  	v7 =	vld [tilespmem:s16+$0x43D0];
	v8 =	vmul.f32 v8, v16;
	v2 =	vmul.f32 v15, v14  }
0x386: {  	v9 =	vld [tilespmem:s16+$0x6BD0];
	(xrf2) =	vadd.scan.msk.f32 $0xffff, v1  }
0x387: {  	v5 =	vld [tilespmem:s16+$0x43E0];
	v1 =	vmul.f32 v13, v12;
	v2 =	vadd.f32 v8, v2  }
0x388: {  	v6 =	vld [tilespmem:s16+$0x6BE0]  }
0x389: {  	v11 =	vmul.f32 v11, v17;
	v3 =	vld [tilespmem:s16+$0x43F0];
	v1 =	vadd.f32 v1, v2  }
0x38a: {  	v4 =	vld [tilespmem:s16+$0x6BF0]  }
0x38b: {  	v18 =	vld [tilespmem:s16+$0x6C00];
	v2 =	vmul.f32 v9, v7;
	v1 =	vadd.f32 v11, v1  }
0x38c: {  	s13 =	simm.s32 $0x1F0;
	v10 =	vld [tilespmem:s16+$0x4400]  }
0x38d: {  	v19 =	vld [tilespmem:s13+$0x6BB0];
	v1 =	vadd.f32 v2, v1;
	v2 =	vmul.f32 v6, v5  }
0x38e: {  	v20 =	vld [tilespmem:s13+$0x6B20]  }
0x38f: {  	v21 =	vld [tilespmem:s13+$0x4390];
	v3 =	vmul.f32 v4, v3;
	v6 =	vadd.f32 v2, v1  }
0x390: {  	v22 =	vld [tilespmem:s13+$0x6B90];
	v4, _, _ =	vpop (xrf2)  }
0x391: {  	v23 =	vld [tilespmem:s13+$0x43A0];
	v3 =	vadd.f32 v3, v6;
	(v2sf) =	vpush v4, $0xF;
	v4 =	vmul.f32 v18, v10  }
0x392: {  	v24 =	vld [tilespmem:s13+$0x6BA0]  }
0x393: {  	v25 =	vld [tilespmem:s16+$0x9310];
	v3 =	vadd.f32 v4, v3  }
0x394: {  	v26 =	vld [tilespmem:s16+$0x9320]  }
0x395: {  	v28 =	vld [tilespmem:s16+$0x9330];
	(xrf2) =	vadd.scan.msk.f32 $0xffff, v3  }
0x396: {  	v55 =	vld [tilespmem:s16+$0x9340]  }
0x397: {  	v29 =	vld [tilespmem:s16+$0x9350]  }
0x398: {  	v30 =	vld [tilespmem:s16+$0x9360]  }
0x399: {  	v31 =	vld [tilespmem:s16+$0x9370]  }
0x39a: {  	v56 =	vld [tilespmem:s16+$0x9380]  }
0x39b: {  	v17 =	vld [tilespmem:s13+$0x6B40]  }
0x39c: {  	v16 =	vld [tilespmem:s13+$0x6B60]  }
0x39d: {  	v14 =	vld [tilespmem:s13+$0x4380]  }
0x39e: {  	v15 =	vld [tilespmem:s13+$0x6B80]  }
0x39f: {  	v8 =	vld [tilespmem:s13+$0x4370];
	v27, _, _ =	vpop (xrf2)  }
0x3a0: {  	v12 =	vld [tilespmem:s13+$0x6B70];
	s17 =	spop (v2sf);
	(v2sf) =	vpush v27, $0xF  }
0x3a1: {  	v13 =	vld [tilespmem:s13+$0x4360]  }
0x3a2: {  	v9 =	vld [tilespmem:s13+$0x4350]  }
0x3a3: {  	v7 =	vld [tilespmem:s13+$0x4330]  }
0x3a4: {  	v11 =	vld [tilespmem:s13+$0x6B50]  }
0x3a5: {  	v5 =	vld [tilespmem:s13+$0x4340]  }
0x3a6: {  	v4 =	vld [tilespmem:s13+$0x6B10]  }
0x3a7: {  	v3 =	vld [tilespmem:s13+$0x4310]  }
0x3a8: {  	v6 =	vld [tilespmem:s13+$0x4320];
	s4 =	smul.f32 $-8.838834610e-02, s17  }
0x3a9: {  	v10 =	vld [tilespmem:s13+$0x6B30]  }
0x3aa: {  	v1 =	vld [tilespmem:s13+$0x43C0];
	v25 =	vmul.f32 s4, v25  }
0x3ab: {  	v2 =	vld [tilespmem:s13+$0x6BC0];
	v26 =	vmul.f32 s4, v26  }
0x3ac: {  	v18 =	vld [tilespmem:s13+$0x43B0];
	v3 =	vmul.f32 v4, v3;
	v28 =	vmul.f32 s4, v28;
	[tilespmem:s16+$0x9310] =	vst v25  }
0x3ad: {  	v57 =	vld [tilespmem:s16+$0x9390];
	v4 =	vmul.f32 v20, v6;
	v27 =	vmul.f32 s4, v55;
	[tilespmem:s16+$0x9320] =	vst v26  }
0x3ae: {  	v58 =	vld [tilespmem:s16+$0x93A0];
	v10 =	vmul.f32 v10, v7;
	v29 =	vmul.f32 s4, v29;
	[tilespmem:s16+$0x9330] =	vst v28  }
0x3af: {  	v59 =	vld [tilespmem:s16+$0x93B0];
	v63 =	vadd.f32 v4, v3;
	v3 =	vmul.f32 v15, v14;
	v30 =	vmul.f32 s4, v30;
	[tilespmem:s16+$0x9340] =	vst v27;
	s25 =	spop (v2sf)  }
0x3b0: {  	v60 =	vld [tilespmem:s16+$0x93C0];
	v4 =	vmul.f32 v12, v8;
	v31 =	vmul.f32 s4, v31;
	[tilespmem:s16+$0x9350] =	vst v29;
	s9 =	smul.f32 $-8.838834610e-02, s25  }
0x3b1: {  	v61 =	vld [tilespmem:s16+$0x93D0];
	v14 =	vmul.f32 v17, v5;
	v12 =	vadd.f32 v10, v63;
	[tilespmem:s16+$0x9360] =	vst v30;
	v25 =	vmul.f32 s4, v56  }
0x3b2: {  	v6 =	vld [tilespmem:s16+$0x93E0];
	v10 =	vmul.f32 v16, v13;
	[tilespmem:s16+$0x9370] =	vst v31;
	v62 =	vmul.f32 s9, v57  }
0x3b3: {  	v7 =	vld [tilespmem:s16+$0x93F0];
	v16 =	vmul.f32 v11, v9;
	v12 =	vadd.f32 v14, v12;
	[tilespmem:s16+$0x9380] =	vst v25;
	v15 =	vmul.f32 s9, v58  }
0x3b4: {  	v8 =	vld [tilespmem:s16+$0x9400];
	v11 =	vmul.f32 v22, v21;
	v17 =	vmul.f32 s9, v59;
	[tilespmem:s16+$0x9390] =	vst v62  }
0x3b5: {  	v13 =	vmul.f32 v24, v23;
	v16 =	vadd.f32 v16, v12;
	v14 =	vmul.f32 s9, v60;
	v5 =	vld [tilespmem:s13+$0x43D0];
	[tilespmem:s16+$0x93A0] =	vst v15  }
0x3b6: {  	s1 =	simm.s32 $0x600;
	s17 =	simm.s32 $0xBC0;
	v12 =	vmul.f32 v19, v18;
	v15 =	vmul.f32 s9, v61;
	v9 =	vld [tilespmem:s13+$0x6BD0];
	[tilespmem:s16+$0x93B0] =	vst v17  }
.LBB2_11:
0x3b7: {  	p1 =	sne.s32 s17, $0x4FC0;
	v10 =	vadd.f32 v10, v16;
	v11 =	vadd.f32 v13, v11;
	v13 =	vld [tilespmem:s13+$0x43E0];
	[tilespmem:s16+$0x93C0] =	vst v14;
	v6 =	vmul.f32 s9, v6  }
0x3b8: {  	v1 =	vmul.f32 v2, v1;
	v2 =	vld [tilespmem:s13+$0x6BE0];
	[tilespmem:s16+$0x93D0] =	vst v15;
	v7 =	vmul.f32 s9, v7  }
0x3b9: {  	v4 =	vadd.f32 v4, v10;
	v10 =	vadd.f32 v12, v11;
	v11 =	vld [tilespmem:s13+$0x43F0];
	[tilespmem:s16+$0x93E0] =	vst v6;
	v6 =	vmul.f32 s9, v8  }
0x3ba: {  	v8 =	vld [tilespmem:s13+$0x6BF0];
	[tilespmem:s16+$0x93F0] =	vst v7  }
0x3bb: {  	v3 =	vadd.f32 v3, v4;
	v1 =	vadd.f32 v1, v10;
	v4 =	vmul.f32 v9, v5;
	v5 =	vld [tilespmem:s13+$0x4400];
	[tilespmem:s16+$0x9400] =	vst v6;
	s16 =	smov.u32 s13  }
0x3bc: {  	s13 =	sshra.s32 s17, $0x2;
	v6 =	vld [tilespmem:s16+$0x6C00]  }
0x3bd: {  	v7 =	vld [tilespmem:s13+$0x4380];
	v1 =	vadd.f32 v4, v1;
	v2 =	vmul.f32 v2, v13;
	(xrf2) =	vadd.scan.msk.f32 $0xffff, v3  }
0x3be: {  	v3 =	vld [tilespmem:s13+$0x6B80]  }
0x3bf: {  	v4 =	vld [tilespmem:s13+$0x4370];
	v1 =	vadd.f32 v2, v1;
	v2 =	vmul.f32 v8, v11  }
0x3c0: {  	v8 =	vld [tilespmem:s13+$0x6B70]  }
0x3c1: {  	v9 =	vld [tilespmem:s13+$0x4360];
	v1 =	vadd.f32 v2, v1;
	v2 =	vmul.f32 v6, v5  }
0x3c2: {  	v5 =	vld [tilespmem:s13+$0x6B60]  }
0x3c3: {  	v11 =	vld [tilespmem:s13+$0x4350];
	v1 =	vadd.f32 v2, v1  }
0x3c4: {  	v12 =	vld [tilespmem:s13+$0x6B50]  }
0x3c5: {  	v6 =	vld [tilespmem:s13+$0x4340];
	(xrf2) =	vadd.scan.msk.f32 $0xffff, v1  }
0x3c6: {  	v10 =	vld [tilespmem:s13+$0x6B40]  }
0x3c7: {  	v1 =	vld [tilespmem:s13+$0x43C0];
	v13, _, _ =	vpop (xrf2)  }
0x3c8: {  	v2 =	vld [tilespmem:s13+$0x6BC0];
	(v2sf) =	vpush v13, $0xF  }
0x3c9: {  	v13 =	vld [tilespmem:s13+$0x4330]  }
0x3ca: {  	v14 =	vld [tilespmem:s13+$0x6B30]  }
0x3cb: {  	v15 =	vld [tilespmem:s13+$0x43B0]  }
0x3cc: {  	v17 =	vld [tilespmem:s13+$0x6BB0]  }
0x3cd: {  	v16 =	vld [tilespmem:s13+$0x4310]  }
0x3ce: {  	v18 =	vld [tilespmem:s13+$0x6B10]  }
0x3cf: {  	v19 =	vld [tilespmem:s13+$0x4320];
	v20, _, _ =	vpop (xrf2)  }
0x3d0: {  	v21 =	vld [tilespmem:s13+$0x6B20];
	(v2sf) =	vpush v20, $0xF  }
0x3d1: {  	v20 =	vld [tilespmem:s13+$0x4390]  }
0x3d2: {  	v22 =	vld [tilespmem:s13+$0x6B90]  }
0x3d3: {  	v23 =	vld [tilespmem:s13+$0x43A0]  }
0x3d4: {  	v24 =	vld [tilespmem:s13+$0x6BA0]  }
0x3d5: {  	v25 =	vld [tilespmem:s16+$0x9310]  }
0x3d6: {  	v26 =	vld [tilespmem:s16+$0x9320]  }
0x3d7: {  	v27 =	vld [tilespmem:s16+$0x9330];
	s4 =	spop (v2sf)  }
0x3d8: {  	s4 =	smul.f32 $-8.838834610e-02, s4;
	v28 =	vld [tilespmem:s16+$0x9340]  }
0x3d9: {  	v29 =	vld [tilespmem:s16+$0x9350]  }
0x3da: {  	v25 =	vmul.f32 s4, v25;
	v30 =	vld [tilespmem:s16+$0x9360]  }
0x3db: {  	v26 =	vmul.f32 s4, v26;
	v31 =	vld [tilespmem:s16+$0x9370]  }
0x3dc: {  	v16 =	vmul.f32 v18, v16;
	[tilespmem:s16+$0x9310] =	vst v25;
	v18 =	vmul.f32 s4, v27;
	v25 =	vld [tilespmem:s16+$0x9380]  }
0x3dd: {  	v19 =	vmul.f32 v21, v19;
	[tilespmem:s16+$0x9320] =	vst v26;
	v21 =	vmul.f32 s4, v28;
	v26 =	vld [tilespmem:s16+$0x9390]  }
0x3de: {  	v3 =	vmul.f32 v3, v7;
	[tilespmem:s16+$0x9330] =	vst v18;
	v7 =	vmul.f32 s4, v29;
	v18 =	vld [tilespmem:s16+$0x93A0]  }
0x3df: {  	v13 =	vmul.f32 v14, v13;
	v16 =	vadd.f32 v19, v16;
	[tilespmem:s16+$0x9340] =	vst v21;
	v14 =	vmul.f32 s4, v30;
	v19 =	vld [tilespmem:s16+$0x93B0];
	s9 =	spop (v2sf)  }
0x3e0: {  	v4 =	vmul.f32 v8, v4;
	[tilespmem:s16+$0x9350] =	vst v7;
	v7 =	vmul.f32 s4, v31;
	s9 =	smul.f32 $-8.838834610e-02, s9;
	v21 =	vld [tilespmem:s16+$0x93C0]  }
0x3e1: {  	v8 =	vadd.f32 v13, v16;
	v13 =	vmul.f32 v10, v6;
	[tilespmem:s16+$0x9360] =	vst v14;
	v14 =	vmul.f32 s4, v25;
	v25 =	vld [tilespmem:s16+$0x93D0]  }
.Ltmp4:
0x3e2: {  	v10 =	vmul.f32 v5, v9;
	[tilespmem:s16+$0x9370] =	vst v7;
	v5 =	vmul.f32 s9, v26;
	v6 =	vld [tilespmem:s16+$0x93E0];
	(pc) =	sbr.rel @p1 .LBB2_11-.Ltmp4, $4  }
0x3e3: {  	v12 =	vmul.f32 v12, v11;
	v9 =	vadd.f32 v13, v8;
	[tilespmem:s16+$0x9380] =	vst v14;
	v14 =	vmul.f32 s9, v18;
	v7 =	vld [tilespmem:s16+$0x93F0]  }
0x3e4: {  	v11 =	vmul.f32 v22, v20;
	[tilespmem:s16+$0x9390] =	vst v5;
	v18 =	vmul.f32 s9, v19;
	v8 =	vld [tilespmem:s16+$0x9400]  }
0x3e5: {  	v13 =	vmul.f32 v24, v23;
	v16 =	vadd.f32 v12, v9;
	v5 =	vld [tilespmem:s13+$0x43D0];
	[tilespmem:s16+$0x93A0] =	vst v14;
	v14 =	vmul.f32 s9, v21  }
0x3e6: {  	s17 =	sadd.s32 $0x400, s17;
	v12 =	vmul.f32 v17, v15;
	v9 =	vld [tilespmem:s13+$0x6BD0];
	[tilespmem:s16+$0x93B0] =	vst v18;
	v15 =	vmul.f32 s9, v25  }
0x3e7: {  	v10 =	vadd.f32 v10, v16;
	_ =	sdelay $0x1  }
0x3e8: {  	v4 =	vadd.f32 v4, v10;
	_ =	sdelay $0x1  }
0x3e9: {  	v3 =	vadd.f32 v3, v4;
	_ =	sdelay $0x1  }
0x3ea: {  	(xrf2) =	vadd.scan.msk.f32 $0xffff, v3  }
0x3eb: {  	v51 =	vld [tilespmem:s13+$0x43E0];
	[tilespmem:s16+$0x93C0] =	vst v14;
	v6 =	vmul.f32 s9, v6;
	v11 =	vadd.f32 v13, v11  }
0x3ec: {  	v52 =	vld [tilespmem:s13+$0x6BE0];
	[tilespmem:s16+$0x93D0] =	vst v15;
	v7 =	vmul.f32 s9, v7  }
0x3ed: {  	v1 =	vmul.f32 v2, v1;
	v2 =	vadd.f32 v12, v11;
	v8 =	vmul.f32 s9, v8;
	v3 =	vld [tilespmem:s13+$0x43F0];
	[tilespmem:s16+$0x93E0] =	vst v6  }
0x3ee: {  	v6 =	vld [tilespmem:s13+$0x6BF0];
	[tilespmem:s16+$0x93F0] =	vst v7  }
0x3ef: {  	v1 =	vadd.f32 v1, v2;
	v2 =	vmul.f32 v9, v5;
	v7 =	vld [tilespmem:s13+$0x4400];
	[tilespmem:s16+$0x9400] =	vst v8  }
0x3f0: {  	v53 =	vld [tilespmem:s13+$0x6C00]  }
0x3f1: {  	v1 =	vadd.f32 v2, v1;
	v2 =	vmul.f32 v52, v51;
	_ =	sdelay $0x1  }
0x3f2: {  	v1 =	vadd.f32 v2, v1;
	v2 =	vmul.f32 v6, v3  }
0x3f3: {  	v3, _, _ =	vpop (xrf2)  }
0x3f4: {  	v1 =	vadd.f32 v2, v1;
	v2 =	vmul.f32 v53, v7;
	(v2sf) =	vpush v3, $0xF;
	_ =	sdelay $0x1  }
0x3f5: {  	v1 =	vadd.f32 v2, v1;
	_ =	sdelay $0x1  }
0x3f6: {  	(xrf2) =	vadd.scan.msk.f32 $0xffff, v1;
	_ =	sdelay $0x9  }
0x3f7: {  	v3, _, _ =	vpop (xrf2)  }
0x3f8: {  	s4 =	spop (v2sf);
	(v2sf) =	vpush v3, $0xF;
	_ =	sdelay $0x3  }
0x3f9: {  	v54 =	vld [tilespmem:s13+$0x9330]  }
0x3fa: {  	v1 =	vld [tilespmem:s13+$0x9310]  }
0x3fb: {  	v2 =	vld [tilespmem:s13+$0x9320]  }
0x3fc: {  	v55 =	vld [tilespmem:s13+$0x9350]  }
0x3fd: {  	v3 =	vld [tilespmem:s13+$0x9340];
	s4 =	smul.f32 $-8.838834610e-02, s4  }
0x3fe: {  	v56 =	vld [tilespmem:s13+$0x9360]  }
0x3ff: {  	v57 =	vld [tilespmem:s13+$0x9370];
	v1 =	vmul.f32 s4, v1  }
0x400: {  	v58 =	vld [tilespmem:s13+$0x93A0];
	v2 =	vmul.f32 s4, v2  }
0x401: {  	v4 =	vmul.f32 s4, v54;
	[tilespmem:s13+$0x9310] =	vst v1;
	v1 =	vld [tilespmem:s13+$0x9380]  }
0x402: {  	[tilespmem:s13+$0x9320] =	vst v2;
	v2 =	vld [tilespmem:s13+$0x9390];
	v3 =	vmul.f32 s4, v3  }
0x403: {  	v59 =	vld [tilespmem:s13+$0x93C0];
	v5 =	vmul.f32 s4, v55;
	[tilespmem:s13+$0x9330] =	vst v4  }
0x404: {  	v6 =	vmul.f32 s4, v56;
	[tilespmem:s13+$0x9340] =	vst v3;
	v3 =	vld [tilespmem:s13+$0x93B0];
	s25 =	spop (v2sf)  }
0x405: {  	v7 =	vmul.f32 s4, v57;
	[tilespmem:s13+$0x9350] =	vst v5;
	s9 =	smul.f32 $-8.838834610e-02, s25  }
0x406: {  	v61 =	vld [tilespmem:s13+$0x93E0];
	[tilespmem:s13+$0x9360] =	vst v6;
	v1 =	vmul.f32 s4, v1  }
0x407: {  	v60 =	vld [tilespmem:s13+$0x93D0];
	[tilespmem:s13+$0x9370] =	vst v7;
	v2 =	vmul.f32 s9, v2  }
0x408: {  	[tilespmem:s13+$0x9380] =	vst v1;
	v1 =	vld [tilespmem:s13+$0x93F0];
	v4 =	vmul.f32 s9, v58  }
0x409: {  	v62 =	vmul.f32 s9, v59;
	[tilespmem:s13+$0x9390] =	vst v2;
	v2 =	vmul.f32 s9, v3;
	v3 =	vld [tilespmem:s13+$0x9400]  }
0x40a: {  	[tilespmem:s13+$0x93A0] =	vst v4  }
0x40b: {  	s5 =	sadd.s32 $0x1, s5;
	v63 =	vmul.f32 s9, v61;
	[tilespmem:s13+$0x93C0] =	vst v62  }
0x40c: {  	p1 =	sne.s32 s5, $0x3E;
	[tilespmem:s13+$0x93B0] =	vst v2;
	v2 =	vmul.f32 s9, v60  }
.Ltmp5:
0x40d: {  	v1 =	vmul.f32 s9, v1;
	[tilespmem:s13+$0x93E0] =	vst v63;
	(pc) =	sbr.rel @p1 .LBB2_4-.Ltmp5, $4  }
0x40e: {  	[tilespmem:s13+$0x93D0] =	vst v2;
	v2 =	vmul.f32 s9, v3  }
0x40f: {  	[tilespmem:s13+$0x93F0] =	vst v1  }
0x410: {  	s2 =	simm.s32 $0x580;
	[tilespmem:s13+$0x9400] =	vst v2  }
0x411: {  	[spmem:s10] =	stream.indirect.scatter.add.f32 [tilespmem:s21], [sflag:$0xC], $0x80, s2, s19, $0xb8;
	[tilespmem:$0x1E080] =	vst v63  }
0x412: {  	s1 =	simm.s32 $0xA  }
0x413: {  	_ =	swait.ge [sflag:s1], $0x1400  }
0x414: {  	[sflag:s1] =	ssyncset.done $0x0  }
0x415: {  	s16 =	simm.s32 $0xC;
	[sflag:s1] =	ssyncadd.s32 $0xFFFFEC00  }
0x416: {  	_ =	swait.ge [sflag:s16], $0x1400  }
0x417: {  	[sflag:s16] =	ssyncset.done $0x0  }
0x418: {  	[sflag:s16] =	ssyncadd.s32 $0xFFFFEC00  }
0x419: {  	_ =	swait.ge [sflag:s22], $0x28  }
0x41a: {  	[sflag:s22] =	ssyncset.done $0x0  }
0x41b: {  	[sflag:s22] =	ssyncadd.s32 $0xFFFFFFD8  }
0x41c: {  	_ =	swait.ge [sflag:s22], $0x28  }
0x41d: {  	[sflag:s22] =	ssyncset.done $0x0  }
0x41e: {  	[sflag:s22] =	ssyncadd.s32 $0xFFFFFFD8  }
0x41f: {  	_ =	swait.ge [sflag:s22], $0x28  }
0x420: {  	[sflag:s22] =	ssyncset.done $0x0  }
0x421: {  	[sflag:s22] =	ssyncadd.s32 $0xFFFFFFD8  }
0x422: {  	_ =	swait.ge [sflag:s22], $0x28  }
0x423: {  	[sflag:s22] =	ssyncset.done $0x0  }
0x424: {  	[sflag:s22] =	ssyncadd.s32 $0xFFFFFFD8  }
0x425: {  	s4 =	simm.s32 $0x480;
	s2 =	simm.s32 $0x4400;
	s17 =	rddreg [dreg:$0x1]  }
0x426: {  	[tilespmem:s2], [sflag:$0x8] =	stream.indirect.gather [hbm4b:s17+s19], $0x80, s4, s19, $0xb8;
	[tilespmem:$0x1E080] =	vst v63  }
0x427: {  	s25 =	simm.s32 $0x680;
	s5 =	simm.s32 $0x6C00;
	s4 =	rddreg [dreg:$0x2]  }
0x428: {  	[tilespmem:s5], [sflag:$0x8] =	stream.indirect.gather [hbm4b:s4+s19], $0x80, s25, s19, $0xb8;
	[tilespmem:$0x1E080] =	vst v63  }
0x429: {  	s9 =	rddreg [dreg:$0x3]  }
0x42a: {  	[tilespmem:s21], [sflag:$0x8] =	stream.indirect.gather [hbm4b:s9+s19], $0x80, s25, s19, $0xb8;
	[tilespmem:$0x1E080] =	vst v63  }
0x42b: {  	s16 =	simm.s32 $0x80;
	s13 =	rddreg [dreg:$0x0]  }
0x42c: {  	[tilespmem:s23], [sflag:$0x6] =	stream.indirect.gather [hbm4b:s13+s19], $0x80, s16, s19, $0xb8;
	[tilespmem:$0x1E080] =	vst v63  }
0x42d: {  	_ =	swait.ge [sflag:s31], $0x1400  }
0x42e: {  	[sflag:s31] =	ssyncset.done $0x0  }
0x42f: {  	s17 =	simm.s32 $0x200;
	[sflag:s31] =	ssyncadd.s32 $0xFFFFEC00  }
0x430: {  	[spmem:s10] =	stream.indirect.scatter.add.f32 [tilespmem:s30], [sflag:$0x9], $0x80, s17, s19, $0xb8;
	[tilespmem:$0x1E080] =	vst v63  }
0x431: {  	_ =	swait.ge [sflag:s20], $0x1400  }
0x432: {  	[sflag:s20] =	ssyncset.done $0x0  }
0x433: {  	[sflag:s20] =	ssyncadd.s32 $0xFFFFEC00  }
0x434: {  	_ =	swait.ge [sflag:s20], $0x1400  }
0x435: {  	[sflag:s20] =	ssyncset.done $0x0  }
0x436: {  	[sflag:s20] =	ssyncadd.s32 $0xFFFFEC00  }
0x437: {  	_ =	swait.ge [sflag:s20], $0x1400  }
0x438: {  	[sflag:s20] =	ssyncset.done $0x0  }
0x439: {  	s13 =	simm.s32 $0xF0;
	[sflag:s20] =	ssyncadd.s32 $0xFFFFEC00  }
0x43a: {  	v1 =	vld [tilespmem:s13+$0x2F80]  }
0x43b: {  	v9 =	vld [tilespmem:s13+$0x2F10]  }
0x43c: {  	v10 =	vld [tilespmem:s13+$0x5710]  }
0x43d: {  	v11 =	vld [tilespmem:s13+$0x2F20]  }
0x43e: {  	v12 =	vld [tilespmem:s13+$0x5720]  }
0x43f: {  	v13 =	vld [tilespmem:s13+$0x2F30]  }
0x440: {  	v14 =	vld [tilespmem:s13+$0x5730]  }
0x441: {  	v15 =	vld [tilespmem:s13+$0x2F40]  }
0x442: {  	v16 =	vld [tilespmem:s13+$0x5740]  }
0x443: {  	v7 =	vld [tilespmem:s13+$0x2F50];
	v9 =	vmul.f32 v10, v9;
	v10 =	vmul.f32 v12, v11  }
0x444: {  	v8 =	vld [tilespmem:s13+$0x5750]  }
0x445: {  	v5 =	vld [tilespmem:s13+$0x2F60];
	v9 =	vadd.f32 v10, v9;
	v10 =	vmul.f32 v14, v13  }
0x446: {  	v6 =	vld [tilespmem:s13+$0x5760]  }
0x447: {  	v3 =	vld [tilespmem:s13+$0x2F70];
	v9 =	vadd.f32 v10, v9;
	v10 =	vmul.f32 v16, v15  }
0x448: {  	v4 =	vld [tilespmem:s13+$0x5770]  }
0x449: {  	v2 =	vld [tilespmem:s13+$0x5780];
	v7 =	vmul.f32 v8, v7;
	v9 =	vadd.f32 v10, v9  }
0x44a: {  	v8 =	vld [tilespmem:s13+$0x57A0]  }
0x44b: {  	v5 =	vmul.f32 v6, v5;
	v14 =	vld [tilespmem:s13+$0x2F90];
	v6 =	vadd.f32 v7, v9  }
0x44c: {  	v15 =	vld [tilespmem:s13+$0x5790]  }
0x44d: {  	v3 =	vmul.f32 v4, v3;
	v16 =	vld [tilespmem:s13+$0x2FA0];
	v4 =	vadd.f32 v5, v6  }
0x44e: {  	v12 =	vld [tilespmem:s13+$0x2FB0]  }
0x44f: {  	v1 =	vmul.f32 v2, v1;
	v13 =	vld [tilespmem:s13+$0x57B0];
	v2 =	vadd.f32 v3, v4  }
0x450: {  	v17 =	vld [tilespmem:s13+$0x2FC0]  }
0x451: {  	v11 =	vld [tilespmem:s13+$0x57C0];
	v1 =	vadd.f32 v1, v2  }
0x452: {  	v7 =	vld [tilespmem:s13+$0x2FD0];
	v8 =	vmul.f32 v8, v16;
	v2 =	vmul.f32 v15, v14  }
0x453: {  	v9 =	vld [tilespmem:s13+$0x57D0];
	(xrf2) =	vadd.scan.msk.f32 $0xffff, v1  }
0x454: {  	v5 =	vld [tilespmem:s13+$0x2FE0];
	v1 =	vmul.f32 v13, v12;
	v2 =	vadd.f32 v8, v2  }
0x455: {  	v6 =	vld [tilespmem:s13+$0x57E0]  }
0x456: {  	v11 =	vmul.f32 v11, v17;
	v3 =	vld [tilespmem:s13+$0x2FF0];
	v1 =	vadd.f32 v1, v2  }
0x457: {  	v4 =	vld [tilespmem:s13+$0x57F0]  }
0x458: {  	v18 =	vld [tilespmem:s13+$0x5800];
	v2 =	vmul.f32 v9, v7;
	v1 =	vadd.f32 v11, v1  }
0x459: {  	s5 =	simm.s32 $0x1F0;
	v10 =	vld [tilespmem:s13+$0x3000]  }
0x45a: {  	v19 =	vld [tilespmem:s5+$0x57B0];
	v1 =	vadd.f32 v2, v1;
	v2 =	vmul.f32 v6, v5  }
0x45b: {  	v20 =	vld [tilespmem:s5+$0x5720]  }
0x45c: {  	v21 =	vld [tilespmem:s5+$0x2F90];
	v3 =	vmul.f32 v4, v3;
	v6 =	vadd.f32 v2, v1  }
0x45d: {  	v22 =	vld [tilespmem:s5+$0x5790];
	v4, _, _ =	vpop (xrf2)  }
0x45e: {  	v23 =	vld [tilespmem:s5+$0x2FA0];
	v3 =	vadd.f32 v3, v6;
	(v2sf) =	vpush v4, $0xF;
	v4 =	vmul.f32 v18, v10  }
0x45f: {  	v24 =	vld [tilespmem:s5+$0x57A0]  }
0x460: {  	v25 =	vld [tilespmem:s13+$0x7F10];
	v3 =	vadd.f32 v4, v3  }
0x461: {  	v26 =	vld [tilespmem:s13+$0x7F20]  }
0x462: {  	v28 =	vld [tilespmem:s13+$0x7F30];
	(xrf2) =	vadd.scan.msk.f32 $0xffff, v3  }
0x463: {  	v55 =	vld [tilespmem:s13+$0x7F40]  }
0x464: {  	v29 =	vld [tilespmem:s13+$0x7F50]  }
0x465: {  	v30 =	vld [tilespmem:s13+$0x7F60]  }
0x466: {  	v31 =	vld [tilespmem:s13+$0x7F70]  }
0x467: {  	v56 =	vld [tilespmem:s13+$0x7F80]  }
0x468: {  	v17 =	vld [tilespmem:s5+$0x5740]  }
0x469: {  	v16 =	vld [tilespmem:s5+$0x5760]  }
0x46a: {  	v14 =	vld [tilespmem:s5+$0x2F80]  }
0x46b: {  	v15 =	vld [tilespmem:s5+$0x5780]  }
0x46c: {  	v8 =	vld [tilespmem:s5+$0x2F70];
	v27, _, _ =	vpop (xrf2)  }
0x46d: {  	v12 =	vld [tilespmem:s5+$0x5770];
	s25 =	spop (v2sf);
	(v2sf) =	vpush v27, $0xF  }
0x46e: {  	v13 =	vld [tilespmem:s5+$0x2F60]  }
0x46f: {  	v9 =	vld [tilespmem:s5+$0x2F50]  }
0x470: {  	v7 =	vld [tilespmem:s5+$0x2F30]  }
0x471: {  	v11 =	vld [tilespmem:s5+$0x5750]  }
0x472: {  	v5 =	vld [tilespmem:s5+$0x2F40]  }
0x473: {  	v4 =	vld [tilespmem:s5+$0x5710]  }
0x474: {  	v3 =	vld [tilespmem:s5+$0x2F10]  }
0x475: {  	v6 =	vld [tilespmem:s5+$0x2F20];
	s4 =	smul.f32 $-8.838834610e-02, s25  }
0x476: {  	v10 =	vld [tilespmem:s5+$0x5730]  }
0x477: {  	v1 =	vld [tilespmem:s5+$0x2FC0];
	v25 =	vmul.f32 s4, v25  }
0x478: {  	v2 =	vld [tilespmem:s5+$0x57C0];
	v26 =	vmul.f32 s4, v26  }
0x479: {  	v18 =	vld [tilespmem:s5+$0x2FB0];
	v3 =	vmul.f32 v4, v3;
	v28 =	vmul.f32 s4, v28;
	[tilespmem:s13+$0x7F10] =	vst v25  }
0x47a: {  	v57 =	vld [tilespmem:s13+$0x7F90];
	v4 =	vmul.f32 v20, v6;
	v27 =	vmul.f32 s4, v55;
	[tilespmem:s13+$0x7F20] =	vst v26  }
0x47b: {  	v58 =	vld [tilespmem:s13+$0x7FA0];
	v10 =	vmul.f32 v10, v7;
	v29 =	vmul.f32 s4, v29;
	[tilespmem:s13+$0x7F30] =	vst v28  }
0x47c: {  	v59 =	vld [tilespmem:s13+$0x7FB0];
	v63 =	vadd.f32 v4, v3;
	v3 =	vmul.f32 v15, v14;
	v30 =	vmul.f32 s4, v30;
	[tilespmem:s13+$0x7F40] =	vst v27;
	s9 =	spop (v2sf)  }
0x47d: {  	v60 =	vld [tilespmem:s13+$0x7FC0];
	v4 =	vmul.f32 v12, v8;
	v31 =	vmul.f32 s4, v31;
	[tilespmem:s13+$0x7F50] =	vst v29;
	s9 =	smul.f32 $-8.838834610e-02, s9  }
0x47e: {  	v61 =	vld [tilespmem:s13+$0x7FD0];
	v14 =	vmul.f32 v17, v5;
	v12 =	vadd.f32 v10, v63;
	[tilespmem:s13+$0x7F60] =	vst v30;
	v25 =	vmul.f32 s4, v56  }
0x47f: {  	v6 =	vld [tilespmem:s13+$0x7FE0];
	v10 =	vmul.f32 v16, v13;
	[tilespmem:s13+$0x7F70] =	vst v31;
	v62 =	vmul.f32 s9, v57  }
0x480: {  	v7 =	vld [tilespmem:s13+$0x7FF0];
	v16 =	vmul.f32 v11, v9;
	v12 =	vadd.f32 v14, v12;
	[tilespmem:s13+$0x7F80] =	vst v25;
	v15 =	vmul.f32 s9, v58  }
0x481: {  	v8 =	vld [tilespmem:s13+$0x8000];
	v11 =	vmul.f32 v22, v21;
	v17 =	vmul.f32 s9, v59;
	[tilespmem:s13+$0x7F90] =	vst v62  }
0x482: {  	v13 =	vmul.f32 v24, v23;
	v16 =	vadd.f32 v16, v12;
	v14 =	vmul.f32 s9, v60;
	v5 =	vld [tilespmem:s5+$0x2FD0];
	[tilespmem:s13+$0x7FA0] =	vst v15  }
0x483: {  	s2 =	simm.s32 $0x680;
	s16 =	simm.s32 $0xBC0;
	v12 =	vmul.f32 v19, v18;
	v15 =	vmul.f32 s9, v61;
	v9 =	vld [tilespmem:s5+$0x57D0];
	[tilespmem:s13+$0x7FB0] =	vst v17  }
.LBB2_14:
0x484: {  	p1 =	sne.s32 s16, $0x4FC0;
	v10 =	vadd.f32 v10, v16;
	v11 =	vadd.f32 v13, v11;
	v13 =	vld [tilespmem:s5+$0x2FE0];
	[tilespmem:s13+$0x7FC0] =	vst v14;
	v6 =	vmul.f32 s9, v6  }
0x485: {  	v1 =	vmul.f32 v2, v1;
	v2 =	vld [tilespmem:s5+$0x57E0];
	[tilespmem:s13+$0x7FD0] =	vst v15;
	v7 =	vmul.f32 s9, v7  }
0x486: {  	v4 =	vadd.f32 v4, v10;
	v10 =	vadd.f32 v12, v11;
	v11 =	vld [tilespmem:s5+$0x2FF0];
	[tilespmem:s13+$0x7FE0] =	vst v6;
	v6 =	vmul.f32 s9, v8  }
0x487: {  	v8 =	vld [tilespmem:s5+$0x57F0];
	[tilespmem:s13+$0x7FF0] =	vst v7  }
0x488: {  	v3 =	vadd.f32 v3, v4;
	v1 =	vadd.f32 v1, v10;
	v4 =	vmul.f32 v9, v5;
	v5 =	vld [tilespmem:s5+$0x3000];
	[tilespmem:s13+$0x8000] =	vst v6;
	s13 =	smov.u32 s5  }
0x489: {  	s5 =	sshra.s32 s16, $0x2;
	v6 =	vld [tilespmem:s13+$0x5800]  }
0x48a: {  	v7 =	vld [tilespmem:s5+$0x2F80];
	v1 =	vadd.f32 v4, v1;
	v2 =	vmul.f32 v2, v13;
	(xrf2) =	vadd.scan.msk.f32 $0xffff, v3  }
0x48b: {  	v3 =	vld [tilespmem:s5+$0x5780]  }
0x48c: {  	v4 =	vld [tilespmem:s5+$0x2F70];
	v1 =	vadd.f32 v2, v1;
	v2 =	vmul.f32 v8, v11  }
0x48d: {  	v8 =	vld [tilespmem:s5+$0x5770]  }
0x48e: {  	v9 =	vld [tilespmem:s5+$0x2F60];
	v1 =	vadd.f32 v2, v1;
	v2 =	vmul.f32 v6, v5  }
0x48f: {  	v5 =	vld [tilespmem:s5+$0x5760]  }
0x490: {  	v11 =	vld [tilespmem:s5+$0x2F50];
	v1 =	vadd.f32 v2, v1  }
0x491: {  	v12 =	vld [tilespmem:s5+$0x5750]  }
0x492: {  	v6 =	vld [tilespmem:s5+$0x2F40];
	(xrf2) =	vadd.scan.msk.f32 $0xffff, v1  }
0x493: {  	v10 =	vld [tilespmem:s5+$0x5740]  }
0x494: {  	v1 =	vld [tilespmem:s5+$0x2FC0];
	v13, _, _ =	vpop (xrf2)  }
0x495: {  	v2 =	vld [tilespmem:s5+$0x57C0];
	(v2sf) =	vpush v13, $0xF  }
0x496: {  	v13 =	vld [tilespmem:s5+$0x2F30]  }
0x497: {  	v14 =	vld [tilespmem:s5+$0x5730]  }
0x498: {  	v15 =	vld [tilespmem:s5+$0x2FB0]  }
0x499: {  	v17 =	vld [tilespmem:s5+$0x57B0]  }
0x49a: {  	v16 =	vld [tilespmem:s5+$0x2F10]  }
0x49b: {  	v18 =	vld [tilespmem:s5+$0x5710]  }
0x49c: {  	v19 =	vld [tilespmem:s5+$0x2F20];
	v20, _, _ =	vpop (xrf2)  }
0x49d: {  	v21 =	vld [tilespmem:s5+$0x5720];
	(v2sf) =	vpush v20, $0xF  }
0x49e: {  	v20 =	vld [tilespmem:s5+$0x2F90]  }
0x49f: {  	v22 =	vld [tilespmem:s5+$0x5790]  }
0x4a0: {  	v23 =	vld [tilespmem:s5+$0x2FA0]  }
0x4a1: {  	v24 =	vld [tilespmem:s5+$0x57A0]  }
0x4a2: {  	v25 =	vld [tilespmem:s13+$0x7F10]  }
0x4a3: {  	v26 =	vld [tilespmem:s13+$0x7F20]  }
0x4a4: {  	v27 =	vld [tilespmem:s13+$0x7F30];
	s4 =	spop (v2sf)  }
0x4a5: {  	s4 =	smul.f32 $-8.838834610e-02, s4;
	v28 =	vld [tilespmem:s13+$0x7F40]  }
0x4a6: {  	v29 =	vld [tilespmem:s13+$0x7F50]  }
0x4a7: {  	v25 =	vmul.f32 s4, v25;
	v30 =	vld [tilespmem:s13+$0x7F60]  }
0x4a8: {  	v26 =	vmul.f32 s4, v26;
	v31 =	vld [tilespmem:s13+$0x7F70]  }
0x4a9: {  	v16 =	vmul.f32 v18, v16;
	[tilespmem:s13+$0x7F10] =	vst v25;
	v18 =	vmul.f32 s4, v27;
	v25 =	vld [tilespmem:s13+$0x7F80]  }
0x4aa: {  	v19 =	vmul.f32 v21, v19;
	[tilespmem:s13+$0x7F20] =	vst v26;
	v21 =	vmul.f32 s4, v28;
	v26 =	vld [tilespmem:s13+$0x7F90]  }
0x4ab: {  	v3 =	vmul.f32 v3, v7;
	[tilespmem:s13+$0x7F30] =	vst v18;
	v7 =	vmul.f32 s4, v29;
	v18 =	vld [tilespmem:s13+$0x7FA0]  }
0x4ac: {  	v13 =	vmul.f32 v14, v13;
	v16 =	vadd.f32 v19, v16;
	[tilespmem:s13+$0x7F40] =	vst v21;
	v14 =	vmul.f32 s4, v30;
	v19 =	vld [tilespmem:s13+$0x7FB0];
	s9 =	spop (v2sf)  }
0x4ad: {  	v4 =	vmul.f32 v8, v4;
	[tilespmem:s13+$0x7F50] =	vst v7;
	v7 =	vmul.f32 s4, v31;
	s9 =	smul.f32 $-8.838834610e-02, s9;
	v21 =	vld [tilespmem:s13+$0x7FC0]  }
0x4ae: {  	v8 =	vadd.f32 v13, v16;
	v13 =	vmul.f32 v10, v6;
	[tilespmem:s13+$0x7F60] =	vst v14;
	v14 =	vmul.f32 s4, v25;
	v25 =	vld [tilespmem:s13+$0x7FD0]  }
.Ltmp6:
0x4af: {  	v10 =	vmul.f32 v5, v9;
	[tilespmem:s13+$0x7F70] =	vst v7;
	v5 =	vmul.f32 s9, v26;
	v6 =	vld [tilespmem:s13+$0x7FE0];
	(pc) =	sbr.rel @p1 .LBB2_14-.Ltmp6, $4  }
0x4b0: {  	v12 =	vmul.f32 v12, v11;
	v9 =	vadd.f32 v13, v8;
	[tilespmem:s13+$0x7F80] =	vst v14;
	v14 =	vmul.f32 s9, v18;
	v7 =	vld [tilespmem:s13+$0x7FF0]  }
0x4b1: {  	v11 =	vmul.f32 v22, v20;
	[tilespmem:s13+$0x7F90] =	vst v5;
	v18 =	vmul.f32 s9, v19;
	v8 =	vld [tilespmem:s13+$0x8000]  }
0x4b2: {  	v13 =	vmul.f32 v24, v23;
	v16 =	vadd.f32 v12, v9;
	v5 =	vld [tilespmem:s5+$0x2FD0];
	[tilespmem:s13+$0x7FA0] =	vst v14;
	v14 =	vmul.f32 s9, v21  }
0x4b3: {  	s16 =	sadd.s32 $0x400, s16;
	v12 =	vmul.f32 v17, v15;
	v9 =	vld [tilespmem:s5+$0x57D0];
	[tilespmem:s13+$0x7FB0] =	vst v18;
	v15 =	vmul.f32 s9, v25  }
0x4b4: {  	v10 =	vadd.f32 v10, v16;
	_ =	sdelay $0x1  }
0x4b5: {  	v4 =	vadd.f32 v4, v10;
	_ =	sdelay $0x1  }
0x4b6: {  	v3 =	vadd.f32 v3, v4;
	_ =	sdelay $0x1  }
0x4b7: {  	(xrf2) =	vadd.scan.msk.f32 $0xffff, v3  }
0x4b8: {  	v6 =	vmul.f32 s9, v6;
	v11 =	vadd.f32 v13, v11;
	v10 =	vld [tilespmem:s5+$0x2FE0];
	[tilespmem:s13+$0x7FC0] =	vst v14  }
0x4b9: {  	v7 =	vmul.f32 s9, v7;
	v4 =	vld [tilespmem:s5+$0x57E0];
	[tilespmem:s13+$0x7FD0] =	vst v15  }
0x4ba: {  	v1 =	vmul.f32 v2, v1;
	v2 =	vadd.f32 v12, v11;
	v8 =	vmul.f32 s9, v8;
	v3 =	vld [tilespmem:s5+$0x2FF0];
	[tilespmem:s13+$0x7FE0] =	vst v6  }
0x4bb: {  	v6 =	vld [tilespmem:s5+$0x57F0];
	[tilespmem:s13+$0x7FF0] =	vst v7  }
0x4bc: {  	v1 =	vadd.f32 v1, v2;
	v2 =	vmul.f32 v9, v5;
	v7 =	vld [tilespmem:s5+$0x3000];
	[tilespmem:s13+$0x8000] =	vst v8  }
0x4bd: {  	v5 =	vld [tilespmem:s5+$0x5800]  }
0x4be: {  	v1 =	vadd.f32 v2, v1;
	v2 =	vmul.f32 v4, v10;
	_ =	sdelay $0x1  }
0x4bf: {  	v1 =	vadd.f32 v2, v1;
	v2 =	vmul.f32 v6, v3  }
0x4c0: {  	v3, _, _ =	vpop (xrf2)  }
0x4c1: {  	v1 =	vadd.f32 v2, v1;
	v2 =	vmul.f32 v5, v7;
	(v2sf) =	vpush v3, $0xF;
	_ =	sdelay $0x1  }
0x4c2: {  	v1 =	vadd.f32 v2, v1;
	_ =	sdelay $0x1  }
0x4c3: {  	(xrf2) =	vadd.scan.msk.f32 $0xffff, v1;
	_ =	sdelay $0x9  }
0x4c4: {  	v3, _, _ =	vpop (xrf2)  }
0x4c5: {  	s4 =	spop (v2sf);
	(v2sf) =	vpush v3, $0xF  }
0x4c6: {  	v1 =	vld [tilespmem:s5+$0x7F10];
	_ =	sdelay $0x2  }
0x4c7: {  	s4 =	smul.f32 $-8.838834610e-02, s4  }
0x4c8: {  	v2 =	vld [tilespmem:s5+$0x7F20]  }
0x4c9: {  	v4 =	vld [tilespmem:s5+$0x7F30];
	v1 =	vmul.f32 s4, v1  }
0x4ca: {  	v3 =	vld [tilespmem:s5+$0x7F40]  }
0x4cb: {  	[tilespmem:s5+$0x7F10] =	vst v1;
	v1 =	vld [tilespmem:s5+$0x7F80]  }
0x4cc: {  	v6 =	vld [tilespmem:s5+$0x7F60]  }
0x4cd: {  	v5 =	vld [tilespmem:s5+$0x7F50];
	v2 =	vmul.f32 s4, v2  }
0x4ce: {  	v7 =	vld [tilespmem:s5+$0x7F70];
	v4 =	vmul.f32 s4, v4  }
0x4cf: {  	[tilespmem:s5+$0x7F20] =	vst v2;
	v2 =	vld [tilespmem:s5+$0x7F90];
	v3 =	vmul.f32 s4, v3  }
0x4d0: {  	[tilespmem:s5+$0x7F30] =	vst v4;
	v4 =	vld [tilespmem:s5+$0x7FA0];
	v1 =	vmul.f32 s4, v1  }
0x4d1: {  	[tilespmem:s5+$0x7F40] =	vst v3;
	v3 =	vld [tilespmem:s5+$0x7FB0]  }
0x4d2: {  	v5 =	vmul.f32 s4, v5;
	[tilespmem:s5+$0x7F80] =	vst v1;
	v1 =	vld [tilespmem:s5+$0x7FF0];
	s13 =	spop (v2sf)  }
0x4d3: {  	v6 =	vmul.f32 s4, v6;
	s9 =	smul.f32 $-8.838834610e-02, s13  }
0x4d4: {  	v7 =	vmul.f32 s4, v7;
	[tilespmem:s5+$0x7F50] =	vst v5;
	v5 =	vld [tilespmem:s5+$0x7FC0]  }
0x4d5: {  	[tilespmem:s5+$0x7F60] =	vst v6;
	v6 =	vld [tilespmem:s5+$0x7FD0];
	v2 =	vmul.f32 s9, v2  }
0x4d6: {  	[tilespmem:s5+$0x7F70] =	vst v7;
	v7 =	vld [tilespmem:s5+$0x7FE0];
	v4 =	vmul.f32 s9, v4  }
0x4d7: {  	v1 =	vmul.f32 s9, v1;
	[tilespmem:s5+$0x7F90] =	vst v2;
	v2 =	vmul.f32 s9, v3;
	v3 =	vld [tilespmem:s5+$0x8000]  }
0x4d8: {  	[tilespmem:s5+$0x7FA0] =	vst v4  }
0x4d9: {  	v4 =	vmul.f32 s9, v5;
	[tilespmem:s5+$0x7FF0] =	vst v1  }
0x4da: {  	[tilespmem:s5+$0x7FB0] =	vst v2;
	v2 =	vmul.f32 s9, v6  }
0x4db: {  	[tilespmem:s5+$0x7FC0] =	vst v4;
	v4 =	vmul.f32 s9, v7  }
0x4dc: {  	[tilespmem:s5+$0x7FD0] =	vst v2;
	v2 =	vmul.f32 s9, v3  }
0x4dd: {  	[tilespmem:s5+$0x7FE0] =	vst v4  }
0x4de: {  	s16 =	simm.s32 $0x400;
	[tilespmem:s5+$0x8000] =	vst v2  }
0x4df: {  	[spmem:s10] =	stream.indirect.scatter.add.f32 [tilespmem:s28], [sflag:$0xB], $0x80, s16, s19, $0xb8;
	[tilespmem:$0x1E080] =	vst v63  }
0x4e0: {  	_ =	swait.ge [sflag:s26], $0x1400  }
0x4e1: {  	[sflag:s26] =	ssyncset.done $0x0  }
0x4e2: {  	[sflag:s26] =	ssyncadd.s32 $0xFFFFEC00  }
0x4e3: {  	_ =	swait.ge [sflag:s29], $0x1400  }
0x4e4: {  	[sflag:s29] =	ssyncset.done $0x0  }
0x4e5: {  	[sflag:s29] =	ssyncadd.s32 $0xFFFFEC00  }
0x4e6: {  	_ =	swait.ge [sflag:s15], $0x1400  }
0x4e7: {  	[sflag:s15] =	ssyncset.done $0x0  }
0x4e8: {  	s1 =	simm.s32 $0x280;
	[sflag:s15] =	ssyncadd.s32 $0xFFFFEC00  }
0x4e9: {  	[spmem:s10] =	stream.indirect.scatter.add.f32 [tilespmem:s23], [sflag:$0xA], $0x80, s1, s19, $0xb8;
	[tilespmem:$0x1E080] =	vst v63  }
0x4ea: {  	_ =	swait.ge [sflag:s24], $0x1400  }
0x4eb: {  	[sflag:s24] =	ssyncset.done $0x0  }
0x4ec: {  	[sflag:s24] =	ssyncadd.s32 $0xFFFFEC00  }
0x4ed: {  	_ =	swait.ge [sflag:s24], $0x1400  }
0x4ee: {  	[sflag:s24] =	ssyncset.done $0x0  }
0x4ef: {  	[sflag:s24] =	ssyncadd.s32 $0xFFFFEC00  }
0x4f0: {  	_ =	swait.ge [sflag:s24], $0x1400  }
0x4f1: {  	[sflag:s24] =	ssyncset.done $0x0  }
0x4f2: {  	s13 =	simm.s32 $0xF0;
	[sflag:s24] =	ssyncadd.s32 $0xFFFFEC00  }
0x4f3: {  	v1 =	vld [tilespmem:s13+$0x4380]  }
0x4f4: {  	v9 =	vld [tilespmem:s13+$0x4310]  }
0x4f5: {  	v10 =	vld [tilespmem:s13+$0x6B10]  }
0x4f6: {  	v11 =	vld [tilespmem:s13+$0x4320]  }
0x4f7: {  	v12 =	vld [tilespmem:s13+$0x6B20]  }
0x4f8: {  	v13 =	vld [tilespmem:s13+$0x4330]  }
0x4f9: {  	v14 =	vld [tilespmem:s13+$0x6B30]  }
0x4fa: {  	v15 =	vld [tilespmem:s13+$0x4340]  }
0x4fb: {  	v16 =	vld [tilespmem:s13+$0x6B40]  }
0x4fc: {  	v7 =	vld [tilespmem:s13+$0x4350];
	v9 =	vmul.f32 v10, v9;
	v10 =	vmul.f32 v12, v11  }
0x4fd: {  	v8 =	vld [tilespmem:s13+$0x6B50]  }
0x4fe: {  	v5 =	vld [tilespmem:s13+$0x4360];
	v9 =	vadd.f32 v10, v9;
	v10 =	vmul.f32 v14, v13  }
0x4ff: {  	v6 =	vld [tilespmem:s13+$0x6B60]  }
0x500: {  	v3 =	vld [tilespmem:s13+$0x4370];
	v9 =	vadd.f32 v10, v9;
	v10 =	vmul.f32 v16, v15  }
0x501: {  	v4 =	vld [tilespmem:s13+$0x6B70]  }
0x502: {  	v2 =	vld [tilespmem:s13+$0x6B80];
	v7 =	vmul.f32 v8, v7;
	v9 =	vadd.f32 v10, v9  }
0x503: {  	v8 =	vld [tilespmem:s13+$0x6BA0]  }
0x504: {  	v5 =	vmul.f32 v6, v5;
	v14 =	vld [tilespmem:s13+$0x4390];
	v6 =	vadd.f32 v7, v9  }
0x505: {  	v15 =	vld [tilespmem:s13+$0x6B90]  }
0x506: {  	v3 =	vmul.f32 v4, v3;
	v16 =	vld [tilespmem:s13+$0x43A0];
	v4 =	vadd.f32 v5, v6  }
0x507: {  	v12 =	vld [tilespmem:s13+$0x43B0]  }
0x508: {  	v1 =	vmul.f32 v2, v1;
	v13 =	vld [tilespmem:s13+$0x6BB0];
	v2 =	vadd.f32 v3, v4  }
0x509: {  	v17 =	vld [tilespmem:s13+$0x43C0]  }
0x50a: {  	v11 =	vld [tilespmem:s13+$0x6BC0];
	v1 =	vadd.f32 v1, v2  }
0x50b: {  	v7 =	vld [tilespmem:s13+$0x43D0];
	v8 =	vmul.f32 v8, v16;
	v2 =	vmul.f32 v15, v14  }
0x50c: {  	v9 =	vld [tilespmem:s13+$0x6BD0];
	(xrf2) =	vadd.scan.msk.f32 $0xffff, v1  }
0x50d: {  	v5 =	vld [tilespmem:s13+$0x43E0];
	v1 =	vmul.f32 v13, v12;
	v2 =	vadd.f32 v8, v2  }
0x50e: {  	v6 =	vld [tilespmem:s13+$0x6BE0]  }
0x50f: {  	v11 =	vmul.f32 v11, v17;
	v3 =	vld [tilespmem:s13+$0x43F0];
	v1 =	vadd.f32 v1, v2  }
0x510: {  	v4 =	vld [tilespmem:s13+$0x6BF0]  }
0x511: {  	v18 =	vld [tilespmem:s13+$0x6C00];
	v2 =	vmul.f32 v9, v7;
	v1 =	vadd.f32 v11, v1  }
0x512: {  	s5 =	simm.s32 $0x1F0;
	v10 =	vld [tilespmem:s13+$0x4400]  }
0x513: {  	v19 =	vld [tilespmem:s5+$0x6BB0];
	v1 =	vadd.f32 v2, v1;
	v2 =	vmul.f32 v6, v5  }
0x514: {  	v20 =	vld [tilespmem:s5+$0x6B20]  }
0x515: {  	v21 =	vld [tilespmem:s5+$0x4390];
	v3 =	vmul.f32 v4, v3;
	v6 =	vadd.f32 v2, v1  }
0x516: {  	v22 =	vld [tilespmem:s5+$0x6B90];
	v4, _, _ =	vpop (xrf2)  }
0x517: {  	v23 =	vld [tilespmem:s5+$0x43A0];
	v3 =	vadd.f32 v3, v6;
	(v2sf) =	vpush v4, $0xF;
	v4 =	vmul.f32 v18, v10  }
0x518: {  	v24 =	vld [tilespmem:s5+$0x6BA0]  }
0x519: {  	v25 =	vld [tilespmem:s13+$0x9310];
	v3 =	vadd.f32 v4, v3  }
0x51a: {  	v26 =	vld [tilespmem:s13+$0x9320]  }
0x51b: {  	v28 =	vld [tilespmem:s13+$0x9330];
	(xrf2) =	vadd.scan.msk.f32 $0xffff, v3  }
0x51c: {  	v55 =	vld [tilespmem:s13+$0x9340]  }
0x51d: {  	v29 =	vld [tilespmem:s13+$0x9350]  }
0x51e: {  	v30 =	vld [tilespmem:s13+$0x9360]  }
0x51f: {  	v31 =	vld [tilespmem:s13+$0x9370]  }
0x520: {  	v56 =	vld [tilespmem:s13+$0x9380]  }
0x521: {  	v17 =	vld [tilespmem:s5+$0x6B40]  }
0x522: {  	v16 =	vld [tilespmem:s5+$0x6B60]  }
0x523: {  	v14 =	vld [tilespmem:s5+$0x4380]  }
0x524: {  	v15 =	vld [tilespmem:s5+$0x6B80]  }
0x525: {  	v8 =	vld [tilespmem:s5+$0x4370];
	v27, _, _ =	vpop (xrf2)  }
0x526: {  	v12 =	vld [tilespmem:s5+$0x6B70];
	s17 =	spop (v2sf);
	(v2sf) =	vpush v27, $0xF  }
0x527: {  	v13 =	vld [tilespmem:s5+$0x4360]  }
0x528: {  	v9 =	vld [tilespmem:s5+$0x4350]  }
0x529: {  	v7 =	vld [tilespmem:s5+$0x4330]  }
0x52a: {  	v11 =	vld [tilespmem:s5+$0x6B50]  }
0x52b: {  	v5 =	vld [tilespmem:s5+$0x4340]  }
0x52c: {  	v4 =	vld [tilespmem:s5+$0x6B10]  }
0x52d: {  	v3 =	vld [tilespmem:s5+$0x4310]  }
0x52e: {  	v6 =	vld [tilespmem:s5+$0x4320];
	s4 =	smul.f32 $-8.838834610e-02, s17  }
0x52f: {  	v10 =	vld [tilespmem:s5+$0x6B30]  }
0x530: {  	v1 =	vld [tilespmem:s5+$0x43C0];
	v25 =	vmul.f32 s4, v25  }
0x531: {  	v2 =	vld [tilespmem:s5+$0x6BC0];
	v26 =	vmul.f32 s4, v26  }
0x532: {  	v18 =	vld [tilespmem:s5+$0x43B0];
	v3 =	vmul.f32 v4, v3;
	v28 =	vmul.f32 s4, v28;
	[tilespmem:s13+$0x9310] =	vst v25  }
0x533: {  	v57 =	vld [tilespmem:s13+$0x9390];
	v4 =	vmul.f32 v20, v6;
	v27 =	vmul.f32 s4, v55;
	[tilespmem:s13+$0x9320] =	vst v26  }
0x534: {  	v58 =	vld [tilespmem:s13+$0x93A0];
	v10 =	vmul.f32 v10, v7;
	v29 =	vmul.f32 s4, v29;
	[tilespmem:s13+$0x9330] =	vst v28  }
0x535: {  	v59 =	vld [tilespmem:s13+$0x93B0];
	v63 =	vadd.f32 v4, v3;
	v3 =	vmul.f32 v15, v14;
	v30 =	vmul.f32 s4, v30;
	[tilespmem:s13+$0x9340] =	vst v27;
	s25 =	spop (v2sf)  }
0x536: {  	v60 =	vld [tilespmem:s13+$0x93C0];
	v4 =	vmul.f32 v12, v8;
	v31 =	vmul.f32 s4, v31;
	[tilespmem:s13+$0x9350] =	vst v29;
	s9 =	smul.f32 $-8.838834610e-02, s25  }
0x537: {  	v61 =	vld [tilespmem:s13+$0x93D0];
	v14 =	vmul.f32 v17, v5;
	v12 =	vadd.f32 v10, v63;
	[tilespmem:s13+$0x9360] =	vst v30;
	v25 =	vmul.f32 s4, v56  }
0x538: {  	v6 =	vld [tilespmem:s13+$0x93E0];
	v10 =	vmul.f32 v16, v13;
	[tilespmem:s13+$0x9370] =	vst v31;
	v62 =	vmul.f32 s9, v57  }
0x539: {  	v7 =	vld [tilespmem:s13+$0x93F0];
	v16 =	vmul.f32 v11, v9;
	v12 =	vadd.f32 v14, v12;
	[tilespmem:s13+$0x9380] =	vst v25;
	v15 =	vmul.f32 s9, v58  }
0x53a: {  	v8 =	vld [tilespmem:s13+$0x9400];
	v11 =	vmul.f32 v22, v21;
	v17 =	vmul.f32 s9, v59;
	[tilespmem:s13+$0x9390] =	vst v62  }
0x53b: {  	v13 =	vmul.f32 v24, v23;
	v16 =	vadd.f32 v16, v12;
	v14 =	vmul.f32 s9, v60;
	v5 =	vld [tilespmem:s5+$0x43D0];
	[tilespmem:s13+$0x93A0] =	vst v15  }
0x53c: {  	s16 =	simm.s32 $0xBC0;
	v12 =	vmul.f32 v19, v18;
	s25 =	rddreg [dreg:$0xb];
	v15 =	vmul.f32 s9, v61;
	v9 =	vld [tilespmem:s5+$0x6BD0];
	[tilespmem:s13+$0x93B0] =	vst v17  }
.LBB2_16:
0x53d: {  	p1 =	sne.s32 s16, $0x4FC0;
	v10 =	vadd.f32 v10, v16;
	v11 =	vadd.f32 v13, v11;
	v13 =	vld [tilespmem:s5+$0x43E0];
	[tilespmem:s13+$0x93C0] =	vst v14;
	v6 =	vmul.f32 s9, v6  }
0x53e: {  	v1 =	vmul.f32 v2, v1;
	v2 =	vld [tilespmem:s5+$0x6BE0];
	[tilespmem:s13+$0x93D0] =	vst v15;
	v7 =	vmul.f32 s9, v7  }
0x53f: {  	v4 =	vadd.f32 v4, v10;
	v10 =	vadd.f32 v12, v11;
	v11 =	vld [tilespmem:s5+$0x43F0];
	[tilespmem:s13+$0x93E0] =	vst v6;
	v6 =	vmul.f32 s9, v8  }
0x540: {  	v8 =	vld [tilespmem:s5+$0x6BF0];
	[tilespmem:s13+$0x93F0] =	vst v7  }
0x541: {  	v3 =	vadd.f32 v3, v4;
	v1 =	vadd.f32 v1, v10;
	v4 =	vmul.f32 v9, v5;
	v5 =	vld [tilespmem:s5+$0x4400];
	[tilespmem:s13+$0x9400] =	vst v6;
	s13 =	smov.u32 s5  }
0x542: {  	s5 =	sshra.s32 s16, $0x2;
	v6 =	vld [tilespmem:s13+$0x6C00]  }
0x543: {  	v7 =	vld [tilespmem:s5+$0x4380];
	v1 =	vadd.f32 v4, v1;
	v2 =	vmul.f32 v2, v13;
	(xrf2) =	vadd.scan.msk.f32 $0xffff, v3  }
0x544: {  	v3 =	vld [tilespmem:s5+$0x6B80]  }
0x545: {  	v4 =	vld [tilespmem:s5+$0x4370];
	v1 =	vadd.f32 v2, v1;
	v2 =	vmul.f32 v8, v11  }
0x546: {  	v8 =	vld [tilespmem:s5+$0x6B70]  }
0x547: {  	v9 =	vld [tilespmem:s5+$0x4360];
	v1 =	vadd.f32 v2, v1;
	v2 =	vmul.f32 v6, v5  }
0x548: {  	v5 =	vld [tilespmem:s5+$0x6B60]  }
0x549: {  	v11 =	vld [tilespmem:s5+$0x4350];
	v1 =	vadd.f32 v2, v1  }
0x54a: {  	v12 =	vld [tilespmem:s5+$0x6B50]  }
0x54b: {  	v6 =	vld [tilespmem:s5+$0x4340];
	(xrf2) =	vadd.scan.msk.f32 $0xffff, v1  }
0x54c: {  	v10 =	vld [tilespmem:s5+$0x6B40]  }
0x54d: {  	v1 =	vld [tilespmem:s5+$0x43C0];
	v13, _, _ =	vpop (xrf2)  }
0x54e: {  	v2 =	vld [tilespmem:s5+$0x6BC0];
	(v2sf) =	vpush v13, $0xF  }
0x54f: {  	v13 =	vld [tilespmem:s5+$0x4330]  }
0x550: {  	v14 =	vld [tilespmem:s5+$0x6B30]  }
0x551: {  	v15 =	vld [tilespmem:s5+$0x43B0]  }
0x552: {  	v17 =	vld [tilespmem:s5+$0x6BB0]  }
0x553: {  	v16 =	vld [tilespmem:s5+$0x4310]  }
0x554: {  	v18 =	vld [tilespmem:s5+$0x6B10]  }
0x555: {  	v19 =	vld [tilespmem:s5+$0x4320];
	v20, _, _ =	vpop (xrf2)  }
0x556: {  	v21 =	vld [tilespmem:s5+$0x6B20];
	(v2sf) =	vpush v20, $0xF  }
0x557: {  	v20 =	vld [tilespmem:s5+$0x4390]  }
0x558: {  	v22 =	vld [tilespmem:s5+$0x6B90]  }
0x559: {  	v23 =	vld [tilespmem:s5+$0x43A0]  }
0x55a: {  	v24 =	vld [tilespmem:s5+$0x6BA0]  }
0x55b: {  	v25 =	vld [tilespmem:s13+$0x9310]  }
0x55c: {  	v26 =	vld [tilespmem:s13+$0x9320]  }
0x55d: {  	v27 =	vld [tilespmem:s13+$0x9330];
	s4 =	spop (v2sf)  }
0x55e: {  	s4 =	smul.f32 $-8.838834610e-02, s4;
	v28 =	vld [tilespmem:s13+$0x9340]  }
0x55f: {  	v29 =	vld [tilespmem:s13+$0x9350]  }
0x560: {  	v25 =	vmul.f32 s4, v25;
	v30 =	vld [tilespmem:s13+$0x9360]  }
0x561: {  	v26 =	vmul.f32 s4, v26;
	v31 =	vld [tilespmem:s13+$0x9370]  }
0x562: {  	v16 =	vmul.f32 v18, v16;
	[tilespmem:s13+$0x9310] =	vst v25;
	v18 =	vmul.f32 s4, v27;
	v25 =	vld [tilespmem:s13+$0x9380]  }
0x563: {  	v19 =	vmul.f32 v21, v19;
	[tilespmem:s13+$0x9320] =	vst v26;
	v21 =	vmul.f32 s4, v28;
	v26 =	vld [tilespmem:s13+$0x9390]  }
0x564: {  	v3 =	vmul.f32 v3, v7;
	[tilespmem:s13+$0x9330] =	vst v18;
	v7 =	vmul.f32 s4, v29;
	v18 =	vld [tilespmem:s13+$0x93A0]  }
0x565: {  	v13 =	vmul.f32 v14, v13;
	v16 =	vadd.f32 v19, v16;
	[tilespmem:s13+$0x9340] =	vst v21;
	v14 =	vmul.f32 s4, v30;
	v19 =	vld [tilespmem:s13+$0x93B0];
	s9 =	spop (v2sf)  }
0x566: {  	v4 =	vmul.f32 v8, v4;
	[tilespmem:s13+$0x9350] =	vst v7;
	v7 =	vmul.f32 s4, v31;
	s9 =	smul.f32 $-8.838834610e-02, s9;
	v21 =	vld [tilespmem:s13+$0x93C0]  }
0x567: {  	v8 =	vadd.f32 v13, v16;
	v13 =	vmul.f32 v10, v6;
	[tilespmem:s13+$0x9360] =	vst v14;
	v14 =	vmul.f32 s4, v25;
	v25 =	vld [tilespmem:s13+$0x93D0]  }
.Ltmp7:
0x568: {  	v10 =	vmul.f32 v5, v9;
	[tilespmem:s13+$0x9370] =	vst v7;
	v5 =	vmul.f32 s9, v26;
	v6 =	vld [tilespmem:s13+$0x93E0];
	(pc) =	sbr.rel @p1 .LBB2_16-.Ltmp7, $4  }
0x569: {  	v12 =	vmul.f32 v12, v11;
	v9 =	vadd.f32 v13, v8;
	[tilespmem:s13+$0x9380] =	vst v14;
	v14 =	vmul.f32 s9, v18;
	v7 =	vld [tilespmem:s13+$0x93F0]  }
0x56a: {  	v11 =	vmul.f32 v22, v20;
	[tilespmem:s13+$0x9390] =	vst v5;
	v18 =	vmul.f32 s9, v19;
	v8 =	vld [tilespmem:s13+$0x9400]  }
0x56b: {  	v13 =	vmul.f32 v24, v23;
	v16 =	vadd.f32 v12, v9;
	v5 =	vld [tilespmem:s5+$0x43D0];
	[tilespmem:s13+$0x93A0] =	vst v14;
	v14 =	vmul.f32 s9, v21  }
0x56c: {  	s16 =	sadd.s32 $0x400, s16;
	v12 =	vmul.f32 v17, v15;
	v9 =	vld [tilespmem:s5+$0x6BD0];
	[tilespmem:s13+$0x93B0] =	vst v18;
	v15 =	vmul.f32 s9, v25  }
0x56d: {  	v10 =	vadd.f32 v10, v16;
	_ =	sdelay $0x1  }
0x56e: {  	v4 =	vadd.f32 v4, v10;
	_ =	sdelay $0x1  }
0x56f: {  	v3 =	vadd.f32 v3, v4;
	_ =	sdelay $0x1  }
0x570: {  	(xrf2) =	vadd.scan.msk.f32 $0xffff, v3  }
0x571: {  	v51 =	vld [tilespmem:s5+$0x43E0];
	[tilespmem:s13+$0x93C0] =	vst v14;
	v6 =	vmul.f32 s9, v6;
	v11 =	vadd.f32 v13, v11  }
0x572: {  	v52 =	vld [tilespmem:s5+$0x6BE0];
	[tilespmem:s13+$0x93D0] =	vst v15;
	v7 =	vmul.f32 s9, v7  }
0x573: {  	v1 =	vmul.f32 v2, v1;
	v2 =	vadd.f32 v12, v11;
	v8 =	vmul.f32 s9, v8;
	v3 =	vld [tilespmem:s5+$0x43F0];
	[tilespmem:s13+$0x93E0] =	vst v6  }
0x574: {  	v6 =	vld [tilespmem:s5+$0x6BF0];
	[tilespmem:s13+$0x93F0] =	vst v7  }
0x575: {  	v1 =	vadd.f32 v1, v2;
	v2 =	vmul.f32 v9, v5;
	v7 =	vld [tilespmem:s5+$0x4400];
	[tilespmem:s13+$0x9400] =	vst v8  }
0x576: {  	v53 =	vld [tilespmem:s5+$0x6C00]  }
0x577: {  	v1 =	vadd.f32 v2, v1;
	v2 =	vmul.f32 v52, v51;
	_ =	sdelay $0x1  }
0x578: {  	v1 =	vadd.f32 v2, v1;
	v2 =	vmul.f32 v6, v3  }
0x579: {  	v3, _, _ =	vpop (xrf2)  }
0x57a: {  	v1 =	vadd.f32 v2, v1;
	v2 =	vmul.f32 v53, v7;
	(v2sf) =	vpush v3, $0xF;
	_ =	sdelay $0x1  }
0x57b: {  	v1 =	vadd.f32 v2, v1;
	_ =	sdelay $0x1  }
0x57c: {  	(xrf2) =	vadd.scan.msk.f32 $0xffff, v1;
	_ =	sdelay $0x9  }
0x57d: {  	v3, _, _ =	vpop (xrf2)  }
0x57e: {  	s4 =	spop (v2sf);
	(v2sf) =	vpush v3, $0xF;
	_ =	sdelay $0x3  }
0x57f: {  	v54 =	vld [tilespmem:s5+$0x9330]  }
0x580: {  	v1 =	vld [tilespmem:s5+$0x9310]  }
0x581: {  	v2 =	vld [tilespmem:s5+$0x9320]  }
0x582: {  	v55 =	vld [tilespmem:s5+$0x9350]  }
0x583: {  	v3 =	vld [tilespmem:s5+$0x9340];
	s4 =	smul.f32 $-8.838834610e-02, s4  }
0x584: {  	v56 =	vld [tilespmem:s5+$0x9360]  }
0x585: {  	v57 =	vld [tilespmem:s5+$0x9370];
	v1 =	vmul.f32 s4, v1  }
0x586: {  	v58 =	vld [tilespmem:s5+$0x93A0];
	v2 =	vmul.f32 s4, v2  }
0x587: {  	v4 =	vmul.f32 s4, v54;
	[tilespmem:s5+$0x9310] =	vst v1;
	v1 =	vld [tilespmem:s5+$0x9380]  }
0x588: {  	[tilespmem:s5+$0x9320] =	vst v2;
	v2 =	vld [tilespmem:s5+$0x9390];
	v3 =	vmul.f32 s4, v3  }
0x589: {  	v59 =	vld [tilespmem:s5+$0x93C0];
	v5 =	vmul.f32 s4, v55;
	[tilespmem:s5+$0x9330] =	vst v4  }
0x58a: {  	v6 =	vmul.f32 s4, v56;
	[tilespmem:s5+$0x9340] =	vst v3;
	v3 =	vld [tilespmem:s5+$0x93B0];
	s1 =	spop (v2sf)  }
0x58b: {  	v7 =	vmul.f32 s4, v57;
	[tilespmem:s5+$0x9350] =	vst v5;
	s9 =	smul.f32 $-8.838834610e-02, s1  }
0x58c: {  	v61 =	vld [tilespmem:s5+$0x93E0];
	[tilespmem:s5+$0x9360] =	vst v6;
	v1 =	vmul.f32 s4, v1  }
0x58d: {  	v60 =	vld [tilespmem:s5+$0x93D0];
	[tilespmem:s5+$0x9370] =	vst v7;
	v2 =	vmul.f32 s9, v2  }
0x58e: {  	[tilespmem:s5+$0x9380] =	vst v1;
	v1 =	vld [tilespmem:s5+$0x93F0];
	v4 =	vmul.f32 s9, v58  }
0x58f: {  	v62 =	vmul.f32 s9, v59;
	[tilespmem:s5+$0x9390] =	vst v2;
	v2 =	vmul.f32 s9, v3;
	v3 =	vld [tilespmem:s5+$0x9400]  }
0x590: {  	[tilespmem:s5+$0x93A0] =	vst v4  }
0x591: {  	v63 =	vmul.f32 s9, v61;
	[tilespmem:s5+$0x93C0] =	vst v62  }
0x592: {  	[tilespmem:s5+$0x93B0] =	vst v2;
	v2 =	vmul.f32 s9, v60  }
0x593: {  	v1 =	vmul.f32 s9, v1;
	[tilespmem:s5+$0x93E0] =	vst v63  }
0x594: {  	[tilespmem:s5+$0x93D0] =	vst v2;
	v2 =	vmul.f32 s9, v3  }
0x595: {  	[tilespmem:s5+$0x93F0] =	vst v1  }
0x596: {  	s1 =	simm.s32 $0x480;
	s9 =	simm.s32 $0xA;
	[tilespmem:s5+$0x9400] =	vst v2  }
0x597: {  	[spmem:s10] =	stream.indirect.scatter.add.f32 [tilespmem:s21], [sflag:$0xC], $0x80, s1, s19, $0xb8;
	[tilespmem:$0x1E080] =	vst v63  }
0x598: {  	_ =	swait.ge [sflag:s9], $0x1400  }
0x599: {  	[sflag:s9] =	ssyncset.done $0x0  }
0x59a: {  	s13 =	simm.s32 $0xC;
	[sflag:s9] =	ssyncadd.s32 $0xFFFFEC00  }
0x59b: {  	_ =	swait.ge [sflag:s13], $0x1400  }
0x59c: {  	[sflag:s13] =	ssyncset.done $0x0  }
0x59d: {  	s16 =	stileid.u32;
	[sflag:s13] =	ssyncadd.s32 $0xFFFFEC00  }
0x59e: {  	s17 =	sshrl.u32 s25, $0x3;
	s4 =	sshll.u32 s16, $0x6;
	[bflag:$0x0] =	sbarrier.arrive $0xFFFF  }
0x59f: {  	s4 =	sor.u32 $0x1C0D, s4;
	s13 =	simm.s32 $0xD;
	s1 =	rddreg [dreg:$0x1a]  }
0x5a0: {  	[hbm:s1], [sflag:s4] =	dma.local [spmem:s17], $0x2700  }
0x5a1: {  	_ =	swait.ge [sflag:s13], $0x2700  }
0x5a2: {  	[sflag:s13] =	ssyncset.done $0x0  }
0x5a3: {  	[sflag:s13] =	ssyncadd.s32 $0xFFFFD900;
	s13 =	sld [smem:$0x7FD];
	_ =	sdelay $0x1  }
0x5a4: {  	s5 =	rddreg [dreg:$0x15]  }
0x5a5: {  	s5 =	sadd.s32 @!p0 $0x27000, s5;
	s9 =	sshrl.u32 @!p0 s13, $0x3  }
0x5a6: {  	[hbm:s5], [sflag:s4] =	dma.local @!p0 [spmem:s9], $0x100  }
0x5a7: {  	s4 =	simm.s32 @!p0 $0xD  }
0x5a8: {  	_ =	swait.ge @!p0 [sflag:s4], $0x100  }
0x5a9: {  	s16 =	sld [smem:$0x7F2];
	_ =	sdelay $0x2  }
0x5aa: {  	s17 =	rddreg [dreg:$0x19];
	s1 =	sadd.s32 $0x1, s16  }
0x5ab: {  	p1 =	sne.s32 s1, s17  }
.Ltmp8:
0x5ac: {  	_ = 	snop;
	(pc) =	sbr.rel @p1 .LBB2_1-.Ltmp8, $3  }
0x5ad: {  	_ =	sdelay $0x1  }
0x5ae: {  	[sflag:s4] =	ssyncset.done @!p0 $0x0  }
0x5af: {  	[sflag:s4] =	ssyncadd.s32 @!p0 $0xFFFFFF00  }
0x5b0: {  	_ =	sfence.sel $0x180000  }
0x5b1: {  	[bflag:$0x0] =	sbarrier.arrive $0xFFFF  }
0x5b2: {  	_ =	strace $0x90000047  }
0x5b3: {  	s0 =	stileid.u32;
	[bflag:$0x2] =	sbarrier.arrive $0xFFFF  }
0x5b4: {  	p0 =	sne.s32 s0, $0x0;
	s0 =	rddreg [dreg:$0xa]  }
0x5b5: {  	s0 =	sadd.s32 @!p0 $0x100000, s0  }
0x5b6: {  	[sflag:s0] =	ssyncadd.tile.s32 @!p0 $0x1;
	_ =	shalt  }
.Lfunc_end2:
_tile_overlayer_lowered:
.L_overlay_start_2:
0x5b7: {  	(tag) =	ssettag $0x2  }
0x5b8: {  	s0 =	rddreg [dreg:$0x0];
	s2 =	stileid.u32  }
0x5b9: {  	s1 =	rddreg [dreg:$0x1];
	p0 =	sne.s32 s2, $0x0  }
0x5ba: {  	s3 =	rddreg [dreg:$0x2];
	[bflag:$0x3] =	sbarrier.arrive $0xFFFF;
	s2 =	simm.s32 @!p0 $0x1C0D  }
0x5bb: {  	[timem:s3], [sflag:s2] =	dma.local @!p0 [hbm:s0], s1  }
0x5bc: {  	s0 =	simm.s32 @!p0 $0xD  }
0x5bd: {  	_ =	swait.ge @!p0 [sflag:s0], s1  }
0x5be: {  	s1 =	ssub.s32 @!p0 $0x0, s1;
	[sflag:s0] =	ssyncset.done @!p0 $0x0  }
0x5bf: {  	[sflag:s0] =	ssyncadd.s32 @!p0 s1  }
0x5c0: {  	[bflag:$0x3] =	sbarrier.arrive $0xFFFF  }
0x5c1: {  	_ =	shalt  }

</sc_bundles>
